<compile_context>
chip_gen: v7x
topology: tpu7x:2x2x1
jax: 0.10.2.dev20260603
libtpu: 0.0.44.dev20260713+nightly
codegen_flags: <defaults>
</compile_context>

<pallas_src>
import functools

import jax
import jax.numpy as jnp
from jax import lax
from jax.experimental import pallas as pl
from jax.experimental.pallas import tpu as pltpu
from jax.experimental.pallas import tpu_sc as plsc

B = 16
T = 512
VOCAB = 1024
EMB = 1024
G3 = 3 * EMB
UNROLL = 16
CHUNK_STEPS = (64, 160, 160, 128)



def _proj_body(emb_ref, wih_ref, b_ref, whh_ref, out_ref, whht_ref):
    acc = lax.dot_general(
        emb_ref[...].astype(jnp.bfloat16), wih_ref[...].astype(jnp.bfloat16),
        (((1,), (1,)), ((), ())),
        preferred_element_type=jnp.float32)
    out_ref[...] = acc + b_ref[...]
    whht_ref[...] = whh_ref[...].astype(jnp.bfloat16).T


def _project_table(emb_table, W_ih, b_ih, W_hh, b_hh):
    b_fold = b_ih + jnp.concatenate(
        [b_hh[:2 * EMB], jnp.zeros((EMB,), jnp.float32)])
    b2 = b_fold.reshape(1, G3)
    return pl.pallas_call(
        _proj_body,
        grid=(3,),
        in_specs=[
            pl.BlockSpec((VOCAB, EMB), lambda j: (0, 0)),
            pl.BlockSpec((EMB, EMB), lambda j: (j, 0)),
            pl.BlockSpec((1, EMB), lambda j: (0, j)),
            pl.BlockSpec((EMB, EMB), lambda j: (j, 0)),
        ],
        out_specs=[
            pl.BlockSpec((VOCAB, EMB), lambda j: (0, j)),
            pl.BlockSpec((EMB, EMB), lambda j: (0, j)),
        ],
        out_shape=[
            jax.ShapeDtypeStruct((VOCAB, G3), jnp.float32),
            jax.ShapeDtypeStruct((EMB, G3), jnp.bfloat16),
        ],
        compiler_params=pltpu.CompilerParams(
            dimension_semantics=("arbitrary",)),
    )(emb_table, W_ih, b2, W_hh)



_NC = 2
_NS = 16
_NW = _NC * _NS
_CHUNK = 16


def _make_sc_gather_body(rows_per_w):
    nchunk = rows_per_w // _CHUNK

    def _sc_gather_body(g_hbm, idx_hbm, out_hbm, idx_v, rows0, rows1, gsem0,
                        gsem1, ssem0, ssem1):
        wid = lax.axis_index("s") * _NC + lax.axis_index("c")
        base = wid * rows_per_w
        pltpu.sync_copy(idx_hbm.at[pl.ds(base, rows_per_w)], idx_v)

        bufs = (rows0, rows1)
        gsems = (gsem0, gsem1)
        ssems = (ssem0, ssem1)

        def gather(c):
            return pltpu.async_copy(
                g_hbm.at[idx_v.at[pl.ds(c * _CHUNK, _CHUNK)]],
                bufs[c % 2], gsems[c % 2])

        def scatter(c):
            return pltpu.async_copy(
                bufs[c % 2], out_hbm.at[pl.ds(base + c * _CHUNK, _CHUNK)],
                ssems[c % 2])

        pend_g, pend_s = {}, {}
        pend_g[0] = gather(0)
        for c in range(nchunk):
            pend_g[c].wait()
            if c + 1 < nchunk:
                if c >= 1:
                    pend_s[c - 1].wait()
                pend_g[c + 1] = gather(c + 1)
            pend_s[c] = scatter(c)
        for c in range(max(0, nchunk - 2), nchunk):
            pend_s[c].wait()

    return _sc_gather_body


def _sc_gather(G, idx_chunk):
    crows = idx_chunk.shape[0]
    rows_per_w = crows // _NW
    mesh = plsc.VectorSubcoreMesh(core_axis_name="c", subcore_axis_name="s")
    fn = functools.partial(
        pl.kernel,
        out_type=jax.ShapeDtypeStruct((crows, G3), jnp.float32),
        mesh=mesh,
        scratch_types=[
            pltpu.VMEM((rows_per_w,), jnp.int32),
            pltpu.VMEM((_CHUNK, G3), jnp.float32),
            pltpu.VMEM((_CHUNK, G3), jnp.float32),
            pltpu.SemaphoreType.DMA,
            pltpu.SemaphoreType.DMA,
            pltpu.SemaphoreType.DMA,
            pltpu.SemaphoreType.DMA,
        ],
    )(_make_sc_gather_body(rows_per_w))
    return fn(G, idx_chunk)




def _scan_body(tok_ref, gi_ref, whh_ref, bhhn_ref, h0_ref, al0_ref,
               hout_ref, alout_ref):
    t = pl.program_id(0)

    @pl.when(t == 0)
    def _init():
        hout_ref[...] = h0_ref[...]
        alout_ref[...] = al0_ref[...]

    h = hout_ref[...]
    alive = alout_ref[...]
    toks = tok_ref[...][0]
    gi_all = gi_ref[...]

    for s in range(UNROLL):
        gi = gi_all[s * B:(s + 1) * B]
        tok = toks[s * B:(s + 1) * B]
        gh = lax.dot_general(
            h.astype(jnp.bfloat16), whh_ref[...], (((1,), (0,)), ((), ())),
            preferred_element_type=jnp.float32)
        r = jax.nn.sigmoid(gi[:, :EMB] + gh[:, :EMB])
        z = jax.nn.sigmoid(gi[:, EMB:2 * EMB] + gh[:, EMB:2 * EMB])
        n = jnp.tanh(gi[:, 2 * EMB:]
                     + r * (gh[:, 2 * EMB:] + bhhn_ref[...]))
        newh = (1.0 - z) * n + z * h
        h = jnp.where(alive > 0.5, newh, h)
        alive = alive * (tok != 0).astype(jnp.float32)

    hout_ref[...] = h
    alout_ref[...] = alive


def _gru_scan_chunk(toks3, GI, W_hh_T, bhhn, h0, al0):
    return pl.pallas_call(
        _scan_body,
        grid=(GI.shape[0] // (UNROLL * B),),
        in_specs=[
            pl.BlockSpec((1, UNROLL * B, 1), lambda t: (t, 0, 0)),
            pl.BlockSpec((UNROLL * B, G3), lambda t: (t, 0)),
            pl.BlockSpec((EMB, G3), lambda t: (0, 0)),
            pl.BlockSpec((1, EMB), lambda t: (0, 0)),
            pl.BlockSpec((B, EMB), lambda t: (0, 0)),
            pl.BlockSpec((B, 1), lambda t: (0, 0)),
        ],
        out_specs=[
            pl.BlockSpec((B, EMB), lambda t: (0, 0)),
            pl.BlockSpec((B, 1), lambda t: (0, 0)),
        ],
        out_shape=[
            jax.ShapeDtypeStruct((B, EMB), jnp.float32),
            jax.ShapeDtypeStruct((B, 1), jnp.float32),
        ],
        compiler_params=pltpu.CompilerParams(
            dimension_semantics=("arbitrary",)),
    )(toks3, GI, W_hh_T, bhhn, h0, al0)


def kernel(utterance, emb_table, W_ih, W_hh, b_ih, b_hh):
    G, W_hh_T = _project_table(emb_table, W_ih, b_ih, W_hh, b_hh)
    idx = utterance.T.reshape(T * B)
    toks3 = idx.reshape(T // UNROLL, UNROLL * B, 1)
    bhhn = b_hh[2 * EMB:].reshape(1, EMB)

    h = jnp.zeros((B, EMB), jnp.float32)
    al = jnp.ones((B, 1), jnp.float32)
    t0 = 0
    for steps in CHUNK_STEPS:
        GI_c = _sc_gather(G, idx[t0 * B:(t0 + steps) * B])
        h, al = _gru_scan_chunk(
            toks3[t0 // UNROLL:(t0 + steps) // UNROLL],
            GI_c, W_hh_T, bhhn, h, al)
        t0 += steps
    return h

# --- scband reference (transcript-rebuilt; emitter-appended) ---
"""Pipeline reference for scband-discrete-encoder-75634374082625 (READ-ONLY COPY).

The authoritative reference and input builder live on the scoring server;
editing this copy changes nothing except your own understanding.
"""

import jax, jax.numpy as jnp
import numpy as np

VOCAB = 1024
EMB = 1024
B = 16
T = 512


def setup_inputs(seed: int = 0) -> dict:
    key = jax.random.key(seed)
    ks = jax.random.split(key, 6)
    utterance = jax.random.randint(ks[0], (B, T), 0, VOCAB, dtype=jnp.int32)
    emb_table = jax.random.normal(ks[1], (VOCAB, EMB), dtype=jnp.float32) * 0.05
    W_ih = jax.random.normal(ks[2], (3 * EMB, EMB), dtype=jnp.float32) * 0.05
    W_hh = jax.random.normal(ks[3], (3 * EMB, EMB), dtype=jnp.float32) * 0.05
    b_ih = jax.random.normal(ks[4], (3 * EMB,), dtype=jnp.float32) * 0.05
    b_hh = jax.random.normal(ks[5], (3 * EMB,), dtype=jnp.float32) * 0.05
    return {"utterance": utterance, "emb_table": emb_table, "W_ih": W_ih, "W_hh": W_hh, "b_ih": b_ih, "b_hh": b_hh}


def _gru_cell(x, h, W_ih, W_hh, b_ih, b_hh):
    gi = x @ W_ih.T + b_ih
    gh = h @ W_hh.T + b_hh
    i_r, i_z, i_n = jnp.split(gi, 3, axis=-1)
    h_r, h_z, h_n = jnp.split(gh, 3, axis=-1)
    r = jax.nn.sigmoid(i_r + h_r)
    z = jax.nn.sigmoid(i_z + h_z)
    n = jnp.tanh(i_n + r * h_n)
    return (1.0 - z) * n + z * h


def reference(utterance, emb_table, W_ih, W_hh, b_ih, b_hh):
    # Faithful translation of the AliveSieve loop: each sequence's GRU state is
    # updated at step t iff all of its tokens at steps < t were nonzero (i.e. it
    # is still alive). The step that consumes the terminating 0 token IS applied
    # (emb + rnn), then the sequence dies and its state freezes -- exactly the
    # semantics of output_state[global_idxes] = state followed by mark_dead.
    Bn, Tn = utterance.shape
    H = emb_table.shape[1]
    tokens = utterance.T  # [T, B]
    nonzero = (tokens != 0)
    prev_nonzero = jnp.concatenate([jnp.ones((1, Bn), dtype=bool), nonzero[:-1]], axis=0)
    alive = jnp.cumprod(prev_nonzero.astype(jnp.int32), axis=0).astype(bool)  # [T, B]

    def step(state, inp):
        tok, alv = inp
        emb = jnp.take(emb_table, tok, axis=0)
        new_state = _gru_cell(emb, state, W_ih, W_hh, b_ih, b_hh)
        state = jnp.where(alv[:, None], new_state, state)
        return state, None

    init = jnp.zeros((Bn, H), dtype=jnp.float32)
    final, _ = jax.lax.scan(step, init, (tokens, alive))
    return final

if __name__ == "__main__":
    import jax
    _d = setup_inputs()
    print(jax.jit(kernel)(*tuple(_d.values())))

</pallas_src>

<mosaic_0001>
#map = affine_map<(d0, d1) -> (0, 0)>
#map1 = affine_map<(d0, d1) -> (0)>
module attributes {stable_mosaic.version = 14 : i64} {
  func.func @_sc_gather_body(%arg0: i32, %arg1: i32, %arg2: memref<1024x3072xf32, #tpu.memory_space<hbm>>, %arg3: memref<2560xi32, #tpu.memory_space<hbm>>, %arg4: memref<2560x3072xf32, #tpu.memory_space<hbm>>, %arg5: memref<80xi32, #tpu.memory_space<vmem>>, %arg6: memref<16x3072xf32, #tpu.memory_space<vmem>>, %arg7: memref<16x3072xf32, #tpu.memory_space<vmem>>, %arg8: memref<!tpu.dma_semaphore, #tpu.memory_space<semaphore_mem>>, %arg9: memref<!tpu.dma_semaphore, #tpu.memory_space<semaphore_mem>>, %arg10: memref<!tpu.dma_semaphore, #tpu.memory_space<semaphore_mem>>, %arg11: memref<!tpu.dma_semaphore, #tpu.memory_space<semaphore_mem>>) attributes {dimension_semantics = [#tpu.dimension_semantics<core_parallel>, #tpu.dimension_semantics<subcore_parallel>], iteration_bounds = array<i64: 2, 16>, scalar_prefetch = 0 : i64, scratch_operands = 7 : i64, tpu.core_type = #tpu.core_type<sc_vector_subcore>, window_params = [{transform_indices = #map}, {transform_indices = #map1}, {transform_indices = #map}]} {
    %mul3A = arith.constant 2 : i32
    %mul3A_0 = arith.muli %arg1, %mul3A : i32
    %add3A = arith.addi %mul3A_0, %arg0 : i32
    %mul3A_1 = arith.constant 80 : i32
    %mul3A_2 = arith.muli %add3A, %mul3A_1 : i32
    "tpu.region"() ({
      %run_scoped3A = tpu.sem_alloc : memref<!tpu.dma_semaphore, #tpu.memory_space<semaphore_mem>>
      %dma_start3A_101 = tpu.memref_slice %arg3[%mul3A_2] : memref<2560xi32, #tpu.memory_space<hbm>> -> memref<80xi32, #tpu.memory_space<hbm>>
      %dma_start3A_102 = tpu.memref_slice %arg3[%mul3A_2] : memref<2560xi32, #tpu.memory_space<hbm>> -> memref<80xi32, #tpu.memory_space<hbm>>
      tpu.enqueue_dma source(%dma_start3A_102 : memref<80xi32, #tpu.memory_space<hbm>>) target(%arg5 : memref<80xi32, #tpu.memory_space<vmem>>) target_semaphore(%run_scoped3A : memref<!tpu.dma_semaphore, #tpu.memory_space<semaphore_mem>>)
      %dma_wait3A_103 = tpu.memref_slice %arg3[%mul3A_2] : memref<2560xi32, #tpu.memory_space<hbm>> -> memref<80xi32, #tpu.memory_space<hbm>>
      %dma_wait3A_104 = tpu.memref_slice %arg3[%mul3A_2] : memref<2560xi32, #tpu.memory_space<hbm>> -> memref<80xi32, #tpu.memory_space<hbm>>
      tpu.wait_dma2 semaphore(%run_scoped3A : memref<!tpu.dma_semaphore, #tpu.memory_space<semaphore_mem>>) src(%dma_wait3A_104 : memref<80xi32, #tpu.memory_space<hbm>>) dst(%arg5 : memref<80xi32, #tpu.memory_space<vmem>>)
      tpu.yield
    }) : () -> ()
    %dma_start3A = arith.constant 0 : i32
    %dma_start3A_3 = tpu.memref_slice %arg5[%dma_start3A] : memref<80xi32, #tpu.memory_space<vmem>> -> memref<16xi32, #tpu.memory_space<vmem>>
    %dma_start3A_4 = arith.constant 0 : i32
    %dma_start3A_5 = arith.constant 0 : i32
    %dma_start3A_6 = tpu.memref_slice %arg2[%dma_start3A_4, %dma_start3A_5] : memref<1024x3072xf32, #tpu.memory_space<hbm>> -> memref<1024x3072xf32, #tpu.memory_space<hbm>>
    tpu.enqueue_indirect_dma source(%dma_start3A_6 : memref<1024x3072xf32, #tpu.memory_space<hbm>>) target(%arg6 : memref<16x3072xf32, #tpu.memory_space<vmem>>) offsets(%dma_start3A_3 : memref<16xi32, #tpu.memory_space<vmem>>) semaphore(%arg8 : memref<!tpu.dma_semaphore, #tpu.memory_space<semaphore_mem>>)
    %dma_wait3A = arith.constant 0 : i32
    %dma_wait3A_7 = tpu.memref_slice %arg5[%dma_wait3A] : memref<80xi32, #tpu.memory_space<vmem>> -> memref<16xi32, #tpu.memory_space<vmem>>
    %dma_wait3A_8 = arith.constant 0 : i32
    %dma_wait3A_9 = arith.constant 0 : i32
    %dma_wait3A_10 = tpu.memref_slice %arg2[%dma_wait3A_8, %dma_wait3A_9] : memref<1024x3072xf32, #tpu.memory_space<hbm>> -> memref<1024x3072xf32, #tpu.memory_space<hbm>>
    tpu.wait_indirect_dma semaphore(%arg8 : memref<!tpu.dma_semaphore, #tpu.memory_space<semaphore_mem>>) src(%dma_wait3A_10 : memref<1024x3072xf32, #tpu.memory_space<hbm>>) dst(%arg6 : memref<16x3072xf32, #tpu.memory_space<vmem>>)
    %dma_start3A_11 = arith.constant 16 : i32
    %dma_start3A_12 = tpu.memref_slice %arg5[%dma_start3A_11] : memref<80xi32, #tpu.memory_space<vmem>> -> memref<16xi32, #tpu.memory_space<vmem>>
    %dma_start3A_13 = arith.constant 0 : i32
    %dma_start3A_14 = arith.constant 0 : i32
    %dma_start3A_15 = tpu.memref_slice %arg2[%dma_start3A_13, %dma_start3A_14] : memref<1024x3072xf32, #tpu.memory_space<hbm>> -> memref<1024x3072xf32, #tpu.memory_space<hbm>>
    tpu.enqueue_indirect_dma source(%dma_start3A_15 : memref<1024x3072xf32, #tpu.memory_space<hbm>>) target(%arg7 : memref<16x3072xf32, #tpu.memory_space<vmem>>) offsets(%dma_start3A_12 : memref<16xi32, #tpu.memory_space<vmem>>) semaphore(%arg9 : memref<!tpu.dma_semaphore, #tpu.memory_space<semaphore_mem>>)
    %add3A_16 = arith.constant 0 : i32
    %add3A_17 = arith.addi %mul3A_2, %add3A_16 : i32
    %dma_start3A_18 = arith.constant 0 : i32
    %dma_start3A_19 = tpu.memref_slice %arg4[%add3A_17, %dma_start3A_18] : memref<2560x3072xf32, #tpu.memory_space<hbm>> -> memref<16x3072xf32, #tpu.memory_space<hbm>>
    %dma_start3A_20 = arith.constant 0 : i32
    %dma_start3A_21 = tpu.memref_slice %arg4[%add3A_17, %dma_start3A_20] : memref<2560x3072xf32, #tpu.memory_space<hbm>> -> memref<16x3072xf32, #tpu.memory_space<hbm>>
    tpu.enqueue_dma source(%arg6 : memref<16x3072xf32, #tpu.memory_space<vmem>>) target(%dma_start3A_21 : memref<16x3072xf32, #tpu.memory_space<hbm>>) target_semaphore(%arg10 : memref<!tpu.dma_semaphore, #tpu.memory_space<semaphore_mem>>)
    %dma_wait3A_22 = arith.constant 16 : i32
    %dma_wait3A_23 = tpu.memref_slice %arg5[%dma_wait3A_22] : memref<80xi32, #tpu.memory_space<vmem>> -> memref<16xi32, #tpu.memory_space<vmem>>
    %dma_wait3A_24 = arith.constant 0 : i32
    %dma_wait3A_25 = arith.constant 0 : i32
    %dma_wait3A_26 = tpu.memref_slice %arg2[%dma_wait3A_24, %dma_wait3A_25] : memref<1024x3072xf32, #tpu.memory_space<hbm>> -> memref<1024x3072xf32, #tpu.memory_space<hbm>>
    tpu.wait_indirect_dma semaphore(%arg9 : memref<!tpu.dma_semaphore, #tpu.memory_space<semaphore_mem>>) src(%dma_wait3A_26 : memref<1024x3072xf32, #tpu.memory_space<hbm>>) dst(%arg7 : memref<16x3072xf32, #tpu.memory_space<vmem>>)
    %dma_wait3A_27 = arith.constant 0 : i32
    %dma_wait3A_28 = tpu.memref_slice %arg4[%add3A_17, %dma_wait3A_27] : memref<2560x3072xf32, #tpu.memory_space<hbm>> -> memref<16x3072xf32, #tpu.memory_space<hbm>>
    %dma_wait3A_29 = arith.constant 0 : i32
    %dma_wait3A_30 = tpu.memref_slice %arg4[%add3A_17, %dma_wait3A_29] : memref<2560x3072xf32, #tpu.memory_space<hbm>> -> memref<16x3072xf32, #tpu.memory_space<hbm>>
    tpu.wait_dma2 semaphore(%arg10 : memref<!tpu.dma_semaphore, #tpu.memory_space<semaphore_mem>>) src(%arg6 : memref<16x3072xf32, #tpu.memory_space<vmem>>) dst(%dma_wait3A_30 : memref<16x3072xf32, #tpu.memory_space<hbm>>)
    %dma_start3A_31 = arith.constant 32 : i32
    %dma_start3A_32 = tpu.memref_slice %arg5[%dma_start3A_31] : memref<80xi32, #tpu.memory_space<vmem>> -> memref<16xi32, #tpu.memory_space<vmem>>
    %dma_start3A_33 = arith.constant 0 : i32
    %dma_start3A_34 = arith.constant 0 : i32
    %dma_start3A_35 = tpu.memref_slice %arg2[%dma_start3A_33, %dma_start3A_34] : memref<1024x3072xf32, #tpu.memory_space<hbm>> -> memref<1024x3072xf32, #tpu.memory_space<hbm>>
    tpu.enqueue_indirect_dma source(%dma_start3A_35 : memref<1024x3072xf32, #tpu.memory_space<hbm>>) target(%arg6 : memref<16x3072xf32, #tpu.memory_space<vmem>>) offsets(%dma_start3A_32 : memref<16xi32, #tpu.memory_space<vmem>>) semaphore(%arg8 : memref<!tpu.dma_semaphore, #tpu.memory_space<semaphore_mem>>)
    %add3A_36 = arith.constant 16 : i32
    %add3A_37 = arith.addi %mul3A_2, %add3A_36 : i32
    %dma_start3A_38 = arith.constant 0 : i32
    %dma_start3A_39 = tpu.memref_slice %arg4[%add3A_37, %dma_start3A_38] : memref<2560x3072xf32, #tpu.memory_space<hbm>> -> memref<16x3072xf32, #tpu.memory_space<hbm>>
    %dma_start3A_40 = arith.constant 0 : i32
    %dma_start3A_41 = tpu.memref_slice %arg4[%add3A_37, %dma_start3A_40] : memref<2560x3072xf32, #tpu.memory_space<hbm>> -> memref<16x3072xf32, #tpu.memory_space<hbm>>
    tpu.enqueue_dma source(%arg7 : memref<16x3072xf32, #tpu.memory_space<vmem>>) target(%dma_start3A_41 : memref<16x3072xf32, #tpu.memory_space<hbm>>) target_semaphore(%arg11 : memref<!tpu.dma_semaphore, #tpu.memory_space<semaphore_mem>>)
    %dma_wait3A_42 = arith.constant 32 : i32
    %dma_wait3A_43 = tpu.memref_slice %arg5[%dma_wait3A_42] : memref<80xi32, #tpu.memory_space<vmem>> -> memref<16xi32, #tpu.memory_space<vmem>>
    %dma_wait3A_44 = arith.constant 0 : i32
    %dma_wait3A_45 = arith.constant 0 : i32
    %dma_wait3A_46 = tpu.memref_slice %arg2[%dma_wait3A_44, %dma_wait3A_45] : memref<1024x3072xf32, #tpu.memory_space<hbm>> -> memref<1024x3072xf32, #tpu.memory_space<hbm>>
    tpu.wait_indirect_dma semaphore(%arg8 : memref<!tpu.dma_semaphore, #tpu.memory_space<semaphore_mem>>) src(%dma_wait3A_46 : memref<1024x3072xf32, #tpu.memory_space<hbm>>) dst(%arg6 : memref<16x3072xf32, #tpu.memory_space<vmem>>)
    %dma_wait3A_47 = arith.constant 0 : i32
    %dma_wait3A_48 = tpu.memref_slice %arg4[%add3A_37, %dma_wait3A_47] : memref<2560x3072xf32, #tpu.memory_space<hbm>> -> memref<16x3072xf32, #tpu.memory_space<hbm>>
    %dma_wait3A_49 = arith.constant 0 : i32
    %dma_wait3A_50 = tpu.memref_slice %arg4[%add3A_37, %dma_wait3A_49] : memref<2560x3072xf32, #tpu.memory_space<hbm>> -> memref<16x3072xf32, #tpu.memory_space<hbm>>
    tpu.wait_dma2 semaphore(%arg11 : memref<!tpu.dma_semaphore, #tpu.memory_space<semaphore_mem>>) src(%arg7 : memref<16x3072xf32, #tpu.memory_space<vmem>>) dst(%dma_wait3A_50 : memref<16x3072xf32, #tpu.memory_space<hbm>>)
    %dma_start3A_51 = arith.constant 48 : i32
    %dma_start3A_52 = tpu.memref_slice %arg5[%dma_start3A_51] : memref<80xi32, #tpu.memory_space<vmem>> -> memref<16xi32, #tpu.memory_space<vmem>>
    %dma_start3A_53 = arith.constant 0 : i32
    %dma_start3A_54 = arith.constant 0 : i32
    %dma_start3A_55 = tpu.memref_slice %arg2[%dma_start3A_53, %dma_start3A_54] : memref<1024x3072xf32, #tpu.memory_space<hbm>> -> memref<1024x3072xf32, #tpu.memory_space<hbm>>
    tpu.enqueue_indirect_dma source(%dma_start3A_55 : memref<1024x3072xf32, #tpu.memory_space<hbm>>) target(%arg7 : memref<16x3072xf32, #tpu.memory_space<vmem>>) offsets(%dma_start3A_52 : memref<16xi32, #tpu.memory_space<vmem>>) semaphore(%arg9 : memref<!tpu.dma_semaphore, #tpu.memory_space<semaphore_mem>>)
    %add3A_56 = arith.constant 32 : i32
    %add3A_57 = arith.addi %mul3A_2, %add3A_56 : i32
    %dma_start3A_58 = arith.constant 0 : i32
    %dma_start3A_59 = tpu.memref_slice %arg4[%add3A_57, %dma_start3A_58] : memref<2560x3072xf32, #tpu.memory_space<hbm>> -> memref<16x3072xf32, #tpu.memory_space<hbm>>
    %dma_start3A_60 = arith.constant 0 : i32
    %dma_start3A_61 = tpu.memref_slice %arg4[%add3A_57, %dma_start3A_60] : memref<2560x3072xf32, #tpu.memory_space<hbm>> -> memref<16x3072xf32, #tpu.memory_space<hbm>>
    tpu.enqueue_dma source(%arg6 : memref<16x3072xf32, #tpu.memory_space<vmem>>) target(%dma_start3A_61 : memref<16x3072xf32, #tpu.memory_space<hbm>>) target_semaphore(%arg10 : memref<!tpu.dma_semaphore, #tpu.memory_space<semaphore_mem>>)
    %dma_wait3A_62 = arith.constant 48 : i32
    %dma_wait3A_63 = tpu.memref_slice %arg5[%dma_wait3A_62] : memref<80xi32, #tpu.memory_space<vmem>> -> memref<16xi32, #tpu.memory_space<vmem>>
    %dma_wait3A_64 = arith.constant 0 : i32
    %dma_wait3A_65 = arith.constant 0 : i32
    %dma_wait3A_66 = tpu.memref_slice %arg2[%dma_wait3A_64, %dma_wait3A_65] : memref<1024x3072xf32, #tpu.memory_space<hbm>> -> memref<1024x3072xf32, #tpu.memory_space<hbm>>
    tpu.wait_indirect_dma semaphore(%arg9 : memref<!tpu.dma_semaphore, #tpu.memory_space<semaphore_mem>>) src(%dma_wait3A_66 : memref<1024x3072xf32, #tpu.memory_space<hbm>>) dst(%arg7 : memref<16x3072xf32, #tpu.memory_space<vmem>>)
    %dma_wait3A_67 = arith.constant 0 : i32
    %dma_wait3A_68 = tpu.memref_slice %arg4[%add3A_57, %dma_wait3A_67] : memref<2560x3072xf32, #tpu.memory_space<hbm>> -> memref<16x3072xf32, #tpu.memory_space<hbm>>
    %dma_wait3A_69 = arith.constant 0 : i32
    %dma_wait3A_70 = tpu.memref_slice %arg4[%add3A_57, %dma_wait3A_69] : memref<2560x3072xf32, #tpu.memory_space<hbm>> -> memref<16x3072xf32, #tpu.memory_space<hbm>>
    tpu.wait_dma2 semaphore(%arg10 : memref<!tpu.dma_semaphore, #tpu.memory_space<semaphore_mem>>) src(%arg6 : memref<16x3072xf32, #tpu.memory_space<vmem>>) dst(%dma_wait3A_70 : memref<16x3072xf32, #tpu.memory_space<hbm>>)
    %dma_start3A_71 = arith.constant 64 : i32
    %dma_start3A_72 = tpu.memref_slice %arg5[%dma_start3A_71] : memref<80xi32, #tpu.memory_space<vmem>> -> memref<16xi32, #tpu.memory_space<vmem>>
    %dma_start3A_73 = arith.constant 0 : i32
    %dma_start3A_74 = arith.constant 0 : i32
    %dma_start3A_75 = tpu.memref_slice %arg2[%dma_start3A_73, %dma_start3A_74] : memref<1024x3072xf32, #tpu.memory_space<hbm>> -> memref<1024x3072xf32, #tpu.memory_space<hbm>>
    tpu.enqueue_indirect_dma source(%dma_start3A_75 : memref<1024x3072xf32, #tpu.memory_space<hbm>>) target(%arg6 : memref<16x3072xf32, #tpu.memory_space<vmem>>) offsets(%dma_start3A_72 : memref<16xi32, #tpu.memory_space<vmem>>) semaphore(%arg8 : memref<!tpu.dma_semaphore, #tpu.memory_space<semaphore_mem>>)
    %add3A_76 = arith.constant 48 : i32
    %add3A_77 = arith.addi %mul3A_2, %add3A_76 : i32
    %dma_start3A_78 = arith.constant 0 : i32
    %dma_start3A_79 = tpu.memref_slice %arg4[%add3A_77, %dma_start3A_78] : memref<2560x3072xf32, #tpu.memory_space<hbm>> -> memref<16x3072xf32, #tpu.memory_space<hbm>>
    %dma_start3A_80 = arith.constant 0 : i32
    %dma_start3A_81 = tpu.memref_slice %arg4[%add3A_77, %dma_start3A_80] : memref<2560x3072xf32, #tpu.memory_space<hbm>> -> memref<16x3072xf32, #tpu.memory_space<hbm>>
    tpu.enqueue_dma source(%arg7 : memref<16x3072xf32, #tpu.memory_space<vmem>>) target(%dma_start3A_81 : memref<16x3072xf32, #tpu.memory_space<hbm>>) target_semaphore(%arg11 : memref<!tpu.dma_semaphore, #tpu.memory_space<semaphore_mem>>)
    %dma_wait3A_82 = arith.constant 64 : i32
    %dma_wait3A_83 = tpu.memref_slice %arg5[%dma_wait3A_82] : memref<80xi32, #tpu.memory_space<vmem>> -> memref<16xi32, #tpu.memory_space<vmem>>
    %dma_wait3A_84 = arith.constant 0 : i32
    %dma_wait3A_85 = arith.constant 0 : i32
    %dma_wait3A_86 = tpu.memref_slice %arg2[%dma_wait3A_84, %dma_wait3A_85] : memref<1024x3072xf32, #tpu.memory_space<hbm>> -> memref<1024x3072xf32, #tpu.memory_space<hbm>>
    tpu.wait_indirect_dma semaphore(%arg8 : memref<!tpu.dma_semaphore, #tpu.memory_space<semaphore_mem>>) src(%dma_wait3A_86 : memref<1024x3072xf32, #tpu.memory_space<hbm>>) dst(%arg6 : memref<16x3072xf32, #tpu.memory_space<vmem>>)
    %add3A_87 = arith.constant 64 : i32
    %add3A_88 = arith.addi %mul3A_2, %add3A_87 : i32
    %dma_start3A_89 = arith.constant 0 : i32
    %dma_start3A_90 = tpu.memref_slice %arg4[%add3A_88, %dma_start3A_89] : memref<2560x3072xf32, #tpu.memory_space<hbm>> -> memref<16x3072xf32, #tpu.memory_space<hbm>>
    %dma_start3A_91 = arith.constant 0 : i32
    %dma_start3A_92 = tpu.memref_slice %arg4[%add3A_88, %dma_start3A_91] : memref<2560x3072xf32, #tpu.memory_space<hbm>> -> memref<16x3072xf32, #tpu.memory_space<hbm>>
    tpu.enqueue_dma source(%arg6 : memref<16x3072xf32, #tpu.memory_space<vmem>>) target(%dma_start3A_92 : memref<16x3072xf32, #tpu.memory_space<hbm>>) target_semaphore(%arg10 : memref<!tpu.dma_semaphore, #tpu.memory_space<semaphore_mem>>)
    %dma_wait3A_93 = arith.constant 0 : i32
    %dma_wait3A_94 = tpu.memref_slice %arg4[%add3A_77, %dma_wait3A_93] : memref<2560x3072xf32, #tpu.memory_space<hbm>> -> memref<16x3072xf32, #tpu.memory_space<hbm>>
    %dma_wait3A_95 = arith.constant 0 : i32
    %dma_wait3A_96 = tpu.memref_slice %arg4[%add3A_77, %dma_wait3A_95] : memref<2560x3072xf32, #tpu.memory_space<hbm>> -> memref<16x3072xf32, #tpu.memory_space<hbm>>
    tpu.wait_dma2 semaphore(%arg11 : memref<!tpu.dma_semaphore, #tpu.memory_space<semaphore_mem>>) src(%arg7 : memref<16x3072xf32, #tpu.memory_space<vmem>>) dst(%dma_wait3A_96 : memref<16x3072xf32, #tpu.memory_space<hbm>>)
    %dma_wait3A_97 = arith.constant 0 : i32
    %dma_wait3A_98 = tpu.memref_slice %arg4[%add3A_88, %dma_wait3A_97] : memref<2560x3072xf32, #tpu.memory_space<hbm>> -> memref<16x3072xf32, #tpu.memory_space<hbm>>
    %dma_wait3A_99 = arith.constant 0 : i32
    %dma_wait3A_100 = tpu.memref_slice %arg4[%add3A_88, %dma_wait3A_99] : memref<2560x3072xf32, #tpu.memory_space<hbm>> -> memref<16x3072xf32, #tpu.memory_space<hbm>>
    tpu.wait_dma2 semaphore(%arg10 : memref<!tpu.dma_semaphore, #tpu.memory_space<semaphore_mem>>) src(%arg6 : memref<16x3072xf32, #tpu.memory_space<vmem>>) dst(%dma_wait3A_100 : memref<16x3072xf32, #tpu.memory_space<hbm>>)
    return
  }
}

#map = affine_map<(d0, d1) -> (0, 0)>
#map1 = affine_map<(d0, d1) -> (0)>
module attributes {stable_mosaic.version = 14 : i64} {
  func.func @_sc_gather_body(%arg0: i32, %arg1: i32, %arg2: memref<1024x3072xf32, #tpu.memory_space<hbm>>, %arg3: memref<2560xi32, #tpu.memory_space<hbm>>, %arg4: memref<2560x3072xf32, #tpu.memory_space<hbm>>, %arg5: memref<80xi32, #tpu.memory_space<vmem>>, %arg6: memref<16x3072xf32, #tpu.memory_space<vmem>>, %arg7: memref<16x3072xf32, #tpu.memory_space<vmem>>, %arg8: memref<!tpu.dma_semaphore, #tpu.memory_space<semaphore_mem>>, %arg9: memref<!tpu.dma_semaphore, #tpu.memory_space<semaphore_mem>>, %arg10: memref<!tpu.dma_semaphore, #tpu.memory_space<semaphore_mem>>, %arg11: memref<!tpu.dma_semaphore, #tpu.memory_space<semaphore_mem>>) attributes {dimension_semantics = [#tpu.dimension_semantics<core_parallel>, #tpu.dimension_semantics<subcore_parallel>], iteration_bounds = array<i64: 2, 16>, scalar_prefetch = 0 : i64, scratch_operands = 7 : i64, tpu.core_type = #tpu.core_type<sc_vector_subcore>, window_params = [{transform_indices = #map}, {transform_indices = #map1}, {transform_indices = #map}]} {
    %mul3A = arith.constant 2 : i32
    %mul3A_0 = arith.muli %arg1, %mul3A : i32
    %add3A = arith.addi %mul3A_0, %arg0 : i32
    %mul3A_1 = arith.constant 80 : i32
    %mul3A_2 = arith.muli %add3A, %mul3A_1 : i32
    "tpu.region"() ({
      %run_scoped3A = tpu.sem_alloc : memref<!tpu.dma_semaphore, #tpu.memory_space<semaphore_mem>>
      %dma_start3A_101 = tpu.memref_slice %arg3[%mul3A_2] : memref<2560xi32, #tpu.memory_space<hbm>> -> memref<80xi32, #tpu.memory_space<hbm>>
      %dma_start3A_102 = tpu.memref_slice %arg3[%mul3A_2] : memref<2560xi32, #tpu.memory_space<hbm>> -> memref<80xi32, #tpu.memory_space<hbm>>
      tpu.enqueue_dma source(%dma_start3A_102 : memref<80xi32, #tpu.memory_space<hbm>>) target(%arg5 : memref<80xi32, #tpu.memory_space<vmem>>) target_semaphore(%run_scoped3A : memref<!tpu.dma_semaphore, #tpu.memory_space<semaphore_mem>>)
      %dma_wait3A_103 = tpu.memref_slice %arg3[%mul3A_2] : memref<2560xi32, #tpu.memory_space<hbm>> -> memref<80xi32, #tpu.memory_space<hbm>>
      %dma_wait3A_104 = tpu.memref_slice %arg3[%mul3A_2] : memref<2560xi32, #tpu.memory_space<hbm>> -> memref<80xi32, #tpu.memory_space<hbm>>
      tpu.wait_dma2 semaphore(%run_scoped3A : memref<!tpu.dma_semaphore, #tpu.memory_space<semaphore_mem>>) src(%dma_wait3A_104 : memref<80xi32, #tpu.memory_space<hbm>>) dst(%arg5 : memref<80xi32, #tpu.memory_space<vmem>>)
      tpu.yield
    }) : () -> ()
    %dma_start3A = arith.constant 0 : i32
    %dma_start3A_3 = tpu.memref_slice %arg5[%dma_start3A] : memref<80xi32, #tpu.memory_space<vmem>> -> memref<16xi32, #tpu.memory_space<vmem>>
    %dma_start3A_4 = arith.constant 0 : i32
    %dma_start3A_5 = arith.constant 0 : i32
    %dma_start3A_6 = tpu.memref_slice %arg2[%dma_start3A_4, %dma_start3A_5] : memref<1024x3072xf32, #tpu.memory_space<hbm>> -> memref<1024x3072xf32, #tpu.memory_space<hbm>>
    tpu.enqueue_indirect_dma source(%dma_start3A_6 : memref<1024x3072xf32, #tpu.memory_space<hbm>>) target(%arg6 : memref<16x3072xf32, #tpu.memory_space<vmem>>) offsets(%dma_start3A_3 : memref<16xi32, #tpu.memory_space<vmem>>) semaphore(%arg8 : memref<!tpu.dma_semaphore, #tpu.memory_space<semaphore_mem>>)
    %dma_wait3A = arith.constant 0 : i32
    %dma_wait3A_7 = tpu.memref_slice %arg5[%dma_wait3A] : memref<80xi32, #tpu.memory_space<vmem>> -> memref<16xi32, #tpu.memory_space<vmem>>
    %dma_wait3A_8 = arith.constant 0 : i32
    %dma_wait3A_9 = arith.constant 0 : i32
    %dma_wait3A_10 = tpu.memref_slice %arg2[%dma_wait3A_8, %dma_wait3A_9] : memref<1024x3072xf32, #tpu.memory_space<hbm>> -> memref<1024x3072xf32, #tpu.memory_space<hbm>>
    tpu.wait_indirect_dma semaphore(%arg8 : memref<!tpu.dma_semaphore, #tpu.memory_space<semaphore_mem>>) src(%dma_wait3A_10 : memref<1024x3072xf32, #tpu.memory_space<hbm>>) dst(%arg6 : memref<16x3072xf32, #tpu.memory_space<vmem>>)
    %dma_start3A_11 = arith.constant 16 : i32
    %dma_start3A_12 = tpu.memref_slice %arg5[%dma_start3A_11] : memref<80xi32, #tpu.memory_space<vmem>> -> memref<16xi32, #tpu.memory_space<vmem>>
    %dma_start3A_13 = arith.constant 0 : i32
    %dma_start3A_14 = arith.constant 0 : i32
    %dma_start3A_15 = tpu.memref_slice %arg2[%dma_start3A_13, %dma_start3A_14] : memref<1024x3072xf32, #tpu.memory_space<hbm>> -> memref<1024x3072xf32, #tpu.memory_space<hbm>>
    tpu.enqueue_indirect_dma source(%dma_start3A_15 : memref<1024x3072xf32, #tpu.memory_space<hbm>>) target(%arg7 : memref<16x3072xf32, #tpu.memory_space<vmem>>) offsets(%dma_start3A_12 : memref<16xi32, #tpu.memory_space<vmem>>) semaphore(%arg9 : memref<!tpu.dma_semaphore, #tpu.memory_space<semaphore_mem>>)
    %add3A_16 = arith.constant 0 : i32
    %add3A_17 = arith.addi %mul3A_2, %add3A_16 : i32
    %dma_start3A_18 = arith.constant 0 : i32
    %dma_start3A_19 = tpu.memref_slice %arg4[%add3A_17, %dma_start3A_18] : memref<2560x3072xf32, #tpu.memory_space<hbm>> -> memref<16x3072xf32, #tpu.memory_space<hbm>>
    %dma_start3A_20 = arith.constant 0 : i32
    %dma_start3A_21 = tpu.memref_slice %arg4[%add3A_17, %dma_start3A_20] : memref<2560x3072xf32, #tpu.memory_space<hbm>> -> memref<16x3072xf32, #tpu.memory_space<hbm>>
    tpu.enqueue_dma source(%arg6 : memref<16x3072xf32, #tpu.memory_space<vmem>>) target(%dma_start3A_21 : memref<16x3072xf32, #tpu.memory_space<hbm>>) target_semaphore(%arg10 : memref<!tpu.dma_semaphore, #tpu.memory_space<semaphore_mem>>)
    %dma_wait3A_22 = arith.constant 16 : i32
    %dma_wait3A_23 = tpu.memref_slice %arg5[%dma_wait3A_22] : memref<80xi32, #tpu.memory_space<vmem>> -> memref<16xi32, #tpu.memory_space<vmem>>
    %dma_wait3A_24 = arith.constant 0 : i32
    %dma_wait3A_25 = arith.constant 0 : i32
    %dma_wait3A_26 = tpu.memref_slice %arg2[%dma_wait3A_24, %dma_wait3A_25] : memref<1024x3072xf32, #tpu.memory_space<hbm>> -> memref<1024x3072xf32, #tpu.memory_space<hbm>>
    tpu.wait_indirect_dma semaphore(%arg9 : memref<!tpu.dma_semaphore, #tpu.memory_space<semaphore_mem>>) src(%dma_wait3A_26 : memref<1024x3072xf32, #tpu.memory_space<hbm>>) dst(%arg7 : memref<16x3072xf32, #tpu.memory_space<vmem>>)
    %dma_wait3A_27 = arith.constant 0 : i32
    %dma_wait3A_28 = tpu.memref_slice %arg4[%add3A_17, %dma_wait3A_27] : memref<2560x3072xf32, #tpu.memory_space<hbm>> -> memref<16x3072xf32, #tpu.memory_space<hbm>>
    %dma_wait3A_29 = arith.constant 0 : i32
    %dma_wait3A_30 = tpu.memref_slice %arg4[%add3A_17, %dma_wait3A_29] : memref<2560x3072xf32, #tpu.memory_space<hbm>> -> memref<16x3072xf32, #tpu.memory_space<hbm>>
    tpu.wait_dma2 semaphore(%arg10 : memref<!tpu.dma_semaphore, #tpu.memory_space<semaphore_mem>>) src(%arg6 : memref<16x3072xf32, #tpu.memory_space<vmem>>) dst(%dma_wait3A_30 : memref<16x3072xf32, #tpu.memory_space<hbm>>)
    %dma_start3A_31 = arith.constant 32 : i32
    %dma_start3A_32 = tpu.memref_slice %arg5[%dma_start3A_31] : memref<80xi32, #tpu.memory_space<vmem>> -> memref<16xi32, #tpu.memory_space<vmem>>
    %dma_start3A_33 = arith.constant 0 : i32
    %dma_start3A_34 = arith.constant 0 : i32
    %dma_start3A_35 = tpu.memref_slice %arg2[%dma_start3A_33, %dma_start3A_34] : memref<1024x3072xf32, #tpu.memory_space<hbm>> -> memref<1024x3072xf32, #tpu.memory_space<hbm>>
    tpu.enqueue_indirect_dma source(%dma_start3A_35 : memref<1024x3072xf32, #tpu.memory_space<hbm>>) target(%arg6 : memref<16x3072xf32, #tpu.memory_space<vmem>>) offsets(%dma_start3A_32 : memref<16xi32, #tpu.memory_space<vmem>>) semaphore(%arg8 : memref<!tpu.dma_semaphore, #tpu.memory_space<semaphore_mem>>)
    %add3A_36 = arith.constant 16 : i32
    %add3A_37 = arith.addi %mul3A_2, %add3A_36 : i32
    %dma_start3A_38 = arith.constant 0 : i32
    %dma_start3A_39 = tpu.memref_slice %arg4[%add3A_37, %dma_start3A_38] : memref<2560x3072xf32, #tpu.memory_space<hbm>> -> memref<16x3072xf32, #tpu.memory_space<hbm>>
    %dma_start3A_40 = arith.constant 0 : i32
    %dma_start3A_41 = tpu.memref_slice %arg4[%add3A_37, %dma_start3A_40] : memref<2560x3072xf32, #tpu.memory_space<hbm>> -> memref<16x3072xf32, #tpu.memory_space<hbm>>
    tpu.enqueue_dma source(%arg7 : memref<16x3072xf32, #tpu.memory_space<vmem>>) target(%dma_start3A_41 : memref<16x3072xf32, #tpu.memory_space<hbm>>) target_semaphore(%arg11 : memref<!tpu.dma_semaphore, #tpu.memory_space<semaphore_mem>>)
    %dma_wait3A_42 = arith.constant 32 : i32
    %dma_wait3A_43 = tpu.memref_slice %arg5[%dma_wait3A_42] : memref<80xi32, #tpu.memory_space<vmem>> -> memref<16xi32, #tpu.memory_space<vmem>>
    %dma_wait3A_44 = arith.constant 0 : i32
    %dma_wait3A_45 = arith.constant 0 : i32
    %dma_wait3A_46 = tpu.memref_slice %arg2[%dma_wait3A_44, %dma_wait3A_45] : memref<1024x3072xf32, #tpu.memory_space<hbm>> -> memref<1024x3072xf32, #tpu.memory_space<hbm>>
    tpu.wait_indirect_dma semaphore(%arg8 : memref<!tpu.dma_semaphore, #tpu.memory_space<semaphore_mem>>) src(%dma_wait3A_46 : memref<1024x3072xf32, #tpu.memory_space<hbm>>) dst(%arg6 : memref<16x3072xf32, #tpu.memory_space<vmem>>)
    %dma_wait3A_47 = arith.constant 0 : i32
    %dma_wait3A_48 = tpu.memref_slice %arg4[%add3A_37, %dma_wait3A_47] : memref<2560x3072xf32, #tpu.memory_space<hbm>> -> memref<16x3072xf32, #tpu.memory_space<hbm>>
    %dma_wait3A_49 = arith.constant 0 : i32
    %dma_wait3A_50 = tpu.memref_slice %arg4[%add3A_37, %dma_wait3A_49] : memref<2560x3072xf32, #tpu.memory_space<hbm>> -> memref<16x3072xf32, #tpu.memory_space<hbm>>
    tpu.wait_dma2 semaphore(%arg11 : memref<!tpu.dma_semaphore, #tpu.memory_space<semaphore_mem>>) src(%arg7 : memref<16x3072xf32, #tpu.memory_space<vmem>>) dst(%dma_wait3A_50 : memref<16x3072xf32, #tpu.memory_space<hbm>>)
    %dma_start3A_51 = arith.constant 48 : i32
    %dma_start3A_52 = tpu.memref_slice %arg5[%dma_start3A_51] : memref<80xi32, #tpu.memory_space<vmem>> -> memref<16xi32, #tpu.memory_space<vmem>>
    %dma_start3A_53 = arith.constant 0 : i32
    %dma_start3A_54 = arith.constant 0 : i32
    %dma_start3A_55 = tpu.memref_slice %arg2[%dma_start3A_53, %dma_start3A_54] : memref<1024x3072xf32, #tpu.memory_space<hbm>> -> memref<1024x3072xf32, #tpu.memory_space<hbm>>
    tpu.enqueue_indirect_dma source(%dma_start3A_55 : memref<1024x3072xf32, #tpu.memory_space<hbm>>) target(%arg7 : memref<16x3072xf32, #tpu.memory_space<vmem>>) offsets(%dma_start3A_52 : memref<16xi32, #tpu.memory_space<vmem>>) semaphore(%arg9 : memref<!tpu.dma_semaphore, #tpu.memory_space<semaphore_mem>>)
    %add3A_56 = arith.constant 32 : i32
    %add3A_57 = arith.addi %mul3A_2, %add3A_56 : i32
    %dma_start3A_58 = arith.constant 0 : i32
    %dma_start3A_59 = tpu.memref_slice %arg4[%add3A_57, %dma_start3A_58] : memref<2560x3072xf32, #tpu.memory_space<hbm>> -> memref<16x3072xf32, #tpu.memory_space<hbm>>
    %dma_start3A_60 = arith.constant 0 : i32
    %dma_start3A_61 = tpu.memref_slice %arg4[%add3A_57, %dma_start3A_60] : memref<2560x3072xf32, #tpu.memory_space<hbm>> -> memref<16x3072xf32, #tpu.memory_space<hbm>>
    tpu.enqueue_dma source(%arg6 : memref<16x3072xf32, #tpu.memory_space<vmem>>) target(%dma_start3A_61 : memref<16x3072xf32, #tpu.memory_space<hbm>>) target_semaphore(%arg10 : memref<!tpu.dma_semaphore, #tpu.memory_space<semaphore_mem>>)
    %dma_wait3A_62 = arith.constant 48 : i32
    %dma_wait3A_63 = tpu.memref_slice %arg5[%dma_wait3A_62] : memref<80xi32, #tpu.memory_space<vmem>> -> memref<16xi32, #tpu.memory_space<vmem>>
    %dma_wait3A_64 = arith.constant 0 : i32
    %dma_wait3A_65 = arith.constant 0 : i32
    %dma_wait3A_66 = tpu.memref_slice %arg2[%dma_wait3A_64, %dma_wait3A_65] : memref<1024x3072xf32, #tpu.memory_space<hbm>> -> memref<1024x3072xf32, #tpu.memory_space<hbm>>
    tpu.wait_indirect_dma semaphore(%arg9 : memref<!tpu.dma_semaphore, #tpu.memory_space<semaphore_mem>>) src(%dma_wait3A_66 : memref<1024x3072xf32, #tpu.memory_space<hbm>>) dst(%arg7 : memref<16x3072xf32, #tpu.memory_space<vmem>>)
    %dma_wait3A_67 = arith.constant 0 : i32
    %dma_wait3A_68 = tpu.memref_slice %arg4[%add3A_57, %dma_wait3A_67] : memref<2560x3072xf32, #tpu.memory_space<hbm>> -> memref<16x3072xf32, #tpu.memory_space<hbm>>
    %dma_wait3A_69 = arith.constant 0 : i32
    %dma_wait3A_70 = tpu.memref_slice %arg4[%add3A_57, %dma_wait3A_69] : memref<2560x3072xf32, #tpu.memory_space<hbm>> -> memref<16x3072xf32, #tpu.memory_space<hbm>>
    tpu.wait_dma2 semaphore(%arg10 : memref<!tpu.dma_semaphore, #tpu.memory_space<semaphore_mem>>) src(%arg6 : memref<16x3072xf32, #tpu.memory_space<vmem>>) dst(%dma_wait3A_70 : memref<16x3072xf32, #tpu.memory_space<hbm>>)
    %dma_start3A_71 = arith.constant 64 : i32
    %dma_start3A_72 = tpu.memref_slice %arg5[%dma_start3A_71] : memref<80xi32, #tpu.memory_space<vmem>> -> memref<16xi32, #tpu.memory_space<vmem>>
    %dma_start3A_73 = arith.constant 0 : i32
    %dma_start3A_74 = arith.constant 0 : i32
    %dma_start3A_75 = tpu.memref_slice %arg2[%dma_start3A_73, %dma_start3A_74] : memref<1024x3072xf32, #tpu.memory_space<hbm>> -> memref<1024x3072xf32, #tpu.memory_space<hbm>>
    tpu.enqueue_indirect_dma source(%dma_start3A_75 : memref<1024x3072xf32, #tpu.memory_space<hbm>>) target(%arg6 : memref<16x3072xf32, #tpu.memory_space<vmem>>) offsets(%dma_start3A_72 : memref<16xi32, #tpu.memory_space<vmem>>) semaphore(%arg8 : memref<!tpu.dma_semaphore, #tpu.memory_space<semaphore_mem>>)
    %add3A_76 = arith.constant 48 : i32
    %add3A_77 = arith.addi %mul3A_2, %add3A_76 : i32
    %dma_start3A_78 = arith.constant 0 : i32
    %dma_start3A_79 = tpu.memref_slice %arg4[%add3A_77, %dma_start3A_78] : memref<2560x3072xf32, #tpu.memory_space<hbm>> -> memref<16x3072xf32, #tpu.memory_space<hbm>>
    %dma_start3A_80 = arith.constant 0 : i32
    %dma_start3A_81 = tpu.memref_slice %arg4[%add3A_77, %dma_start3A_80] : memref<2560x3072xf32, #tpu.memory_space<hbm>> -> memref<16x3072xf32, #tpu.memory_space<hbm>>
    tpu.enqueue_dma source(%arg7 : memref<16x3072xf32, #tpu.memory_space<vmem>>) target(%dma_start3A_81 : memref<16x3072xf32, #tpu.memory_space<hbm>>) target_semaphore(%arg11 : memref<!tpu.dma_semaphore, #tpu.memory_space<semaphore_mem>>)
    %dma_wait3A_82 = arith.constant 64 : i32
    %dma_wait3A_83 = tpu.memref_slice %arg5[%dma_wait3A_82] : memref<80xi32, #tpu.memory_space<vmem>> -> memref<16xi32, #tpu.memory_space<vmem>>
    %dma_wait3A_84 = arith.constant 0 : i32
    %dma_wait3A_85 = arith.constant 0 : i32
    %dma_wait3A_86 = tpu.memref_slice %arg2[%dma_wait3A_84, %dma_wait3A_85] : memref<1024x3072xf32, #tpu.memory_space<hbm>> -> memref<1024x3072xf32, #tpu.memory_space<hbm>>
    tpu.wait_indirect_dma semaphore(%arg8 : memref<!tpu.dma_semaphore, #tpu.memory_space<semaphore_mem>>) src(%dma_wait3A_86 : memref<1024x3072xf32, #tpu.memory_space<hbm>>) dst(%arg6 : memref<16x3072xf32, #tpu.memory_space<vmem>>)
    %add3A_87 = arith.constant 64 : i32
    %add3A_88 = arith.addi %mul3A_2, %add3A_87 : i32
    %dma_start3A_89 = arith.constant 0 : i32
    %dma_start3A_90 = tpu.memref_slice %arg4[%add3A_88, %dma_start3A_89] : memref<2560x3072xf32, #tpu.memory_space<hbm>> -> memref<16x3072xf32, #tpu.memory_space<hbm>>
    %dma_start3A_91 = arith.constant 0 : i32
    %dma_start3A_92 = tpu.memref_slice %arg4[%add3A_88, %dma_start3A_91] : memref<2560x3072xf32, #tpu.memory_space<hbm>> -> memref<16x3072xf32, #tpu.memory_space<hbm>>
    tpu.enqueue_dma source(%arg6 : memref<16x3072xf32, #tpu.memory_space<vmem>>) target(%dma_start3A_92 : memref<16x3072xf32, #tpu.memory_space<hbm>>) target_semaphore(%arg10 : memref<!tpu.dma_semaphore, #tpu.memory_space<semaphore_mem>>)
    %dma_wait3A_93 = arith.constant 0 : i32
    %dma_wait3A_94 = tpu.memref_slice %arg4[%add3A_77, %dma_wait3A_93] : memref<2560x3072xf32, #tpu.memory_space<hbm>> -> memref<16x3072xf32, #tpu.memory_space<hbm>>
    %dma_wait3A_95 = arith.constant 0 : i32
    %dma_wait3A_96 = tpu.memref_slice %arg4[%add3A_77, %dma_wait3A_95] : memref<2560x3072xf32, #tpu.memory_space<hbm>> -> memref<16x3072xf32, #tpu.memory_space<hbm>>
    tpu.wait_dma2 semaphore(%arg11 : memref<!tpu.dma_semaphore, #tpu.memory_space<semaphore_mem>>) src(%arg7 : memref<16x3072xf32, #tpu.memory_space<vmem>>) dst(%dma_wait3A_96 : memref<16x3072xf32, #tpu.memory_space<hbm>>)
    %dma_wait3A_97 = arith.constant 0 : i32
    %dma_wait3A_98 = tpu.memref_slice %arg4[%add3A_88, %dma_wait3A_97] : memref<2560x3072xf32, #tpu.memory_space<hbm>> -> memref<16x3072xf32, #tpu.memory_space<hbm>>
    %dma_wait3A_99 = arith.constant 0 : i32
    %dma_wait3A_100 = tpu.memref_slice %arg4[%add3A_88, %dma_wait3A_99] : memref<2560x3072xf32, #tpu.memory_space<hbm>> -> memref<16x3072xf32, #tpu.memory_space<hbm>>
    tpu.wait_dma2 semaphore(%arg10 : memref<!tpu.dma_semaphore, #tpu.memory_space<semaphore_mem>>) src(%arg6 : memref<16x3072xf32, #tpu.memory_space<vmem>>) dst(%dma_wait3A_100 : memref<16x3072xf32, #tpu.memory_space<hbm>>)
    return
  }
}

#map = affine_map<(d0, d1) -> (0, 0)>
#map1 = affine_map<(d0, d1) -> (0)>
module attributes {stable_mosaic.version = 14 : i64} {
  func.func @_sc_gather_body(%arg0: i32, %arg1: i32, %arg2: memref<1024x3072xf32, #tpu.memory_space<hbm>>, %arg3: memref<2048xi32, #tpu.memory_space<hbm>>, %arg4: memref<2048x3072xf32, #tpu.memory_space<hbm>>, %arg5: memref<64xi32, #tpu.memory_space<vmem>>, %arg6: memref<16x3072xf32, #tpu.memory_space<vmem>>, %arg7: memref<16x3072xf32, #tpu.memory_space<vmem>>, %arg8: memref<!tpu.dma_semaphore, #tpu.memory_space<semaphore_mem>>, %arg9: memref<!tpu.dma_semaphore, #tpu.memory_space<semaphore_mem>>, %arg10: memref<!tpu.dma_semaphore, #tpu.memory_space<semaphore_mem>>, %arg11: memref<!tpu.dma_semaphore, #tpu.memory_space<semaphore_mem>>) attributes {dimension_semantics = [#tpu.dimension_semantics<core_parallel>, #tpu.dimension_semantics<subcore_parallel>], iteration_bounds = array<i64: 2, 16>, scalar_prefetch = 0 : i64, scratch_operands = 7 : i64, tpu.core_type = #tpu.core_type<sc_vector_subcore>, window_params = [{transform_indices = #map}, {transform_indices = #map1}, {transform_indices = #map}]} {
    %mul3A = arith.constant 2 : i32
    %mul3A_0 = arith.muli %arg1, %mul3A : i32
    %add3A = arith.addi %mul3A_0, %arg0 : i32
    %mul3A_1 = arith.constant 64 : i32
    %mul3A_2 = arith.muli %add3A, %mul3A_1 : i32
    "tpu.region"() ({
      %run_scoped3A = tpu.sem_alloc : memref<!tpu.dma_semaphore, #tpu.memory_space<semaphore_mem>>
      %dma_start3A_81 = tpu.memref_slice %arg3[%mul3A_2] : memref<2048xi32, #tpu.memory_space<hbm>> -> memref<64xi32, #tpu.memory_space<hbm>>
      %dma_start3A_82 = tpu.memref_slice %arg3[%mul3A_2] : memref<2048xi32, #tpu.memory_space<hbm>> -> memref<64xi32, #tpu.memory_space<hbm>>
      tpu.enqueue_dma source(%dma_start3A_82 : memref<64xi32, #tpu.memory_space<hbm>>) target(%arg5 : memref<64xi32, #tpu.memory_space<vmem>>) target_semaphore(%run_scoped3A : memref<!tpu.dma_semaphore, #tpu.memory_space<semaphore_mem>>)
      %dma_wait3A_83 = tpu.memref_slice %arg3[%mul3A_2] : memref<2048xi32, #tpu.memory_space<hbm>> -> memref<64xi32, #tpu.memory_space<hbm>>
      %dma_wait3A_84 = tpu.memref_slice %arg3[%mul3A_2] : memref<2048xi32, #tpu.memory_space<hbm>> -> memref<64xi32, #tpu.memory_space<hbm>>
      tpu.wait_dma2 semaphore(%run_scoped3A : memref<!tpu.dma_semaphore, #tpu.memory_space<semaphore_mem>>) src(%dma_wait3A_84 : memref<64xi32, #tpu.memory_space<hbm>>) dst(%arg5 : memref<64xi32, #tpu.memory_space<vmem>>)
      tpu.yield
    }) : () -> ()
    %dma_start3A = arith.constant 0 : i32
    %dma_start3A_3 = tpu.memref_slice %arg5[%dma_start3A] : memref<64xi32, #tpu.memory_space<vmem>> -> memref<16xi32, #tpu.memory_space<vmem>>
    %dma_start3A_4 = arith.constant 0 : i32
    %dma_start3A_5 = arith.constant 0 : i32
    %dma_start3A_6 = tpu.memref_slice %arg2[%dma_start3A_4, %dma_start3A_5] : memref<1024x3072xf32, #tpu.memory_space<hbm>> -> memref<1024x3072xf32, #tpu.memory_space<hbm>>
    tpu.enqueue_indirect_dma source(%dma_start3A_6 : memref<1024x3072xf32, #tpu.memory_space<hbm>>) target(%arg6 : memref<16x3072xf32, #tpu.memory_space<vmem>>) offsets(%dma_start3A_3 : memref<16xi32, #tpu.memory_space<vmem>>) semaphore(%arg8 : memref<!tpu.dma_semaphore, #tpu.memory_space<semaphore_mem>>)
    %dma_wait3A = arith.constant 0 : i32
    %dma_wait3A_7 = tpu.memref_slice %arg5[%dma_wait3A] : memref<64xi32, #tpu.memory_space<vmem>> -> memref<16xi32, #tpu.memory_space<vmem>>
    %dma_wait3A_8 = arith.constant 0 : i32
    %dma_wait3A_9 = arith.constant 0 : i32
    %dma_wait3A_10 = tpu.memref_slice %arg2[%dma_wait3A_8, %dma_wait3A_9] : memref<1024x3072xf32, #tpu.memory_space<hbm>> -> memref<1024x3072xf32, #tpu.memory_space<hbm>>
    tpu.wait_indirect_dma semaphore(%arg8 : memref<!tpu.dma_semaphore, #tpu.memory_space<semaphore_mem>>) src(%dma_wait3A_10 : memref<1024x3072xf32, #tpu.memory_space<hbm>>) dst(%arg6 : memref<16x3072xf32, #tpu.memory_space<vmem>>)
    %dma_start3A_11 = arith.constant 16 : i32
    %dma_start3A_12 = tpu.memref_slice %arg5[%dma_start3A_11] : memref<64xi32, #tpu.memory_space<vmem>> -> memref<16xi32, #tpu.memory_space<vmem>>
    %dma_start3A_13 = arith.constant 0 : i32
    %dma_start3A_14 = arith.constant 0 : i32
    %dma_start3A_15 = tpu.memref_slice %arg2[%dma_start3A_13, %dma_start3A_14] : memref<1024x3072xf32, #tpu.memory_space<hbm>> -> memref<1024x3072xf32, #tpu.memory_space<hbm>>
    tpu.enqueue_indirect_dma source(%dma_start3A_15 : memref<1024x3072xf32, #tpu.memory_space<hbm>>) target(%arg7 : memref<16x3072xf32, #tpu.memory_space<vmem>>) offsets(%dma_start3A_12 : memref<16xi32, #tpu.memory_space<vmem>>) semaphore(%arg9 : memref<!tpu.dma_semaphore, #tpu.memory_space<semaphore_mem>>)
    %add3A_16 = arith.constant 0 : i32
    %add3A_17 = arith.addi %mul3A_2, %add3A_16 : i32
    %dma_start3A_18 = arith.constant 0 : i32
    %dma_start3A_19 = tpu.memref_slice %arg4[%add3A_17, %dma_start3A_18] : memref<2048x3072xf32, #tpu.memory_space<hbm>> -> memref<16x3072xf32, #tpu.memory_space<hbm>>
    %dma_start3A_20 = arith.constant 0 : i32
    %dma_start3A_21 = tpu.memref_slice %arg4[%add3A_17, %dma_start3A_20] : memref<2048x3072xf32, #tpu.memory_space<hbm>> -> memref<16x3072xf32, #tpu.memory_space<hbm>>
    tpu.enqueue_dma source(%arg6 : memref<16x3072xf32, #tpu.memory_space<vmem>>) target(%dma_start3A_21 : memref<16x3072xf32, #tpu.memory_space<hbm>>) target_semaphore(%arg10 : memref<!tpu.dma_semaphore, #tpu.memory_space<semaphore_mem>>)
    %dma_wait3A_22 = arith.constant 16 : i32
    %dma_wait3A_23 = tpu.memref_slice %arg5[%dma_wait3A_22] : memref<64xi32, #tpu.memory_space<vmem>> -> memref<16xi32, #tpu.memory_space<vmem>>
    %dma_wait3A_24 = arith.constant 0 : i32
    %dma_wait3A_25 = arith.constant 0 : i32
    %dma_wait3A_26 = tpu.memref_slice %arg2[%dma_wait3A_24, %dma_wait3A_25] : memref<1024x3072xf32, #tpu.memory_space<hbm>> -> memref<1024x3072xf32, #tpu.memory_space<hbm>>
    tpu.wait_indirect_dma semaphore(%arg9 : memref<!tpu.dma_semaphore, #tpu.memory_space<semaphore_mem>>) src(%dma_wait3A_26 : memref<1024x3072xf32, #tpu.memory_space<hbm>>) dst(%arg7 : memref<16x3072xf32, #tpu.memory_space<vmem>>)
    %dma_wait3A_27 = arith.constant 0 : i32
    %dma_wait3A_28 = tpu.memref_slice %arg4[%add3A_17, %dma_wait3A_27] : memref<2048x3072xf32, #tpu.memory_space<hbm>> -> memref<16x3072xf32, #tpu.memory_space<hbm>>
    %dma_wait3A_29 = arith.constant 0 : i32
    %dma_wait3A_30 = tpu.memref_slice %arg4[%add3A_17, %dma_wait3A_29] : memref<2048x3072xf32, #tpu.memory_space<hbm>> -> memref<16x3072xf32, #tpu.memory_space<hbm>>
    tpu.wait_dma2 semaphore(%arg10 : memref<!tpu.dma_semaphore, #tpu.memory_space<semaphore_mem>>) src(%arg6 : memref<16x3072xf32, #tpu.memory_space<vmem>>) dst(%dma_wait3A_30 : memref<16x3072xf32, #tpu.memory_space<hbm>>)
    %dma_start3A_31 = arith.constant 32 : i32
    %dma_start3A_32 = tpu.memref_slice %arg5[%dma_start3A_31] : memref<64xi32, #tpu.memory_space<vmem>> -> memref<16xi32, #tpu.memory_space<vmem>>
    %dma_start3A_33 = arith.constant 0 : i32
    %dma_start3A_34 = arith.constant 0 : i32
    %dma_start3A_35 = tpu.memref_slice %arg2[%dma_start3A_33, %dma_start3A_34] : memref<1024x3072xf32, #tpu.memory_space<hbm>> -> memref<1024x3072xf32, #tpu.memory_space<hbm>>
    tpu.enqueue_indirect_dma source(%dma_start3A_35 : memref<1024x3072xf32, #tpu.memory_space<hbm>>) target(%arg6 : memref<16x3072xf32, #tpu.memory_space<vmem>>) offsets(%dma_start3A_32 : memref<16xi32, #tpu.memory_space<vmem>>) semaphore(%arg8 : memref<!tpu.dma_semaphore, #tpu.memory_space<semaphore_mem>>)
    %add3A_36 = arith.constant 16 : i32
    %add3A_37 = arith.addi %mul3A_2, %add3A_36 : i32
    %dma_start3A_38 = arith.constant 0 : i32
    %dma_start3A_39 = tpu.memref_slice %arg4[%add3A_37, %dma_start3A_38] : memref<2048x3072xf32, #tpu.memory_space<hbm>> -> memref<16x3072xf32, #tpu.memory_space<hbm>>
    %dma_start3A_40 = arith.constant 0 : i32
    %dma_start3A_41 = tpu.memref_slice %arg4[%add3A_37, %dma_start3A_40] : memref<2048x3072xf32, #tpu.memory_space<hbm>> -> memref<16x3072xf32, #tpu.memory_space<hbm>>
    tpu.enqueue_dma source(%arg7 : memref<16x3072xf32, #tpu.memory_space<vmem>>) target(%dma_start3A_41 : memref<16x3072xf32, #tpu.memory_space<hbm>>) target_semaphore(%arg11 : memref<!tpu.dma_semaphore, #tpu.memory_space<semaphore_mem>>)
    %dma_wait3A_42 = arith.constant 32 : i32
    %dma_wait3A_43 = tpu.memref_slice %arg5[%dma_wait3A_42] : memref<64xi32, #tpu.memory_space<vmem>> -> memref<16xi32, #tpu.memory_space<vmem>>
    %dma_wait3A_44 = arith.constant 0 : i32
    %dma_wait3A_45 = arith.constant 0 : i32
    %dma_wait3A_46 = tpu.memref_slice %arg2[%dma_wait3A_44, %dma_wait3A_45] : memref<1024x3072xf32, #tpu.memory_space<hbm>> -> memref<1024x3072xf32, #tpu.memory_space<hbm>>
    tpu.wait_indirect_dma semaphore(%arg8 : memref<!tpu.dma_semaphore, #tpu.memory_space<semaphore_mem>>) src(%dma_wait3A_46 : memref<1024x3072xf32, #tpu.memory_space<hbm>>) dst(%arg6 : memref<16x3072xf32, #tpu.memory_space<vmem>>)
    %dma_wait3A_47 = arith.constant 0 : i32
    %dma_wait3A_48 = tpu.memref_slice %arg4[%add3A_37, %dma_wait3A_47] : memref<2048x3072xf32, #tpu.memory_space<hbm>> -> memref<16x3072xf32, #tpu.memory_space<hbm>>
    %dma_wait3A_49 = arith.constant 0 : i32
    %dma_wait3A_50 = tpu.memref_slice %arg4[%add3A_37, %dma_wait3A_49] : memref<2048x3072xf32, #tpu.memory_space<hbm>> -> memref<16x3072xf32, #tpu.memory_space<hbm>>
    tpu.wait_dma2 semaphore(%arg11 : memref<!tpu.dma_semaphore, #tpu.memory_space<semaphore_mem>>) src(%arg7 : memref<16x3072xf32, #tpu.memory_space<vmem>>) dst(%dma_wait3A_50 : memref<16x3072xf32, #tpu.memory_space<hbm>>)
    %dma_start3A_51 = arith.constant 48 : i32
    %dma_start3A_52 = tpu.memref_slice %arg5[%dma_start3A_51] : memref<64xi32, #tpu.memory_space<vmem>> -> memref<16xi32, #tpu.memory_space<vmem>>
    %dma_start3A_53 = arith.constant 0 : i32
    %dma_start3A_54 = arith.constant 0 : i32
    %dma_start3A_55 = tpu.memref_slice %arg2[%dma_start3A_53, %dma_start3A_54] : memref<1024x3072xf32, #tpu.memory_space<hbm>> -> memref<1024x3072xf32, #tpu.memory_space<hbm>>
    tpu.enqueue_indirect_dma source(%dma_start3A_55 : memref<1024x3072xf32, #tpu.memory_space<hbm>>) target(%arg7 : memref<16x3072xf32, #tpu.memory_space<vmem>>) offsets(%dma_start3A_52 : memref<16xi32, #tpu.memory_space<vmem>>) semaphore(%arg9 : memref<!tpu.dma_semaphore, #tpu.memory_space<semaphore_mem>>)
    %add3A_56 = arith.constant 32 : i32
    %add3A_57 = arith.addi %mul3A_2, %add3A_56 : i32
    %dma_start3A_58 = arith.constant 0 : i32
    %dma_start3A_59 = tpu.memref_slice %arg4[%add3A_57, %dma_start3A_58] : memref<2048x3072xf32, #tpu.memory_space<hbm>> -> memref<16x3072xf32, #tpu.memory_space<hbm>>
    %dma_start3A_60 = arith.constant 0 : i32
    %dma_start3A_61 = tpu.memref_slice %arg4[%add3A_57, %dma_start3A_60] : memref<2048x3072xf32, #tpu.memory_space<hbm>> -> memref<16x3072xf32, #tpu.memory_space<hbm>>
    tpu.enqueue_dma source(%arg6 : memref<16x3072xf32, #tpu.memory_space<vmem>>) target(%dma_start3A_61 : memref<16x3072xf32, #tpu.memory_space<hbm>>) target_semaphore(%arg10 : memref<!tpu.dma_semaphore, #tpu.memory_space<semaphore_mem>>)
    %dma_wait3A_62 = arith.constant 48 : i32
    %dma_wait3A_63 = tpu.memref_slice %arg5[%dma_wait3A_62] : memref<64xi32, #tpu.memory_space<vmem>> -> memref<16xi32, #tpu.memory_space<vmem>>
    %dma_wait3A_64 = arith.constant 0 : i32
    %dma_wait3A_65 = arith.constant 0 : i32
    %dma_wait3A_66 = tpu.memref_slice %arg2[%dma_wait3A_64, %dma_wait3A_65] : memref<1024x3072xf32, #tpu.memory_space<hbm>> -> memref<1024x3072xf32, #tpu.memory_space<hbm>>
    tpu.wait_indirect_dma semaphore(%arg9 : memref<!tpu.dma_semaphore, #tpu.memory_space<semaphore_mem>>) src(%dma_wait3A_66 : memref<1024x3072xf32, #tpu.memory_space<hbm>>) dst(%arg7 : memref<16x3072xf32, #tpu.memory_space<vmem>>)
    %add3A_67 = arith.constant 48 : i32
    %add3A_68 = arith.addi %mul3A_2, %add3A_67 : i32
    %dma_start3A_69 = arith.constant 0 : i32
    %dma_start3A_70 = tpu.memref_slice %arg4[%add3A_68, %dma_start3A_69] : memref<2048x3072xf32, #tpu.memory_space<hbm>> -> memref<16x3072xf32, #tpu.memory_space<hbm>>
    %dma_start3A_71 = arith.constant 0 : i32
    %dma_start3A_72 = tpu.memref_slice %arg4[%add3A_68, %dma_start3A_71] : memref<2048x3072xf32, #tpu.memory_space<hbm>> -> memref<16x3072xf32, #tpu.memory_space<hbm>>
    tpu.enqueue_dma source(%arg7 : memref<16x3072xf32, #tpu.memory_space<vmem>>) target(%dma_start3A_72 : memref<16x3072xf32, #tpu.memory_space<hbm>>) target_semaphore(%arg11 : memref<!tpu.dma_semaphore, #tpu.memory_space<semaphore_mem>>)
    %dma_wait3A_73 = arith.constant 0 : i32
    %dma_wait3A_74 = tpu.memref_slice %arg4[%add3A_57, %dma_wait3A_73] : memref<2048x3072xf32, #tpu.memory_space<hbm>> -> memref<16x3072xf32, #tpu.memory_space<hbm>>
    %dma_wait3A_75 = arith.constant 0 : i32
    %dma_wait3A_76 = tpu.memref_slice %arg4[%add3A_57, %dma_wait3A_75] : memref<2048x3072xf32, #tpu.memory_space<hbm>> -> memref<16x3072xf32, #tpu.memory_space<hbm>>
    tpu.wait_dma2 semaphore(%arg10 : memref<!tpu.dma_semaphore, #tpu.memory_space<semaphore_mem>>) src(%arg6 : memref<16x3072xf32, #tpu.memory_space<vmem>>) dst(%dma_wait3A_76 : memref<16x3072xf32, #tpu.memory_space<hbm>>)
    %dma_wait3A_77 = arith.constant 0 : i32
    %dma_wait3A_78 = tpu.memref_slice %arg4[%add3A_68, %dma_wait3A_77] : memref<2048x3072xf32, #tpu.memory_space<hbm>> -> memref<16x3072xf32, #tpu.memory_space<hbm>>
    %dma_wait3A_79 = arith.constant 0 : i32
    %dma_wait3A_80 = tpu.memref_slice %arg4[%add3A_68, %dma_wait3A_79] : memref<2048x3072xf32, #tpu.memory_space<hbm>> -> memref<16x3072xf32, #tpu.memory_space<hbm>>
    tpu.wait_dma2 semaphore(%arg11 : memref<!tpu.dma_semaphore, #tpu.memory_space<semaphore_mem>>) src(%arg7 : memref<16x3072xf32, #tpu.memory_space<vmem>>) dst(%dma_wait3A_80 : memref<16x3072xf32, #tpu.memory_space<hbm>>)
    return
  }
}

#map = affine_map<(d0, d1) -> (0, 0)>
#map1 = affine_map<(d0, d1) -> (0)>
module attributes {stable_mosaic.version = 14 : i64} {
  func.func @_sc_gather_body(%arg0: i32, %arg1: i32, %arg2: memref<1024x3072xf32, #tpu.memory_space<hbm>>, %arg3: memref<1024xi32, #tpu.memory_space<hbm>>, %arg4: memref<1024x3072xf32, #tpu.memory_space<hbm>>, %arg5: memref<32xi32, #tpu.memory_space<vmem>>, %arg6: memref<16x3072xf32, #tpu.memory_space<vmem>>, %arg7: memref<16x3072xf32, #tpu.memory_space<vmem>>, %arg8: memref<!tpu.dma_semaphore, #tpu.memory_space<semaphore_mem>>, %arg9: memref<!tpu.dma_semaphore, #tpu.memory_space<semaphore_mem>>, %arg10: memref<!tpu.dma_semaphore, #tpu.memory_space<semaphore_mem>>, %arg11: memref<!tpu.dma_semaphore, #tpu.memory_space<semaphore_mem>>) attributes {dimension_semantics = [#tpu.dimension_semantics<core_parallel>, #tpu.dimension_semantics<subcore_parallel>], iteration_bounds = array<i64: 2, 16>, scalar_prefetch = 0 : i64, scratch_operands = 7 : i64, tpu.core_type = #tpu.core_type<sc_vector_subcore>, window_params = [{transform_indices = #map}, {transform_indices = #map1}, {transform_indices = #map}]} {
    %mul3A = arith.constant 2 : i32
    %mul3A_0 = arith.muli %arg1, %mul3A : i32
    %add3A = arith.addi %mul3A_0, %arg0 : i32
    %mul3A_1 = arith.constant 32 : i32
    %mul3A_2 = arith.muli %add3A, %mul3A_1 : i32
    "tpu.region"() ({
      %run_scoped3A = tpu.sem_alloc : memref<!tpu.dma_semaphore, #tpu.memory_space<semaphore_mem>>
      %dma_start3A_41 = tpu.memref_slice %arg3[%mul3A_2] : memref<1024xi32, #tpu.memory_space<hbm>> -> memref<32xi32, #tpu.memory_space<hbm>>
      %dma_start3A_42 = tpu.memref_slice %arg3[%mul3A_2] : memref<1024xi32, #tpu.memory_space<hbm>> -> memref<32xi32, #tpu.memory_space<hbm>>
      tpu.enqueue_dma source(%dma_start3A_42 : memref<32xi32, #tpu.memory_space<hbm>>) target(%arg5 : memref<32xi32, #tpu.memory_space<vmem>>) target_semaphore(%run_scoped3A : memref<!tpu.dma_semaphore, #tpu.memory_space<semaphore_mem>>)
      %dma_wait3A_43 = tpu.memref_slice %arg3[%mul3A_2] : memref<1024xi32, #tpu.memory_space<hbm>> -> memref<32xi32, #tpu.memory_space<hbm>>
      %dma_wait3A_44 = tpu.memref_slice %arg3[%mul3A_2] : memref<1024xi32, #tpu.memory_space<hbm>> -> memref<32xi32, #tpu.memory_space<hbm>>
      tpu.wait_dma2 semaphore(%run_scoped3A : memref<!tpu.dma_semaphore, #tpu.memory_space<semaphore_mem>>) src(%dma_wait3A_44 : memref<32xi32, #tpu.memory_space<hbm>>) dst(%arg5 : memref<32xi32, #tpu.memory_space<vmem>>)
      tpu.yield
    }) : () -> ()
    %dma_start3A = arith.constant 0 : i32
    %dma_start3A_3 = tpu.memref_slice %arg5[%dma_start3A] : memref<32xi32, #tpu.memory_space<vmem>> -> memref<16xi32, #tpu.memory_space<vmem>>
    %dma_start3A_4 = arith.constant 0 : i32
    %dma_start3A_5 = arith.constant 0 : i32
    %dma_start3A_6 = tpu.memref_slice %arg2[%dma_start3A_4, %dma_start3A_5] : memref<1024x3072xf32, #tpu.memory_space<hbm>> -> memref<1024x3072xf32, #tpu.memory_space<hbm>>
    tpu.enqueue_indirect_dma source(%dma_start3A_6 : memref<1024x3072xf32, #tpu.memory_space<hbm>>) target(%arg6 : memref<16x3072xf32, #tpu.memory_space<vmem>>) offsets(%dma_start3A_3 : memref<16xi32, #tpu.memory_space<vmem>>) semaphore(%arg8 : memref<!tpu.dma_semaphore, #tpu.memory_space<semaphore_mem>>)
    %dma_wait3A = arith.constant 0 : i32
    %dma_wait3A_7 = tpu.memref_slice %arg5[%dma_wait3A] : memref<32xi32, #tpu.memory_space<vmem>> -> memref<16xi32, #tpu.memory_space<vmem>>
    %dma_wait3A_8 = arith.constant 0 : i32
    %dma_wait3A_9 = arith.constant 0 : i32
    %dma_wait3A_10 = tpu.memref_slice %arg2[%dma_wait3A_8, %dma_wait3A_9] : memref<1024x3072xf32, #tpu.memory_space<hbm>> -> memref<1024x3072xf32, #tpu.memory_space<hbm>>
    tpu.wait_indirect_dma semaphore(%arg8 : memref<!tpu.dma_semaphore, #tpu.memory_space<semaphore_mem>>) src(%dma_wait3A_10 : memref<1024x3072xf32, #tpu.memory_space<hbm>>) dst(%arg6 : memref<16x3072xf32, #tpu.memory_space<vmem>>)
    %dma_start3A_11 = arith.constant 16 : i32
    %dma_start3A_12 = tpu.memref_slice %arg5[%dma_start3A_11] : memref<32xi32, #tpu.memory_space<vmem>> -> memref<16xi32, #tpu.memory_space<vmem>>
    %dma_start3A_13 = arith.constant 0 : i32
    %dma_start3A_14 = arith.constant 0 : i32
    %dma_start3A_15 = tpu.memref_slice %arg2[%dma_start3A_13, %dma_start3A_14] : memref<1024x3072xf32, #tpu.memory_space<hbm>> -> memref<1024x3072xf32, #tpu.memory_space<hbm>>
    tpu.enqueue_indirect_dma source(%dma_start3A_15 : memref<1024x3072xf32, #tpu.memory_space<hbm>>) target(%arg7 : memref<16x3072xf32, #tpu.memory_space<vmem>>) offsets(%dma_start3A_12 : memref<16xi32, #tpu.memory_space<vmem>>) semaphore(%arg9 : memref<!tpu.dma_semaphore, #tpu.memory_space<semaphore_mem>>)
    %add3A_16 = arith.constant 0 : i32
    %add3A_17 = arith.addi %mul3A_2, %add3A_16 : i32
    %dma_start3A_18 = arith.constant 0 : i32
    %dma_start3A_19 = tpu.memref_slice %arg4[%add3A_17, %dma_start3A_18] : memref<1024x3072xf32, #tpu.memory_space<hbm>> -> memref<16x3072xf32, #tpu.memory_space<hbm>>
    %dma_start3A_20 = arith.constant 0 : i32
    %dma_start3A_21 = tpu.memref_slice %arg4[%add3A_17, %dma_start3A_20] : memref<1024x3072xf32, #tpu.memory_space<hbm>> -> memref<16x3072xf32, #tpu.memory_space<hbm>>
    tpu.enqueue_dma source(%arg6 : memref<16x3072xf32, #tpu.memory_space<vmem>>) target(%dma_start3A_21 : memref<16x3072xf32, #tpu.memory_space<hbm>>) target_semaphore(%arg10 : memref<!tpu.dma_semaphore, #tpu.memory_space<semaphore_mem>>)
    %dma_wait3A_22 = arith.constant 16 : i32
    %dma_wait3A_23 = tpu.memref_slice %arg5[%dma_wait3A_22] : memref<32xi32, #tpu.memory_space<vmem>> -> memref<16xi32, #tpu.memory_space<vmem>>
    %dma_wait3A_24 = arith.constant 0 : i32
    %dma_wait3A_25 = arith.constant 0 : i32
    %dma_wait3A_26 = tpu.memref_slice %arg2[%dma_wait3A_24, %dma_wait3A_25] : memref<1024x3072xf32, #tpu.memory_space<hbm>> -> memref<1024x3072xf32, #tpu.memory_space<hbm>>
    tpu.wait_indirect_dma semaphore(%arg9 : memref<!tpu.dma_semaphore, #tpu.memory_space<semaphore_mem>>) src(%dma_wait3A_26 : memref<1024x3072xf32, #tpu.memory_space<hbm>>) dst(%arg7 : memref<16x3072xf32, #tpu.memory_space<vmem>>)
    %add3A_27 = arith.constant 16 : i32
    %add3A_28 = arith.addi %mul3A_2, %add3A_27 : i32
    %dma_start3A_29 = arith.constant 0 : i32
    %dma_start3A_30 = tpu.memref_slice %arg4[%add3A_28, %dma_start3A_29] : memref<1024x3072xf32, #tpu.memory_space<hbm>> -> memref<16x3072xf32, #tpu.memory_space<hbm>>
    %dma_start3A_31 = arith.constant 0 : i32
    %dma_start3A_32 = tpu.memref_slice %arg4[%add3A_28, %dma_start3A_31] : memref<1024x3072xf32, #tpu.memory_space<hbm>> -> memref<16x3072xf32, #tpu.memory_space<hbm>>
    tpu.enqueue_dma source(%arg7 : memref<16x3072xf32, #tpu.memory_space<vmem>>) target(%dma_start3A_32 : memref<16x3072xf32, #tpu.memory_space<hbm>>) target_semaphore(%arg11 : memref<!tpu.dma_semaphore, #tpu.memory_space<semaphore_mem>>)
    %dma_wait3A_33 = arith.constant 0 : i32
    %dma_wait3A_34 = tpu.memref_slice %arg4[%add3A_17, %dma_wait3A_33] : memref<1024x3072xf32, #tpu.memory_space<hbm>> -> memref<16x3072xf32, #tpu.memory_space<hbm>>
    %dma_wait3A_35 = arith.constant 0 : i32
    %dma_wait3A_36 = tpu.memref_slice %arg4[%add3A_17, %dma_wait3A_35] : memref<1024x3072xf32, #tpu.memory_space<hbm>> -> memref<16x3072xf32, #tpu.memory_space<hbm>>
    tpu.wait_dma2 semaphore(%arg10 : memref<!tpu.dma_semaphore, #tpu.memory_space<semaphore_mem>>) src(%arg6 : memref<16x3072xf32, #tpu.memory_space<vmem>>) dst(%dma_wait3A_36 : memref<16x3072xf32, #tpu.memory_space<hbm>>)
    %dma_wait3A_37 = arith.constant 0 : i32
    %dma_wait3A_38 = tpu.memref_slice %arg4[%add3A_28, %dma_wait3A_37] : memref<1024x3072xf32, #tpu.memory_space<hbm>> -> memref<16x3072xf32, #tpu.memory_space<hbm>>
    %dma_wait3A_39 = arith.constant 0 : i32
    %dma_wait3A_40 = tpu.memref_slice %arg4[%add3A_28, %dma_wait3A_39] : memref<1024x3072xf32, #tpu.memory_space<hbm>> -> memref<16x3072xf32, #tpu.memory_space<hbm>>
    tpu.wait_dma2 semaphore(%arg11 : memref<!tpu.dma_semaphore, #tpu.memory_space<semaphore_mem>>) src(%arg7 : memref<16x3072xf32, #tpu.memory_space<vmem>>) dst(%dma_wait3A_40 : memref<16x3072xf32, #tpu.memory_space<hbm>>)
    return
  }
}

module attributes {stable_mosaic.version = 14 : i64} {
  func.func @_proj_body(%arg0: i32, %arg1: memref<1024x1024xf32, #tpu.memory_space<vmem>>, %arg2: memref<1024x1024xf32, #tpu.memory_space<vmem>>, %arg3: memref<1x1024xf32, #tpu.memory_space<vmem>>, %arg4: memref<1024x1024xf32, #tpu.memory_space<vmem>>, %arg5: memref<1024x1024xf32, #tpu.memory_space<vmem>>, %arg6: memref<1024x1024xbf16, #tpu.memory_space<vmem>>) attributes {dimension_semantics = [#tpu.dimension_semantics<arbitrary>], iteration_bounds = array<i64: 3>, scalar_prefetch = 0 : i64, scratch_operands = 0 : i64, tpu.core_type = #tpu.core_type<tc>, window_params = [{pipeline_mode = #tpu.pipeline_mode<synchronous>, transform_indices = @transform_0, window_bounds = array<i64: 1024, 1024>}, {transform_indices = @transform_1, window_bounds = array<i64: 1024, 1024>}, {transform_indices = @transform_2, window_bounds = array<i64: 1, 1024>}, {transform_indices = @transform_3, window_bounds = array<i64: 1024, 1024>}, {transform_indices = @transform_4, window_bounds = array<i64: 1024, 1024>}, {transform_indices = @transform_5, window_bounds = array<i64: 1024, 1024>}]} {
    %get3A = arith.constant 0 : index
    %get3A_0 = arith.constant 0 : index
    %get3A_1 = vector.load %arg1[%get3A, %get3A_0] : memref<1024x1024xf32, #tpu.memory_space<vmem>>, vector<1024x1024xf32>
    %convert_element_type3A = arith.truncf %get3A_1 : vector<1024x1024xf32> to vector<1024x1024xbf16>
    %get3A_2 = arith.constant 0 : index
    %get3A_3 = arith.constant 0 : index
    %get3A_4 = vector.load %arg2[%get3A_2, %get3A_3] : memref<1024x1024xf32, #tpu.memory_space<vmem>>, vector<1024x1024xf32>
    %convert_element_type3A_5 = arith.truncf %get3A_4 : vector<1024x1024xf32> to vector<1024x1024xbf16>
    %dot_general3A = arith.constant dense<0.000000e+00> : vector<1024x1024xf32>
    %dot_general3A_6 = tpu.matmul %convert_element_type3A, %convert_element_type3A_5, %dot_general3A {dimension_numbers = #tpu.dot_dimension_numbers<[1], [1], [0], [0], [0, 0, 1, 0], [], []>, transpose_lhs_hint = false} : vector<1024x1024xbf16>, vector<1024x1024xbf16>, vector<1024x1024xf32> -> vector<1024x1024xf32>
    %get3A_7 = arith.constant 0 : index
    %get3A_8 = arith.constant 0 : index
    %get3A_9 = vector.load %arg3[%get3A_7, %get3A_8] : memref<1x1024xf32, #tpu.memory_space<vmem>>, vector<1x1024xf32>
    %add3A = vector.broadcast %get3A_9 : vector<1x1024xf32> to vector<1024x1024xf32>
    %add3A_10 = arith.addf %dot_general3A_6, %add3A : vector<1024x1024xf32>
    %swap3A = arith.constant 0 : index
    %swap3A_11 = arith.constant 0 : index
    %swap3A_12 = vector.load %arg5[%swap3A, %swap3A_11] : memref<1024x1024xf32, #tpu.memory_space<vmem>>, vector<1024x1024xf32>
    tpu.vector_store %arg5[%swap3A, %swap3A_11], %add3A_10 {strides = array<i32>} : memref<1024x1024xf32, #tpu.memory_space<vmem>>, vector<1024x1024xf32>,
    %get3A_13 = arith.constant 0 : index
    %get3A_14 = arith.constant 0 : index
    %get3A_15 = vector.load %arg4[%get3A_13, %get3A_14] : memref<1024x1024xf32, #tpu.memory_space<vmem>>, vector<1024x1024xf32>
    %convert_element_type3A_16 = arith.truncf %get3A_15 : vector<1024x1024xf32> to vector<1024x1024xbf16>
    %transpose3A = tpu.transpose %convert_element_type3A_16, [1, 0] : vector<1024x1024xbf16> -> vector<1024x1024xbf16>
    %swap3A_17 = arith.constant 0 : index
    %swap3A_18 = arith.constant 0 : index
    %swap3A_19 = vector.load %arg6[%swap3A_17, %swap3A_18] : memref<1024x1024xbf16, #tpu.memory_space<vmem>>, vector<1024x1024xbf16>
    tpu.vector_store %arg6[%swap3A_17, %swap3A_18], %transpose3A {strides = array<i32>} : memref<1024x1024xbf16, #tpu.memory_space<vmem>>, vector<1024x1024xbf16>,
    return
  }
  func.func @transform_0(%arg0: i32) -> (i32, i32) {
    %c0_i32 = arith.constant 0 : i32
    %c0_i32_0 = arith.constant 0 : i32
    %c0_i32_1 = arith.constant 0 : i32
    return %c0_i32, %c0_i32_0 : i32, i32
  }
  func.func @transform_1(%arg0: i32) -> (i32, i32) {
    %c0_i32 = arith.constant 0 : i32
    %c0_i32_0 = arith.constant 0 : i32
    return %arg0, %c0_i32 : i32, i32
  }
  func.func @transform_2(%arg0: i32) -> (i32, i32) {
    %c0_i32 = arith.constant 0 : i32
    %c0_i32_0 = arith.constant 0 : i32
    return %c0_i32, %arg0 : i32, i32
  }
  func.func @transform_3(%arg0: i32) -> (i32, i32) {
    %c0_i32 = arith.constant 0 : i32
    %c0_i32_0 = arith.constant 0 : i32
    return %arg0, %c0_i32 : i32, i32
  }
  func.func @transform_4(%arg0: i32) -> (i32, i32) {
    %c0_i32 = arith.constant 0 : i32
    %c0_i32_0 = arith.constant 0 : i32
    return %c0_i32, %arg0 : i32, i32
  }
  func.func @transform_5(%arg0: i32) -> (i32, i32) {
    %c0_i32 = arith.constant 0 : i32
    %c0_i32_0 = arith.constant 0 : i32
    return %c0_i32, %arg0 : i32, i32
  }
}

module attributes {stable_mosaic.version = 14 : i64} {
  func.func @_scan_body(%arg0: i32, %arg1: memref<1x256x1xi32, #tpu.memory_space<vmem>>, %arg2: memref<256x3072xf32, #tpu.memory_space<vmem>>, %arg3: memref<1024x3072xbf16, #tpu.memory_space<vmem>>, %arg4: memref<1x1024xf32, #tpu.memory_space<vmem>>, %arg5: memref<16x1024xf32, #tpu.memory_space<vmem>>, %arg6: memref<16x1xf32, #tpu.memory_space<vmem>>, %arg7: memref<16x1024xf32, #tpu.memory_space<vmem>>, %arg8: memref<16x1xf32, #tpu.memory_space<vmem>>) attributes {dimension_semantics = [#tpu.dimension_semantics<arbitrary>], iteration_bounds = array<i64: 4>, scalar_prefetch = 0 : i64, scratch_operands = 0 : i64, tpu.core_type = #tpu.core_type<tc>, window_params = [{transform_indices = @transform_0, window_bounds = array<i64: 1, 256, 1>}, {transform_indices = @transform_1, window_bounds = array<i64: 256, 3072>}, {pipeline_mode = #tpu.pipeline_mode<synchronous>, transform_indices = @transform_2, window_bounds = array<i64: 1024, 3072>}, {pipeline_mode = #tpu.pipeline_mode<synchronous>, transform_indices = @transform_3, window_bounds = array<i64: 1, 1024>}, {pipeline_mode = #tpu.pipeline_mode<synchronous>, transform_indices = @transform_4, window_bounds = array<i64: 16, 1024>}, {pipeline_mode = #tpu.pipeline_mode<synchronous>, transform_indices = @transform_5, window_bounds = array<i64: 16, 1>}, {pipeline_mode = #tpu.pipeline_mode<synchronous>, transform_indices = @transform_6, window_bounds = array<i64: 16, 1024>}, {pipeline_mode = #tpu.pipeline_mode<synchronous>, transform_indices = @transform_7, window_bounds = array<i64: 16, 1>}]} {
    %eq3A = arith.constant 0 : i32
    %eq3A_0 = arith.cmpi eq, %arg0, %eq3A : i32
    %convert_element_type3A = arith.extui %eq3A_0 : i1 to i32
    %cond3A = arith.constant 0 : i32
    %cond3A_1 = arith.cmpi ne, %convert_element_type3A, %cond3A : i32
    scf.if %cond3A_1 {
      %get3A_872 = arith.constant 0 : index
      %get3A_873 = arith.constant 0 : index
      %get3A_874 = vector.load %arg5[%get3A_872, %get3A_873] : memref<16x1024xf32, #tpu.memory_space<vmem>>, vector<16x1024xf32>
      %swap3A_875 = arith.constant 0 : index
      %swap3A_876 = arith.constant 0 : index
      %swap3A_877 = vector.load %arg7[%swap3A_875, %swap3A_876] : memref<16x1024xf32, #tpu.memory_space<vmem>>, vector<16x1024xf32>
      tpu.vector_store %arg7[%swap3A_875, %swap3A_876], %get3A_874 {strides = array<i32>} : memref<16x1024xf32, #tpu.memory_space<vmem>>, vector<16x1024xf32>,
      %get3A_878 = arith.constant 0 : index
      %get3A_879 = arith.constant 0 : index
      %get3A_880 = vector.load %arg6[%get3A_878, %get3A_879] : memref<16x1xf32, #tpu.memory_space<vmem>>, vector<16x1xf32>
      %swap3A_881 = arith.constant 0 : index
      %swap3A_882 = arith.constant 0 : index
      %swap3A_883 = vector.load %arg8[%swap3A_881, %swap3A_882] : memref<16x1xf32, #tpu.memory_space<vmem>>, vector<16x1xf32>
      tpu.vector_store %arg8[%swap3A_881, %swap3A_882], %get3A_880 {strides = array<i32>} : memref<16x1xf32, #tpu.memory_space<vmem>>, vector<16x1xf32>,
    } else {
    }
    %get3A = arith.constant 0 : index
    %get3A_2 = arith.constant 0 : index
    %get3A_3 = vector.load %arg7[%get3A, %get3A_2] : memref<16x1024xf32, #tpu.memory_space<vmem>>, vector<16x1024xf32>
    %get3A_4 = arith.constant 0 : index
    %get3A_5 = arith.constant 0 : index
    %get3A_6 = vector.load %arg8[%get3A_4, %get3A_5] : memref<16x1xf32, #tpu.memory_space<vmem>>, vector<16x1xf32>
    %get3A_7 = arith.constant 0 : index
    %get3A_8 = arith.constant 0 : index
    %get3A_9 = arith.constant 0 : index
    %get3A_10 = vector.load %arg1[%get3A_7, %get3A_8, %get3A_9] : memref<1x256x1xi32, #tpu.memory_space<vmem>>, vector<1x256x1xi32>
    %squeeze3A = vector.shape_cast %get3A_10 : vector<1x256x1xi32> to vector<256x1xi32>
    %get3A_11 = arith.constant 0 : index
    %get3A_12 = arith.constant 0 : index
    %get3A_13 = vector.load %arg2[%get3A_11, %get3A_12] : memref<256x3072xf32, #tpu.memory_space<vmem>>, vector<256x3072xf32>
    %slice3A = vector.extract_strided_slice %get3A_13 {offsets = [0, 0], sizes = [16, 3072], strides = [1, 1]} : vector<256x3072xf32> to vector<16x3072xf32>
    %slice3A_14 = vector.extract_strided_slice %squeeze3A {offsets = [0, 0], sizes = [16, 1], strides = [1, 1]} : vector<256x1xi32> to vector<16x1xi32>
    %convert_element_type3A_15 = arith.truncf %get3A_3 : vector<16x1024xf32> to vector<16x1024xbf16>
    %get3A_16 = arith.constant 0 : index
    %get3A_17 = arith.constant 0 : index
    %get3A_18 = vector.load %arg3[%get3A_16, %get3A_17] : memref<1024x3072xbf16, #tpu.memory_space<vmem>>, vector<1024x3072xbf16>
    %dot_general3A = arith.constant dense<0.000000e+00> : vector<16x3072xf32>
    %dot_general3A_19 = tpu.matmul %convert_element_type3A_15, %get3A_18, %dot_general3A {dimension_numbers = #tpu.dot_dimension_numbers<[1], [0], [0], [1], [0, 0, 1, 1], [], []>, transpose_lhs_hint = false} : vector<16x1024xbf16>, vector<1024x3072xbf16>, vector<16x3072xf32> -> vector<16x3072xf32>
    %slice3A_20 = vector.extract_strided_slice %slice3A {offsets = [0, 0], sizes = [16, 1024], strides = [1, 1]} : vector<16x3072xf32> to vector<16x1024xf32>
    %slice3A_21 = vector.extract_strided_slice %dot_general3A_19 {offsets = [0, 0], sizes = [16, 1024], strides = [1, 1]} : vector<16x3072xf32> to vector<16x1024xf32>
    %add3A = arith.addf %slice3A_20, %slice3A_21 : vector<16x1024xf32>
    %logistic3A = arith.negf %add3A : vector<16x1024xf32>
    %logistic3A_22 = math.exp %logistic3A : vector<16x1024xf32>
    %logistic3A_23 = arith.constant 1.000000e+00 : f32
    %logistic3A_24 = vector.broadcast %logistic3A_23 : f32 to vector<16x1024xf32>
    %logistic3A_25 = arith.addf %logistic3A_24, %logistic3A_22 : vector<16x1024xf32>
    %logistic3A_26 = arith.divf %logistic3A_24, %logistic3A_25 : vector<16x1024xf32>
    %slice3A_27 = vector.extract_strided_slice %slice3A {offsets = [0, 1024], sizes = [16, 1024], strides = [1, 1]} : vector<16x3072xf32> to vector<16x1024xf32>
    %slice3A_28 = vector.extract_strided_slice %dot_general3A_19 {offsets = [0, 1024], sizes = [16, 1024], strides = [1, 1]} : vector<16x3072xf32> to vector<16x1024xf32>
    %add3A_29 = arith.addf %slice3A_27, %slice3A_28 : vector<16x1024xf32>
    %logistic3A_30 = arith.negf %add3A_29 : vector<16x1024xf32>
    %logistic3A_31 = math.exp %logistic3A_30 : vector<16x1024xf32>
    %logistic3A_32 = arith.constant 1.000000e+00 : f32
    %logistic3A_33 = vector.broadcast %logistic3A_32 : f32 to vector<16x1024xf32>
    %logistic3A_34 = arith.addf %logistic3A_33, %logistic3A_31 : vector<16x1024xf32>
    %logistic3A_35 = arith.divf %logistic3A_33, %logistic3A_34 : vector<16x1024xf32>
    %slice3A_36 = vector.extract_strided_slice %slice3A {offsets = [0, 2048], sizes = [16, 1024], strides = [1, 1]} : vector<16x3072xf32> to vector<16x1024xf32>
    %slice3A_37 = vector.extract_strided_slice %dot_general3A_19 {offsets = [0, 2048], sizes = [16, 1024], strides = [1, 1]} : vector<16x3072xf32> to vector<16x1024xf32>
    %get3A_38 = arith.constant 0 : index
    %get3A_39 = arith.constant 0 : index
    %get3A_40 = vector.load %arg4[%get3A_38, %get3A_39] : memref<1x1024xf32, #tpu.memory_space<vmem>>, vector<1x1024xf32>
    %add3A_41 = vector.broadcast %get3A_40 : vector<1x1024xf32> to vector<16x1024xf32>
    %add3A_42 = arith.addf %slice3A_37, %add3A_41 : vector<16x1024xf32>
    %mul3A = arith.mulf %logistic3A_26, %add3A_42 : vector<16x1024xf32>
    %add3A_43 = arith.addf %slice3A_36, %mul3A : vector<16x1024xf32>
    %tanh3A = math.tanh %add3A_43 : vector<16x1024xf32>
    %sub3A = arith.constant 1.000000e+00 : f32
    %sub3A_44 = vector.broadcast %sub3A : f32 to vector<16x1024xf32>
    %sub3A_45 = arith.subf %sub3A_44, %logistic3A_35 : vector<16x1024xf32>
    %mul3A_46 = arith.mulf %sub3A_45, %tanh3A : vector<16x1024xf32>
    %mul3A_47 = arith.mulf %logistic3A_35, %get3A_3 : vector<16x1024xf32>
    %add3A_48 = arith.addf %mul3A_46, %mul3A_47 : vector<16x1024xf32>
    %gt3A = arith.constant 5.000000e-01 : f32
    %gt3A_49 = vector.broadcast %gt3A : f32 to vector<16x1xf32>
    %gt3A_50 = arith.cmpf ogt, %get3A_6, %gt3A_49 : vector<16x1xf32>
    %broadcast_in_dim3A = vector.shape_cast %gt3A_50 : vector<16x1xi1> to vector<16x1xi1>
    %broadcast_in_dim3A_51 = vector.broadcast %broadcast_in_dim3A : vector<16x1xi1> to vector<16x1024xi1>
    %select_n3A = arith.select %broadcast_in_dim3A_51, %add3A_48, %get3A_3 : vector<16x1024xi1>, vector<16x1024xf32>
    %ne3A = arith.constant 0 : i32
    %ne3A_52 = vector.broadcast %ne3A : i32 to vector<16x1xi32>
    %ne3A_53 = arith.cmpi ne, %slice3A_14, %ne3A_52 : vector<16x1xi32>
    %convert_element_type3A_54 = arith.extui %ne3A_53 : vector<16x1xi1> to vector<16x1xi32>
    %convert_element_type3A_55 = arith.sitofp %convert_element_type3A_54 : vector<16x1xi32> to vector<16x1xf32>
    %mul3A_56 = arith.mulf %get3A_6, %convert_element_type3A_55 : vector<16x1xf32>
    %slice3A_57 = vector.extract_strided_slice %get3A_13 {offsets = [16, 0], sizes = [16, 3072], strides = [1, 1]} : vector<256x3072xf32> to vector<16x3072xf32>
    %slice3A_58 = vector.extract_strided_slice %squeeze3A {offsets = [16, 0], sizes = [16, 1], strides = [1, 1]} : vector<256x1xi32> to vector<16x1xi32>
    %convert_element_type3A_59 = arith.truncf %select_n3A : vector<16x1024xf32> to vector<16x1024xbf16>
    %get3A_60 = arith.constant 0 : index
    %get3A_61 = arith.constant 0 : index
    %get3A_62 = vector.load %arg3[%get3A_60, %get3A_61] : memref<1024x3072xbf16, #tpu.memory_space<vmem>>, vector<1024x3072xbf16>
    %dot_general3A_63 = arith.constant dense<0.000000e+00> : vector<16x3072xf32>
    %dot_general3A_64 = tpu.matmul %convert_element_type3A_59, %get3A_62, %dot_general3A_63 {dimension_numbers = #tpu.dot_dimension_numbers<[1], [0], [0], [1], [0, 0, 1, 1], [], []>, transpose_lhs_hint = false} : vector<16x1024xbf16>, vector<1024x3072xbf16>, vector<16x3072xf32> -> vector<16x3072xf32>
    %slice3A_65 = vector.extract_strided_slice %slice3A_57 {offsets = [0, 0], sizes = [16, 1024], strides = [1, 1]} : vector<16x3072xf32> to vector<16x1024xf32>
    %slice3A_66 = vector.extract_strided_slice %dot_general3A_64 {offsets = [0, 0], sizes = [16, 1024], strides = [1, 1]} : vector<16x3072xf32> to vector<16x1024xf32>
    %add3A_67 = arith.addf %slice3A_65, %slice3A_66 : vector<16x1024xf32>
    %logistic3A_68 = arith.negf %add3A_67 : vector<16x1024xf32>
    %logistic3A_69 = math.exp %logistic3A_68 : vector<16x1024xf32>
    %logistic3A_70 = arith.constant 1.000000e+00 : f32
    %logistic3A_71 = vector.broadcast %logistic3A_70 : f32 to vector<16x1024xf32>
    %logistic3A_72 = arith.addf %logistic3A_71, %logistic3A_69 : vector<16x1024xf32>
    %logistic3A_73 = arith.divf %logistic3A_71, %logistic3A_72 : vector<16x1024xf32>
    %slice3A_74 = vector.extract_strided_slice %slice3A_57 {offsets = [0, 1024], sizes = [16, 1024], strides = [1, 1]} : vector<16x3072xf32> to vector<16x1024xf32>
    %slice3A_75 = vector.extract_strided_slice %dot_general3A_64 {offsets = [0, 1024], sizes = [16, 1024], strides = [1, 1]} : vector<16x3072xf32> to vector<16x1024xf32>
    %add3A_76 = arith.addf %slice3A_74, %slice3A_75 : vector<16x1024xf32>
    %logistic3A_77 = arith.negf %add3A_76 : vector<16x1024xf32>
    %logistic3A_78 = math.exp %logistic3A_77 : vector<16x1024xf32>
    %logistic3A_79 = arith.constant 1.000000e+00 : f32
    %logistic3A_80 = vector.broadcast %logistic3A_79 : f32 to vector<16x1024xf32>
    %logistic3A_81 = arith.addf %logistic3A_80, %logistic3A_78 : vector<16x1024xf32>
    %logistic3A_82 = arith.divf %logistic3A_80, %logistic3A_81 : vector<16x1024xf32>
    %slice3A_83 = vector.extract_strided_slice %slice3A_57 {offsets = [0, 2048], sizes = [16, 1024], strides = [1, 1]} : vector<16x3072xf32> to vector<16x1024xf32>
    %slice3A_84 = vector.extract_strided_slice %dot_general3A_64 {offsets = [0, 2048], sizes = [16, 1024], strides = [1, 1]} : vector<16x3072xf32> to vector<16x1024xf32>
    %get3A_85 = arith.constant 0 : index
    %get3A_86 = arith.constant 0 : index
    %get3A_87 = vector.load %arg4[%get3A_85, %get3A_86] : memref<1x1024xf32, #tpu.memory_space<vmem>>, vector<1x1024xf32>
    %add3A_88 = vector.broadcast %get3A_87 : vector<1x1024xf32> to vector<16x1024xf32>
    %add3A_89 = arith.addf %slice3A_84, %add3A_88 : vector<16x1024xf32>
    %mul3A_90 = arith.mulf %logistic3A_73, %add3A_89 : vector<16x1024xf32>
    %add3A_91 = arith.addf %slice3A_83, %mul3A_90 : vector<16x1024xf32>
    %tanh3A_92 = math.tanh %add3A_91 : vector<16x1024xf32>
    %sub3A_93 = arith.constant 1.000000e+00 : f32
    %sub3A_94 = vector.broadcast %sub3A_93 : f32 to vector<16x1024xf32>
    %sub3A_95 = arith.subf %sub3A_94, %logistic3A_82 : vector<16x1024xf32>
    %mul3A_96 = arith.mulf %sub3A_95, %tanh3A_92 : vector<16x1024xf32>
    %mul3A_97 = arith.mulf %logistic3A_82, %select_n3A : vector<16x1024xf32>
    %add3A_98 = arith.addf %mul3A_96, %mul3A_97 : vector<16x1024xf32>
    %gt3A_99 = arith.constant 5.000000e-01 : f32
    %gt3A_100 = vector.broadcast %gt3A_99 : f32 to vector<16x1xf32>
    %gt3A_101 = arith.cmpf ogt, %mul3A_56, %gt3A_100 : vector<16x1xf32>
    %broadcast_in_dim3A_102 = vector.shape_cast %gt3A_101 : vector<16x1xi1> to vector<16x1xi1>
    %broadcast_in_dim3A_103 = vector.broadcast %broadcast_in_dim3A_102 : vector<16x1xi1> to vector<16x1024xi1>
    %select_n3A_104 = arith.select %broadcast_in_dim3A_103, %add3A_98, %select_n3A : vector<16x1024xi1>, vector<16x1024xf32>
    %ne3A_105 = arith.constant 0 : i32
    %ne3A_106 = vector.broadcast %ne3A_105 : i32 to vector<16x1xi32>
    %ne3A_107 = arith.cmpi ne, %slice3A_58, %ne3A_106 : vector<16x1xi32>
    %convert_element_type3A_108 = arith.extui %ne3A_107 : vector<16x1xi1> to vector<16x1xi32>
    %convert_element_type3A_109 = arith.sitofp %convert_element_type3A_108 : vector<16x1xi32> to vector<16x1xf32>
    %mul3A_110 = arith.mulf %mul3A_56, %convert_element_type3A_109 : vector<16x1xf32>
    %slice3A_111 = vector.extract_strided_slice %get3A_13 {offsets = [32, 0], sizes = [16, 3072], strides = [1, 1]} : vector<256x3072xf32> to vector<16x3072xf32>
    %slice3A_112 = vector.extract_strided_slice %squeeze3A {offsets = [32, 0], sizes = [16, 1], strides = [1, 1]} : vector<256x1xi32> to vector<16x1xi32>
    %convert_element_type3A_113 = arith.truncf %select_n3A_104 : vector<16x1024xf32> to vector<16x1024xbf16>
    %get3A_114 = arith.constant 0 : index
    %get3A_115 = arith.constant 0 : index
    %get3A_116 = vector.load %arg3[%get3A_114, %get3A_115] : memref<1024x3072xbf16, #tpu.memory_space<vmem>>, vector<1024x3072xbf16>
    %dot_general3A_117 = arith.constant dense<0.000000e+00> : vector<16x3072xf32>
    %dot_general3A_118 = tpu.matmul %convert_element_type3A_113, %get3A_116, %dot_general3A_117 {dimension_numbers = #tpu.dot_dimension_numbers<[1], [0], [0], [1], [0, 0, 1, 1], [], []>, transpose_lhs_hint = false} : vector<16x1024xbf16>, vector<1024x3072xbf16>, vector<16x3072xf32> -> vector<16x3072xf32>
    %slice3A_119 = vector.extract_strided_slice %slice3A_111 {offsets = [0, 0], sizes = [16, 1024], strides = [1, 1]} : vector<16x3072xf32> to vector<16x1024xf32>
    %slice3A_120 = vector.extract_strided_slice %dot_general3A_118 {offsets = [0, 0], sizes = [16, 1024], strides = [1, 1]} : vector<16x3072xf32> to vector<16x1024xf32>
    %add3A_121 = arith.addf %slice3A_119, %slice3A_120 : vector<16x1024xf32>
    %logistic3A_122 = arith.negf %add3A_121 : vector<16x1024xf32>
    %logistic3A_123 = math.exp %logistic3A_122 : vector<16x1024xf32>
    %logistic3A_124 = arith.constant 1.000000e+00 : f32
    %logistic3A_125 = vector.broadcast %logistic3A_124 : f32 to vector<16x1024xf32>
    %logistic3A_126 = arith.addf %logistic3A_125, %logistic3A_123 : vector<16x1024xf32>
    %logistic3A_127 = arith.divf %logistic3A_125, %logistic3A_126 : vector<16x1024xf32>
    %slice3A_128 = vector.extract_strided_slice %slice3A_111 {offsets = [0, 1024], sizes = [16, 1024], strides = [1, 1]} : vector<16x3072xf32> to vector<16x1024xf32>
    %slice3A_129 = vector.extract_strided_slice %dot_general3A_118 {offsets = [0, 1024], sizes = [16, 1024], strides = [1, 1]} : vector<16x3072xf32> to vector<16x1024xf32>
    %add3A_130 = arith.addf %slice3A_128, %slice3A_129 : vector<16x1024xf32>
    %logistic3A_131 = arith.negf %add3A_130 : vector<16x1024xf32>
    %logistic3A_132 = math.exp %logistic3A_131 : vector<16x1024xf32>
    %logistic3A_133 = arith.constant 1.000000e+00 : f32
    %logistic3A_134 = vector.broadcast %logistic3A_133 : f32 to vector<16x1024xf32>
    %logistic3A_135 = arith.addf %logistic3A_134, %logistic3A_132 : vector<16x1024xf32>
    %logistic3A_136 = arith.divf %logistic3A_134, %logistic3A_135 : vector<16x1024xf32>
    %slice3A_137 = vector.extract_strided_slice %slice3A_111 {offsets = [0, 2048], sizes = [16, 1024], strides = [1, 1]} : vector<16x3072xf32> to vector<16x1024xf32>
    %slice3A_138 = vector.extract_strided_slice %dot_general3A_118 {offsets = [0, 2048], sizes = [16, 1024], strides = [1, 1]} : vector<16x3072xf32> to vector<16x1024xf32>
    %get3A_139 = arith.constant 0 : index
    %get3A_140 = arith.constant 0 : index
    %get3A_141 = vector.load %arg4[%get3A_139, %get3A_140] : memref<1x1024xf32, #tpu.memory_space<vmem>>, vector<1x1024xf32>
    %add3A_142 = vector.broadcast %get3A_141 : vector<1x1024xf32> to vector<16x1024xf32>
    %add3A_143 = arith.addf %slice3A_138, %add3A_142 : vector<16x1024xf32>
    %mul3A_144 = arith.mulf %logistic3A_127, %add3A_143 : vector<16x1024xf32>
    %add3A_145 = arith.addf %slice3A_137, %mul3A_144 : vector<16x1024xf32>
    %tanh3A_146 = math.tanh %add3A_145 : vector<16x1024xf32>
    %sub3A_147 = arith.constant 1.000000e+00 : f32
    %sub3A_148 = vector.broadcast %sub3A_147 : f32 to vector<16x1024xf32>
    %sub3A_149 = arith.subf %sub3A_148, %logistic3A_136 : vector<16x1024xf32>
    %mul3A_150 = arith.mulf %sub3A_149, %tanh3A_146 : vector<16x1024xf32>
    %mul3A_151 = arith.mulf %logistic3A_136, %select_n3A_104 : vector<16x1024xf32>
    %add3A_152 = arith.addf %mul3A_150, %mul3A_151 : vector<16x1024xf32>
    %gt3A_153 = arith.constant 5.000000e-01 : f32
    %gt3A_154 = vector.broadcast %gt3A_153 : f32 to vector<16x1xf32>
    %gt3A_155 = arith.cmpf ogt, %mul3A_110, %gt3A_154 : vector<16x1xf32>
    %broadcast_in_dim3A_156 = vector.shape_cast %gt3A_155 : vector<16x1xi1> to vector<16x1xi1>
    %broadcast_in_dim3A_157 = vector.broadcast %broadcast_in_dim3A_156 : vector<16x1xi1> to vector<16x1024xi1>
    %select_n3A_158 = arith.select %broadcast_in_dim3A_157, %add3A_152, %select_n3A_104 : vector<16x1024xi1>, vector<16x1024xf32>
    %ne3A_159 = arith.constant 0 : i32
    %ne3A_160 = vector.broadcast %ne3A_159 : i32 to vector<16x1xi32>
    %ne3A_161 = arith.cmpi ne, %slice3A_112, %ne3A_160 : vector<16x1xi32>
    %convert_element_type3A_162 = arith.extui %ne3A_161 : vector<16x1xi1> to vector<16x1xi32>
    %convert_element_type3A_163 = arith.sitofp %convert_element_type3A_162 : vector<16x1xi32> to vector<16x1xf32>
    %mul3A_164 = arith.mulf %mul3A_110, %convert_element_type3A_163 : vector<16x1xf32>
    %slice3A_165 = vector.extract_strided_slice %get3A_13 {offsets = [48, 0], sizes = [16, 3072], strides = [1, 1]} : vector<256x3072xf32> to vector<16x3072xf32>
    %slice3A_166 = vector.extract_strided_slice %squeeze3A {offsets = [48, 0], sizes = [16, 1], strides = [1, 1]} : vector<256x1xi32> to vector<16x1xi32>
    %convert_element_type3A_167 = arith.truncf %select_n3A_158 : vector<16x1024xf32> to vector<16x1024xbf16>
    %get3A_168 = arith.constant 0 : index
    %get3A_169 = arith.constant 0 : index
    %get3A_170 = vector.load %arg3[%get3A_168, %get3A_169] : memref<1024x3072xbf16, #tpu.memory_space<vmem>>, vector<1024x3072xbf16>
    %dot_general3A_171 = arith.constant dense<0.000000e+00> : vector<16x3072xf32>
    %dot_general3A_172 = tpu.matmul %convert_element_type3A_167, %get3A_170, %dot_general3A_171 {dimension_numbers = #tpu.dot_dimension_numbers<[1], [0], [0], [1], [0, 0, 1, 1], [], []>, transpose_lhs_hint = false} : vector<16x1024xbf16>, vector<1024x3072xbf16>, vector<16x3072xf32> -> vector<16x3072xf32>
    %slice3A_173 = vector.extract_strided_slice %slice3A_165 {offsets = [0, 0], sizes = [16, 1024], strides = [1, 1]} : vector<16x3072xf32> to vector<16x1024xf32>
    %slice3A_174 = vector.extract_strided_slice %dot_general3A_172 {offsets = [0, 0], sizes = [16, 1024], strides = [1, 1]} : vector<16x3072xf32> to vector<16x1024xf32>
    %add3A_175 = arith.addf %slice3A_173, %slice3A_174 : vector<16x1024xf32>
    %logistic3A_176 = arith.negf %add3A_175 : vector<16x1024xf32>
    %logistic3A_177 = math.exp %logistic3A_176 : vector<16x1024xf32>
    %logistic3A_178 = arith.constant 1.000000e+00 : f32
    %logistic3A_179 = vector.broadcast %logistic3A_178 : f32 to vector<16x1024xf32>
    %logistic3A_180 = arith.addf %logistic3A_179, %logistic3A_177 : vector<16x1024xf32>
    %logistic3A_181 = arith.divf %logistic3A_179, %logistic3A_180 : vector<16x1024xf32>
    %slice3A_182 = vector.extract_strided_slice %slice3A_165 {offsets = [0, 1024], sizes = [16, 1024], strides = [1, 1]} : vector<16x3072xf32> to vector<16x1024xf32>
    %slice3A_183 = vector.extract_strided_slice %dot_general3A_172 {offsets = [0, 1024], sizes = [16, 1024], strides = [1, 1]} : vector<16x3072xf32> to vector<16x1024xf32>
    %add3A_184 = arith.addf %slice3A_182, %slice3A_183 : vector<16x1024xf32>
    %logistic3A_185 = arith.negf %add3A_184 : vector<16x1024xf32>
    %logistic3A_186 = math.exp %logistic3A_185 : vector<16x1024xf32>
    %logistic3A_187 = arith.constant 1.000000e+00 : f32
    %logistic3A_188 = vector.broadcast %logistic3A_187 : f32 to vector<16x1024xf32>
    %logistic3A_189 = arith.addf %logistic3A_188, %logistic3A_186 : vector<16x1024xf32>
    %logistic3A_190 = arith.divf %logistic3A_188, %logistic3A_189 : vector<16x1024xf32>
    %slice3A_191 = vector.extract_strided_slice %slice3A_165 {offsets = [0, 2048], sizes = [16, 1024], strides = [1, 1]} : vector<16x3072xf32> to vector<16x1024xf32>
    %slice3A_192 = vector.extract_strided_slice %dot_general3A_172 {offsets = [0, 2048], sizes = [16, 1024], strides = [1, 1]} : vector<16x3072xf32> to vector<16x1024xf32>
    %get3A_193 = arith.constant 0 : index
    %get3A_194 = arith.constant 0 : index
    %get3A_195 = vector.load %arg4[%get3A_193, %get3A_194] : memref<1x1024xf32, #tpu.memory_space<vmem>>, vector<1x1024xf32>
    %add3A_196 = vector.broadcast %get3A_195 : vector<1x1024xf32> to vector<16x1024xf32>
    %add3A_197 = arith.addf %slice3A_192, %add3A_196 : vector<16x1024xf32>
    %mul3A_198 = arith.mulf %logistic3A_181, %add3A_197 : vector<16x1024xf32>
    %add3A_199 = arith.addf %slice3A_191, %mul3A_198 : vector<16x1024xf32>
    %tanh3A_200 = math.tanh %add3A_199 : vector<16x1024xf32>
    %sub3A_201 = arith.constant 1.000000e+00 : f32
    %sub3A_202 = vector.broadcast %sub3A_201 : f32 to vector<16x1024xf32>
    %sub3A_203 = arith.subf %sub3A_202, %logistic3A_190 : vector<16x1024xf32>
    %mul3A_204 = arith.mulf %sub3A_203, %tanh3A_200 : vector<16x1024xf32>
    %mul3A_205 = arith.mulf %logistic3A_190, %select_n3A_158 : vector<16x1024xf32>
    %add3A_206 = arith.addf %mul3A_204, %mul3A_205 : vector<16x1024xf32>
    %gt3A_207 = arith.constant 5.000000e-01 : f32
    %gt3A_208 = vector.broadcast %gt3A_207 : f32 to vector<16x1xf32>
    %gt3A_209 = arith.cmpf ogt, %mul3A_164, %gt3A_208 : vector<16x1xf32>
    %broadcast_in_dim3A_210 = vector.shape_cast %gt3A_209 : vector<16x1xi1> to vector<16x1xi1>
    %broadcast_in_dim3A_211 = vector.broadcast %broadcast_in_dim3A_210 : vector<16x1xi1> to vector<16x1024xi1>
    %select_n3A_212 = arith.select %broadcast_in_dim3A_211, %add3A_206, %select_n3A_158 : vector<16x1024xi1>, vector<16x1024xf32>
    %ne3A_213 = arith.constant 0 : i32
    %ne3A_214 = vector.broadcast %ne3A_213 : i32 to vector<16x1xi32>
    %ne3A_215 = arith.cmpi ne, %slice3A_166, %ne3A_214 : vector<16x1xi32>
    %convert_element_type3A_216 = arith.extui %ne3A_215 : vector<16x1xi1> to vector<16x1xi32>
    %convert_element_type3A_217 = arith.sitofp %convert_element_type3A_216 : vector<16x1xi32> to vector<16x1xf32>
    %mul3A_218 = arith.mulf %mul3A_164, %convert_element_type3A_217 : vector<16x1xf32>
    %slice3A_219 = vector.extract_strided_slice %get3A_13 {offsets = [64, 0], sizes = [16, 3072], strides = [1, 1]} : vector<256x3072xf32> to vector<16x3072xf32>
    %slice3A_220 = vector.extract_strided_slice %squeeze3A {offsets = [64, 0], sizes = [16, 1], strides = [1, 1]} : vector<256x1xi32> to vector<16x1xi32>
    %convert_element_type3A_221 = arith.truncf %select_n3A_212 : vector<16x1024xf32> to vector<16x1024xbf16>
    %get3A_222 = arith.constant 0 : index
    %get3A_223 = arith.constant 0 : index
    %get3A_224 = vector.load %arg3[%get3A_222, %get3A_223] : memref<1024x3072xbf16, #tpu.memory_space<vmem>>, vector<1024x3072xbf16>
    %dot_general3A_225 = arith.constant dense<0.000000e+00> : vector<16x3072xf32>
    %dot_general3A_226 = tpu.matmul %convert_element_type3A_221, %get3A_224, %dot_general3A_225 {dimension_numbers = #tpu.dot_dimension_numbers<[1], [0], [0], [1], [0, 0, 1, 1], [], []>, transpose_lhs_hint = false} : vector<16x1024xbf16>, vector<1024x3072xbf16>, vector<16x3072xf32> -> vector<16x3072xf32>
    %slice3A_227 = vector.extract_strided_slice %slice3A_219 {offsets = [0, 0], sizes = [16, 1024], strides = [1, 1]} : vector<16x3072xf32> to vector<16x1024xf32>
    %slice3A_228 = vector.extract_strided_slice %dot_general3A_226 {offsets = [0, 0], sizes = [16, 1024], strides = [1, 1]} : vector<16x3072xf32> to vector<16x1024xf32>
    %add3A_229 = arith.addf %slice3A_227, %slice3A_228 : vector<16x1024xf32>
    %logistic3A_230 = arith.negf %add3A_229 : vector<16x1024xf32>
    %logistic3A_231 = math.exp %logistic3A_230 : vector<16x1024xf32>
    %logistic3A_232 = arith.constant 1.000000e+00 : f32
    %logistic3A_233 = vector.broadcast %logistic3A_232 : f32 to vector<16x1024xf32>
    %logistic3A_234 = arith.addf %logistic3A_233, %logistic3A_231 : vector<16x1024xf32>
    %logistic3A_235 = arith.divf %logistic3A_233, %logistic3A_234 : vector<16x1024xf32>
    %slice3A_236 = vector.extract_strided_slice %slice3A_219 {offsets = [0, 1024], sizes = [16, 1024], strides = [1, 1]} : vector<16x3072xf32> to vector<16x1024xf32>
    %slice3A_237 = vector.extract_strided_slice %dot_general3A_226 {offsets = [0, 1024], sizes = [16, 1024], strides = [1, 1]} : vector<16x3072xf32> to vector<16x1024xf32>
    %add3A_238 = arith.addf %slice3A_236, %slice3A_237 : vector<16x1024xf32>
    %logistic3A_239 = arith.negf %add3A_238 : vector<16x1024xf32>
    %logistic3A_240 = math.exp %logistic3A_239 : vector<16x1024xf32>
    %logistic3A_241 = arith.constant 1.000000e+00 : f32
    %logistic3A_242 = vector.broadcast %logistic3A_241 : f32 to vector<16x1024xf32>
    %logistic3A_243 = arith.addf %logistic3A_242, %logistic3A_240 : vector<16x1024xf32>
    %logistic3A_244 = arith.divf %logistic3A_242, %logistic3A_243 : vector<16x1024xf32>
    %slice3A_245 = vector.extract_strided_slice %slice3A_219 {offsets = [0, 2048], sizes = [16, 1024], strides = [1, 1]} : vector<16x3072xf32> to vector<16x1024xf32>
    %slice3A_246 = vector.extract_strided_slice %dot_general3A_226 {offsets = [0, 2048], sizes = [16, 1024], strides = [1, 1]} : vector<16x3072xf32> to vector<16x1024xf32>
    %get3A_247 = arith.constant 0 : index
    %get3A_248 = arith.constant 0 : index
    %get3A_249 = vector.load %arg4[%get3A_247, %get3A_248] : memref<1x1024xf32, #tpu.memory_space<vmem>>, vector<1x1024xf32>
    %add3A_250 = vector.broadcast %get3A_249 : vector<1x1024xf32> to vector<16x1024xf32>
    %add3A_251 = arith.addf %slice3A_246, %add3A_250 : vector<16x1024xf32>
    %mul3A_252 = arith.mulf %logistic3A_235, %add3A_251 : vector<16x1024xf32>
    %add3A_253 = arith.addf %slice3A_245, %mul3A_252 : vector<16x1024xf32>
    %tanh3A_254 = math.tanh %add3A_253 : vector<16x1024xf32>
    %sub3A_255 = arith.constant 1.000000e+00 : f32
    %sub3A_256 = vector.broadcast %sub3A_255 : f32 to vector<16x1024xf32>
    %sub3A_257 = arith.subf %sub3A_256, %logistic3A_244 : vector<16x1024xf32>
    %mul3A_258 = arith.mulf %sub3A_257, %tanh3A_254 : vector<16x1024xf32>
    %mul3A_259 = arith.mulf %logistic3A_244, %select_n3A_212 : vector<16x1024xf32>
    %add3A_260 = arith.addf %mul3A_258, %mul3A_259 : vector<16x1024xf32>
    %gt3A_261 = arith.constant 5.000000e-01 : f32
    %gt3A_262 = vector.broadcast %gt3A_261 : f32 to vector<16x1xf32>
    %gt3A_263 = arith.cmpf ogt, %mul3A_218, %gt3A_262 : vector<16x1xf32>
    %broadcast_in_dim3A_264 = vector.shape_cast %gt3A_263 : vector<16x1xi1> to vector<16x1xi1>
    %broadcast_in_dim3A_265 = vector.broadcast %broadcast_in_dim3A_264 : vector<16x1xi1> to vector<16x1024xi1>
    %select_n3A_266 = arith.select %broadcast_in_dim3A_265, %add3A_260, %select_n3A_212 : vector<16x1024xi1>, vector<16x1024xf32>
    %ne3A_267 = arith.constant 0 : i32
    %ne3A_268 = vector.broadcast %ne3A_267 : i32 to vector<16x1xi32>
    %ne3A_269 = arith.cmpi ne, %slice3A_220, %ne3A_268 : vector<16x1xi32>
    %convert_element_type3A_270 = arith.extui %ne3A_269 : vector<16x1xi1> to vector<16x1xi32>
    %convert_element_type3A_271 = arith.sitofp %convert_element_type3A_270 : vector<16x1xi32> to vector<16x1xf32>
    %mul3A_272 = arith.mulf %mul3A_218, %convert_element_type3A_271 : vector<16x1xf32>
    %slice3A_273 = vector.extract_strided_slice %get3A_13 {offsets = [80, 0], sizes = [16, 3072], strides = [1, 1]} : vector<256x3072xf32> to vector<16x3072xf32>
    %slice3A_274 = vector.extract_strided_slice %squeeze3A {offsets = [80, 0], sizes = [16, 1], strides = [1, 1]} : vector<256x1xi32> to vector<16x1xi32>
    %convert_element_type3A_275 = arith.truncf %select_n3A_266 : vector<16x1024xf32> to vector<16x1024xbf16>
    %get3A_276 = arith.constant 0 : index
    %get3A_277 = arith.constant 0 : index
    %get3A_278 = vector.load %arg3[%get3A_276, %get3A_277] : memref<1024x3072xbf16, #tpu.memory_space<vmem>>, vector<1024x3072xbf16>
    %dot_general3A_279 = arith.constant dense<0.000000e+00> : vector<16x3072xf32>
    %dot_general3A_280 = tpu.matmul %convert_element_type3A_275, %get3A_278, %dot_general3A_279 {dimension_numbers = #tpu.dot_dimension_numbers<[1], [0], [0], [1], [0, 0, 1, 1], [], []>, transpose_lhs_hint = false} : vector<16x1024xbf16>, vector<1024x3072xbf16>, vector<16x3072xf32> -> vector<16x3072xf32>
    %slice3A_281 = vector.extract_strided_slice %slice3A_273 {offsets = [0, 0], sizes = [16, 1024], strides = [1, 1]} : vector<16x3072xf32> to vector<16x1024xf32>
    %slice3A_282 = vector.extract_strided_slice %dot_general3A_280 {offsets = [0, 0], sizes = [16, 1024], strides = [1, 1]} : vector<16x3072xf32> to vector<16x1024xf32>
    %add3A_283 = arith.addf %slice3A_281, %slice3A_282 : vector<16x1024xf32>
    %logistic3A_284 = arith.negf %add3A_283 : vector<16x1024xf32>
    %logistic3A_285 = math.exp %logistic3A_284 : vector<16x1024xf32>
    %logistic3A_286 = arith.constant 1.000000e+00 : f32
    %logistic3A_287 = vector.broadcast %logistic3A_286 : f32 to vector<16x1024xf32>
    %logistic3A_288 = arith.addf %logistic3A_287, %logistic3A_285 : vector<16x1024xf32>
    %logistic3A_289 = arith.divf %logistic3A_287, %logistic3A_288 : vector<16x1024xf32>
    %slice3A_290 = vector.extract_strided_slice %slice3A_273 {offsets = [0, 1024], sizes = [16, 1024], strides = [1, 1]} : vector<16x3072xf32> to vector<16x1024xf32>
    %slice3A_291 = vector.extract_strided_slice %dot_general3A_280 {offsets = [0, 1024], sizes = [16, 1024], strides = [1, 1]} : vector<16x3072xf32> to vector<16x1024xf32>
    %add3A_292 = arith.addf %slice3A_290, %slice3A_291 : vector<16x1024xf32>
    %logistic3A_293 = arith.negf %add3A_292 : vector<16x1024xf32>
    %logistic3A_294 = math.exp %logistic3A_293 : vector<16x1024xf32>
    %logistic3A_295 = arith.constant 1.000000e+00 : f32
    %logistic3A_296 = vector.broadcast %logistic3A_295 : f32 to vector<16x1024xf32>
    %logistic3A_297 = arith.addf %logistic3A_296, %logistic3A_294 : vector<16x1024xf32>
    %logistic3A_298 = arith.divf %logistic3A_296, %logistic3A_297 : vector<16x1024xf32>
    %slice3A_299 = vector.extract_strided_slice %slice3A_273 {offsets = [0, 2048], sizes = [16, 1024], strides = [1, 1]} : vector<16x3072xf32> to vector<16x1024xf32>
    %slice3A_300 = vector.extract_strided_slice %dot_general3A_280 {offsets = [0, 2048], sizes = [16, 1024], strides = [1, 1]} : vector<16x3072xf32> to vector<16x1024xf32>
    %get3A_301 = arith.constant 0 : index
    %get3A_302 = arith.constant 0 : index
    %get3A_303 = vector.load %arg4[%get3A_301, %get3A_302] : memref<1x1024xf32, #tpu.memory_space<vmem>>, vector<1x1024xf32>
    %add3A_304 = vector.broadcast %get3A_303 : vector<1x1024xf32> to vector<16x1024xf32>
    %add3A_305 = arith.addf %slice3A_300, %add3A_304 : vector<16x1024xf32>
    %mul3A_306 = arith.mulf %logistic3A_289, %add3A_305 : vector<16x1024xf32>
    %add3A_307 = arith.addf %slice3A_299, %mul3A_306 : vector<16x1024xf32>
    %tanh3A_308 = math.tanh %add3A_307 : vector<16x1024xf32>
    %sub3A_309 = arith.constant 1.000000e+00 : f32
    %sub3A_310 = vector.broadcast %sub3A_309 : f32 to vector<16x1024xf32>
    %sub3A_311 = arith.subf %sub3A_310, %logistic3A_298 : vector<16x1024xf32>
    %mul3A_312 = arith.mulf %sub3A_311, %tanh3A_308 : vector<16x1024xf32>
    %mul3A_313 = arith.mulf %logistic3A_298, %select_n3A_266 : vector<16x1024xf32>
    %add3A_314 = arith.addf %mul3A_312, %mul3A_313 : vector<16x1024xf32>
    %gt3A_315 = arith.constant 5.000000e-01 : f32
    %gt3A_316 = vector.broadcast %gt3A_315 : f32 to vector<16x1xf32>
    %gt3A_317 = arith.cmpf ogt, %mul3A_272, %gt3A_316 : vector<16x1xf32>
    %broadcast_in_dim3A_318 = vector.shape_cast %gt3A_317 : vector<16x1xi1> to vector<16x1xi1>
    %broadcast_in_dim3A_319 = vector.broadcast %broadcast_in_dim3A_318 : vector<16x1xi1> to vector<16x1024xi1>
    %select_n3A_320 = arith.select %broadcast_in_dim3A_319, %add3A_314, %select_n3A_266 : vector<16x1024xi1>, vector<16x1024xf32>
    %ne3A_321 = arith.constant 0 : i32
    %ne3A_322 = vector.broadcast %ne3A_321 : i32 to vector<16x1xi32>
    %ne3A_323 = arith.cmpi ne, %slice3A_274, %ne3A_322 : vector<16x1xi32>
    %convert_element_type3A_324 = arith.extui %ne3A_323 : vector<16x1xi1> to vector<16x1xi32>
    %convert_element_type3A_325 = arith.sitofp %convert_element_type3A_324 : vector<16x1xi32> to vector<16x1xf32>
    %mul3A_326 = arith.mulf %mul3A_272, %convert_element_type3A_325 : vector<16x1xf32>
    %slice3A_327 = vector.extract_strided_slice %get3A_13 {offsets = [96, 0], sizes = [16, 3072], strides = [1, 1]} : vector<256x3072xf32> to vector<16x3072xf32>
    %slice3A_328 = vector.extract_strided_slice %squeeze3A {offsets = [96, 0], sizes = [16, 1], strides = [1, 1]} : vector<256x1xi32> to vector<16x1xi32>
    %convert_element_type3A_329 = arith.truncf %select_n3A_320 : vector<16x1024xf32> to vector<16x1024xbf16>
    %get3A_330 = arith.constant 0 : index
    %get3A_331 = arith.constant 0 : index
    %get3A_332 = vector.load %arg3[%get3A_330, %get3A_331] : memref<1024x3072xbf16, #tpu.memory_space<vmem>>, vector<1024x3072xbf16>
    %dot_general3A_333 = arith.constant dense<0.000000e+00> : vector<16x3072xf32>
    %dot_general3A_334 = tpu.matmul %convert_element_type3A_329, %get3A_332, %dot_general3A_333 {dimension_numbers = #tpu.dot_dimension_numbers<[1], [0], [0], [1], [0, 0, 1, 1], [], []>, transpose_lhs_hint = false} : vector<16x1024xbf16>, vector<1024x3072xbf16>, vector<16x3072xf32> -> vector<16x3072xf32>
    %slice3A_335 = vector.extract_strided_slice %slice3A_327 {offsets = [0, 0], sizes = [16, 1024], strides = [1, 1]} : vector<16x3072xf32> to vector<16x1024xf32>
    %slice3A_336 = vector.extract_strided_slice %dot_general3A_334 {offsets = [0, 0], sizes = [16, 1024], strides = [1, 1]} : vector<16x3072xf32> to vector<16x1024xf32>
    %add3A_337 = arith.addf %slice3A_335, %slice3A_336 : vector<16x1024xf32>
    %logistic3A_338 = arith.negf %add3A_337 : vector<16x1024xf32>
    %logistic3A_339 = math.exp %logistic3A_338 : vector<16x1024xf32>
    %logistic3A_340 = arith.constant 1.000000e+00 : f32
    %logistic3A_341 = vector.broadcast %logistic3A_340 : f32 to vector<16x1024xf32>
    %logistic3A_342 = arith.addf %logistic3A_341, %logistic3A_339 : vector<16x1024xf32>
    %logistic3A_343 = arith.divf %logistic3A_341, %logistic3A_342 : vector<16x1024xf32>
    %slice3A_344 = vector.extract_strided_slice %slice3A_327 {offsets = [0, 1024], sizes = [16, 1024], strides = [1, 1]} : vector<16x3072xf32> to vector<16x1024xf32>
    %slice3A_345 = vector.extract_strided_slice %dot_general3A_334 {offsets = [0, 1024], sizes = [16, 1024], strides = [1, 1]} : vector<16x3072xf32> to vector<16x1024xf32>
    %add3A_346 = arith.addf %slice3A_344, %slice3A_345 : vector<16x1024xf32>
    %logistic3A_347 = arith.negf %add3A_346 : vector<16x1024xf32>
    %logistic3A_348 = math.exp %logistic3A_347 : vector<16x1024xf32>
    %logistic3A_349 = arith.constant 1.000000e+00 : f32
    %logistic3A_350 = vector.broadcast %logistic3A_349 : f32 to vector<16x1024xf32>
    %logistic3A_351 = arith.addf %logistic3A_350, %logistic3A_348 : vector<16x1024xf32>
    %logistic3A_352 = arith.divf %logistic3A_350, %logistic3A_351 : vector<16x1024xf32>
    %slice3A_353 = vector.extract_strided_slice %slice3A_327 {offsets = [0, 2048], sizes = [16, 1024], strides = [1, 1]} : vector<16x3072xf32> to vector<16x1024xf32>
    %slice3A_354 = vector.extract_strided_slice %dot_general3A_334 {offsets = [0, 2048], sizes = [16, 1024], strides = [1, 1]} : vector<16x3072xf32> to vector<16x1024xf32>
    %get3A_355 = arith.constant 0 : index
    %get3A_356 = arith.constant 0 : index
    %get3A_357 = vector.load %arg4[%get3A_355, %get3A_356] : memref<1x1024xf32, #tpu.memory_space<vmem>>, vector<1x1024xf32>
    %add3A_358 = vector.broadcast %get3A_357 : vector<1x1024xf32> to vector<16x1024xf32>
    %add3A_359 = arith.addf %slice3A_354, %add3A_358 : vector<16x1024xf32>
    %mul3A_360 = arith.mulf %logistic3A_343, %add3A_359 : vector<16x1024xf32>
    %add3A_361 = arith.addf %slice3A_353, %mul3A_360 : vector<16x1024xf32>
    %tanh3A_362 = math.tanh %add3A_361 : vector<16x1024xf32>
    %sub3A_363 = arith.constant 1.000000e+00 : f32
    %sub3A_364 = vector.broadcast %sub3A_363 : f32 to vector<16x1024xf32>
    %sub3A_365 = arith.subf %sub3A_364, %logistic3A_352 : vector<16x1024xf32>
    %mul3A_366 = arith.mulf %sub3A_365, %tanh3A_362 : vector<16x1024xf32>
    %mul3A_367 = arith.mulf %logistic3A_352, %select_n3A_320 : vector<16x1024xf32>
    %add3A_368 = arith.addf %mul3A_366, %mul3A_367 : vector<16x1024xf32>
    %gt3A_369 = arith.constant 5.000000e-01 : f32
    %gt3A_370 = vector.broadcast %gt3A_369 : f32 to vector<16x1xf32>
    %gt3A_371 = arith.cmpf ogt, %mul3A_326, %gt3A_370 : vector<16x1xf32>
    %broadcast_in_dim3A_372 = vector.shape_cast %gt3A_371 : vector<16x1xi1> to vector<16x1xi1>
    %broadcast_in_dim3A_373 = vector.broadcast %broadcast_in_dim3A_372 : vector<16x1xi1> to vector<16x1024xi1>
    %select_n3A_374 = arith.select %broadcast_in_dim3A_373, %add3A_368, %select_n3A_320 : vector<16x1024xi1>, vector<16x1024xf32>
    %ne3A_375 = arith.constant 0 : i32
    %ne3A_376 = vector.broadcast %ne3A_375 : i32 to vector<16x1xi32>
    %ne3A_377 = arith.cmpi ne, %slice3A_328, %ne3A_376 : vector<16x1xi32>
    %convert_element_type3A_378 = arith.extui %ne3A_377 : vector<16x1xi1> to vector<16x1xi32>
    %convert_element_type3A_379 = arith.sitofp %convert_element_type3A_378 : vector<16x1xi32> to vector<16x1xf32>
    %mul3A_380 = arith.mulf %mul3A_326, %convert_element_type3A_379 : vector<16x1xf32>
    %slice3A_381 = vector.extract_strided_slice %get3A_13 {offsets = [112, 0], sizes = [16, 3072], strides = [1, 1]} : vector<256x3072xf32> to vector<16x3072xf32>
    %slice3A_382 = vector.extract_strided_slice %squeeze3A {offsets = [112, 0], sizes = [16, 1], strides = [1, 1]} : vector<256x1xi32> to vector<16x1xi32>
    %convert_element_type3A_383 = arith.truncf %select_n3A_374 : vector<16x1024xf32> to vector<16x1024xbf16>
    %get3A_384 = arith.constant 0 : index
    %get3A_385 = arith.constant 0 : index
    %get3A_386 = vector.load %arg3[%get3A_384, %get3A_385] : memref<1024x3072xbf16, #tpu.memory_space<vmem>>, vector<1024x3072xbf16>
    %dot_general3A_387 = arith.constant dense<0.000000e+00> : vector<16x3072xf32>
    %dot_general3A_388 = tpu.matmul %convert_element_type3A_383, %get3A_386, %dot_general3A_387 {dimension_numbers = #tpu.dot_dimension_numbers<[1], [0], [0], [1], [0, 0, 1, 1], [], []>, transpose_lhs_hint = false} : vector<16x1024xbf16>, vector<1024x3072xbf16>, vector<16x3072xf32> -> vector<16x3072xf32>
    %slice3A_389 = vector.extract_strided_slice %slice3A_381 {offsets = [0, 0], sizes = [16, 1024], strides = [1, 1]} : vector<16x3072xf32> to vector<16x1024xf32>
    %slice3A_390 = vector.extract_strided_slice %dot_general3A_388 {offsets = [0, 0], sizes = [16, 1024], strides = [1, 1]} : vector<16x3072xf32> to vector<16x1024xf32>
    %add3A_391 = arith.addf %slice3A_389, %slice3A_390 : vector<16x1024xf32>
    %logistic3A_392 = arith.negf %add3A_391 : vector<16x1024xf32>
    %logistic3A_393 = math.exp %logistic3A_392 : vector<16x1024xf32>
    %logistic3A_394 = arith.constant 1.000000e+00 : f32
    %logistic3A_395 = vector.broadcast %logistic3A_394 : f32 to vector<16x1024xf32>
    %logistic3A_396 = arith.addf %logistic3A_395, %logistic3A_393 : vector<16x1024xf32>
    %logistic3A_397 = arith.divf %logistic3A_395, %logistic3A_396 : vector<16x1024xf32>
    %slice3A_398 = vector.extract_strided_slice %slice3A_381 {offsets = [0, 1024], sizes = [16, 1024], strides = [1, 1]} : vector<16x3072xf32> to vector<16x1024xf32>
    %slice3A_399 = vector.extract_strided_slice %dot_general3A_388 {offsets = [0, 1024], sizes = [16, 1024], strides = [1, 1]} : vector<16x3072xf32> to vector<16x1024xf32>
    %add3A_400 = arith.addf %slice3A_398, %slice3A_399 : vector<16x1024xf32>
    %logistic3A_401 = arith.negf %add3A_400 : vector<16x1024xf32>
    %logistic3A_402 = math.exp %logistic3A_401 : vector<16x1024xf32>
    %logistic3A_403 = arith.constant 1.000000e+00 : f32
    %logistic3A_404 = vector.broadcast %logistic3A_403 : f32 to vector<16x1024xf32>
    %logistic3A_405 = arith.addf %logistic3A_404, %logistic3A_402 : vector<16x1024xf32>
    %logistic3A_406 = arith.divf %logistic3A_404, %logistic3A_405 : vector<16x1024xf32>
    %slice3A_407 = vector.extract_strided_slice %slice3A_381 {offsets = [0, 2048], sizes = [16, 1024], strides = [1, 1]} : vector<16x3072xf32> to vector<16x1024xf32>
    %slice3A_408 = vector.extract_strided_slice %dot_general3A_388 {offsets = [0, 2048], sizes = [16, 1024], strides = [1, 1]} : vector<16x3072xf32> to vector<16x1024xf32>
    %get3A_409 = arith.constant 0 : index
    %get3A_410 = arith.constant 0 : index
    %get3A_411 = vector.load %arg4[%get3A_409, %get3A_410] : memref<1x1024xf32, #tpu.memory_space<vmem>>, vector<1x1024xf32>
    %add3A_412 = vector.broadcast %get3A_411 : vector<1x1024xf32> to vector<16x1024xf32>
    %add3A_413 = arith.addf %slice3A_408, %add3A_412 : vector<16x1024xf32>
    %mul3A_414 = arith.mulf %logistic3A_397, %add3A_413 : vector<16x1024xf32>
    %add3A_415 = arith.addf %slice3A_407, %mul3A_414 : vector<16x1024xf32>
    %tanh3A_416 = math.tanh %add3A_415 : vector<16x1024xf32>
    %sub3A_417 = arith.constant 1.000000e+00 : f32
    %sub3A_418 = vector.broadcast %sub3A_417 : f32 to vector<16x1024xf32>
    %sub3A_419 = arith.subf %sub3A_418, %logistic3A_406 : vector<16x1024xf32>
    %mul3A_420 = arith.mulf %sub3A_419, %tanh3A_416 : vector<16x1024xf32>
    %mul3A_421 = arith.mulf %logistic3A_406, %select_n3A_374 : vector<16x1024xf32>
    %add3A_422 = arith.addf %mul3A_420, %mul3A_421 : vector<16x1024xf32>
    %gt3A_423 = arith.constant 5.000000e-01 : f32
    %gt3A_424 = vector.broadcast %gt3A_423 : f32 to vector<16x1xf32>
    %gt3A_425 = arith.cmpf ogt, %mul3A_380, %gt3A_424 : vector<16x1xf32>
    %broadcast_in_dim3A_426 = vector.shape_cast %gt3A_425 : vector<16x1xi1> to vector<16x1xi1>
    %broadcast_in_dim3A_427 = vector.broadcast %broadcast_in_dim3A_426 : vector<16x1xi1> to vector<16x1024xi1>
    %select_n3A_428 = arith.select %broadcast_in_dim3A_427, %add3A_422, %select_n3A_374 : vector<16x1024xi1>, vector<16x1024xf32>
    %ne3A_429 = arith.constant 0 : i32
    %ne3A_430 = vector.broadcast %ne3A_429 : i32 to vector<16x1xi32>
    %ne3A_431 = arith.cmpi ne, %slice3A_382, %ne3A_430 : vector<16x1xi32>
    %convert_element_type3A_432 = arith.extui %ne3A_431 : vector<16x1xi1> to vector<16x1xi32>
    %convert_element_type3A_433 = arith.sitofp %convert_element_type3A_432 : vector<16x1xi32> to vector<16x1xf32>
    %mul3A_434 = arith.mulf %mul3A_380, %convert_element_type3A_433 : vector<16x1xf32>
    %slice3A_435 = vector.extract_strided_slice %get3A_13 {offsets = [128, 0], sizes = [16, 3072], strides = [1, 1]} : vector<256x3072xf32> to vector<16x3072xf32>
    %slice3A_436 = vector.extract_strided_slice %squeeze3A {offsets = [128, 0], sizes = [16, 1], strides = [1, 1]} : vector<256x1xi32> to vector<16x1xi32>
    %convert_element_type3A_437 = arith.truncf %select_n3A_428 : vector<16x1024xf32> to vector<16x1024xbf16>
    %get3A_438 = arith.constant 0 : index
    %get3A_439 = arith.constant 0 : index
    %get3A_440 = vector.load %arg3[%get3A_438, %get3A_439] : memref<1024x3072xbf16, #tpu.memory_space<vmem>>, vector<1024x3072xbf16>
    %dot_general3A_441 = arith.constant dense<0.000000e+00> : vector<16x3072xf32>
    %dot_general3A_442 = tpu.matmul %convert_element_type3A_437, %get3A_440, %dot_general3A_441 {dimension_numbers = #tpu.dot_dimension_numbers<[1], [0], [0], [1], [0, 0, 1, 1], [], []>, transpose_lhs_hint = false} : vector<16x1024xbf16>, vector<1024x3072xbf16>, vector<16x3072xf32> -> vector<16x3072xf32>
    %slice3A_443 = vector.extract_strided_slice %slice3A_435 {offsets = [0, 0], sizes = [16, 1024], strides = [1, 1]} : vector<16x3072xf32> to vector<16x1024xf32>
    %slice3A_444 = vector.extract_strided_slice %dot_general3A_442 {offsets = [0, 0], sizes = [16, 1024], strides = [1, 1]} : vector<16x3072xf32> to vector<16x1024xf32>
    %add3A_445 = arith.addf %slice3A_443, %slice3A_444 : vector<16x1024xf32>
    %logistic3A_446 = arith.negf %add3A_445 : vector<16x1024xf32>
    %logistic3A_447 = math.exp %logistic3A_446 : vector<16x1024xf32>
    %logistic3A_448 = arith.constant 1.000000e+00 : f32
    %logistic3A_449 = vector.broadcast %logistic3A_448 : f32 to vector<16x1024xf32>
    %logistic3A_450 = arith.addf %logistic3A_449, %logistic3A_447 : vector<16x1024xf32>
    %logistic3A_451 = arith.divf %logistic3A_449, %logistic3A_450 : vector<16x1024xf32>
    %slice3A_452 = vector.extract_strided_slice %slice3A_435 {offsets = [0, 1024], sizes = [16, 1024], strides = [1, 1]} : vector<16x3072xf32> to vector<16x1024xf32>
    %slice3A_453 = vector.extract_strided_slice %dot_general3A_442 {offsets = [0, 1024], sizes = [16, 1024], strides = [1, 1]} : vector<16x3072xf32> to vector<16x1024xf32>
    %add3A_454 = arith.addf %slice3A_452, %slice3A_453 : vector<16x1024xf32>
    %logistic3A_455 = arith.negf %add3A_454 : vector<16x1024xf32>
    %logistic3A_456 = math.exp %logistic3A_455 : vector<16x1024xf32>
    %logistic3A_457 = arith.constant 1.000000e+00 : f32
    %logistic3A_458 = vector.broadcast %logistic3A_457 : f32 to vector<16x1024xf32>
    %logistic3A_459 = arith.addf %logistic3A_458, %logistic3A_456 : vector<16x1024xf32>
    %logistic3A_460 = arith.divf %logistic3A_458, %logistic3A_459 : vector<16x1024xf32>
    %slice3A_461 = vector.extract_strided_slice %slice3A_435 {offsets = [0, 2048], sizes = [16, 1024], strides = [1, 1]} : vector<16x3072xf32> to vector<16x1024xf32>
    %slice3A_462 = vector.extract_strided_slice %dot_general3A_442 {offsets = [0, 2048], sizes = [16, 1024], strides = [1, 1]} : vector<16x3072xf32> to vector<16x1024xf32>
    %get3A_463 = arith.constant 0 : index
    %get3A_464 = arith.constant 0 : index
    %get3A_465 = vector.load %arg4[%get3A_463, %get3A_464] : memref<1x1024xf32, #tpu.memory_space<vmem>>, vector<1x1024xf32>
    %add3A_466 = vector.broadcast %get3A_465 : vector<1x1024xf32> to vector<16x1024xf32>
    %add3A_467 = arith.addf %slice3A_462, %add3A_466 : vector<16x1024xf32>
    %mul3A_468 = arith.mulf %logistic3A_451, %add3A_467 : vector<16x1024xf32>
    %add3A_469 = arith.addf %slice3A_461, %mul3A_468 : vector<16x1024xf32>
    %tanh3A_470 = math.tanh %add3A_469 : vector<16x1024xf32>
    %sub3A_471 = arith.constant 1.000000e+00 : f32
    %sub3A_472 = vector.broadcast %sub3A_471 : f32 to vector<16x1024xf32>
    %sub3A_473 = arith.subf %sub3A_472, %logistic3A_460 : vector<16x1024xf32>
    %mul3A_474 = arith.mulf %sub3A_473, %tanh3A_470 : vector<16x1024xf32>
    %mul3A_475 = arith.mulf %logistic3A_460, %select_n3A_428 : vector<16x1024xf32>
    %add3A_476 = arith.addf %mul3A_474, %mul3A_475 : vector<16x1024xf32>
    %gt3A_477 = arith.constant 5.000000e-01 : f32
    %gt3A_478 = vector.broadcast %gt3A_477 : f32 to vector<16x1xf32>
    %gt3A_479 = arith.cmpf ogt, %mul3A_434, %gt3A_478 : vector<16x1xf32>
    %broadcast_in_dim3A_480 = vector.shape_cast %gt3A_479 : vector<16x1xi1> to vector<16x1xi1>
    %broadcast_in_dim3A_481 = vector.broadcast %broadcast_in_dim3A_480 : vector<16x1xi1> to vector<16x1024xi1>
    %select_n3A_482 = arith.select %broadcast_in_dim3A_481, %add3A_476, %select_n3A_428 : vector<16x1024xi1>, vector<16x1024xf32>
    %ne3A_483 = arith.constant 0 : i32
    %ne3A_484 = vector.broadcast %ne3A_483 : i32 to vector<16x1xi32>
    %ne3A_485 = arith.cmpi ne, %slice3A_436, %ne3A_484 : vector<16x1xi32>
    %convert_element_type3A_486 = arith.extui %ne3A_485 : vector<16x1xi1> to vector<16x1xi32>
    %convert_element_type3A_487 = arith.sitofp %convert_element_type3A_486 : vector<16x1xi32> to vector<16x1xf32>
    %mul3A_488 = arith.mulf %mul3A_434, %convert_element_type3A_487 : vector<16x1xf32>
    %slice3A_489 = vector.extract_strided_slice %get3A_13 {offsets = [144, 0], sizes = [16, 3072], strides = [1, 1]} : vector<256x3072xf32> to vector<16x3072xf32>
    %slice3A_490 = vector.extract_strided_slice %squeeze3A {offsets = [144, 0], sizes = [16, 1], strides = [1, 1]} : vector<256x1xi32> to vector<16x1xi32>
    %convert_element_type3A_491 = arith.truncf %select_n3A_482 : vector<16x1024xf32> to vector<16x1024xbf16>
    %get3A_492 = arith.constant 0 : index
    %get3A_493 = arith.constant 0 : index
    %get3A_494 = vector.load %arg3[%get3A_492, %get3A_493] : memref<1024x3072xbf16, #tpu.memory_space<vmem>>, vector<1024x3072xbf16>
    %dot_general3A_495 = arith.constant dense<0.000000e+00> : vector<16x3072xf32>
    %dot_general3A_496 = tpu.matmul %convert_element_type3A_491, %get3A_494, %dot_general3A_495 {dimension_numbers = #tpu.dot_dimension_numbers<[1], [0], [0], [1], [0, 0, 1, 1], [], []>, transpose_lhs_hint = false} : vector<16x1024xbf16>, vector<1024x3072xbf16>, vector<16x3072xf32> -> vector<16x3072xf32>
    %slice3A_497 = vector.extract_strided_slice %slice3A_489 {offsets = [0, 0], sizes = [16, 1024], strides = [1, 1]} : vector<16x3072xf32> to vector<16x1024xf32>
    %slice3A_498 = vector.extract_strided_slice %dot_general3A_496 {offsets = [0, 0], sizes = [16, 1024], strides = [1, 1]} : vector<16x3072xf32> to vector<16x1024xf32>
    %add3A_499 = arith.addf %slice3A_497, %slice3A_498 : vector<16x1024xf32>
    %logistic3A_500 = arith.negf %add3A_499 : vector<16x1024xf32>
    %logistic3A_501 = math.exp %logistic3A_500 : vector<16x1024xf32>
    %logistic3A_502 = arith.constant 1.000000e+00 : f32
    %logistic3A_503 = vector.broadcast %logistic3A_502 : f32 to vector<16x1024xf32>
    %logistic3A_504 = arith.addf %logistic3A_503, %logistic3A_501 : vector<16x1024xf32>
    %logistic3A_505 = arith.divf %logistic3A_503, %logistic3A_504 : vector<16x1024xf32>
    %slice3A_506 = vector.extract_strided_slice %slice3A_489 {offsets = [0, 1024], sizes = [16, 1024], strides = [1, 1]} : vector<16x3072xf32> to vector<16x1024xf32>
    %slice3A_507 = vector.extract_strided_slice %dot_general3A_496 {offsets = [0, 1024], sizes = [16, 1024], strides = [1, 1]} : vector<16x3072xf32> to vector<16x1024xf32>
    %add3A_508 = arith.addf %slice3A_506, %slice3A_507 : vector<16x1024xf32>
    %logistic3A_509 = arith.negf %add3A_508 : vector<16x1024xf32>
    %logistic3A_510 = math.exp %logistic3A_509 : vector<16x1024xf32>
    %logistic3A_511 = arith.constant 1.000000e+00 : f32
    %logistic3A_512 = vector.broadcast %logistic3A_511 : f32 to vector<16x1024xf32>
    %logistic3A_513 = arith.addf %logistic3A_512, %logistic3A_510 : vector<16x1024xf32>
    %logistic3A_514 = arith.divf %logistic3A_512, %logistic3A_513 : vector<16x1024xf32>
    %slice3A_515 = vector.extract_strided_slice %slice3A_489 {offsets = [0, 2048], sizes = [16, 1024], strides = [1, 1]} : vector<16x3072xf32> to vector<16x1024xf32>
    %slice3A_516 = vector.extract_strided_slice %dot_general3A_496 {offsets = [0, 2048], sizes = [16, 1024], strides = [1, 1]} : vector<16x3072xf32> to vector<16x1024xf32>
    %get3A_517 = arith.constant 0 : index
    %get3A_518 = arith.constant 0 : index
    %get3A_519 = vector.load %arg4[%get3A_517, %get3A_518] : memref<1x1024xf32, #tpu.memory_space<vmem>>, vector<1x1024xf32>
    %add3A_520 = vector.broadcast %get3A_519 : vector<1x1024xf32> to vector<16x1024xf32>
    %add3A_521 = arith.addf %slice3A_516, %add3A_520 : vector<16x1024xf32>
    %mul3A_522 = arith.mulf %logistic3A_505, %add3A_521 : vector<16x1024xf32>
    %add3A_523 = arith.addf %slice3A_515, %mul3A_522 : vector<16x1024xf32>
    %tanh3A_524 = math.tanh %add3A_523 : vector<16x1024xf32>
    %sub3A_525 = arith.constant 1.000000e+00 : f32
    %sub3A_526 = vector.broadcast %sub3A_525 : f32 to vector<16x1024xf32>
    %sub3A_527 = arith.subf %sub3A_526, %logistic3A_514 : vector<16x1024xf32>
    %mul3A_528 = arith.mulf %sub3A_527, %tanh3A_524 : vector<16x1024xf32>
    %mul3A_529 = arith.mulf %logistic3A_514, %select_n3A_482 : vector<16x1024xf32>
    %add3A_530 = arith.addf %mul3A_528, %mul3A_529 : vector<16x1024xf32>
    %gt3A_531 = arith.constant 5.000000e-01 : f32
    %gt3A_532 = vector.broadcast %gt3A_531 : f32 to vector<16x1xf32>
    %gt3A_533 = arith.cmpf ogt, %mul3A_488, %gt3A_532 : vector<16x1xf32>
    %broadcast_in_dim3A_534 = vector.shape_cast %gt3A_533 : vector<16x1xi1> to vector<16x1xi1>
    %broadcast_in_dim3A_535 = vector.broadcast %broadcast_in_dim3A_534 : vector<16x1xi1> to vector<16x1024xi1>
    %select_n3A_536 = arith.select %broadcast_in_dim3A_535, %add3A_530, %select_n3A_482 : vector<16x1024xi1>, vector<16x1024xf32>
    %ne3A_537 = arith.constant 0 : i32
    %ne3A_538 = vector.broadcast %ne3A_537 : i32 to vector<16x1xi32>
    %ne3A_539 = arith.cmpi ne, %slice3A_490, %ne3A_538 : vector<16x1xi32>
    %convert_element_type3A_540 = arith.extui %ne3A_539 : vector<16x1xi1> to vector<16x1xi32>
    %convert_element_type3A_541 = arith.sitofp %convert_element_type3A_540 : vector<16x1xi32> to vector<16x1xf32>
    %mul3A_542 = arith.mulf %mul3A_488, %convert_element_type3A_541 : vector<16x1xf32>
    %slice3A_543 = vector.extract_strided_slice %get3A_13 {offsets = [160, 0], sizes = [16, 3072], strides = [1, 1]} : vector<256x3072xf32> to vector<16x3072xf32>
    %slice3A_544 = vector.extract_strided_slice %squeeze3A {offsets = [160, 0], sizes = [16, 1], strides = [1, 1]} : vector<256x1xi32> to vector<16x1xi32>
    %convert_element_type3A_545 = arith.truncf %select_n3A_536 : vector<16x1024xf32> to vector<16x1024xbf16>
    %get3A_546 = arith.constant 0 : index
    %get3A_547 = arith.constant 0 : index
    %get3A_548 = vector.load %arg3[%get3A_546, %get3A_547] : memref<1024x3072xbf16, #tpu.memory_space<vmem>>, vector<1024x3072xbf16>
    %dot_general3A_549 = arith.constant dense<0.000000e+00> : vector<16x3072xf32>
    %dot_general3A_550 = tpu.matmul %convert_element_type3A_545, %get3A_548, %dot_general3A_549 {dimension_numbers = #tpu.dot_dimension_numbers<[1], [0], [0], [1], [0, 0, 1, 1], [], []>, transpose_lhs_hint = false} : vector<16x1024xbf16>, vector<1024x3072xbf16>, vector<16x3072xf32> -> vector<16x3072xf32>
    %slice3A_551 = vector.extract_strided_slice %slice3A_543 {offsets = [0, 0], sizes = [16, 1024], strides = [1, 1]} : vector<16x3072xf32> to vector<16x1024xf32>
    %slice3A_552 = vector.extract_strided_slice %dot_general3A_550 {offsets = [0, 0], sizes = [16, 1024], strides = [1, 1]} : vector<16x3072xf32> to vector<16x1024xf32>
    %add3A_553 = arith.addf %slice3A_551, %slice3A_552 : vector<16x1024xf32>
    %logistic3A_554 = arith.negf %add3A_553 : vector<16x1024xf32>
    %logistic3A_555 = math.exp %logistic3A_554 : vector<16x1024xf32>
    %logistic3A_556 = arith.constant 1.000000e+00 : f32
    %logistic3A_557 = vector.broadcast %logistic3A_556 : f32 to vector<16x1024xf32>
    %logistic3A_558 = arith.addf %logistic3A_557, %logistic3A_555 : vector<16x1024xf32>
    %logistic3A_559 = arith.divf %logistic3A_557, %logistic3A_558 : vector<16x1024xf32>
    %slice3A_560 = vector.extract_strided_slice %slice3A_543 {offsets = [0, 1024], sizes = [16, 1024], strides = [1, 1]} : vector<16x3072xf32> to vector<16x1024xf32>
    %slice3A_561 = vector.extract_strided_slice %dot_general3A_550 {offsets = [0, 1024], sizes = [16, 1024], strides = [1, 1]} : vector<16x3072xf32> to vector<16x1024xf32>
    %add3A_562 = arith.addf %slice3A_560, %slice3A_561 : vector<16x1024xf32>
    %logistic3A_563 = arith.negf %add3A_562 : vector<16x1024xf32>
    %logistic3A_564 = math.exp %logistic3A_563 : vector<16x1024xf32>
    %logistic3A_565 = arith.constant 1.000000e+00 : f32
    %logistic3A_566 = vector.broadcast %logistic3A_565 : f32 to vector<16x1024xf32>
    %logistic3A_567 = arith.addf %logistic3A_566, %logistic3A_564 : vector<16x1024xf32>
    %logistic3A_568 = arith.divf %logistic3A_566, %logistic3A_567 : vector<16x1024xf32>
    %slice3A_569 = vector.extract_strided_slice %slice3A_543 {offsets = [0, 2048], sizes = [16, 1024], strides = [1, 1]} : vector<16x3072xf32> to vector<16x1024xf32>
    %slice3A_570 = vector.extract_strided_slice %dot_general3A_550 {offsets = [0, 2048], sizes = [16, 1024], strides = [1, 1]} : vector<16x3072xf32> to vector<16x1024xf32>
    %get3A_571 = arith.constant 0 : index
    %get3A_572 = arith.constant 0 : index
    %get3A_573 = vector.load %arg4[%get3A_571, %get3A_572] : memref<1x1024xf32, #tpu.memory_space<vmem>>, vector<1x1024xf32>
    %add3A_574 = vector.broadcast %get3A_573 : vector<1x1024xf32> to vector<16x1024xf32>
    %add3A_575 = arith.addf %slice3A_570, %add3A_574 : vector<16x1024xf32>
    %mul3A_576 = arith.mulf %logistic3A_559, %add3A_575 : vector<16x1024xf32>
    %add3A_577 = arith.addf %slice3A_569, %mul3A_576 : vector<16x1024xf32>
    %tanh3A_578 = math.tanh %add3A_577 : vector<16x1024xf32>
    %sub3A_579 = arith.constant 1.000000e+00 : f32
    %sub3A_580 = vector.broadcast %sub3A_579 : f32 to vector<16x1024xf32>
    %sub3A_581 = arith.subf %sub3A_580, %logistic3A_568 : vector<16x1024xf32>
    %mul3A_582 = arith.mulf %sub3A_581, %tanh3A_578 : vector<16x1024xf32>
    %mul3A_583 = arith.mulf %logistic3A_568, %select_n3A_536 : vector<16x1024xf32>
    %add3A_584 = arith.addf %mul3A_582, %mul3A_583 : vector<16x1024xf32>
    %gt3A_585 = arith.constant 5.000000e-01 : f32
    %gt3A_586 = vector.broadcast %gt3A_585 : f32 to vector<16x1xf32>
    %gt3A_587 = arith.cmpf ogt, %mul3A_542, %gt3A_586 : vector<16x1xf32>
    %broadcast_in_dim3A_588 = vector.shape_cast %gt3A_587 : vector<16x1xi1> to vector<16x1xi1>
    %broadcast_in_dim3A_589 = vector.broadcast %broadcast_in_dim3A_588 : vector<16x1xi1> to vector<16x1024xi1>
    %select_n3A_590 = arith.select %broadcast_in_dim3A_589, %add3A_584, %select_n3A_536 : vector<16x1024xi1>, vector<16x1024xf32>
    %ne3A_591 = arith.constant 0 : i32
    %ne3A_592 = vector.broadcast %ne3A_591 : i32 to vector<16x1xi32>
    %ne3A_593 = arith.cmpi ne, %slice3A_544, %ne3A_592 : vector<16x1xi32>
    %convert_element_type3A_594 = arith.extui %ne3A_593 : vector<16x1xi1> to vector<16x1xi32>
    %convert_element_type3A_595 = arith.sitofp %convert_element_type3A_594 : vector<16x1xi32> to vector<16x1xf32>
    %mul3A_596 = arith.mulf %mul3A_542, %convert_element_type3A_595 : vector<16x1xf32>
    %slice3A_597 = vector.extract_strided_slice %get3A_13 {offsets = [176, 0], sizes = [16, 3072], strides = [1, 1]} : vector<256x3072xf32> to vector<16x3072xf32>
    %slice3A_598 = vector.extract_strided_slice %squeeze3A {offsets = [176, 0], sizes = [16, 1], strides = [1, 1]} : vector<256x1xi32> to vector<16x1xi32>
    %convert_element_type3A_599 = arith.truncf %select_n3A_590 : vector<16x1024xf32> to vector<16x1024xbf16>
    %get3A_600 = arith.constant 0 : index
    %get3A_601 = arith.constant 0 : index
    %get3A_602 = vector.load %arg3[%get3A_600, %get3A_601] : memref<1024x3072xbf16, #tpu.memory_space<vmem>>, vector<1024x3072xbf16>
    %dot_general3A_603 = arith.constant dense<0.000000e+00> : vector<16x3072xf32>
    %dot_general3A_604 = tpu.matmul %convert_element_type3A_599, %get3A_602, %dot_general3A_603 {dimension_numbers = #tpu.dot_dimension_numbers<[1], [0], [0], [1], [0, 0, 1, 1], [], []>, transpose_lhs_hint = false} : vector<16x1024xbf16>, vector<1024x3072xbf16>, vector<16x3072xf32> -> vector<16x3072xf32>
    %slice3A_605 = vector.extract_strided_slice %slice3A_597 {offsets = [0, 0], sizes = [16, 1024], strides = [1, 1]} : vector<16x3072xf32> to vector<16x1024xf32>
    %slice3A_606 = vector.extract_strided_slice %dot_general3A_604 {offsets = [0, 0], sizes = [16, 1024], strides = [1, 1]} : vector<16x3072xf32> to vector<16x1024xf32>
    %add3A_607 = arith.addf %slice3A_605, %slice3A_606 : vector<16x1024xf32>
    %logistic3A_608 = arith.negf %add3A_607 : vector<16x1024xf32>
    %logistic3A_609 = math.exp %logistic3A_608 : vector<16x1024xf32>
    %logistic3A_610 = arith.constant 1.000000e+00 : f32
    %logistic3A_611 = vector.broadcast %logistic3A_610 : f32 to vector<16x1024xf32>
    %logistic3A_612 = arith.addf %logistic3A_611, %logistic3A_609 : vector<16x1024xf32>
    %logistic3A_613 = arith.divf %logistic3A_611, %logistic3A_612 : vector<16x1024xf32>
    %slice3A_614 = vector.extract_strided_slice %slice3A_597 {offsets = [0, 1024], sizes = [16, 1024], strides = [1, 1]} : vector<16x3072xf32> to vector<16x1024xf32>
    %slice3A_615 = vector.extract_strided_slice %dot_general3A_604 {offsets = [0, 1024], sizes = [16, 1024], strides = [1, 1]} : vector<16x3072xf32> to vector<16x1024xf32>
    %add3A_616 = arith.addf %slice3A_614, %slice3A_615 : vector<16x1024xf32>
    %logistic3A_617 = arith.negf %add3A_616 : vector<16x1024xf32>
    %logistic3A_618 = math.exp %logistic3A_617 : vector<16x1024xf32>
    %logistic3A_619 = arith.constant 1.000000e+00 : f32
    %logistic3A_620 = vector.broadcast %logistic3A_619 : f32 to vector<16x1024xf32>
    %logistic3A_621 = arith.addf %logistic3A_620, %logistic3A_618 : vector<16x1024xf32>
    %logistic3A_622 = arith.divf %logistic3A_620, %logistic3A_621 : vector<16x1024xf32>
    %slice3A_623 = vector.extract_strided_slice %slice3A_597 {offsets = [0, 2048], sizes = [16, 1024], strides = [1, 1]} : vector<16x3072xf32> to vector<16x1024xf32>
    %slice3A_624 = vector.extract_strided_slice %dot_general3A_604 {offsets = [0, 2048], sizes = [16, 1024], strides = [1, 1]} : vector<16x3072xf32> to vector<16x1024xf32>
    %get3A_625 = arith.constant 0 : index
    %get3A_626 = arith.constant 0 : index
    %get3A_627 = vector.load %arg4[%get3A_625, %get3A_626] : memref<1x1024xf32, #tpu.memory_space<vmem>>, vector<1x1024xf32>
    %add3A_628 = vector.broadcast %get3A_627 : vector<1x1024xf32> to vector<16x1024xf32>
    %add3A_629 = arith.addf %slice3A_624, %add3A_628 : vector<16x1024xf32>
    %mul3A_630 = arith.mulf %logistic3A_613, %add3A_629 : vector<16x1024xf32>
    %add3A_631 = arith.addf %slice3A_623, %mul3A_630 : vector<16x1024xf32>
    %tanh3A_632 = math.tanh %add3A_631 : vector<16x1024xf32>
    %sub3A_633 = arith.constant 1.000000e+00 : f32
    %sub3A_634 = vector.broadcast %sub3A_633 : f32 to vector<16x1024xf32>
    %sub3A_635 = arith.subf %sub3A_634, %logistic3A_622 : vector<16x1024xf32>
    %mul3A_636 = arith.mulf %sub3A_635, %tanh3A_632 : vector<16x1024xf32>
    %mul3A_637 = arith.mulf %logistic3A_622, %select_n3A_590 : vector<16x1024xf32>
    %add3A_638 = arith.addf %mul3A_636, %mul3A_637 : vector<16x1024xf32>
    %gt3A_639 = arith.constant 5.000000e-01 : f32
    %gt3A_640 = vector.broadcast %gt3A_639 : f32 to vector<16x1xf32>
    %gt3A_641 = arith.cmpf ogt, %mul3A_596, %gt3A_640 : vector<16x1xf32>
    %broadcast_in_dim3A_642 = vector.shape_cast %gt3A_641 : vector<16x1xi1> to vector<16x1xi1>
    %broadcast_in_dim3A_643 = vector.broadcast %broadcast_in_dim3A_642 : vector<16x1xi1> to vector<16x1024xi1>
    %select_n3A_644 = arith.select %broadcast_in_dim3A_643, %add3A_638, %select_n3A_590 : vector<16x1024xi1>, vector<16x1024xf32>
    %ne3A_645 = arith.constant 0 : i32
    %ne3A_646 = vector.broadcast %ne3A_645 : i32 to vector<16x1xi32>
    %ne3A_647 = arith.cmpi ne, %slice3A_598, %ne3A_646 : vector<16x1xi32>
    %convert_element_type3A_648 = arith.extui %ne3A_647 : vector<16x1xi1> to vector<16x1xi32>
    %convert_element_type3A_649 = arith.sitofp %convert_element_type3A_648 : vector<16x1xi32> to vector<16x1xf32>
    %mul3A_650 = arith.mulf %mul3A_596, %convert_element_type3A_649 : vector<16x1xf32>
    %slice3A_651 = vector.extract_strided_slice %get3A_13 {offsets = [192, 0], sizes = [16, 3072], strides = [1, 1]} : vector<256x3072xf32> to vector<16x3072xf32>
    %slice3A_652 = vector.extract_strided_slice %squeeze3A {offsets = [192, 0], sizes = [16, 1], strides = [1, 1]} : vector<256x1xi32> to vector<16x1xi32>
    %convert_element_type3A_653 = arith.truncf %select_n3A_644 : vector<16x1024xf32> to vector<16x1024xbf16>
    %get3A_654 = arith.constant 0 : index
    %get3A_655 = arith.constant 0 : index
    %get3A_656 = vector.load %arg3[%get3A_654, %get3A_655] : memref<1024x3072xbf16, #tpu.memory_space<vmem>>, vector<1024x3072xbf16>
    %dot_general3A_657 = arith.constant dense<0.000000e+00> : vector<16x3072xf32>
    %dot_general3A_658 = tpu.matmul %convert_element_type3A_653, %get3A_656, %dot_general3A_657 {dimension_numbers = #tpu.dot_dimension_numbers<[1], [0], [0], [1], [0, 0, 1, 1], [], []>, transpose_lhs_hint = false} : vector<16x1024xbf16>, vector<1024x3072xbf16>, vector<16x3072xf32> -> vector<16x3072xf32>
    %slice3A_659 = vector.extract_strided_slice %slice3A_651 {offsets = [0, 0], sizes = [16, 1024], strides = [1, 1]} : vector<16x3072xf32> to vector<16x1024xf32>
    %slice3A_660 = vector.extract_strided_slice %dot_general3A_658 {offsets = [0, 0], sizes = [16, 1024], strides = [1, 1]} : vector<16x3072xf32> to vector<16x1024xf32>
    %add3A_661 = arith.addf %slice3A_659, %slice3A_660 : vector<16x1024xf32>
    %logistic3A_662 = arith.negf %add3A_661 : vector<16x1024xf32>
    %logistic3A_663 = math.exp %logistic3A_662 : vector<16x1024xf32>
    %logistic3A_664 = arith.constant 1.000000e+00 : f32
    %logistic3A_665 = vector.broadcast %logistic3A_664 : f32 to vector<16x1024xf32>
    %logistic3A_666 = arith.addf %logistic3A_665, %logistic3A_663 : vector<16x1024xf32>
    %logistic3A_667 = arith.divf %logistic3A_665, %logistic3A_666 : vector<16x1024xf32>
    %slice3A_668 = vector.extract_strided_slice %slice3A_651 {offsets = [0, 1024], sizes = [16, 1024], strides = [1, 1]} : vector<16x3072xf32> to vector<16x1024xf32>
    %slice3A_669 = vector.extract_strided_slice %dot_general3A_658 {offsets = [0, 1024], sizes = [16, 1024], strides = [1, 1]} : vector<16x3072xf32> to vector<16x1024xf32>
    %add3A_670 = arith.addf %slice3A_668, %slice3A_669 : vector<16x1024xf32>
    %logistic3A_671 = arith.negf %add3A_670 : vector<16x1024xf32>
    %logistic3A_672 = math.exp %logistic3A_671 : vector<16x1024xf32>
    %logistic3A_673 = arith.constant 1.000000e+00 : f32
    %logistic3A_674 = vector.broadcast %logistic3A_673 : f32 to vector<16x1024xf32>
    %logistic3A_675 = arith.addf %logistic3A_674, %logistic3A_672 : vector<16x1024xf32>
    %logistic3A_676 = arith.divf %logistic3A_674, %logistic3A_675 : vector<16x1024xf32>
    %slice3A_677 = vector.extract_strided_slice %slice3A_651 {offsets = [0, 2048], sizes = [16, 1024], strides = [1, 1]} : vector<16x3072xf32> to vector<16x1024xf32>
    %slice3A_678 = vector.extract_strided_slice %dot_general3A_658 {offsets = [0, 2048], sizes = [16, 1024], strides = [1, 1]} : vector<16x3072xf32> to vector<16x1024xf32>
    %get3A_679 = arith.constant 0 : index
    %get3A_680 = arith.constant 0 : index
    %get3A_681 = vector.load %arg4[%get3A_679, %get3A_680] : memref<1x1024xf32, #tpu.memory_space<vmem>>, vector<1x1024xf32>
    %add3A_682 = vector.broadcast %get3A_681 : vector<1x1024xf32> to vector<16x1024xf32>
    %add3A_683 = arith.addf %slice3A_678, %add3A_682 : vector<16x1024xf32>
    %mul3A_684 = arith.mulf %logistic3A_667, %add3A_683 : vector<16x1024xf32>
    %add3A_685 = arith.addf %slice3A_677, %mul3A_684 : vector<16x1024xf32>
    %tanh3A_686 = math.tanh %add3A_685 : vector<16x1024xf32>
    %sub3A_687 = arith.constant 1.000000e+00 : f32
    %sub3A_688 = vector.broadcast %sub3A_687 : f32 to vector<16x1024xf32>
    %sub3A_689 = arith.subf %sub3A_688, %logistic3A_676 : vector<16x1024xf32>
    %mul3A_690 = arith.mulf %sub3A_689, %tanh3A_686 : vector<16x1024xf32>
    %mul3A_691 = arith.mulf %logistic3A_676, %select_n3A_644 : vector<16x1024xf32>
    %add3A_692 = arith.addf %mul3A_690, %mul3A_691 : vector<16x1024xf32>
    %gt3A_693 = arith.constant 5.000000e-01 : f32
    %gt3A_694 = vector.broadcast %gt3A_693 : f32 to vector<16x1xf32>
    %gt3A_695 = arith.cmpf ogt, %mul3A_650, %gt3A_694 : vector<16x1xf32>
    %broadcast_in_dim3A_696 = vector.shape_cast %gt3A_695 : vector<16x1xi1> to vector<16x1xi1>
    %broadcast_in_dim3A_697 = vector.broadcast %broadcast_in_dim3A_696 : vector<16x1xi1> to vector<16x1024xi1>
    %select_n3A_698 = arith.select %broadcast_in_dim3A_697, %add3A_692, %select_n3A_644 : vector<16x1024xi1>, vector<16x1024xf32>
    %ne3A_699 = arith.constant 0 : i32
    %ne3A_700 = vector.broadcast %ne3A_699 : i32 to vector<16x1xi32>
    %ne3A_701 = arith.cmpi ne, %slice3A_652, %ne3A_700 : vector<16x1xi32>
    %convert_element_type3A_702 = arith.extui %ne3A_701 : vector<16x1xi1> to vector<16x1xi32>
    %convert_element_type3A_703 = arith.sitofp %convert_element_type3A_702 : vector<16x1xi32> to vector<16x1xf32>
    %mul3A_704 = arith.mulf %mul3A_650, %convert_element_type3A_703 : vector<16x1xf32>
    %slice3A_705 = vector.extract_strided_slice %get3A_13 {offsets = [208, 0], sizes = [16, 3072], strides = [1, 1]} : vector<256x3072xf32> to vector<16x3072xf32>
    %slice3A_706 = vector.extract_strided_slice %squeeze3A {offsets = [208, 0], sizes = [16, 1], strides = [1, 1]} : vector<256x1xi32> to vector<16x1xi32>
    %convert_element_type3A_707 = arith.truncf %select_n3A_698 : vector<16x1024xf32> to vector<16x1024xbf16>
    %get3A_708 = arith.constant 0 : index
    %get3A_709 = arith.constant 0 : index
    %get3A_710 = vector.load %arg3[%get3A_708, %get3A_709] : memref<1024x3072xbf16, #tpu.memory_space<vmem>>, vector<1024x3072xbf16>
    %dot_general3A_711 = arith.constant dense<0.000000e+00> : vector<16x3072xf32>
    %dot_general3A_712 = tpu.matmul %convert_element_type3A_707, %get3A_710, %dot_general3A_711 {dimension_numbers = #tpu.dot_dimension_numbers<[1], [0], [0], [1], [0, 0, 1, 1], [], []>, transpose_lhs_hint = false} : vector<16x1024xbf16>, vector<1024x3072xbf16>, vector<16x3072xf32> -> vector<16x3072xf32>
    %slice3A_713 = vector.extract_strided_slice %slice3A_705 {offsets = [0, 0], sizes = [16, 1024], strides = [1, 1]} : vector<16x3072xf32> to vector<16x1024xf32>
    %slice3A_714 = vector.extract_strided_slice %dot_general3A_712 {offsets = [0, 0], sizes = [16, 1024], strides = [1, 1]} : vector<16x3072xf32> to vector<16x1024xf32>
    %add3A_715 = arith.addf %slice3A_713, %slice3A_714 : vector<16x1024xf32>
    %logistic3A_716 = arith.negf %add3A_715 : vector<16x1024xf32>
    %logistic3A_717 = math.exp %logistic3A_716 : vector<16x1024xf32>
    %logistic3A_718 = arith.constant 1.000000e+00 : f32
    %logistic3A_719 = vector.broadcast %logistic3A_718 : f32 to vector<16x1024xf32>
    %logistic3A_720 = arith.addf %logistic3A_719, %logistic3A_717 : vector<16x1024xf32>
    %logistic3A_721 = arith.divf %logistic3A_719, %logistic3A_720 : vector<16x1024xf32>
    %slice3A_722 = vector.extract_strided_slice %slice3A_705 {offsets = [0, 1024], sizes = [16, 1024], strides = [1, 1]} : vector<16x3072xf32> to vector<16x1024xf32>
    %slice3A_723 = vector.extract_strided_slice %dot_general3A_712 {offsets = [0, 1024], sizes = [16, 1024], strides = [1, 1]} : vector<16x3072xf32> to vector<16x1024xf32>
    %add3A_724 = arith.addf %slice3A_722, %slice3A_723 : vector<16x1024xf32>
    %logistic3A_725 = arith.negf %add3A_724 : vector<16x1024xf32>
    %logistic3A_726 = math.exp %logistic3A_725 : vector<16x1024xf32>
    %logistic3A_727 = arith.constant 1.000000e+00 : f32
    %logistic3A_728 = vector.broadcast %logistic3A_727 : f32 to vector<16x1024xf32>
    %logistic3A_729 = arith.addf %logistic3A_728, %logistic3A_726 : vector<16x1024xf32>
    %logistic3A_730 = arith.divf %logistic3A_728, %logistic3A_729 : vector<16x1024xf32>
    %slice3A_731 = vector.extract_strided_slice %slice3A_705 {offsets = [0, 2048], sizes = [16, 1024], strides = [1, 1]} : vector<16x3072xf32> to vector<16x1024xf32>
    %slice3A_732 = vector.extract_strided_slice %dot_general3A_712 {offsets = [0, 2048], sizes = [16, 1024], strides = [1, 1]} : vector<16x3072xf32> to vector<16x1024xf32>
    %get3A_733 = arith.constant 0 : index
    %get3A_734 = arith.constant 0 : index
    %get3A_735 = vector.load %arg4[%get3A_733, %get3A_734] : memref<1x1024xf32, #tpu.memory_space<vmem>>, vector<1x1024xf32>
    %add3A_736 = vector.broadcast %get3A_735 : vector<1x1024xf32> to vector<16x1024xf32>
    %add3A_737 = arith.addf %slice3A_732, %add3A_736 : vector<16x1024xf32>
    %mul3A_738 = arith.mulf %logistic3A_721, %add3A_737 : vector<16x1024xf32>
    %add3A_739 = arith.addf %slice3A_731, %mul3A_738 : vector<16x1024xf32>
    %tanh3A_740 = math.tanh %add3A_739 : vector<16x1024xf32>
    %sub3A_741 = arith.constant 1.000000e+00 : f32
    %sub3A_742 = vector.broadcast %sub3A_741 : f32 to vector<16x1024xf32>
    %sub3A_743 = arith.subf %sub3A_742, %logistic3A_730 : vector<16x1024xf32>
    %mul3A_744 = arith.mulf %sub3A_743, %tanh3A_740 : vector<16x1024xf32>
    %mul3A_745 = arith.mulf %logistic3A_730, %select_n3A_698 : vector<16x1024xf32>
    %add3A_746 = arith.addf %mul3A_744, %mul3A_745 : vector<16x1024xf32>
    %gt3A_747 = arith.constant 5.000000e-01 : f32
    %gt3A_748 = vector.broadcast %gt3A_747 : f32 to vector<16x1xf32>
    %gt3A_749 = arith.cmpf ogt, %mul3A_704, %gt3A_748 : vector<16x1xf32>
    %broadcast_in_dim3A_750 = vector.shape_cast %gt3A_749 : vector<16x1xi1> to vector<16x1xi1>
    %broadcast_in_dim3A_751 = vector.broadcast %broadcast_in_dim3A_750 : vector<16x1xi1> to vector<16x1024xi1>
    %select_n3A_752 = arith.select %broadcast_in_dim3A_751, %add3A_746, %select_n3A_698 : vector<16x1024xi1>, vector<16x1024xf32>
    %ne3A_753 = arith.constant 0 : i32
    %ne3A_754 = vector.broadcast %ne3A_753 : i32 to vector<16x1xi32>
    %ne3A_755 = arith.cmpi ne, %slice3A_706, %ne3A_754 : vector<16x1xi32>
    %convert_element_type3A_756 = arith.extui %ne3A_755 : vector<16x1xi1> to vector<16x1xi32>
    %convert_element_type3A_757 = arith.sitofp %convert_element_type3A_756 : vector<16x1xi32> to vector<16x1xf32>
    %mul3A_758 = arith.mulf %mul3A_704, %convert_element_type3A_757 : vector<16x1xf32>
    %slice3A_759 = vector.extract_strided_slice %get3A_13 {offsets = [224, 0], sizes = [16, 3072], strides = [1, 1]} : vector<256x3072xf32> to vector<16x3072xf32>
    %slice3A_760 = vector.extract_strided_slice %squeeze3A {offsets = [224, 0], sizes = [16, 1], strides = [1, 1]} : vector<256x1xi32> to vector<16x1xi32>
    %convert_element_type3A_761 = arith.truncf %select_n3A_752 : vector<16x1024xf32> to vector<16x1024xbf16>
    %get3A_762 = arith.constant 0 : index
    %get3A_763 = arith.constant 0 : index
    %get3A_764 = vector.load %arg3[%get3A_762, %get3A_763] : memref<1024x3072xbf16, #tpu.memory_space<vmem>>, vector<1024x3072xbf16>
    %dot_general3A_765 = arith.constant dense<0.000000e+00> : vector<16x3072xf32>
    %dot_general3A_766 = tpu.matmul %convert_element_type3A_761, %get3A_764, %dot_general3A_765 {dimension_numbers = #tpu.dot_dimension_numbers<[1], [0], [0], [1], [0, 0, 1, 1], [], []>, transpose_lhs_hint = false} : vector<16x1024xbf16>, vector<1024x3072xbf16>, vector<16x3072xf32> -> vector<16x3072xf32>
    %slice3A_767 = vector.extract_strided_slice %slice3A_759 {offsets = [0, 0], sizes = [16, 1024], strides = [1, 1]} : vector<16x3072xf32> to vector<16x1024xf32>
    %slice3A_768 = vector.extract_strided_slice %dot_general3A_766 {offsets = [0, 0], sizes = [16, 1024], strides = [1, 1]} : vector<16x3072xf32> to vector<16x1024xf32>
    %add3A_769 = arith.addf %slice3A_767, %slice3A_768 : vector<16x1024xf32>
    %logistic3A_770 = arith.negf %add3A_769 : vector<16x1024xf32>
    %logistic3A_771 = math.exp %logistic3A_770 : vector<16x1024xf32>
    %logistic3A_772 = arith.constant 1.000000e+00 : f32
    %logistic3A_773 = vector.broadcast %logistic3A_772 : f32 to vector<16x1024xf32>
    %logistic3A_774 = arith.addf %logistic3A_773, %logistic3A_771 : vector<16x1024xf32>
    %logistic3A_775 = arith.divf %logistic3A_773, %logistic3A_774 : vector<16x1024xf32>
    %slice3A_776 = vector.extract_strided_slice %slice3A_759 {offsets = [0, 1024], sizes = [16, 1024], strides = [1, 1]} : vector<16x3072xf32> to vector<16x1024xf32>
    %slice3A_777 = vector.extract_strided_slice %dot_general3A_766 {offsets = [0, 1024], sizes = [16, 1024], strides = [1, 1]} : vector<16x3072xf32> to vector<16x1024xf32>
    %add3A_778 = arith.addf %slice3A_776, %slice3A_777 : vector<16x1024xf32>
    %logistic3A_779 = arith.negf %add3A_778 : vector<16x1024xf32>
    %logistic3A_780 = math.exp %logistic3A_779 : vector<16x1024xf32>
    %logistic3A_781 = arith.constant 1.000000e+00 : f32
    %logistic3A_782 = vector.broadcast %logistic3A_781 : f32 to vector<16x1024xf32>
    %logistic3A_783 = arith.addf %logistic3A_782, %logistic3A_780 : vector<16x1024xf32>
    %logistic3A_784 = arith.divf %logistic3A_782, %logistic3A_783 : vector<16x1024xf32>
    %slice3A_785 = vector.extract_strided_slice %slice3A_759 {offsets = [0, 2048], sizes = [16, 1024], strides = [1, 1]} : vector<16x3072xf32> to vector<16x1024xf32>
    %slice3A_786 = vector.extract_strided_slice %dot_general3A_766 {offsets = [0, 2048], sizes = [16, 1024], strides = [1, 1]} : vector<16x3072xf32> to vector<16x1024xf32>
    %get3A_787 = arith.constant 0 : index
    %get3A_788 = arith.constant 0 : index
    %get3A_789 = vector.load %arg4[%get3A_787, %get3A_788] : memref<1x1024xf32, #tpu.memory_space<vmem>>, vector<1x1024xf32>
    %add3A_790 = vector.broadcast %get3A_789 : vector<1x1024xf32> to vector<16x1024xf32>
    %add3A_791 = arith.addf %slice3A_786, %add3A_790 : vector<16x1024xf32>
    %mul3A_792 = arith.mulf %logistic3A_775, %add3A_791 : vector<16x1024xf32>
    %add3A_793 = arith.addf %slice3A_785, %mul3A_792 : vector<16x1024xf32>
    %tanh3A_794 = math.tanh %add3A_793 : vector<16x1024xf32>
    %sub3A_795 = arith.constant 1.000000e+00 : f32
    %sub3A_796 = vector.broadcast %sub3A_795 : f32 to vector<16x1024xf32>
    %sub3A_797 = arith.subf %sub3A_796, %logistic3A_784 : vector<16x1024xf32>
    %mul3A_798 = arith.mulf %sub3A_797, %tanh3A_794 : vector<16x1024xf32>
    %mul3A_799 = arith.mulf %logistic3A_784, %select_n3A_752 : vector<16x1024xf32>
    %add3A_800 = arith.addf %mul3A_798, %mul3A_799 : vector<16x1024xf32>
    %gt3A_801 = arith.constant 5.000000e-01 : f32
    %gt3A_802 = vector.broadcast %gt3A_801 : f32 to vector<16x1xf32>
    %gt3A_803 = arith.cmpf ogt, %mul3A_758, %gt3A_802 : vector<16x1xf32>
    %broadcast_in_dim3A_804 = vector.shape_cast %gt3A_803 : vector<16x1xi1> to vector<16x1xi1>
    %broadcast_in_dim3A_805 = vector.broadcast %broadcast_in_dim3A_804 : vector<16x1xi1> to vector<16x1024xi1>
    %select_n3A_806 = arith.select %broadcast_in_dim3A_805, %add3A_800, %select_n3A_752 : vector<16x1024xi1>, vector<16x1024xf32>
    %ne3A_807 = arith.constant 0 : i32
    %ne3A_808 = vector.broadcast %ne3A_807 : i32 to vector<16x1xi32>
    %ne3A_809 = arith.cmpi ne, %slice3A_760, %ne3A_808 : vector<16x1xi32>
    %convert_element_type3A_810 = arith.extui %ne3A_809 : vector<16x1xi1> to vector<16x1xi32>
    %convert_element_type3A_811 = arith.sitofp %convert_element_type3A_810 : vector<16x1xi32> to vector<16x1xf32>
    %mul3A_812 = arith.mulf %mul3A_758, %convert_element_type3A_811 : vector<16x1xf32>
    %slice3A_813 = vector.extract_strided_slice %get3A_13 {offsets = [240, 0], sizes = [16, 3072], strides = [1, 1]} : vector<256x3072xf32> to vector<16x3072xf32>
    %slice3A_814 = vector.extract_strided_slice %squeeze3A {offsets = [240, 0], sizes = [16, 1], strides = [1, 1]} : vector<256x1xi32> to vector<16x1xi32>
    %convert_element_type3A_815 = arith.truncf %select_n3A_806 : vector<16x1024xf32> to vector<16x1024xbf16>
    %get3A_816 = arith.constant 0 : index
    %get3A_817 = arith.constant 0 : index
    %get3A_818 = vector.load %arg3[%get3A_816, %get3A_817] : memref<1024x3072xbf16, #tpu.memory_space<vmem>>, vector<1024x3072xbf16>
    %dot_general3A_819 = arith.constant dense<0.000000e+00> : vector<16x3072xf32>
    %dot_general3A_820 = tpu.matmul %convert_element_type3A_815, %get3A_818, %dot_general3A_819 {dimension_numbers = #tpu.dot_dimension_numbers<[1], [0], [0], [1], [0, 0, 1, 1], [], []>, transpose_lhs_hint = false} : vector<16x1024xbf16>, vector<1024x3072xbf16>, vector<16x3072xf32> -> vector<16x3072xf32>
    %slice3A_821 = vector.extract_strided_slice %slice3A_813 {offsets = [0, 0], sizes = [16, 1024], strides = [1, 1]} : vector<16x3072xf32> to vector<16x1024xf32>
    %slice3A_822 = vector.extract_strided_slice %dot_general3A_820 {offsets = [0, 0], sizes = [16, 1024], strides = [1, 1]} : vector<16x3072xf32> to vector<16x1024xf32>
    %add3A_823 = arith.addf %slice3A_821, %slice3A_822 : vector<16x1024xf32>
    %logistic3A_824 = arith.negf %add3A_823 : vector<16x1024xf32>
    %logistic3A_825 = math.exp %logistic3A_824 : vector<16x1024xf32>
    %logistic3A_826 = arith.constant 1.000000e+00 : f32
    %logistic3A_827 = vector.broadcast %logistic3A_826 : f32 to vector<16x1024xf32>
    %logistic3A_828 = arith.addf %logistic3A_827, %logistic3A_825 : vector<16x1024xf32>
    %logistic3A_829 = arith.divf %logistic3A_827, %logistic3A_828 : vector<16x1024xf32>
    %slice3A_830 = vector.extract_strided_slice %slice3A_813 {offsets = [0, 1024], sizes = [16, 1024], strides = [1, 1]} : vector<16x3072xf32> to vector<16x1024xf32>
    %slice3A_831 = vector.extract_strided_slice %dot_general3A_820 {offsets = [0, 1024], sizes = [16, 1024], strides = [1, 1]} : vector<16x3072xf32> to vector<16x1024xf32>
    %add3A_832 = arith.addf %slice3A_830, %slice3A_831 : vector<16x1024xf32>
    %logistic3A_833 = arith.negf %add3A_832 : vector<16x1024xf32>
    %logistic3A_834 = math.exp %logistic3A_833 : vector<16x1024xf32>
    %logistic3A_835 = arith.constant 1.000000e+00 : f32
    %logistic3A_836 = vector.broadcast %logistic3A_835 : f32 to vector<16x1024xf32>
    %logistic3A_837 = arith.addf %logistic3A_836, %logistic3A_834 : vector<16x1024xf32>
    %logistic3A_838 = arith.divf %logistic3A_836, %logistic3A_837 : vector<16x1024xf32>
    %slice3A_839 = vector.extract_strided_slice %slice3A_813 {offsets = [0, 2048], sizes = [16, 1024], strides = [1, 1]} : vector<16x3072xf32> to vector<16x1024xf32>
    %slice3A_840 = vector.extract_strided_slice %dot_general3A_820 {offsets = [0, 2048], sizes = [16, 1024], strides = [1, 1]} : vector<16x3072xf32> to vector<16x1024xf32>
    %get3A_841 = arith.constant 0 : index
    %get3A_842 = arith.constant 0 : index
    %get3A_843 = vector.load %arg4[%get3A_841, %get3A_842] : memref<1x1024xf32, #tpu.memory_space<vmem>>, vector<1x1024xf32>
    %add3A_844 = vector.broadcast %get3A_843 : vector<1x1024xf32> to vector<16x1024xf32>
    %add3A_845 = arith.addf %slice3A_840, %add3A_844 : vector<16x1024xf32>
    %mul3A_846 = arith.mulf %logistic3A_829, %add3A_845 : vector<16x1024xf32>
    %add3A_847 = arith.addf %slice3A_839, %mul3A_846 : vector<16x1024xf32>
    %tanh3A_848 = math.tanh %add3A_847 : vector<16x1024xf32>
    %sub3A_849 = arith.constant 1.000000e+00 : f32
    %sub3A_850 = vector.broadcast %sub3A_849 : f32 to vector<16x1024xf32>
    %sub3A_851 = arith.subf %sub3A_850, %logistic3A_838 : vector<16x1024xf32>
    %mul3A_852 = arith.mulf %sub3A_851, %tanh3A_848 : vector<16x1024xf32>
    %mul3A_853 = arith.mulf %logistic3A_838, %select_n3A_806 : vector<16x1024xf32>
    %add3A_854 = arith.addf %mul3A_852, %mul3A_853 : vector<16x1024xf32>
    %gt3A_855 = arith.constant 5.000000e-01 : f32
    %gt3A_856 = vector.broadcast %gt3A_855 : f32 to vector<16x1xf32>
    %gt3A_857 = arith.cmpf ogt, %mul3A_812, %gt3A_856 : vector<16x1xf32>
    %broadcast_in_dim3A_858 = vector.shape_cast %gt3A_857 : vector<16x1xi1> to vector<16x1xi1>
    %broadcast_in_dim3A_859 = vector.broadcast %broadcast_in_dim3A_858 : vector<16x1xi1> to vector<16x1024xi1>
    %select_n3A_860 = arith.select %broadcast_in_dim3A_859, %add3A_854, %select_n3A_806 : vector<16x1024xi1>, vector<16x1024xf32>
    %ne3A_861 = arith.constant 0 : i32
    %ne3A_862 = vector.broadcast %ne3A_861 : i32 to vector<16x1xi32>
    %ne3A_863 = arith.cmpi ne, %slice3A_814, %ne3A_862 : vector<16x1xi32>
    %convert_element_type3A_864 = arith.extui %ne3A_863 : vector<16x1xi1> to vector<16x1xi32>
    %convert_element_type3A_865 = arith.sitofp %convert_element_type3A_864 : vector<16x1xi32> to vector<16x1xf32>
    %mul3A_866 = arith.mulf %mul3A_812, %convert_element_type3A_865 : vector<16x1xf32>
    %swap3A = arith.constant 0 : index
    %swap3A_867 = arith.constant 0 : index
    %swap3A_868 = vector.load %arg7[%swap3A, %swap3A_867] : memref<16x1024xf32, #tpu.memory_space<vmem>>, vector<16x1024xf32>
    tpu.vector_store %arg7[%swap3A, %swap3A_867], %select_n3A_860 {strides = array<i32>} : memref<16x1024xf32, #tpu.memory_space<vmem>>, vector<16x1024xf32>,
    %swap3A_869 = arith.constant 0 : index
    %swap3A_870 = arith.constant 0 : index
    %swap3A_871 = vector.load %arg8[%swap3A_869, %swap3A_870] : memref<16x1xf32, #tpu.memory_space<vmem>>, vector<16x1xf32>
    tpu.vector_store %arg8[%swap3A_869, %swap3A_870], %mul3A_866 {strides = array<i32>} : memref<16x1xf32, #tpu.memory_space<vmem>>, vector<16x1xf32>,
    return
  }
  func.func @transform_0(%arg0: i32) -> (i32, i32, i32) {
    %c0_i32 = arith.constant 0 : i32
    %c0_i32_0 = arith.constant 0 : i32
    %c0_i32_1 = arith.constant 0 : i32
    return %arg0, %c0_i32, %c0_i32_0 : i32, i32, i32
  }
  func.func @transform_1(%arg0: i32) -> (i32, i32) {
    %c0_i32 = arith.constant 0 : i32
    %c0_i32_0 = arith.constant 0 : i32
    return %arg0, %c0_i32 : i32, i32
  }
  func.func @transform_2(%arg0: i32) -> (i32, i32) {
    %c0_i32 = arith.constant 0 : i32
    %c0_i32_0 = arith.constant 0 : i32
    %c0_i32_1 = arith.constant 0 : i32
    return %c0_i32, %c0_i32_0 : i32, i32
  }
  func.func @transform_3(%arg0: i32) -> (i32, i32) {
    %c0_i32 = arith.constant 0 : i32
    %c0_i32_0 = arith.constant 0 : i32
    %c0_i32_1 = arith.constant 0 : i32
    return %c0_i32, %c0_i32_0 : i32, i32
  }
  func.func @transform_4(%arg0: i32) -> (i32, i32) {
    %c0_i32 = arith.constant 0 : i32
    %c0_i32_0 = arith.constant 0 : i32
    %c0_i32_1 = arith.constant 0 : i32
    return %c0_i32, %c0_i32_0 : i32, i32
  }
  func.func @transform_5(%arg0: i32) -> (i32, i32) {
    %c0_i32 = arith.constant 0 : i32
    %c0_i32_0 = arith.constant 0 : i32
    %c0_i32_1 = arith.constant 0 : i32
    return %c0_i32, %c0_i32_0 : i32, i32
  }
  func.func @transform_6(%arg0: i32) -> (i32, i32) {
    %c0_i32 = arith.constant 0 : i32
    %c0_i32_0 = arith.constant 0 : i32
    %c0_i32_1 = arith.constant 0 : i32
    return %c0_i32, %c0_i32_0 : i32, i32
  }
  func.func @transform_7(%arg0: i32) -> (i32, i32) {
    %c0_i32 = arith.constant 0 : i32
    %c0_i32_0 = arith.constant 0 : i32
    %c0_i32_1 = arith.constant 0 : i32
    return %c0_i32, %c0_i32_0 : i32, i32
  }
}

module attributes {stable_mosaic.version = 14 : i64} {
  func.func @_scan_body(%arg0: i32, %arg1: memref<1x256x1xi32, #tpu.memory_space<vmem>>, %arg2: memref<256x3072xf32, #tpu.memory_space<vmem>>, %arg3: memref<1024x3072xbf16, #tpu.memory_space<vmem>>, %arg4: memref<1x1024xf32, #tpu.memory_space<vmem>>, %arg5: memref<16x1024xf32, #tpu.memory_space<vmem>>, %arg6: memref<16x1xf32, #tpu.memory_space<vmem>>, %arg7: memref<16x1024xf32, #tpu.memory_space<vmem>>, %arg8: memref<16x1xf32, #tpu.memory_space<vmem>>) attributes {dimension_semantics = [#tpu.dimension_semantics<arbitrary>], iteration_bounds = array<i64: 10>, scalar_prefetch = 0 : i64, scratch_operands = 0 : i64, tpu.core_type = #tpu.core_type<tc>, window_params = [{transform_indices = @transform_0, window_bounds = array<i64: 1, 256, 1>}, {transform_indices = @transform_1, window_bounds = array<i64: 256, 3072>}, {pipeline_mode = #tpu.pipeline_mode<synchronous>, transform_indices = @transform_2, window_bounds = array<i64: 1024, 3072>}, {pipeline_mode = #tpu.pipeline_mode<synchronous>, transform_indices = @transform_3, window_bounds = array<i64: 1, 1024>}, {pipeline_mode = #tpu.pipeline_mode<synchronous>, transform_indices = @transform_4, window_bounds = array<i64: 16, 1024>}, {pipeline_mode = #tpu.pipeline_mode<synchronous>, transform_indices = @transform_5, window_bounds = array<i64: 16, 1>}, {pipeline_mode = #tpu.pipeline_mode<synchronous>, transform_indices = @transform_6, window_bounds = array<i64: 16, 1024>}, {pipeline_mode = #tpu.pipeline_mode<synchronous>, transform_indices = @transform_7, window_bounds = array<i64: 16, 1>}]} {
    %eq3A = arith.constant 0 : i32
    %eq3A_0 = arith.cmpi eq, %arg0, %eq3A : i32
    %convert_element_type3A = arith.extui %eq3A_0 : i1 to i32
    %cond3A = arith.constant 0 : i32
    %cond3A_1 = arith.cmpi ne, %convert_element_type3A, %cond3A : i32
    scf.if %cond3A_1 {
      %get3A_872 = arith.constant 0 : index
      %get3A_873 = arith.constant 0 : index
      %get3A_874 = vector.load %arg5[%get3A_872, %get3A_873] : memref<16x1024xf32, #tpu.memory_space<vmem>>, vector<16x1024xf32>
      %swap3A_875 = arith.constant 0 : index
      %swap3A_876 = arith.constant 0 : index
      %swap3A_877 = vector.load %arg7[%swap3A_875, %swap3A_876] : memref<16x1024xf32, #tpu.memory_space<vmem>>, vector<16x1024xf32>
      tpu.vector_store %arg7[%swap3A_875, %swap3A_876], %get3A_874 {strides = array<i32>} : memref<16x1024xf32, #tpu.memory_space<vmem>>, vector<16x1024xf32>,
      %get3A_878 = arith.constant 0 : index
      %get3A_879 = arith.constant 0 : index
      %get3A_880 = vector.load %arg6[%get3A_878, %get3A_879] : memref<16x1xf32, #tpu.memory_space<vmem>>, vector<16x1xf32>
      %swap3A_881 = arith.constant 0 : index
      %swap3A_882 = arith.constant 0 : index
      %swap3A_883 = vector.load %arg8[%swap3A_881, %swap3A_882] : memref<16x1xf32, #tpu.memory_space<vmem>>, vector<16x1xf32>
      tpu.vector_store %arg8[%swap3A_881, %swap3A_882], %get3A_880 {strides = array<i32>} : memref<16x1xf32, #tpu.memory_space<vmem>>, vector<16x1xf32>,
    } else {
    }
    %get3A = arith.constant 0 : index
    %get3A_2 = arith.constant 0 : index
    %get3A_3 = vector.load %arg7[%get3A, %get3A_2] : memref<16x1024xf32, #tpu.memory_space<vmem>>, vector<16x1024xf32>
    %get3A_4 = arith.constant 0 : index
    %get3A_5 = arith.constant 0 : index
    %get3A_6 = vector.load %arg8[%get3A_4, %get3A_5] : memref<16x1xf32, #tpu.memory_space<vmem>>, vector<16x1xf32>
    %get3A_7 = arith.constant 0 : index
    %get3A_8 = arith.constant 0 : index
    %get3A_9 = arith.constant 0 : index
    %get3A_10 = vector.load %arg1[%get3A_7, %get3A_8, %get3A_9] : memref<1x256x1xi32, #tpu.memory_space<vmem>>, vector<1x256x1xi32>
    %squeeze3A = vector.shape_cast %get3A_10 : vector<1x256x1xi32> to vector<256x1xi32>
    %get3A_11 = arith.constant 0 : index
    %get3A_12 = arith.constant 0 : index
    %get3A_13 = vector.load %arg2[%get3A_11, %get3A_12] : memref<256x3072xf32, #tpu.memory_space<vmem>>, vector<256x3072xf32>
    %slice3A = vector.extract_strided_slice %get3A_13 {offsets = [0, 0], sizes = [16, 3072], strides = [1, 1]} : vector<256x3072xf32> to vector<16x3072xf32>
    %slice3A_14 = vector.extract_strided_slice %squeeze3A {offsets = [0, 0], sizes = [16, 1], strides = [1, 1]} : vector<256x1xi32> to vector<16x1xi32>
    %convert_element_type3A_15 = arith.truncf %get3A_3 : vector<16x1024xf32> to vector<16x1024xbf16>
    %get3A_16 = arith.constant 0 : index
    %get3A_17 = arith.constant 0 : index
    %get3A_18 = vector.load %arg3[%get3A_16, %get3A_17] : memref<1024x3072xbf16, #tpu.memory_space<vmem>>, vector<1024x3072xbf16>
    %dot_general3A = arith.constant dense<0.000000e+00> : vector<16x3072xf32>
    %dot_general3A_19 = tpu.matmul %convert_element_type3A_15, %get3A_18, %dot_general3A {dimension_numbers = #tpu.dot_dimension_numbers<[1], [0], [0], [1], [0, 0, 1, 1], [], []>, transpose_lhs_hint = false} : vector<16x1024xbf16>, vector<1024x3072xbf16>, vector<16x3072xf32> -> vector<16x3072xf32>
    %slice3A_20 = vector.extract_strided_slice %slice3A {offsets = [0, 0], sizes = [16, 1024], strides = [1, 1]} : vector<16x3072xf32> to vector<16x1024xf32>
    %slice3A_21 = vector.extract_strided_slice %dot_general3A_19 {offsets = [0, 0], sizes = [16, 1024], strides = [1, 1]} : vector<16x3072xf32> to vector<16x1024xf32>
    %add3A = arith.addf %slice3A_20, %slice3A_21 : vector<16x1024xf32>
    %logistic3A = arith.negf %add3A : vector<16x1024xf32>
    %logistic3A_22 = math.exp %logistic3A : vector<16x1024xf32>
    %logistic3A_23 = arith.constant 1.000000e+00 : f32
    %logistic3A_24 = vector.broadcast %logistic3A_23 : f32 to vector<16x1024xf32>
    %logistic3A_25 = arith.addf %logistic3A_24, %logistic3A_22 : vector<16x1024xf32>
    %logistic3A_26 = arith.divf %logistic3A_24, %logistic3A_25 : vector<16x1024xf32>
    %slice3A_27 = vector.extract_strided_slice %slice3A {offsets = [0, 1024], sizes = [16, 1024], strides = [1, 1]} : vector<16x3072xf32> to vector<16x1024xf32>
    %slice3A_28 = vector.extract_strided_slice %dot_general3A_19 {offsets = [0, 1024], sizes = [16, 1024], strides = [1, 1]} : vector<16x3072xf32> to vector<16x1024xf32>
    %add3A_29 = arith.addf %slice3A_27, %slice3A_28 : vector<16x1024xf32>
    %logistic3A_30 = arith.negf %add3A_29 : vector<16x1024xf32>
    %logistic3A_31 = math.exp %logistic3A_30 : vector<16x1024xf32>
    %logistic3A_32 = arith.constant 1.000000e+00 : f32
    %logistic3A_33 = vector.broadcast %logistic3A_32 : f32 to vector<16x1024xf32>
    %logistic3A_34 = arith.addf %logistic3A_33, %logistic3A_31 : vector<16x1024xf32>
    %logistic3A_35 = arith.divf %logistic3A_33, %logistic3A_34 : vector<16x1024xf32>
    %slice3A_36 = vector.extract_strided_slice %slice3A {offsets = [0, 2048], sizes = [16, 1024], strides = [1, 1]} : vector<16x3072xf32> to vector<16x1024xf32>
    %slice3A_37 = vector.extract_strided_slice %dot_general3A_19 {offsets = [0, 2048], sizes = [16, 1024], strides = [1, 1]} : vector<16x3072xf32> to vector<16x1024xf32>
    %get3A_38 = arith.constant 0 : index
    %get3A_39 = arith.constant 0 : index
    %get3A_40 = vector.load %arg4[%get3A_38, %get3A_39] : memref<1x1024xf32, #tpu.memory_space<vmem>>, vector<1x1024xf32>
    %add3A_41 = vector.broadcast %get3A_40 : vector<1x1024xf32> to vector<16x1024xf32>
    %add3A_42 = arith.addf %slice3A_37, %add3A_41 : vector<16x1024xf32>
    %mul3A = arith.mulf %logistic3A_26, %add3A_42 : vector<16x1024xf32>
    %add3A_43 = arith.addf %slice3A_36, %mul3A : vector<16x1024xf32>
    %tanh3A = math.tanh %add3A_43 : vector<16x1024xf32>
    %sub3A = arith.constant 1.000000e+00 : f32
    %sub3A_44 = vector.broadcast %sub3A : f32 to vector<16x1024xf32>
    %sub3A_45 = arith.subf %sub3A_44, %logistic3A_35 : vector<16x1024xf32>
    %mul3A_46 = arith.mulf %sub3A_45, %tanh3A : vector<16x1024xf32>
    %mul3A_47 = arith.mulf %logistic3A_35, %get3A_3 : vector<16x1024xf32>
    %add3A_48 = arith.addf %mul3A_46, %mul3A_47 : vector<16x1024xf32>
    %gt3A = arith.constant 5.000000e-01 : f32
    %gt3A_49 = vector.broadcast %gt3A : f32 to vector<16x1xf32>
    %gt3A_50 = arith.cmpf ogt, %get3A_6, %gt3A_49 : vector<16x1xf32>
    %broadcast_in_dim3A = vector.shape_cast %gt3A_50 : vector<16x1xi1> to vector<16x1xi1>
    %broadcast_in_dim3A_51 = vector.broadcast %broadcast_in_dim3A : vector<16x1xi1> to vector<16x1024xi1>
    %select_n3A = arith.select %broadcast_in_dim3A_51, %add3A_48, %get3A_3 : vector<16x1024xi1>, vector<16x1024xf32>
    %ne3A = arith.constant 0 : i32
    %ne3A_52 = vector.broadcast %ne3A : i32 to vector<16x1xi32>
    %ne3A_53 = arith.cmpi ne, %slice3A_14, %ne3A_52 : vector<16x1xi32>
    %convert_element_type3A_54 = arith.extui %ne3A_53 : vector<16x1xi1> to vector<16x1xi32>
    %convert_element_type3A_55 = arith.sitofp %convert_element_type3A_54 : vector<16x1xi32> to vector<16x1xf32>
    %mul3A_56 = arith.mulf %get3A_6, %convert_element_type3A_55 : vector<16x1xf32>
    %slice3A_57 = vector.extract_strided_slice %get3A_13 {offsets = [16, 0], sizes = [16, 3072], strides = [1, 1]} : vector<256x3072xf32> to vector<16x3072xf32>
    %slice3A_58 = vector.extract_strided_slice %squeeze3A {offsets = [16, 0], sizes = [16, 1], strides = [1, 1]} : vector<256x1xi32> to vector<16x1xi32>
    %convert_element_type3A_59 = arith.truncf %select_n3A : vector<16x1024xf32> to vector<16x1024xbf16>
    %get3A_60 = arith.constant 0 : index
    %get3A_61 = arith.constant 0 : index
    %get3A_62 = vector.load %arg3[%get3A_60, %get3A_61] : memref<1024x3072xbf16, #tpu.memory_space<vmem>>, vector<1024x3072xbf16>
    %dot_general3A_63 = arith.constant dense<0.000000e+00> : vector<16x3072xf32>
    %dot_general3A_64 = tpu.matmul %convert_element_type3A_59, %get3A_62, %dot_general3A_63 {dimension_numbers = #tpu.dot_dimension_numbers<[1], [0], [0], [1], [0, 0, 1, 1], [], []>, transpose_lhs_hint = false} : vector<16x1024xbf16>, vector<1024x3072xbf16>, vector<16x3072xf32> -> vector<16x3072xf32>
    %slice3A_65 = vector.extract_strided_slice %slice3A_57 {offsets = [0, 0], sizes = [16, 1024], strides = [1, 1]} : vector<16x3072xf32> to vector<16x1024xf32>
    %slice3A_66 = vector.extract_strided_slice %dot_general3A_64 {offsets = [0, 0], sizes = [16, 1024], strides = [1, 1]} : vector<16x3072xf32> to vector<16x1024xf32>
    %add3A_67 = arith.addf %slice3A_65, %slice3A_66 : vector<16x1024xf32>
    %logistic3A_68 = arith.negf %add3A_67 : vector<16x1024xf32>
    %logistic3A_69 = math.exp %logistic3A_68 : vector<16x1024xf32>
    %logistic3A_70 = arith.constant 1.000000e+00 : f32
    %logistic3A_71 = vector.broadcast %logistic3A_70 : f32 to vector<16x1024xf32>
    %logistic3A_72 = arith.addf %logistic3A_71, %logistic3A_69 : vector<16x1024xf32>
    %logistic3A_73 = arith.divf %logistic3A_71, %logistic3A_72 : vector<16x1024xf32>
    %slice3A_74 = vector.extract_strided_slice %slice3A_57 {offsets = [0, 1024], sizes = [16, 1024], strides = [1, 1]} : vector<16x3072xf32> to vector<16x1024xf32>
    %slice3A_75 = vector.extract_strided_slice %dot_general3A_64 {offsets = [0, 1024], sizes = [16, 1024], strides = [1, 1]} : vector<16x3072xf32> to vector<16x1024xf32>
    %add3A_76 = arith.addf %slice3A_74, %slice3A_75 : vector<16x1024xf32>
    %logistic3A_77 = arith.negf %add3A_76 : vector<16x1024xf32>
    %logistic3A_78 = math.exp %logistic3A_77 : vector<16x1024xf32>
    %logistic3A_79 = arith.constant 1.000000e+00 : f32
    %logistic3A_80 = vector.broadcast %logistic3A_79 : f32 to vector<16x1024xf32>
    %logistic3A_81 = arith.addf %logistic3A_80, %logistic3A_78 : vector<16x1024xf32>
    %logistic3A_82 = arith.divf %logistic3A_80, %logistic3A_81 : vector<16x1024xf32>
    %slice3A_83 = vector.extract_strided_slice %slice3A_57 {offsets = [0, 2048], sizes = [16, 1024], strides = [1, 1]} : vector<16x3072xf32> to vector<16x1024xf32>
    %slice3A_84 = vector.extract_strided_slice %dot_general3A_64 {offsets = [0, 2048], sizes = [16, 1024], strides = [1, 1]} : vector<16x3072xf32> to vector<16x1024xf32>
    %get3A_85 = arith.constant 0 : index
    %get3A_86 = arith.constant 0 : index
    %get3A_87 = vector.load %arg4[%get3A_85, %get3A_86] : memref<1x1024xf32, #tpu.memory_space<vmem>>, vector<1x1024xf32>
    %add3A_88 = vector.broadcast %get3A_87 : vector<1x1024xf32> to vector<16x1024xf32>
    %add3A_89 = arith.addf %slice3A_84, %add3A_88 : vector<16x1024xf32>
    %mul3A_90 = arith.mulf %logistic3A_73, %add3A_89 : vector<16x1024xf32>
    %add3A_91 = arith.addf %slice3A_83, %mul3A_90 : vector<16x1024xf32>
    %tanh3A_92 = math.tanh %add3A_91 : vector<16x1024xf32>
    %sub3A_93 = arith.constant 1.000000e+00 : f32
    %sub3A_94 = vector.broadcast %sub3A_93 : f32 to vector<16x1024xf32>
    %sub3A_95 = arith.subf %sub3A_94, %logistic3A_82 : vector<16x1024xf32>
    %mul3A_96 = arith.mulf %sub3A_95, %tanh3A_92 : vector<16x1024xf32>
    %mul3A_97 = arith.mulf %logistic3A_82, %select_n3A : vector<16x1024xf32>
    %add3A_98 = arith.addf %mul3A_96, %mul3A_97 : vector<16x1024xf32>
    %gt3A_99 = arith.constant 5.000000e-01 : f32
    %gt3A_100 = vector.broadcast %gt3A_99 : f32 to vector<16x1xf32>
    %gt3A_101 = arith.cmpf ogt, %mul3A_56, %gt3A_100 : vector<16x1xf32>
    %broadcast_in_dim3A_102 = vector.shape_cast %gt3A_101 : vector<16x1xi1> to vector<16x1xi1>
    %broadcast_in_dim3A_103 = vector.broadcast %broadcast_in_dim3A_102 : vector<16x1xi1> to vector<16x1024xi1>
    %select_n3A_104 = arith.select %broadcast_in_dim3A_103, %add3A_98, %select_n3A : vector<16x1024xi1>, vector<16x1024xf32>
    %ne3A_105 = arith.constant 0 : i32
    %ne3A_106 = vector.broadcast %ne3A_105 : i32 to vector<16x1xi32>
    %ne3A_107 = arith.cmpi ne, %slice3A_58, %ne3A_106 : vector<16x1xi32>
    %convert_element_type3A_108 = arith.extui %ne3A_107 : vector<16x1xi1> to vector<16x1xi32>
    %convert_element_type3A_109 = arith.sitofp %convert_element_type3A_108 : vector<16x1xi32> to vector<16x1xf32>
    %mul3A_110 = arith.mulf %mul3A_56, %convert_element_type3A_109 : vector<16x1xf32>
    %slice3A_111 = vector.extract_strided_slice %get3A_13 {offsets = [32, 0], sizes = [16, 3072], strides = [1, 1]} : vector<256x3072xf32> to vector<16x3072xf32>
    %slice3A_112 = vector.extract_strided_slice %squeeze3A {offsets = [32, 0], sizes = [16, 1], strides = [1, 1]} : vector<256x1xi32> to vector<16x1xi32>
    %convert_element_type3A_113 = arith.truncf %select_n3A_104 : vector<16x1024xf32> to vector<16x1024xbf16>
    %get3A_114 = arith.constant 0 : index
    %get3A_115 = arith.constant 0 : index
    %get3A_116 = vector.load %arg3[%get3A_114, %get3A_115] : memref<1024x3072xbf16, #tpu.memory_space<vmem>>, vector<1024x3072xbf16>
    %dot_general3A_117 = arith.constant dense<0.000000e+00> : vector<16x3072xf32>
    %dot_general3A_118 = tpu.matmul %convert_element_type3A_113, %get3A_116, %dot_general3A_117 {dimension_numbers = #tpu.dot_dimension_numbers<[1], [0], [0], [1], [0, 0, 1, 1], [], []>, transpose_lhs_hint = false} : vector<16x1024xbf16>, vector<1024x3072xbf16>, vector<16x3072xf32> -> vector<16x3072xf32>
    %slice3A_119 = vector.extract_strided_slice %slice3A_111 {offsets = [0, 0], sizes = [16, 1024], strides = [1, 1]} : vector<16x3072xf32> to vector<16x1024xf32>
    %slice3A_120 = vector.extract_strided_slice %dot_general3A_118 {offsets = [0, 0], sizes = [16, 1024], strides = [1, 1]} : vector<16x3072xf32> to vector<16x1024xf32>
    %add3A_121 = arith.addf %slice3A_119, %slice3A_120 : vector<16x1024xf32>
    %logistic3A_122 = arith.negf %add3A_121 : vector<16x1024xf32>
    %logistic3A_123 = math.exp %logistic3A_122 : vector<16x1024xf32>
    %logistic3A_124 = arith.constant 1.000000e+00 : f32
    %logistic3A_125 = vector.broadcast %logistic3A_124 : f32 to vector<16x1024xf32>
    %logistic3A_126 = arith.addf %logistic3A_125, %logistic3A_123 : vector<16x1024xf32>
    %logistic3A_127 = arith.divf %logistic3A_125, %logistic3A_126 : vector<16x1024xf32>
    %slice3A_128 = vector.extract_strided_slice %slice3A_111 {offsets = [0, 1024], sizes = [16, 1024], strides = [1, 1]} : vector<16x3072xf32> to vector<16x1024xf32>
    %slice3A_129 = vector.extract_strided_slice %dot_general3A_118 {offsets = [0, 1024], sizes = [16, 1024], strides = [1, 1]} : vector<16x3072xf32> to vector<16x1024xf32>
    %add3A_130 = arith.addf %slice3A_128, %slice3A_129 : vector<16x1024xf32>
    %logistic3A_131 = arith.negf %add3A_130 : vector<16x1024xf32>
    %logistic3A_132 = math.exp %logistic3A_131 : vector<16x1024xf32>
    %logistic3A_133 = arith.constant 1.000000e+00 : f32
    %logistic3A_134 = vector.broadcast %logistic3A_133 : f32 to vector<16x1024xf32>
    %logistic3A_135 = arith.addf %logistic3A_134, %logistic3A_132 : vector<16x1024xf32>
    %logistic3A_136 = arith.divf %logistic3A_134, %logistic3A_135 : vector<16x1024xf32>
    %slice3A_137 = vector.extract_strided_slice %slice3A_111 {offsets = [0, 2048], sizes = [16, 1024], strides = [1, 1]} : vector<16x3072xf32> to vector<16x1024xf32>
    %slice3A_138 = vector.extract_strided_slice %dot_general3A_118 {offsets = [0, 2048], sizes = [16, 1024], strides = [1, 1]} : vector<16x3072xf32> to vector<16x1024xf32>
    %get3A_139 = arith.constant 0 : index
    %get3A_140 = arith.constant 0 : index
    %get3A_141 = vector.load %arg4[%get3A_139, %get3A_140] : memref<1x1024xf32, #tpu.memory_space<vmem>>, vector<1x1024xf32>
    %add3A_142 = vector.broadcast %get3A_141 : vector<1x1024xf32> to vector<16x1024xf32>
    %add3A_143 = arith.addf %slice3A_138, %add3A_142 : vector<16x1024xf32>
    %mul3A_144 = arith.mulf %logistic3A_127, %add3A_143 : vector<16x1024xf32>
    %add3A_145 = arith.addf %slice3A_137, %mul3A_144 : vector<16x1024xf32>
    %tanh3A_146 = math.tanh %add3A_145 : vector<16x1024xf32>
    %sub3A_147 = arith.constant 1.000000e+00 : f32
    %sub3A_148 = vector.broadcast %sub3A_147 : f32 to vector<16x1024xf32>
    %sub3A_149 = arith.subf %sub3A_148, %logistic3A_136 : vector<16x1024xf32>
    %mul3A_150 = arith.mulf %sub3A_149, %tanh3A_146 : vector<16x1024xf32>
    %mul3A_151 = arith.mulf %logistic3A_136, %select_n3A_104 : vector<16x1024xf32>
    %add3A_152 = arith.addf %mul3A_150, %mul3A_151 : vector<16x1024xf32>
    %gt3A_153 = arith.constant 5.000000e-01 : f32
    %gt3A_154 = vector.broadcast %gt3A_153 : f32 to vector<16x1xf32>
    %gt3A_155 = arith.cmpf ogt, %mul3A_110, %gt3A_154 : vector<16x1xf32>
    %broadcast_in_dim3A_156 = vector.shape_cast %gt3A_155 : vector<16x1xi1> to vector<16x1xi1>
    %broadcast_in_dim3A_157 = vector.broadcast %broadcast_in_dim3A_156 : vector<16x1xi1> to vector<16x1024xi1>
    %select_n3A_158 = arith.select %broadcast_in_dim3A_157, %add3A_152, %select_n3A_104 : vector<16x1024xi1>, vector<16x1024xf32>
    %ne3A_159 = arith.constant 0 : i32
    %ne3A_160 = vector.broadcast %ne3A_159 : i32 to vector<16x1xi32>
    %ne3A_161 = arith.cmpi ne, %slice3A_112, %ne3A_160 : vector<16x1xi32>
    %convert_element_type3A_162 = arith.extui %ne3A_161 : vector<16x1xi1> to vector<16x1xi32>
    %convert_element_type3A_163 = arith.sitofp %convert_element_type3A_162 : vector<16x1xi32> to vector<16x1xf32>
    %mul3A_164 = arith.mulf %mul3A_110, %convert_element_type3A_163 : vector<16x1xf32>
    %slice3A_165 = vector.extract_strided_slice %get3A_13 {offsets = [48, 0], sizes = [16, 3072], strides = [1, 1]} : vector<256x3072xf32> to vector<16x3072xf32>
    %slice3A_166 = vector.extract_strided_slice %squeeze3A {offsets = [48, 0], sizes = [16, 1], strides = [1, 1]} : vector<256x1xi32> to vector<16x1xi32>
    %convert_element_type3A_167 = arith.truncf %select_n3A_158 : vector<16x1024xf32> to vector<16x1024xbf16>
    %get3A_168 = arith.constant 0 : index
    %get3A_169 = arith.constant 0 : index
    %get3A_170 = vector.load %arg3[%get3A_168, %get3A_169] : memref<1024x3072xbf16, #tpu.memory_space<vmem>>, vector<1024x3072xbf16>
    %dot_general3A_171 = arith.constant dense<0.000000e+00> : vector<16x3072xf32>
    %dot_general3A_172 = tpu.matmul %convert_element_type3A_167, %get3A_170, %dot_general3A_171 {dimension_numbers = #tpu.dot_dimension_numbers<[1], [0], [0], [1], [0, 0, 1, 1], [], []>, transpose_lhs_hint = false} : vector<16x1024xbf16>, vector<1024x3072xbf16>, vector<16x3072xf32> -> vector<16x3072xf32>
    %slice3A_173 = vector.extract_strided_slice %slice3A_165 {offsets = [0, 0], sizes = [16, 1024], strides = [1, 1]} : vector<16x3072xf32> to vector<16x1024xf32>
    %slice3A_174 = vector.extract_strided_slice %dot_general3A_172 {offsets = [0, 0], sizes = [16, 1024], strides = [1, 1]} : vector<16x3072xf32> to vector<16x1024xf32>
    %add3A_175 = arith.addf %slice3A_173, %slice3A_174 : vector<16x1024xf32>
    %logistic3A_176 = arith.negf %add3A_175 : vector<16x1024xf32>
    %logistic3A_177 = math.exp %logistic3A_176 : vector<16x1024xf32>
    %logistic3A_178 = arith.constant 1.000000e+00 : f32
    %logistic3A_179 = vector.broadcast %logistic3A_178 : f32 to vector<16x1024xf32>
    %logistic3A_180 = arith.addf %logistic3A_179, %logistic3A_177 : vector<16x1024xf32>
    %logistic3A_181 = arith.divf %logistic3A_179, %logistic3A_180 : vector<16x1024xf32>
    %slice3A_182 = vector.extract_strided_slice %slice3A_165 {offsets = [0, 1024], sizes = [16, 1024], strides = [1, 1]} : vector<16x3072xf32> to vector<16x1024xf32>
    %slice3A_183 = vector.extract_strided_slice %dot_general3A_172 {offsets = [0, 1024], sizes = [16, 1024], strides = [1, 1]} : vector<16x3072xf32> to vector<16x1024xf32>
    %add3A_184 = arith.addf %slice3A_182, %slice3A_183 : vector<16x1024xf32>
    %logistic3A_185 = arith.negf %add3A_184 : vector<16x1024xf32>
    %logistic3A_186 = math.exp %logistic3A_185 : vector<16x1024xf32>
    %logistic3A_187 = arith.constant 1.000000e+00 : f32
    %logistic3A_188 = vector.broadcast %logistic3A_187 : f32 to vector<16x1024xf32>
    %logistic3A_189 = arith.addf %logistic3A_188, %logistic3A_186 : vector<16x1024xf32>
    %logistic3A_190 = arith.divf %logistic3A_188, %logistic3A_189 : vector<16x1024xf32>
    %slice3A_191 = vector.extract_strided_slice %slice3A_165 {offsets = [0, 2048], sizes = [16, 1024], strides = [1, 1]} : vector<16x3072xf32> to vector<16x1024xf32>
    %slice3A_192 = vector.extract_strided_slice %dot_general3A_172 {offsets = [0, 2048], sizes = [16, 1024], strides = [1, 1]} : vector<16x3072xf32> to vector<16x1024xf32>
    %get3A_193 = arith.constant 0 : index
    %get3A_194 = arith.constant 0 : index
    %get3A_195 = vector.load %arg4[%get3A_193, %get3A_194] : memref<1x1024xf32, #tpu.memory_space<vmem>>, vector<1x1024xf32>
    %add3A_196 = vector.broadcast %get3A_195 : vector<1x1024xf32> to vector<16x1024xf32>
    %add3A_197 = arith.addf %slice3A_192, %add3A_196 : vector<16x1024xf32>
    %mul3A_198 = arith.mulf %logistic3A_181, %add3A_197 : vector<16x1024xf32>
    %add3A_199 = arith.addf %slice3A_191, %mul3A_198 : vector<16x1024xf32>
    %tanh3A_200 = math.tanh %add3A_199 : vector<16x1024xf32>
    %sub3A_201 = arith.constant 1.000000e+00 : f32
    %sub3A_202 = vector.broadcast %sub3A_201 : f32 to vector<16x1024xf32>
    %sub3A_203 = arith.subf %sub3A_202, %logistic3A_190 : vector<16x1024xf32>
    %mul3A_204 = arith.mulf %sub3A_203, %tanh3A_200 : vector<16x1024xf32>
    %mul3A_205 = arith.mulf %logistic3A_190, %select_n3A_158 : vector<16x1024xf32>
    %add3A_206 = arith.addf %mul3A_204, %mul3A_205 : vector<16x1024xf32>
    %gt3A_207 = arith.constant 5.000000e-01 : f32
    %gt3A_208 = vector.broadcast %gt3A_207 : f32 to vector<16x1xf32>
    %gt3A_209 = arith.cmpf ogt, %mul3A_164, %gt3A_208 : vector<16x1xf32>
    %broadcast_in_dim3A_210 = vector.shape_cast %gt3A_209 : vector<16x1xi1> to vector<16x1xi1>
    %broadcast_in_dim3A_211 = vector.broadcast %broadcast_in_dim3A_210 : vector<16x1xi1> to vector<16x1024xi1>
    %select_n3A_212 = arith.select %broadcast_in_dim3A_211, %add3A_206, %select_n3A_158 : vector<16x1024xi1>, vector<16x1024xf32>
    %ne3A_213 = arith.constant 0 : i32
    %ne3A_214 = vector.broadcast %ne3A_213 : i32 to vector<16x1xi32>
    %ne3A_215 = arith.cmpi ne, %slice3A_166, %ne3A_214 : vector<16x1xi32>
    %convert_element_type3A_216 = arith.extui %ne3A_215 : vector<16x1xi1> to vector<16x1xi32>
    %convert_element_type3A_217 = arith.sitofp %convert_element_type3A_216 : vector<16x1xi32> to vector<16x1xf32>
    %mul3A_218 = arith.mulf %mul3A_164, %convert_element_type3A_217 : vector<16x1xf32>
    %slice3A_219 = vector.extract_strided_slice %get3A_13 {offsets = [64, 0], sizes = [16, 3072], strides = [1, 1]} : vector<256x3072xf32> to vector<16x3072xf32>
    %slice3A_220 = vector.extract_strided_slice %squeeze3A {offsets = [64, 0], sizes = [16, 1], strides = [1, 1]} : vector<256x1xi32> to vector<16x1xi32>
    %convert_element_type3A_221 = arith.truncf %select_n3A_212 : vector<16x1024xf32> to vector<16x1024xbf16>
    %get3A_222 = arith.constant 0 : index
    %get3A_223 = arith.constant 0 : index
    %get3A_224 = vector.load %arg3[%get3A_222, %get3A_223] : memref<1024x3072xbf16, #tpu.memory_space<vmem>>, vector<1024x3072xbf16>
    %dot_general3A_225 = arith.constant dense<0.000000e+00> : vector<16x3072xf32>
    %dot_general3A_226 = tpu.matmul %convert_element_type3A_221, %get3A_224, %dot_general3A_225 {dimension_numbers = #tpu.dot_dimension_numbers<[1], [0], [0], [1], [0, 0, 1, 1], [], []>, transpose_lhs_hint = false} : vector<16x1024xbf16>, vector<1024x3072xbf16>, vector<16x3072xf32> -> vector<16x3072xf32>
    %slice3A_227 = vector.extract_strided_slice %slice3A_219 {offsets = [0, 0], sizes = [16, 1024], strides = [1, 1]} : vector<16x3072xf32> to vector<16x1024xf32>
    %slice3A_228 = vector.extract_strided_slice %dot_general3A_226 {offsets = [0, 0], sizes = [16, 1024], strides = [1, 1]} : vector<16x3072xf32> to vector<16x1024xf32>
    %add3A_229 = arith.addf %slice3A_227, %slice3A_228 : vector<16x1024xf32>
    %logistic3A_230 = arith.negf %add3A_229 : vector<16x1024xf32>
    %logistic3A_231 = math.exp %logistic3A_230 : vector<16x1024xf32>
    %logistic3A_232 = arith.constant 1.000000e+00 : f32
    %logistic3A_233 = vector.broadcast %logistic3A_232 : f32 to vector<16x1024xf32>
    %logistic3A_234 = arith.addf %logistic3A_233, %logistic3A_231 : vector<16x1024xf32>
    %logistic3A_235 = arith.divf %logistic3A_233, %logistic3A_234 : vector<16x1024xf32>
    %slice3A_236 = vector.extract_strided_slice %slice3A_219 {offsets = [0, 1024], sizes = [16, 1024], strides = [1, 1]} : vector<16x3072xf32> to vector<16x1024xf32>
    %slice3A_237 = vector.extract_strided_slice %dot_general3A_226 {offsets = [0, 1024], sizes = [16, 1024], strides = [1, 1]} : vector<16x3072xf32> to vector<16x1024xf32>
    %add3A_238 = arith.addf %slice3A_236, %slice3A_237 : vector<16x1024xf32>
    %logistic3A_239 = arith.negf %add3A_238 : vector<16x1024xf32>
    %logistic3A_240 = math.exp %logistic3A_239 : vector<16x1024xf32>
    %logistic3A_241 = arith.constant 1.000000e+00 : f32
    %logistic3A_242 = vector.broadcast %logistic3A_241 : f32 to vector<16x1024xf32>
    %logistic3A_243 = arith.addf %logistic3A_242, %logistic3A_240 : vector<16x1024xf32>
    %logistic3A_244 = arith.divf %logistic3A_242, %logistic3A_243 : vector<16x1024xf32>
    %slice3A_245 = vector.extract_strided_slice %slice3A_219 {offsets = [0, 2048], sizes = [16, 1024], strides = [1, 1]} : vector<16x3072xf32> to vector<16x1024xf32>
    %slice3A_246 = vector.extract_strided_slice %dot_general3A_226 {offsets = [0, 2048], sizes = [16, 1024], strides = [1, 1]} : vector<16x3072xf32> to vector<16x1024xf32>
    %get3A_247 = arith.constant 0 : index
    %get3A_248 = arith.constant 0 : index
    %get3A_249 = vector.load %arg4[%get3A_247, %get3A_248] : memref<1x1024xf32, #tpu.memory_space<vmem>>, vector<1x1024xf32>
    %add3A_250 = vector.broadcast %get3A_249 : vector<1x1024xf32> to vector<16x1024xf32>
    %add3A_251 = arith.addf %slice3A_246, %add3A_250 : vector<16x1024xf32>
    %mul3A_252 = arith.mulf %logistic3A_235, %add3A_251 : vector<16x1024xf32>
    %add3A_253 = arith.addf %slice3A_245, %mul3A_252 : vector<16x1024xf32>
    %tanh3A_254 = math.tanh %add3A_253 : vector<16x1024xf32>
    %sub3A_255 = arith.constant 1.000000e+00 : f32
    %sub3A_256 = vector.broadcast %sub3A_255 : f32 to vector<16x1024xf32>
    %sub3A_257 = arith.subf %sub3A_256, %logistic3A_244 : vector<16x1024xf32>
    %mul3A_258 = arith.mulf %sub3A_257, %tanh3A_254 : vector<16x1024xf32>
    %mul3A_259 = arith.mulf %logistic3A_244, %select_n3A_212 : vector<16x1024xf32>
    %add3A_260 = arith.addf %mul3A_258, %mul3A_259 : vector<16x1024xf32>
    %gt3A_261 = arith.constant 5.000000e-01 : f32
    %gt3A_262 = vector.broadcast %gt3A_261 : f32 to vector<16x1xf32>
    %gt3A_263 = arith.cmpf ogt, %mul3A_218, %gt3A_262 : vector<16x1xf32>
    %broadcast_in_dim3A_264 = vector.shape_cast %gt3A_263 : vector<16x1xi1> to vector<16x1xi1>
    %broadcast_in_dim3A_265 = vector.broadcast %broadcast_in_dim3A_264 : vector<16x1xi1> to vector<16x1024xi1>
    %select_n3A_266 = arith.select %broadcast_in_dim3A_265, %add3A_260, %select_n3A_212 : vector<16x1024xi1>, vector<16x1024xf32>
    %ne3A_267 = arith.constant 0 : i32
    %ne3A_268 = vector.broadcast %ne3A_267 : i32 to vector<16x1xi32>
    %ne3A_269 = arith.cmpi ne, %slice3A_220, %ne3A_268 : vector<16x1xi32>
    %convert_element_type3A_270 = arith.extui %ne3A_269 : vector<16x1xi1> to vector<16x1xi32>
    %convert_element_type3A_271 = arith.sitofp %convert_element_type3A_270 : vector<16x1xi32> to vector<16x1xf32>
    %mul3A_272 = arith.mulf %mul3A_218, %convert_element_type3A_271 : vector<16x1xf32>
    %slice3A_273 = vector.extract_strided_slice %get3A_13 {offsets = [80, 0], sizes = [16, 3072], strides = [1, 1]} : vector<256x3072xf32> to vector<16x3072xf32>
    %slice3A_274 = vector.extract_strided_slice %squeeze3A {offsets = [80, 0], sizes = [16, 1], strides = [1, 1]} : vector<256x1xi32> to vector<16x1xi32>
    %convert_element_type3A_275 = arith.truncf %select_n3A_266 : vector<16x1024xf32> to vector<16x1024xbf16>
    %get3A_276 = arith.constant 0 : index
    %get3A_277 = arith.constant 0 : index
    %get3A_278 = vector.load %arg3[%get3A_276, %get3A_277] : memref<1024x3072xbf16, #tpu.memory_space<vmem>>, vector<1024x3072xbf16>
    %dot_general3A_279 = arith.constant dense<0.000000e+00> : vector<16x3072xf32>
    %dot_general3A_280 = tpu.matmul %convert_element_type3A_275, %get3A_278, %dot_general3A_279 {dimension_numbers = #tpu.dot_dimension_numbers<[1], [0], [0], [1], [0, 0, 1, 1], [], []>, transpose_lhs_hint = false} : vector<16x1024xbf16>, vector<1024x3072xbf16>, vector<16x3072xf32> -> vector<16x3072xf32>
    %slice3A_281 = vector.extract_strided_slice %slice3A_273 {offsets = [0, 0], sizes = [16, 1024], strides = [1, 1]} : vector<16x3072xf32> to vector<16x1024xf32>
    %slice3A_282 = vector.extract_strided_slice %dot_general3A_280 {offsets = [0, 0], sizes = [16, 1024], strides = [1, 1]} : vector<16x3072xf32> to vector<16x1024xf32>
    %add3A_283 = arith.addf %slice3A_281, %slice3A_282 : vector<16x1024xf32>
    %logistic3A_284 = arith.negf %add3A_283 : vector<16x1024xf32>
    %logistic3A_285 = math.exp %logistic3A_284 : vector<16x1024xf32>
    %logistic3A_286 = arith.constant 1.000000e+00 : f32
    %logistic3A_287 = vector.broadcast %logistic3A_286 : f32 to vector<16x1024xf32>
    %logistic3A_288 = arith.addf %logistic3A_287, %logistic3A_285 : vector<16x1024xf32>
    %logistic3A_289 = arith.divf %logistic3A_287, %logistic3A_288 : vector<16x1024xf32>
    %slice3A_290 = vector.extract_strided_slice %slice3A_273 {offsets = [0, 1024], sizes = [16, 1024], strides = [1, 1]} : vector<16x3072xf32> to vector<16x1024xf32>
    %slice3A_291 = vector.extract_strided_slice %dot_general3A_280 {offsets = [0, 1024], sizes = [16, 1024], strides = [1, 1]} : vector<16x3072xf32> to vector<16x1024xf32>
    %add3A_292 = arith.addf %slice3A_290, %slice3A_291 : vector<16x1024xf32>
    %logistic3A_293 = arith.negf %add3A_292 : vector<16x1024xf32>
    %logistic3A_294 = math.exp %logistic3A_293 : vector<16x1024xf32>
    %logistic3A_295 = arith.constant 1.000000e+00 : f32
    %logistic3A_296 = vector.broadcast %logistic3A_295 : f32 to vector<16x1024xf32>
    %logistic3A_297 = arith.addf %logistic3A_296, %logistic3A_294 : vector<16x1024xf32>
    %logistic3A_298 = arith.divf %logistic3A_296, %logistic3A_297 : vector<16x1024xf32>
    %slice3A_299 = vector.extract_strided_slice %slice3A_273 {offsets = [0, 2048], sizes = [16, 1024], strides = [1, 1]} : vector<16x3072xf32> to vector<16x1024xf32>
    %slice3A_300 = vector.extract_strided_slice %dot_general3A_280 {offsets = [0, 2048], sizes = [16, 1024], strides = [1, 1]} : vector<16x3072xf32> to vector<16x1024xf32>
    %get3A_301 = arith.constant 0 : index
    %get3A_302 = arith.constant 0 : index
    %get3A_303 = vector.load %arg4[%get3A_301, %get3A_302] : memref<1x1024xf32, #tpu.memory_space<vmem>>, vector<1x1024xf32>
    %add3A_304 = vector.broadcast %get3A_303 : vector<1x1024xf32> to vector<16x1024xf32>
    %add3A_305 = arith.addf %slice3A_300, %add3A_304 : vector<16x1024xf32>
    %mul3A_306 = arith.mulf %logistic3A_289, %add3A_305 : vector<16x1024xf32>
    %add3A_307 = arith.addf %slice3A_299, %mul3A_306 : vector<16x1024xf32>
    %tanh3A_308 = math.tanh %add3A_307 : vector<16x1024xf32>
    %sub3A_309 = arith.constant 1.000000e+00 : f32
    %sub3A_310 = vector.broadcast %sub3A_309 : f32 to vector<16x1024xf32>
    %sub3A_311 = arith.subf %sub3A_310, %logistic3A_298 : vector<16x1024xf32>
    %mul3A_312 = arith.mulf %sub3A_311, %tanh3A_308 : vector<16x1024xf32>
    %mul3A_313 = arith.mulf %logistic3A_298, %select_n3A_266 : vector<16x1024xf32>
    %add3A_314 = arith.addf %mul3A_312, %mul3A_313 : vector<16x1024xf32>
    %gt3A_315 = arith.constant 5.000000e-01 : f32
    %gt3A_316 = vector.broadcast %gt3A_315 : f32 to vector<16x1xf32>
    %gt3A_317 = arith.cmpf ogt, %mul3A_272, %gt3A_316 : vector<16x1xf32>
    %broadcast_in_dim3A_318 = vector.shape_cast %gt3A_317 : vector<16x1xi1> to vector<16x1xi1>
    %broadcast_in_dim3A_319 = vector.broadcast %broadcast_in_dim3A_318 : vector<16x1xi1> to vector<16x1024xi1>
    %select_n3A_320 = arith.select %broadcast_in_dim3A_319, %add3A_314, %select_n3A_266 : vector<16x1024xi1>, vector<16x1024xf32>
    %ne3A_321 = arith.constant 0 : i32
    %ne3A_322 = vector.broadcast %ne3A_321 : i32 to vector<16x1xi32>
    %ne3A_323 = arith.cmpi ne, %slice3A_274, %ne3A_322 : vector<16x1xi32>
    %convert_element_type3A_324 = arith.extui %ne3A_323 : vector<16x1xi1> to vector<16x1xi32>
    %convert_element_type3A_325 = arith.sitofp %convert_element_type3A_324 : vector<16x1xi32> to vector<16x1xf32>
    %mul3A_326 = arith.mulf %mul3A_272, %convert_element_type3A_325 : vector<16x1xf32>
    %slice3A_327 = vector.extract_strided_slice %get3A_13 {offsets = [96, 0], sizes = [16, 3072], strides = [1, 1]} : vector<256x3072xf32> to vector<16x3072xf32>
    %slice3A_328 = vector.extract_strided_slice %squeeze3A {offsets = [96, 0], sizes = [16, 1], strides = [1, 1]} : vector<256x1xi32> to vector<16x1xi32>
    %convert_element_type3A_329 = arith.truncf %select_n3A_320 : vector<16x1024xf32> to vector<16x1024xbf16>
    %get3A_330 = arith.constant 0 : index
    %get3A_331 = arith.constant 0 : index
    %get3A_332 = vector.load %arg3[%get3A_330, %get3A_331] : memref<1024x3072xbf16, #tpu.memory_space<vmem>>, vector<1024x3072xbf16>
    %dot_general3A_333 = arith.constant dense<0.000000e+00> : vector<16x3072xf32>
    %dot_general3A_334 = tpu.matmul %convert_element_type3A_329, %get3A_332, %dot_general3A_333 {dimension_numbers = #tpu.dot_dimension_numbers<[1], [0], [0], [1], [0, 0, 1, 1], [], []>, transpose_lhs_hint = false} : vector<16x1024xbf16>, vector<1024x3072xbf16>, vector<16x3072xf32> -> vector<16x3072xf32>
    %slice3A_335 = vector.extract_strided_slice %slice3A_327 {offsets = [0, 0], sizes = [16, 1024], strides = [1, 1]} : vector<16x3072xf32> to vector<16x1024xf32>
    %slice3A_336 = vector.extract_strided_slice %dot_general3A_334 {offsets = [0, 0], sizes = [16, 1024], strides = [1, 1]} : vector<16x3072xf32> to vector<16x1024xf32>
    %add3A_337 = arith.addf %slice3A_335, %slice3A_336 : vector<16x1024xf32>
    %logistic3A_338 = arith.negf %add3A_337 : vector<16x1024xf32>
    %logistic3A_339 = math.exp %logistic3A_338 : vector<16x1024xf32>
    %logistic3A_340 = arith.constant 1.000000e+00 : f32
    %logistic3A_341 = vector.broadcast %logistic3A_340 : f32 to vector<16x1024xf32>
    %logistic3A_342 = arith.addf %logistic3A_341, %logistic3A_339 : vector<16x1024xf32>
    %logistic3A_343 = arith.divf %logistic3A_341, %logistic3A_342 : vector<16x1024xf32>
    %slice3A_344 = vector.extract_strided_slice %slice3A_327 {offsets = [0, 1024], sizes = [16, 1024], strides = [1, 1]} : vector<16x3072xf32> to vector<16x1024xf32>
    %slice3A_345 = vector.extract_strided_slice %dot_general3A_334 {offsets = [0, 1024], sizes = [16, 1024], strides = [1, 1]} : vector<16x3072xf32> to vector<16x1024xf32>
    %add3A_346 = arith.addf %slice3A_344, %slice3A_345 : vector<16x1024xf32>
    %logistic3A_347 = arith.negf %add3A_346 : vector<16x1024xf32>
    %logistic3A_348 = math.exp %logistic3A_347 : vector<16x1024xf32>
    %logistic3A_349 = arith.constant 1.000000e+00 : f32
    %logistic3A_350 = vector.broadcast %logistic3A_349 : f32 to vector<16x1024xf32>
    %logistic3A_351 = arith.addf %logistic3A_350, %logistic3A_348 : vector<16x1024xf32>
    %logistic3A_352 = arith.divf %logistic3A_350, %logistic3A_351 : vector<16x1024xf32>
    %slice3A_353 = vector.extract_strided_slice %slice3A_327 {offsets = [0, 2048], sizes = [16, 1024], strides = [1, 1]} : vector<16x3072xf32> to vector<16x1024xf32>
    %slice3A_354 = vector.extract_strided_slice %dot_general3A_334 {offsets = [0, 2048], sizes = [16, 1024], strides = [1, 1]} : vector<16x3072xf32> to vector<16x1024xf32>
    %get3A_355 = arith.constant 0 : index
    %get3A_356 = arith.constant 0 : index
    %get3A_357 = vector.load %arg4[%get3A_355, %get3A_356] : memref<1x1024xf32, #tpu.memory_space<vmem>>, vector<1x1024xf32>
    %add3A_358 = vector.broadcast %get3A_357 : vector<1x1024xf32> to vector<16x1024xf32>
    %add3A_359 = arith.addf %slice3A_354, %add3A_358 : vector<16x1024xf32>
    %mul3A_360 = arith.mulf %logistic3A_343, %add3A_359 : vector<16x1024xf32>
    %add3A_361 = arith.addf %slice3A_353, %mul3A_360 : vector<16x1024xf32>
    %tanh3A_362 = math.tanh %add3A_361 : vector<16x1024xf32>
    %sub3A_363 = arith.constant 1.000000e+00 : f32
    %sub3A_364 = vector.broadcast %sub3A_363 : f32 to vector<16x1024xf32>
    %sub3A_365 = arith.subf %sub3A_364, %logistic3A_352 : vector<16x1024xf32>
    %mul3A_366 = arith.mulf %sub3A_365, %tanh3A_362 : vector<16x1024xf32>
    %mul3A_367 = arith.mulf %logistic3A_352, %select_n3A_320 : vector<16x1024xf32>
    %add3A_368 = arith.addf %mul3A_366, %mul3A_367 : vector<16x1024xf32>
    %gt3A_369 = arith.constant 5.000000e-01 : f32
    %gt3A_370 = vector.broadcast %gt3A_369 : f32 to vector<16x1xf32>
    %gt3A_371 = arith.cmpf ogt, %mul3A_326, %gt3A_370 : vector<16x1xf32>
    %broadcast_in_dim3A_372 = vector.shape_cast %gt3A_371 : vector<16x1xi1> to vector<16x1xi1>
    %broadcast_in_dim3A_373 = vector.broadcast %broadcast_in_dim3A_372 : vector<16x1xi1> to vector<16x1024xi1>
    %select_n3A_374 = arith.select %broadcast_in_dim3A_373, %add3A_368, %select_n3A_320 : vector<16x1024xi1>, vector<16x1024xf32>
    %ne3A_375 = arith.constant 0 : i32
    %ne3A_376 = vector.broadcast %ne3A_375 : i32 to vector<16x1xi32>
    %ne3A_377 = arith.cmpi ne, %slice3A_328, %ne3A_376 : vector<16x1xi32>
    %convert_element_type3A_378 = arith.extui %ne3A_377 : vector<16x1xi1> to vector<16x1xi32>
    %convert_element_type3A_379 = arith.sitofp %convert_element_type3A_378 : vector<16x1xi32> to vector<16x1xf32>
    %mul3A_380 = arith.mulf %mul3A_326, %convert_element_type3A_379 : vector<16x1xf32>
    %slice3A_381 = vector.extract_strided_slice %get3A_13 {offsets = [112, 0], sizes = [16, 3072], strides = [1, 1]} : vector<256x3072xf32> to vector<16x3072xf32>
    %slice3A_382 = vector.extract_strided_slice %squeeze3A {offsets = [112, 0], sizes = [16, 1], strides = [1, 1]} : vector<256x1xi32> to vector<16x1xi32>
    %convert_element_type3A_383 = arith.truncf %select_n3A_374 : vector<16x1024xf32> to vector<16x1024xbf16>
    %get3A_384 = arith.constant 0 : index
    %get3A_385 = arith.constant 0 : index
    %get3A_386 = vector.load %arg3[%get3A_384, %get3A_385] : memref<1024x3072xbf16, #tpu.memory_space<vmem>>, vector<1024x3072xbf16>
    %dot_general3A_387 = arith.constant dense<0.000000e+00> : vector<16x3072xf32>
    %dot_general3A_388 = tpu.matmul %convert_element_type3A_383, %get3A_386, %dot_general3A_387 {dimension_numbers = #tpu.dot_dimension_numbers<[1], [0], [0], [1], [0, 0, 1, 1], [], []>, transpose_lhs_hint = false} : vector<16x1024xbf16>, vector<1024x3072xbf16>, vector<16x3072xf32> -> vector<16x3072xf32>
    %slice3A_389 = vector.extract_strided_slice %slice3A_381 {offsets = [0, 0], sizes = [16, 1024], strides = [1, 1]} : vector<16x3072xf32> to vector<16x1024xf32>
    %slice3A_390 = vector.extract_strided_slice %dot_general3A_388 {offsets = [0, 0], sizes = [16, 1024], strides = [1, 1]} : vector<16x3072xf32> to vector<16x1024xf32>
    %add3A_391 = arith.addf %slice3A_389, %slice3A_390 : vector<16x1024xf32>
    %logistic3A_392 = arith.negf %add3A_391 : vector<16x1024xf32>
    %logistic3A_393 = math.exp %logistic3A_392 : vector<16x1024xf32>
    %logistic3A_394 = arith.constant 1.000000e+00 : f32
    %logistic3A_395 = vector.broadcast %logistic3A_394 : f32 to vector<16x1024xf32>
    %logistic3A_396 = arith.addf %logistic3A_395, %logistic3A_393 : vector<16x1024xf32>
    %logistic3A_397 = arith.divf %logistic3A_395, %logistic3A_396 : vector<16x1024xf32>
    %slice3A_398 = vector.extract_strided_slice %slice3A_381 {offsets = [0, 1024], sizes = [16, 1024], strides = [1, 1]} : vector<16x3072xf32> to vector<16x1024xf32>
    %slice3A_399 = vector.extract_strided_slice %dot_general3A_388 {offsets = [0, 1024], sizes = [16, 1024], strides = [1, 1]} : vector<16x3072xf32> to vector<16x1024xf32>
    %add3A_400 = arith.addf %slice3A_398, %slice3A_399 : vector<16x1024xf32>
    %logistic3A_401 = arith.negf %add3A_400 : vector<16x1024xf32>
    %logistic3A_402 = math.exp %logistic3A_401 : vector<16x1024xf32>
    %logistic3A_403 = arith.constant 1.000000e+00 : f32
    %logistic3A_404 = vector.broadcast %logistic3A_403 : f32 to vector<16x1024xf32>
    %logistic3A_405 = arith.addf %logistic3A_404, %logistic3A_402 : vector<16x1024xf32>
    %logistic3A_406 = arith.divf %logistic3A_404, %logistic3A_405 : vector<16x1024xf32>
    %slice3A_407 = vector.extract_strided_slice %slice3A_381 {offsets = [0, 2048], sizes = [16, 1024], strides = [1, 1]} : vector<16x3072xf32> to vector<16x1024xf32>
    %slice3A_408 = vector.extract_strided_slice %dot_general3A_388 {offsets = [0, 2048], sizes = [16, 1024], strides = [1, 1]} : vector<16x3072xf32> to vector<16x1024xf32>
    %get3A_409 = arith.constant 0 : index
    %get3A_410 = arith.constant 0 : index
    %get3A_411 = vector.load %arg4[%get3A_409, %get3A_410] : memref<1x1024xf32, #tpu.memory_space<vmem>>, vector<1x1024xf32>
    %add3A_412 = vector.broadcast %get3A_411 : vector<1x1024xf32> to vector<16x1024xf32>
    %add3A_413 = arith.addf %slice3A_408, %add3A_412 : vector<16x1024xf32>
    %mul3A_414 = arith.mulf %logistic3A_397, %add3A_413 : vector<16x1024xf32>
    %add3A_415 = arith.addf %slice3A_407, %mul3A_414 : vector<16x1024xf32>
    %tanh3A_416 = math.tanh %add3A_415 : vector<16x1024xf32>
    %sub3A_417 = arith.constant 1.000000e+00 : f32
    %sub3A_418 = vector.broadcast %sub3A_417 : f32 to vector<16x1024xf32>
    %sub3A_419 = arith.subf %sub3A_418, %logistic3A_406 : vector<16x1024xf32>
    %mul3A_420 = arith.mulf %sub3A_419, %tanh3A_416 : vector<16x1024xf32>
    %mul3A_421 = arith.mulf %logistic3A_406, %select_n3A_374 : vector<16x1024xf32>
    %add3A_422 = arith.addf %mul3A_420, %mul3A_421 : vector<16x1024xf32>
    %gt3A_423 = arith.constant 5.000000e-01 : f32
    %gt3A_424 = vector.broadcast %gt3A_423 : f32 to vector<16x1xf32>
    %gt3A_425 = arith.cmpf ogt, %mul3A_380, %gt3A_424 : vector<16x1xf32>
    %broadcast_in_dim3A_426 = vector.shape_cast %gt3A_425 : vector<16x1xi1> to vector<16x1xi1>
    %broadcast_in_dim3A_427 = vector.broadcast %broadcast_in_dim3A_426 : vector<16x1xi1> to vector<16x1024xi1>
    %select_n3A_428 = arith.select %broadcast_in_dim3A_427, %add3A_422, %select_n3A_374 : vector<16x1024xi1>, vector<16x1024xf32>
    %ne3A_429 = arith.constant 0 : i32
    %ne3A_430 = vector.broadcast %ne3A_429 : i32 to vector<16x1xi32>
    %ne3A_431 = arith.cmpi ne, %slice3A_382, %ne3A_430 : vector<16x1xi32>
    %convert_element_type3A_432 = arith.extui %ne3A_431 : vector<16x1xi1> to vector<16x1xi32>
    %convert_element_type3A_433 = arith.sitofp %convert_element_type3A_432 : vector<16x1xi32> to vector<16x1xf32>
    %mul3A_434 = arith.mulf %mul3A_380, %convert_element_type3A_433 : vector<16x1xf32>
    %slice3A_435 = vector.extract_strided_slice %get3A_13 {offsets = [128, 0], sizes = [16, 3072], strides = [1, 1]} : vector<256x3072xf32> to vector<16x3072xf32>
    %slice3A_436 = vector.extract_strided_slice %squeeze3A {offsets = [128, 0], sizes = [16, 1], strides = [1, 1]} : vector<256x1xi32> to vector<16x1xi32>
    %convert_element_type3A_437 = arith.truncf %select_n3A_428 : vector<16x1024xf32> to vector<16x1024xbf16>
    %get3A_438 = arith.constant 0 : index
    %get3A_439 = arith.constant 0 : index
    %get3A_440 = vector.load %arg3[%get3A_438, %get3A_439] : memref<1024x3072xbf16, #tpu.memory_space<vmem>>, vector<1024x3072xbf16>
    %dot_general3A_441 = arith.constant dense<0.000000e+00> : vector<16x3072xf32>
    %dot_general3A_442 = tpu.matmul %convert_element_type3A_437, %get3A_440, %dot_general3A_441 {dimension_numbers = #tpu.dot_dimension_numbers<[1], [0], [0], [1], [0, 0, 1, 1], [], []>, transpose_lhs_hint = false} : vector<16x1024xbf16>, vector<1024x3072xbf16>, vector<16x3072xf32> -> vector<16x3072xf32>
    %slice3A_443 = vector.extract_strided_slice %slice3A_435 {offsets = [0, 0], sizes = [16, 1024], strides = [1, 1]} : vector<16x3072xf32> to vector<16x1024xf32>
    %slice3A_444 = vector.extract_strided_slice %dot_general3A_442 {offsets = [0, 0], sizes = [16, 1024], strides = [1, 1]} : vector<16x3072xf32> to vector<16x1024xf32>
    %add3A_445 = arith.addf %slice3A_443, %slice3A_444 : vector<16x1024xf32>
    %logistic3A_446 = arith.negf %add3A_445 : vector<16x1024xf32>
    %logistic3A_447 = math.exp %logistic3A_446 : vector<16x1024xf32>
    %logistic3A_448 = arith.constant 1.000000e+00 : f32
    %logistic3A_449 = vector.broadcast %logistic3A_448 : f32 to vector<16x1024xf32>
    %logistic3A_450 = arith.addf %logistic3A_449, %logistic3A_447 : vector<16x1024xf32>
    %logistic3A_451 = arith.divf %logistic3A_449, %logistic3A_450 : vector<16x1024xf32>
    %slice3A_452 = vector.extract_strided_slice %slice3A_435 {offsets = [0, 1024], sizes = [16, 1024], strides = [1, 1]} : vector<16x3072xf32> to vector<16x1024xf32>
    %slice3A_453 = vector.extract_strided_slice %dot_general3A_442 {offsets = [0, 1024], sizes = [16, 1024], strides = [1, 1]} : vector<16x3072xf32> to vector<16x1024xf32>
    %add3A_454 = arith.addf %slice3A_452, %slice3A_453 : vector<16x1024xf32>
    %logistic3A_455 = arith.negf %add3A_454 : vector<16x1024xf32>
    %logistic3A_456 = math.exp %logistic3A_455 : vector<16x1024xf32>
    %logistic3A_457 = arith.constant 1.000000e+00 : f32
    %logistic3A_458 = vector.broadcast %logistic3A_457 : f32 to vector<16x1024xf32>
    %logistic3A_459 = arith.addf %logistic3A_458, %logistic3A_456 : vector<16x1024xf32>
    %logistic3A_460 = arith.divf %logistic3A_458, %logistic3A_459 : vector<16x1024xf32>
    %slice3A_461 = vector.extract_strided_slice %slice3A_435 {offsets = [0, 2048], sizes = [16, 1024], strides = [1, 1]} : vector<16x3072xf32> to vector<16x1024xf32>
    %slice3A_462 = vector.extract_strided_slice %dot_general3A_442 {offsets = [0, 2048], sizes = [16, 1024], strides = [1, 1]} : vector<16x3072xf32> to vector<16x1024xf32>
    %get3A_463 = arith.constant 0 : index
    %get3A_464 = arith.constant 0 : index
    %get3A_465 = vector.load %arg4[%get3A_463, %get3A_464] : memref<1x1024xf32, #tpu.memory_space<vmem>>, vector<1x1024xf32>
    %add3A_466 = vector.broadcast %get3A_465 : vector<1x1024xf32> to vector<16x1024xf32>
    %add3A_467 = arith.addf %slice3A_462, %add3A_466 : vector<16x1024xf32>
    %mul3A_468 = arith.mulf %logistic3A_451, %add3A_467 : vector<16x1024xf32>
    %add3A_469 = arith.addf %slice3A_461, %mul3A_468 : vector<16x1024xf32>
    %tanh3A_470 = math.tanh %add3A_469 : vector<16x1024xf32>
    %sub3A_471 = arith.constant 1.000000e+00 : f32
    %sub3A_472 = vector.broadcast %sub3A_471 : f32 to vector<16x1024xf32>
    %sub3A_473 = arith.subf %sub3A_472, %logistic3A_460 : vector<16x1024xf32>
    %mul3A_474 = arith.mulf %sub3A_473, %tanh3A_470 : vector<16x1024xf32>
    %mul3A_475 = arith.mulf %logistic3A_460, %select_n3A_428 : vector<16x1024xf32>
    %add3A_476 = arith.addf %mul3A_474, %mul3A_475 : vector<16x1024xf32>
    %gt3A_477 = arith.constant 5.000000e-01 : f32
    %gt3A_478 = vector.broadcast %gt3A_477 : f32 to vector<16x1xf32>
    %gt3A_479 = arith.cmpf ogt, %mul3A_434, %gt3A_478 : vector<16x1xf32>
    %broadcast_in_dim3A_480 = vector.shape_cast %gt3A_479 : vector<16x1xi1> to vector<16x1xi1>
    %broadcast_in_dim3A_481 = vector.broadcast %broadcast_in_dim3A_480 : vector<16x1xi1> to vector<16x1024xi1>
    %select_n3A_482 = arith.select %broadcast_in_dim3A_481, %add3A_476, %select_n3A_428 : vector<16x1024xi1>, vector<16x1024xf32>
    %ne3A_483 = arith.constant 0 : i32
    %ne3A_484 = vector.broadcast %ne3A_483 : i32 to vector<16x1xi32>
    %ne3A_485 = arith.cmpi ne, %slice3A_436, %ne3A_484 : vector<16x1xi32>
    %convert_element_type3A_486 = arith.extui %ne3A_485 : vector<16x1xi1> to vector<16x1xi32>
    %convert_element_type3A_487 = arith.sitofp %convert_element_type3A_486 : vector<16x1xi32> to vector<16x1xf32>
    %mul3A_488 = arith.mulf %mul3A_434, %convert_element_type3A_487 : vector<16x1xf32>
    %slice3A_489 = vector.extract_strided_slice %get3A_13 {offsets = [144, 0], sizes = [16, 3072], strides = [1, 1]} : vector<256x3072xf32> to vector<16x3072xf32>
    %slice3A_490 = vector.extract_strided_slice %squeeze3A {offsets = [144, 0], sizes = [16, 1], strides = [1, 1]} : vector<256x1xi32> to vector<16x1xi32>
    %convert_element_type3A_491 = arith.truncf %select_n3A_482 : vector<16x1024xf32> to vector<16x1024xbf16>
    %get3A_492 = arith.constant 0 : index
    %get3A_493 = arith.constant 0 : index
    %get3A_494 = vector.load %arg3[%get3A_492, %get3A_493] : memref<1024x3072xbf16, #tpu.memory_space<vmem>>, vector<1024x3072xbf16>
    %dot_general3A_495 = arith.constant dense<0.000000e+00> : vector<16x3072xf32>
    %dot_general3A_496 = tpu.matmul %convert_element_type3A_491, %get3A_494, %dot_general3A_495 {dimension_numbers = #tpu.dot_dimension_numbers<[1], [0], [0], [1], [0, 0, 1, 1], [], []>, transpose_lhs_hint = false} : vector<16x1024xbf16>, vector<1024x3072xbf16>, vector<16x3072xf32> -> vector<16x3072xf32>
    %slice3A_497 = vector.extract_strided_slice %slice3A_489 {offsets = [0, 0], sizes = [16, 1024], strides = [1, 1]} : vector<16x3072xf32> to vector<16x1024xf32>
    %slice3A_498 = vector.extract_strided_slice %dot_general3A_496 {offsets = [0, 0], sizes = [16, 1024], strides = [1, 1]} : vector<16x3072xf32> to vector<16x1024xf32>
    %add3A_499 = arith.addf %slice3A_497, %slice3A_498 : vector<16x1024xf32>
    %logistic3A_500 = arith.negf %add3A_499 : vector<16x1024xf32>
    %logistic3A_501 = math.exp %logistic3A_500 : vector<16x1024xf32>
    %logistic3A_502 = arith.constant 1.000000e+00 : f32
    %logistic3A_503 = vector.broadcast %logistic3A_502 : f32 to vector<16x1024xf32>
    %logistic3A_504 = arith.addf %logistic3A_503, %logistic3A_501 : vector<16x1024xf32>
    %logistic3A_505 = arith.divf %logistic3A_503, %logistic3A_504 : vector<16x1024xf32>
    %slice3A_506 = vector.extract_strided_slice %slice3A_489 {offsets = [0, 1024], sizes = [16, 1024], strides = [1, 1]} : vector<16x3072xf32> to vector<16x1024xf32>
    %slice3A_507 = vector.extract_strided_slice %dot_general3A_496 {offsets = [0, 1024], sizes = [16, 1024], strides = [1, 1]} : vector<16x3072xf32> to vector<16x1024xf32>
    %add3A_508 = arith.addf %slice3A_506, %slice3A_507 : vector<16x1024xf32>
    %logistic3A_509 = arith.negf %add3A_508 : vector<16x1024xf32>
    %logistic3A_510 = math.exp %logistic3A_509 : vector<16x1024xf32>
    %logistic3A_511 = arith.constant 1.000000e+00 : f32
    %logistic3A_512 = vector.broadcast %logistic3A_511 : f32 to vector<16x1024xf32>
    %logistic3A_513 = arith.addf %logistic3A_512, %logistic3A_510 : vector<16x1024xf32>
    %logistic3A_514 = arith.divf %logistic3A_512, %logistic3A_513 : vector<16x1024xf32>
    %slice3A_515 = vector.extract_strided_slice %slice3A_489 {offsets = [0, 2048], sizes = [16, 1024], strides = [1, 1]} : vector<16x3072xf32> to vector<16x1024xf32>
    %slice3A_516 = vector.extract_strided_slice %dot_general3A_496 {offsets = [0, 2048], sizes = [16, 1024], strides = [1, 1]} : vector<16x3072xf32> to vector<16x1024xf32>
    %get3A_517 = arith.constant 0 : index
    %get3A_518 = arith.constant 0 : index
    %get3A_519 = vector.load %arg4[%get3A_517, %get3A_518] : memref<1x1024xf32, #tpu.memory_space<vmem>>, vector<1x1024xf32>
    %add3A_520 = vector.broadcast %get3A_519 : vector<1x1024xf32> to vector<16x1024xf32>
    %add3A_521 = arith.addf %slice3A_516, %add3A_520 : vector<16x1024xf32>
    %mul3A_522 = arith.mulf %logistic3A_505, %add3A_521 : vector<16x1024xf32>
    %add3A_523 = arith.addf %slice3A_515, %mul3A_522 : vector<16x1024xf32>
    %tanh3A_524 = math.tanh %add3A_523 : vector<16x1024xf32>
    %sub3A_525 = arith.constant 1.000000e+00 : f32
    %sub3A_526 = vector.broadcast %sub3A_525 : f32 to vector<16x1024xf32>
    %sub3A_527 = arith.subf %sub3A_526, %logistic3A_514 : vector<16x1024xf32>
    %mul3A_528 = arith.mulf %sub3A_527, %tanh3A_524 : vector<16x1024xf32>
    %mul3A_529 = arith.mulf %logistic3A_514, %select_n3A_482 : vector<16x1024xf32>
    %add3A_530 = arith.addf %mul3A_528, %mul3A_529 : vector<16x1024xf32>
    %gt3A_531 = arith.constant 5.000000e-01 : f32
    %gt3A_532 = vector.broadcast %gt3A_531 : f32 to vector<16x1xf32>
    %gt3A_533 = arith.cmpf ogt, %mul3A_488, %gt3A_532 : vector<16x1xf32>
    %broadcast_in_dim3A_534 = vector.shape_cast %gt3A_533 : vector<16x1xi1> to vector<16x1xi1>
    %broadcast_in_dim3A_535 = vector.broadcast %broadcast_in_dim3A_534 : vector<16x1xi1> to vector<16x1024xi1>
    %select_n3A_536 = arith.select %broadcast_in_dim3A_535, %add3A_530, %select_n3A_482 : vector<16x1024xi1>, vector<16x1024xf32>
    %ne3A_537 = arith.constant 0 : i32
    %ne3A_538 = vector.broadcast %ne3A_537 : i32 to vector<16x1xi32>
    %ne3A_539 = arith.cmpi ne, %slice3A_490, %ne3A_538 : vector<16x1xi32>
    %convert_element_type3A_540 = arith.extui %ne3A_539 : vector<16x1xi1> to vector<16x1xi32>
    %convert_element_type3A_541 = arith.sitofp %convert_element_type3A_540 : vector<16x1xi32> to vector<16x1xf32>
    %mul3A_542 = arith.mulf %mul3A_488, %convert_element_type3A_541 : vector<16x1xf32>
    %slice3A_543 = vector.extract_strided_slice %get3A_13 {offsets = [160, 0], sizes = [16, 3072], strides = [1, 1]} : vector<256x3072xf32> to vector<16x3072xf32>
    %slice3A_544 = vector.extract_strided_slice %squeeze3A {offsets = [160, 0], sizes = [16, 1], strides = [1, 1]} : vector<256x1xi32> to vector<16x1xi32>
    %convert_element_type3A_545 = arith.truncf %select_n3A_536 : vector<16x1024xf32> to vector<16x1024xbf16>
    %get3A_546 = arith.constant 0 : index
    %get3A_547 = arith.constant 0 : index
    %get3A_548 = vector.load %arg3[%get3A_546, %get3A_547] : memref<1024x3072xbf16, #tpu.memory_space<vmem>>, vector<1024x3072xbf16>
    %dot_general3A_549 = arith.constant dense<0.000000e+00> : vector<16x3072xf32>
    %dot_general3A_550 = tpu.matmul %convert_element_type3A_545, %get3A_548, %dot_general3A_549 {dimension_numbers = #tpu.dot_dimension_numbers<[1], [0], [0], [1], [0, 0, 1, 1], [], []>, transpose_lhs_hint = false} : vector<16x1024xbf16>, vector<1024x3072xbf16>, vector<16x3072xf32> -> vector<16x3072xf32>
    %slice3A_551 = vector.extract_strided_slice %slice3A_543 {offsets = [0, 0], sizes = [16, 1024], strides = [1, 1]} : vector<16x3072xf32> to vector<16x1024xf32>
    %slice3A_552 = vector.extract_strided_slice %dot_general3A_550 {offsets = [0, 0], sizes = [16, 1024], strides = [1, 1]} : vector<16x3072xf32> to vector<16x1024xf32>
    %add3A_553 = arith.addf %slice3A_551, %slice3A_552 : vector<16x1024xf32>
    %logistic3A_554 = arith.negf %add3A_553 : vector<16x1024xf32>
    %logistic3A_555 = math.exp %logistic3A_554 : vector<16x1024xf32>
    %logistic3A_556 = arith.constant 1.000000e+00 : f32
    %logistic3A_557 = vector.broadcast %logistic3A_556 : f32 to vector<16x1024xf32>
    %logistic3A_558 = arith.addf %logistic3A_557, %logistic3A_555 : vector<16x1024xf32>
    %logistic3A_559 = arith.divf %logistic3A_557, %logistic3A_558 : vector<16x1024xf32>
    %slice3A_560 = vector.extract_strided_slice %slice3A_543 {offsets = [0, 1024], sizes = [16, 1024], strides = [1, 1]} : vector<16x3072xf32> to vector<16x1024xf32>
    %slice3A_561 = vector.extract_strided_slice %dot_general3A_550 {offsets = [0, 1024], sizes = [16, 1024], strides = [1, 1]} : vector<16x3072xf32> to vector<16x1024xf32>
    %add3A_562 = arith.addf %slice3A_560, %slice3A_561 : vector<16x1024xf32>
    %logistic3A_563 = arith.negf %add3A_562 : vector<16x1024xf32>
    %logistic3A_564 = math.exp %logistic3A_563 : vector<16x1024xf32>
    %logistic3A_565 = arith.constant 1.000000e+00 : f32
    %logistic3A_566 = vector.broadcast %logistic3A_565 : f32 to vector<16x1024xf32>
    %logistic3A_567 = arith.addf %logistic3A_566, %logistic3A_564 : vector<16x1024xf32>
    %logistic3A_568 = arith.divf %logistic3A_566, %logistic3A_567 : vector<16x1024xf32>
    %slice3A_569 = vector.extract_strided_slice %slice3A_543 {offsets = [0, 2048], sizes = [16, 1024], strides = [1, 1]} : vector<16x3072xf32> to vector<16x1024xf32>
    %slice3A_570 = vector.extract_strided_slice %dot_general3A_550 {offsets = [0, 2048], sizes = [16, 1024], strides = [1, 1]} : vector<16x3072xf32> to vector<16x1024xf32>
    %get3A_571 = arith.constant 0 : index
    %get3A_572 = arith.constant 0 : index
    %get3A_573 = vector.load %arg4[%get3A_571, %get3A_572] : memref<1x1024xf32, #tpu.memory_space<vmem>>, vector<1x1024xf32>
    %add3A_574 = vector.broadcast %get3A_573 : vector<1x1024xf32> to vector<16x1024xf32>
    %add3A_575 = arith.addf %slice3A_570, %add3A_574 : vector<16x1024xf32>
    %mul3A_576 = arith.mulf %logistic3A_559, %add3A_575 : vector<16x1024xf32>
    %add3A_577 = arith.addf %slice3A_569, %mul3A_576 : vector<16x1024xf32>
    %tanh3A_578 = math.tanh %add3A_577 : vector<16x1024xf32>
    %sub3A_579 = arith.constant 1.000000e+00 : f32
    %sub3A_580 = vector.broadcast %sub3A_579 : f32 to vector<16x1024xf32>
    %sub3A_581 = arith.subf %sub3A_580, %logistic3A_568 : vector<16x1024xf32>
    %mul3A_582 = arith.mulf %sub3A_581, %tanh3A_578 : vector<16x1024xf32>
    %mul3A_583 = arith.mulf %logistic3A_568, %select_n3A_536 : vector<16x1024xf32>
    %add3A_584 = arith.addf %mul3A_582, %mul3A_583 : vector<16x1024xf32>
    %gt3A_585 = arith.constant 5.000000e-01 : f32
    %gt3A_586 = vector.broadcast %gt3A_585 : f32 to vector<16x1xf32>
    %gt3A_587 = arith.cmpf ogt, %mul3A_542, %gt3A_586 : vector<16x1xf32>
    %broadcast_in_dim3A_588 = vector.shape_cast %gt3A_587 : vector<16x1xi1> to vector<16x1xi1>
    %broadcast_in_dim3A_589 = vector.broadcast %broadcast_in_dim3A_588 : vector<16x1xi1> to vector<16x1024xi1>
    %select_n3A_590 = arith.select %broadcast_in_dim3A_589, %add3A_584, %select_n3A_536 : vector<16x1024xi1>, vector<16x1024xf32>
    %ne3A_591 = arith.constant 0 : i32
    %ne3A_592 = vector.broadcast %ne3A_591 : i32 to vector<16x1xi32>
    %ne3A_593 = arith.cmpi ne, %slice3A_544, %ne3A_592 : vector<16x1xi32>
    %convert_element_type3A_594 = arith.extui %ne3A_593 : vector<16x1xi1> to vector<16x1xi32>
    %convert_element_type3A_595 = arith.sitofp %convert_element_type3A_594 : vector<16x1xi32> to vector<16x1xf32>
    %mul3A_596 = arith.mulf %mul3A_542, %convert_element_type3A_595 : vector<16x1xf32>
    %slice3A_597 = vector.extract_strided_slice %get3A_13 {offsets = [176, 0], sizes = [16, 3072], strides = [1, 1]} : vector<256x3072xf32> to vector<16x3072xf32>
    %slice3A_598 = vector.extract_strided_slice %squeeze3A {offsets = [176, 0], sizes = [16, 1], strides = [1, 1]} : vector<256x1xi32> to vector<16x1xi32>
    %convert_element_type3A_599 = arith.truncf %select_n3A_590 : vector<16x1024xf32> to vector<16x1024xbf16>
    %get3A_600 = arith.constant 0 : index
    %get3A_601 = arith.constant 0 : index
    %get3A_602 = vector.load %arg3[%get3A_600, %get3A_601] : memref<1024x3072xbf16, #tpu.memory_space<vmem>>, vector<1024x3072xbf16>
    %dot_general3A_603 = arith.constant dense<0.000000e+00> : vector<16x3072xf32>
    %dot_general3A_604 = tpu.matmul %convert_element_type3A_599, %get3A_602, %dot_general3A_603 {dimension_numbers = #tpu.dot_dimension_numbers<[1], [0], [0], [1], [0, 0, 1, 1], [], []>, transpose_lhs_hint = false} : vector<16x1024xbf16>, vector<1024x3072xbf16>, vector<16x3072xf32> -> vector<16x3072xf32>
    %slice3A_605 = vector.extract_strided_slice %slice3A_597 {offsets = [0, 0], sizes = [16, 1024], strides = [1, 1]} : vector<16x3072xf32> to vector<16x1024xf32>
    %slice3A_606 = vector.extract_strided_slice %dot_general3A_604 {offsets = [0, 0], sizes = [16, 1024], strides = [1, 1]} : vector<16x3072xf32> to vector<16x1024xf32>
    %add3A_607 = arith.addf %slice3A_605, %slice3A_606 : vector<16x1024xf32>
    %logistic3A_608 = arith.negf %add3A_607 : vector<16x1024xf32>
    %logistic3A_609 = math.exp %logistic3A_608 : vector<16x1024xf32>
    %logistic3A_610 = arith.constant 1.000000e+00 : f32
    %logistic3A_611 = vector.broadcast %logistic3A_610 : f32 to vector<16x1024xf32>
    %logistic3A_612 = arith.addf %logistic3A_611, %logistic3A_609 : vector<16x1024xf32>
    %logistic3A_613 = arith.divf %logistic3A_611, %logistic3A_612 : vector<16x1024xf32>
    %slice3A_614 = vector.extract_strided_slice %slice3A_597 {offsets = [0, 1024], sizes = [16, 1024], strides = [1, 1]} : vector<16x3072xf32> to vector<16x1024xf32>
    %slice3A_615 = vector.extract_strided_slice %dot_general3A_604 {offsets = [0, 1024], sizes = [16, 1024], strides = [1, 1]} : vector<16x3072xf32> to vector<16x1024xf32>
    %add3A_616 = arith.addf %slice3A_614, %slice3A_615 : vector<16x1024xf32>
    %logistic3A_617 = arith.negf %add3A_616 : vector<16x1024xf32>
    %logistic3A_618 = math.exp %logistic3A_617 : vector<16x1024xf32>
    %logistic3A_619 = arith.constant 1.000000e+00 : f32
    %logistic3A_620 = vector.broadcast %logistic3A_619 : f32 to vector<16x1024xf32>
    %logistic3A_621 = arith.addf %logistic3A_620, %logistic3A_618 : vector<16x1024xf32>
    %logistic3A_622 = arith.divf %logistic3A_620, %logistic3A_621 : vector<16x1024xf32>
    %slice3A_623 = vector.extract_strided_slice %slice3A_597 {offsets = [0, 2048], sizes = [16, 1024], strides = [1, 1]} : vector<16x3072xf32> to vector<16x1024xf32>
    %slice3A_624 = vector.extract_strided_slice %dot_general3A_604 {offsets = [0, 2048], sizes = [16, 1024], strides = [1, 1]} : vector<16x3072xf32> to vector<16x1024xf32>
    %get3A_625 = arith.constant 0 : index
    %get3A_626 = arith.constant 0 : index
    %get3A_627 = vector.load %arg4[%get3A_625, %get3A_626] : memref<1x1024xf32, #tpu.memory_space<vmem>>, vector<1x1024xf32>
    %add3A_628 = vector.broadcast %get3A_627 : vector<1x1024xf32> to vector<16x1024xf32>
    %add3A_629 = arith.addf %slice3A_624, %add3A_628 : vector<16x1024xf32>
    %mul3A_630 = arith.mulf %logistic3A_613, %add3A_629 : vector<16x1024xf32>
    %add3A_631 = arith.addf %slice3A_623, %mul3A_630 : vector<16x1024xf32>
    %tanh3A_632 = math.tanh %add3A_631 : vector<16x1024xf32>
    %sub3A_633 = arith.constant 1.000000e+00 : f32
    %sub3A_634 = vector.broadcast %sub3A_633 : f32 to vector<16x1024xf32>
    %sub3A_635 = arith.subf %sub3A_634, %logistic3A_622 : vector<16x1024xf32>
    %mul3A_636 = arith.mulf %sub3A_635, %tanh3A_632 : vector<16x1024xf32>
    %mul3A_637 = arith.mulf %logistic3A_622, %select_n3A_590 : vector<16x1024xf32>
    %add3A_638 = arith.addf %mul3A_636, %mul3A_637 : vector<16x1024xf32>
    %gt3A_639 = arith.constant 5.000000e-01 : f32
    %gt3A_640 = vector.broadcast %gt3A_639 : f32 to vector<16x1xf32>
    %gt3A_641 = arith.cmpf ogt, %mul3A_596, %gt3A_640 : vector<16x1xf32>
    %broadcast_in_dim3A_642 = vector.shape_cast %gt3A_641 : vector<16x1xi1> to vector<16x1xi1>
    %broadcast_in_dim3A_643 = vector.broadcast %broadcast_in_dim3A_642 : vector<16x1xi1> to vector<16x1024xi1>
    %select_n3A_644 = arith.select %broadcast_in_dim3A_643, %add3A_638, %select_n3A_590 : vector<16x1024xi1>, vector<16x1024xf32>
    %ne3A_645 = arith.constant 0 : i32
    %ne3A_646 = vector.broadcast %ne3A_645 : i32 to vector<16x1xi32>
    %ne3A_647 = arith.cmpi ne, %slice3A_598, %ne3A_646 : vector<16x1xi32>
    %convert_element_type3A_648 = arith.extui %ne3A_647 : vector<16x1xi1> to vector<16x1xi32>
    %convert_element_type3A_649 = arith.sitofp %convert_element_type3A_648 : vector<16x1xi32> to vector<16x1xf32>
    %mul3A_650 = arith.mulf %mul3A_596, %convert_element_type3A_649 : vector<16x1xf32>
    %slice3A_651 = vector.extract_strided_slice %get3A_13 {offsets = [192, 0], sizes = [16, 3072], strides = [1, 1]} : vector<256x3072xf32> to vector<16x3072xf32>
    %slice3A_652 = vector.extract_strided_slice %squeeze3A {offsets = [192, 0], sizes = [16, 1], strides = [1, 1]} : vector<256x1xi32> to vector<16x1xi32>
    %convert_element_type3A_653 = arith.truncf %select_n3A_644 : vector<16x1024xf32> to vector<16x1024xbf16>
    %get3A_654 = arith.constant 0 : index
    %get3A_655 = arith.constant 0 : index
    %get3A_656 = vector.load %arg3[%get3A_654, %get3A_655] : memref<1024x3072xbf16, #tpu.memory_space<vmem>>, vector<1024x3072xbf16>
    %dot_general3A_657 = arith.constant dense<0.000000e+00> : vector<16x3072xf32>
    %dot_general3A_658 = tpu.matmul %convert_element_type3A_653, %get3A_656, %dot_general3A_657 {dimension_numbers = #tpu.dot_dimension_numbers<[1], [0], [0], [1], [0, 0, 1, 1], [], []>, transpose_lhs_hint = false} : vector<16x1024xbf16>, vector<1024x3072xbf16>, vector<16x3072xf32> -> vector<16x3072xf32>
    %slice3A_659 = vector.extract_strided_slice %slice3A_651 {offsets = [0, 0], sizes = [16, 1024], strides = [1, 1]} : vector<16x3072xf32> to vector<16x1024xf32>
    %slice3A_660 = vector.extract_strided_slice %dot_general3A_658 {offsets = [0, 0], sizes = [16, 1024], strides = [1, 1]} : vector<16x3072xf32> to vector<16x1024xf32>
    %add3A_661 = arith.addf %slice3A_659, %slice3A_660 : vector<16x1024xf32>
    %logistic3A_662 = arith.negf %add3A_661 : vector<16x1024xf32>
    %logistic3A_663 = math.exp %logistic3A_662 : vector<16x1024xf32>
    %logistic3A_664 = arith.constant 1.000000e+00 : f32
    %logistic3A_665 = vector.broadcast %logistic3A_664 : f32 to vector<16x1024xf32>
    %logistic3A_666 = arith.addf %logistic3A_665, %logistic3A_663 : vector<16x1024xf32>
    %logistic3A_667 = arith.divf %logistic3A_665, %logistic3A_666 : vector<16x1024xf32>
    %slice3A_668 = vector.extract_strided_slice %slice3A_651 {offsets = [0, 1024], sizes = [16, 1024], strides = [1, 1]} : vector<16x3072xf32> to vector<16x1024xf32>
    %slice3A_669 = vector.extract_strided_slice %dot_general3A_658 {offsets = [0, 1024], sizes = [16, 1024], strides = [1, 1]} : vector<16x3072xf32> to vector<16x1024xf32>
    %add3A_670 = arith.addf %slice3A_668, %slice3A_669 : vector<16x1024xf32>
    %logistic3A_671 = arith.negf %add3A_670 : vector<16x1024xf32>
    %logistic3A_672 = math.exp %logistic3A_671 : vector<16x1024xf32>
    %logistic3A_673 = arith.constant 1.000000e+00 : f32
    %logistic3A_674 = vector.broadcast %logistic3A_673 : f32 to vector<16x1024xf32>
    %logistic3A_675 = arith.addf %logistic3A_674, %logistic3A_672 : vector<16x1024xf32>
    %logistic3A_676 = arith.divf %logistic3A_674, %logistic3A_675 : vector<16x1024xf32>
    %slice3A_677 = vector.extract_strided_slice %slice3A_651 {offsets = [0, 2048], sizes = [16, 1024], strides = [1, 1]} : vector<16x3072xf32> to vector<16x1024xf32>
    %slice3A_678 = vector.extract_strided_slice %dot_general3A_658 {offsets = [0, 2048], sizes = [16, 1024], strides = [1, 1]} : vector<16x3072xf32> to vector<16x1024xf32>
    %get3A_679 = arith.constant 0 : index
    %get3A_680 = arith.constant 0 : index
    %get3A_681 = vector.load %arg4[%get3A_679, %get3A_680] : memref<1x1024xf32, #tpu.memory_space<vmem>>, vector<1x1024xf32>
    %add3A_682 = vector.broadcast %get3A_681 : vector<1x1024xf32> to vector<16x1024xf32>
    %add3A_683 = arith.addf %slice3A_678, %add3A_682 : vector<16x1024xf32>
    %mul3A_684 = arith.mulf %logistic3A_667, %add3A_683 : vector<16x1024xf32>
    %add3A_685 = arith.addf %slice3A_677, %mul3A_684 : vector<16x1024xf32>
    %tanh3A_686 = math.tanh %add3A_685 : vector<16x1024xf32>
    %sub3A_687 = arith.constant 1.000000e+00 : f32
    %sub3A_688 = vector.broadcast %sub3A_687 : f32 to vector<16x1024xf32>
    %sub3A_689 = arith.subf %sub3A_688, %logistic3A_676 : vector<16x1024xf32>
    %mul3A_690 = arith.mulf %sub3A_689, %tanh3A_686 : vector<16x1024xf32>
    %mul3A_691 = arith.mulf %logistic3A_676, %select_n3A_644 : vector<16x1024xf32>
    %add3A_692 = arith.addf %mul3A_690, %mul3A_691 : vector<16x1024xf32>
    %gt3A_693 = arith.constant 5.000000e-01 : f32
    %gt3A_694 = vector.broadcast %gt3A_693 : f32 to vector<16x1xf32>
    %gt3A_695 = arith.cmpf ogt, %mul3A_650, %gt3A_694 : vector<16x1xf32>
    %broadcast_in_dim3A_696 = vector.shape_cast %gt3A_695 : vector<16x1xi1> to vector<16x1xi1>
    %broadcast_in_dim3A_697 = vector.broadcast %broadcast_in_dim3A_696 : vector<16x1xi1> to vector<16x1024xi1>
    %select_n3A_698 = arith.select %broadcast_in_dim3A_697, %add3A_692, %select_n3A_644 : vector<16x1024xi1>, vector<16x1024xf32>
    %ne3A_699 = arith.constant 0 : i32
    %ne3A_700 = vector.broadcast %ne3A_699 : i32 to vector<16x1xi32>
    %ne3A_701 = arith.cmpi ne, %slice3A_652, %ne3A_700 : vector<16x1xi32>
    %convert_element_type3A_702 = arith.extui %ne3A_701 : vector<16x1xi1> to vector<16x1xi32>
    %convert_element_type3A_703 = arith.sitofp %convert_element_type3A_702 : vector<16x1xi32> to vector<16x1xf32>
    %mul3A_704 = arith.mulf %mul3A_650, %convert_element_type3A_703 : vector<16x1xf32>
    %slice3A_705 = vector.extract_strided_slice %get3A_13 {offsets = [208, 0], sizes = [16, 3072], strides = [1, 1]} : vector<256x3072xf32> to vector<16x3072xf32>
    %slice3A_706 = vector.extract_strided_slice %squeeze3A {offsets = [208, 0], sizes = [16, 1], strides = [1, 1]} : vector<256x1xi32> to vector<16x1xi32>
    %convert_element_type3A_707 = arith.truncf %select_n3A_698 : vector<16x1024xf32> to vector<16x1024xbf16>
    %get3A_708 = arith.constant 0 : index
    %get3A_709 = arith.constant 0 : index
    %get3A_710 = vector.load %arg3[%get3A_708, %get3A_709] : memref<1024x3072xbf16, #tpu.memory_space<vmem>>, vector<1024x3072xbf16>
    %dot_general3A_711 = arith.constant dense<0.000000e+00> : vector<16x3072xf32>
    %dot_general3A_712 = tpu.matmul %convert_element_type3A_707, %get3A_710, %dot_general3A_711 {dimension_numbers = #tpu.dot_dimension_numbers<[1], [0], [0], [1], [0, 0, 1, 1], [], []>, transpose_lhs_hint = false} : vector<16x1024xbf16>, vector<1024x3072xbf16>, vector<16x3072xf32> -> vector<16x3072xf32>
    %slice3A_713 = vector.extract_strided_slice %slice3A_705 {offsets = [0, 0], sizes = [16, 1024], strides = [1, 1]} : vector<16x3072xf32> to vector<16x1024xf32>
    %slice3A_714 = vector.extract_strided_slice %dot_general3A_712 {offsets = [0, 0], sizes = [16, 1024], strides = [1, 1]} : vector<16x3072xf32> to vector<16x1024xf32>
    %add3A_715 = arith.addf %slice3A_713, %slice3A_714 : vector<16x1024xf32>
    %logistic3A_716 = arith.negf %add3A_715 : vector<16x1024xf32>
    %logistic3A_717 = math.exp %logistic3A_716 : vector<16x1024xf32>
    %logistic3A_718 = arith.constant 1.000000e+00 : f32
    %logistic3A_719 = vector.broadcast %logistic3A_718 : f32 to vector<16x1024xf32>
    %logistic3A_720 = arith.addf %logistic3A_719, %logistic3A_717 : vector<16x1024xf32>
    %logistic3A_721 = arith.divf %logistic3A_719, %logistic3A_720 : vector<16x1024xf32>
    %slice3A_722 = vector.extract_strided_slice %slice3A_705 {offsets = [0, 1024], sizes = [16, 1024], strides = [1, 1]} : vector<16x3072xf32> to vector<16x1024xf32>
    %slice3A_723 = vector.extract_strided_slice %dot_general3A_712 {offsets = [0, 1024], sizes = [16, 1024], strides = [1, 1]} : vector<16x3072xf32> to vector<16x1024xf32>
    %add3A_724 = arith.addf %slice3A_722, %slice3A_723 : vector<16x1024xf32>
    %logistic3A_725 = arith.negf %add3A_724 : vector<16x1024xf32>
    %logistic3A_726 = math.exp %logistic3A_725 : vector<16x1024xf32>
    %logistic3A_727 = arith.constant 1.000000e+00 : f32
    %logistic3A_728 = vector.broadcast %logistic3A_727 : f32 to vector<16x1024xf32>
    %logistic3A_729 = arith.addf %logistic3A_728, %logistic3A_726 : vector<16x1024xf32>
    %logistic3A_730 = arith.divf %logistic3A_728, %logistic3A_729 : vector<16x1024xf32>
    %slice3A_731 = vector.extract_strided_slice %slice3A_705 {offsets = [0, 2048], sizes = [16, 1024], strides = [1, 1]} : vector<16x3072xf32> to vector<16x1024xf32>
    %slice3A_732 = vector.extract_strided_slice %dot_general3A_712 {offsets = [0, 2048], sizes = [16, 1024], strides = [1, 1]} : vector<16x3072xf32> to vector<16x1024xf32>
    %get3A_733 = arith.constant 0 : index
    %get3A_734 = arith.constant 0 : index
    %get3A_735 = vector.load %arg4[%get3A_733, %get3A_734] : memref<1x1024xf32, #tpu.memory_space<vmem>>, vector<1x1024xf32>
    %add3A_736 = vector.broadcast %get3A_735 : vector<1x1024xf32> to vector<16x1024xf32>
    %add3A_737 = arith.addf %slice3A_732, %add3A_736 : vector<16x1024xf32>
    %mul3A_738 = arith.mulf %logistic3A_721, %add3A_737 : vector<16x1024xf32>
    %add3A_739 = arith.addf %slice3A_731, %mul3A_738 : vector<16x1024xf32>
    %tanh3A_740 = math.tanh %add3A_739 : vector<16x1024xf32>
    %sub3A_741 = arith.constant 1.000000e+00 : f32
    %sub3A_742 = vector.broadcast %sub3A_741 : f32 to vector<16x1024xf32>
    %sub3A_743 = arith.subf %sub3A_742, %logistic3A_730 : vector<16x1024xf32>
    %mul3A_744 = arith.mulf %sub3A_743, %tanh3A_740 : vector<16x1024xf32>
    %mul3A_745 = arith.mulf %logistic3A_730, %select_n3A_698 : vector<16x1024xf32>
    %add3A_746 = arith.addf %mul3A_744, %mul3A_745 : vector<16x1024xf32>
    %gt3A_747 = arith.constant 5.000000e-01 : f32
    %gt3A_748 = vector.broadcast %gt3A_747 : f32 to vector<16x1xf32>
    %gt3A_749 = arith.cmpf ogt, %mul3A_704, %gt3A_748 : vector<16x1xf32>
    %broadcast_in_dim3A_750 = vector.shape_cast %gt3A_749 : vector<16x1xi1> to vector<16x1xi1>
    %broadcast_in_dim3A_751 = vector.broadcast %broadcast_in_dim3A_750 : vector<16x1xi1> to vector<16x1024xi1>
    %select_n3A_752 = arith.select %broadcast_in_dim3A_751, %add3A_746, %select_n3A_698 : vector<16x1024xi1>, vector<16x1024xf32>
    %ne3A_753 = arith.constant 0 : i32
    %ne3A_754 = vector.broadcast %ne3A_753 : i32 to vector<16x1xi32>
    %ne3A_755 = arith.cmpi ne, %slice3A_706, %ne3A_754 : vector<16x1xi32>
    %convert_element_type3A_756 = arith.extui %ne3A_755 : vector<16x1xi1> to vector<16x1xi32>
    %convert_element_type3A_757 = arith.sitofp %convert_element_type3A_756 : vector<16x1xi32> to vector<16x1xf32>
    %mul3A_758 = arith.mulf %mul3A_704, %convert_element_type3A_757 : vector<16x1xf32>
    %slice3A_759 = vector.extract_strided_slice %get3A_13 {offsets = [224, 0], sizes = [16, 3072], strides = [1, 1]} : vector<256x3072xf32> to vector<16x3072xf32>
    %slice3A_760 = vector.extract_strided_slice %squeeze3A {offsets = [224, 0], sizes = [16, 1], strides = [1, 1]} : vector<256x1xi32> to vector<16x1xi32>
    %convert_element_type3A_761 = arith.truncf %select_n3A_752 : vector<16x1024xf32> to vector<16x1024xbf16>
    %get3A_762 = arith.constant 0 : index
    %get3A_763 = arith.constant 0 : index
    %get3A_764 = vector.load %arg3[%get3A_762, %get3A_763] : memref<1024x3072xbf16, #tpu.memory_space<vmem>>, vector<1024x3072xbf16>
    %dot_general3A_765 = arith.constant dense<0.000000e+00> : vector<16x3072xf32>
    %dot_general3A_766 = tpu.matmul %convert_element_type3A_761, %get3A_764, %dot_general3A_765 {dimension_numbers = #tpu.dot_dimension_numbers<[1], [0], [0], [1], [0, 0, 1, 1], [], []>, transpose_lhs_hint = false} : vector<16x1024xbf16>, vector<1024x3072xbf16>, vector<16x3072xf32> -> vector<16x3072xf32>
    %slice3A_767 = vector.extract_strided_slice %slice3A_759 {offsets = [0, 0], sizes = [16, 1024], strides = [1, 1]} : vector<16x3072xf32> to vector<16x1024xf32>
    %slice3A_768 = vector.extract_strided_slice %dot_general3A_766 {offsets = [0, 0], sizes = [16, 1024], strides = [1, 1]} : vector<16x3072xf32> to vector<16x1024xf32>
    %add3A_769 = arith.addf %slice3A_767, %slice3A_768 : vector<16x1024xf32>
    %logistic3A_770 = arith.negf %add3A_769 : vector<16x1024xf32>
    %logistic3A_771 = math.exp %logistic3A_770 : vector<16x1024xf32>
    %logistic3A_772 = arith.constant 1.000000e+00 : f32
    %logistic3A_773 = vector.broadcast %logistic3A_772 : f32 to vector<16x1024xf32>
    %logistic3A_774 = arith.addf %logistic3A_773, %logistic3A_771 : vector<16x1024xf32>
    %logistic3A_775 = arith.divf %logistic3A_773, %logistic3A_774 : vector<16x1024xf32>
    %slice3A_776 = vector.extract_strided_slice %slice3A_759 {offsets = [0, 1024], sizes = [16, 1024], strides = [1, 1]} : vector<16x3072xf32> to vector<16x1024xf32>
    %slice3A_777 = vector.extract_strided_slice %dot_general3A_766 {offsets = [0, 1024], sizes = [16, 1024], strides = [1, 1]} : vector<16x3072xf32> to vector<16x1024xf32>
    %add3A_778 = arith.addf %slice3A_776, %slice3A_777 : vector<16x1024xf32>
    %logistic3A_779 = arith.negf %add3A_778 : vector<16x1024xf32>
    %logistic3A_780 = math.exp %logistic3A_779 : vector<16x1024xf32>
    %logistic3A_781 = arith.constant 1.000000e+00 : f32
    %logistic3A_782 = vector.broadcast %logistic3A_781 : f32 to vector<16x1024xf32>
    %logistic3A_783 = arith.addf %logistic3A_782, %logistic3A_780 : vector<16x1024xf32>
    %logistic3A_784 = arith.divf %logistic3A_782, %logistic3A_783 : vector<16x1024xf32>
    %slice3A_785 = vector.extract_strided_slice %slice3A_759 {offsets = [0, 2048], sizes = [16, 1024], strides = [1, 1]} : vector<16x3072xf32> to vector<16x1024xf32>
    %slice3A_786 = vector.extract_strided_slice %dot_general3A_766 {offsets = [0, 2048], sizes = [16, 1024], strides = [1, 1]} : vector<16x3072xf32> to vector<16x1024xf32>
    %get3A_787 = arith.constant 0 : index
    %get3A_788 = arith.constant 0 : index
    %get3A_789 = vector.load %arg4[%get3A_787, %get3A_788] : memref<1x1024xf32, #tpu.memory_space<vmem>>, vector<1x1024xf32>
    %add3A_790 = vector.broadcast %get3A_789 : vector<1x1024xf32> to vector<16x1024xf32>
    %add3A_791 = arith.addf %slice3A_786, %add3A_790 : vector<16x1024xf32>
    %mul3A_792 = arith.mulf %logistic3A_775, %add3A_791 : vector<16x1024xf32>
    %add3A_793 = arith.addf %slice3A_785, %mul3A_792 : vector<16x1024xf32>
    %tanh3A_794 = math.tanh %add3A_793 : vector<16x1024xf32>
    %sub3A_795 = arith.constant 1.000000e+00 : f32
    %sub3A_796 = vector.broadcast %sub3A_795 : f32 to vector<16x1024xf32>
    %sub3A_797 = arith.subf %sub3A_796, %logistic3A_784 : vector<16x1024xf32>
    %mul3A_798 = arith.mulf %sub3A_797, %tanh3A_794 : vector<16x1024xf32>
    %mul3A_799 = arith.mulf %logistic3A_784, %select_n3A_752 : vector<16x1024xf32>
    %add3A_800 = arith.addf %mul3A_798, %mul3A_799 : vector<16x1024xf32>
    %gt3A_801 = arith.constant 5.000000e-01 : f32
    %gt3A_802 = vector.broadcast %gt3A_801 : f32 to vector<16x1xf32>
    %gt3A_803 = arith.cmpf ogt, %mul3A_758, %gt3A_802 : vector<16x1xf32>
    %broadcast_in_dim3A_804 = vector.shape_cast %gt3A_803 : vector<16x1xi1> to vector<16x1xi1>
    %broadcast_in_dim3A_805 = vector.broadcast %broadcast_in_dim3A_804 : vector<16x1xi1> to vector<16x1024xi1>
    %select_n3A_806 = arith.select %broadcast_in_dim3A_805, %add3A_800, %select_n3A_752 : vector<16x1024xi1>, vector<16x1024xf32>
    %ne3A_807 = arith.constant 0 : i32
    %ne3A_808 = vector.broadcast %ne3A_807 : i32 to vector<16x1xi32>
    %ne3A_809 = arith.cmpi ne, %slice3A_760, %ne3A_808 : vector<16x1xi32>
    %convert_element_type3A_810 = arith.extui %ne3A_809 : vector<16x1xi1> to vector<16x1xi32>
    %convert_element_type3A_811 = arith.sitofp %convert_element_type3A_810 : vector<16x1xi32> to vector<16x1xf32>
    %mul3A_812 = arith.mulf %mul3A_758, %convert_element_type3A_811 : vector<16x1xf32>
    %slice3A_813 = vector.extract_strided_slice %get3A_13 {offsets = [240, 0], sizes = [16, 3072], strides = [1, 1]} : vector<256x3072xf32> to vector<16x3072xf32>
    %slice3A_814 = vector.extract_strided_slice %squeeze3A {offsets = [240, 0], sizes = [16, 1], strides = [1, 1]} : vector<256x1xi32> to vector<16x1xi32>
    %convert_element_type3A_815 = arith.truncf %select_n3A_806 : vector<16x1024xf32> to vector<16x1024xbf16>
    %get3A_816 = arith.constant 0 : index
    %get3A_817 = arith.constant 0 : index
    %get3A_818 = vector.load %arg3[%get3A_816, %get3A_817] : memref<1024x3072xbf16, #tpu.memory_space<vmem>>, vector<1024x3072xbf16>
    %dot_general3A_819 = arith.constant dense<0.000000e+00> : vector<16x3072xf32>
    %dot_general3A_820 = tpu.matmul %convert_element_type3A_815, %get3A_818, %dot_general3A_819 {dimension_numbers = #tpu.dot_dimension_numbers<[1], [0], [0], [1], [0, 0, 1, 1], [], []>, transpose_lhs_hint = false} : vector<16x1024xbf16>, vector<1024x3072xbf16>, vector<16x3072xf32> -> vector<16x3072xf32>
    %slice3A_821 = vector.extract_strided_slice %slice3A_813 {offsets = [0, 0], sizes = [16, 1024], strides = [1, 1]} : vector<16x3072xf32> to vector<16x1024xf32>
    %slice3A_822 = vector.extract_strided_slice %dot_general3A_820 {offsets = [0, 0], sizes = [16, 1024], strides = [1, 1]} : vector<16x3072xf32> to vector<16x1024xf32>
    %add3A_823 = arith.addf %slice3A_821, %slice3A_822 : vector<16x1024xf32>
    %logistic3A_824 = arith.negf %add3A_823 : vector<16x1024xf32>
    %logistic3A_825 = math.exp %logistic3A_824 : vector<16x1024xf32>
    %logistic3A_826 = arith.constant 1.000000e+00 : f32
    %logistic3A_827 = vector.broadcast %logistic3A_826 : f32 to vector<16x1024xf32>
    %logistic3A_828 = arith.addf %logistic3A_827, %logistic3A_825 : vector<16x1024xf32>
    %logistic3A_829 = arith.divf %logistic3A_827, %logistic3A_828 : vector<16x1024xf32>
    %slice3A_830 = vector.extract_strided_slice %slice3A_813 {offsets = [0, 1024], sizes = [16, 1024], strides = [1, 1]} : vector<16x3072xf32> to vector<16x1024xf32>
    %slice3A_831 = vector.extract_strided_slice %dot_general3A_820 {offsets = [0, 1024], sizes = [16, 1024], strides = [1, 1]} : vector<16x3072xf32> to vector<16x1024xf32>
    %add3A_832 = arith.addf %slice3A_830, %slice3A_831 : vector<16x1024xf32>
    %logistic3A_833 = arith.negf %add3A_832 : vector<16x1024xf32>
    %logistic3A_834 = math.exp %logistic3A_833 : vector<16x1024xf32>
    %logistic3A_835 = arith.constant 1.000000e+00 : f32
    %logistic3A_836 = vector.broadcast %logistic3A_835 : f32 to vector<16x1024xf32>
    %logistic3A_837 = arith.addf %logistic3A_836, %logistic3A_834 : vector<16x1024xf32>
    %logistic3A_838 = arith.divf %logistic3A_836, %logistic3A_837 : vector<16x1024xf32>
    %slice3A_839 = vector.extract_strided_slice %slice3A_813 {offsets = [0, 2048], sizes = [16, 1024], strides = [1, 1]} : vector<16x3072xf32> to vector<16x1024xf32>
    %slice3A_840 = vector.extract_strided_slice %dot_general3A_820 {offsets = [0, 2048], sizes = [16, 1024], strides = [1, 1]} : vector<16x3072xf32> to vector<16x1024xf32>
    %get3A_841 = arith.constant 0 : index
    %get3A_842 = arith.constant 0 : index
    %get3A_843 = vector.load %arg4[%get3A_841, %get3A_842] : memref<1x1024xf32, #tpu.memory_space<vmem>>, vector<1x1024xf32>
    %add3A_844 = vector.broadcast %get3A_843 : vector<1x1024xf32> to vector<16x1024xf32>
    %add3A_845 = arith.addf %slice3A_840, %add3A_844 : vector<16x1024xf32>
    %mul3A_846 = arith.mulf %logistic3A_829, %add3A_845 : vector<16x1024xf32>
    %add3A_847 = arith.addf %slice3A_839, %mul3A_846 : vector<16x1024xf32>
    %tanh3A_848 = math.tanh %add3A_847 : vector<16x1024xf32>
    %sub3A_849 = arith.constant 1.000000e+00 : f32
    %sub3A_850 = vector.broadcast %sub3A_849 : f32 to vector<16x1024xf32>
    %sub3A_851 = arith.subf %sub3A_850, %logistic3A_838 : vector<16x1024xf32>
    %mul3A_852 = arith.mulf %sub3A_851, %tanh3A_848 : vector<16x1024xf32>
    %mul3A_853 = arith.mulf %logistic3A_838, %select_n3A_806 : vector<16x1024xf32>
    %add3A_854 = arith.addf %mul3A_852, %mul3A_853 : vector<16x1024xf32>
    %gt3A_855 = arith.constant 5.000000e-01 : f32
    %gt3A_856 = vector.broadcast %gt3A_855 : f32 to vector<16x1xf32>
    %gt3A_857 = arith.cmpf ogt, %mul3A_812, %gt3A_856 : vector<16x1xf32>
    %broadcast_in_dim3A_858 = vector.shape_cast %gt3A_857 : vector<16x1xi1> to vector<16x1xi1>
    %broadcast_in_dim3A_859 = vector.broadcast %broadcast_in_dim3A_858 : vector<16x1xi1> to vector<16x1024xi1>
    %select_n3A_860 = arith.select %broadcast_in_dim3A_859, %add3A_854, %select_n3A_806 : vector<16x1024xi1>, vector<16x1024xf32>
    %ne3A_861 = arith.constant 0 : i32
    %ne3A_862 = vector.broadcast %ne3A_861 : i32 to vector<16x1xi32>
    %ne3A_863 = arith.cmpi ne, %slice3A_814, %ne3A_862 : vector<16x1xi32>
    %convert_element_type3A_864 = arith.extui %ne3A_863 : vector<16x1xi1> to vector<16x1xi32>
    %convert_element_type3A_865 = arith.sitofp %convert_element_type3A_864 : vector<16x1xi32> to vector<16x1xf32>
    %mul3A_866 = arith.mulf %mul3A_812, %convert_element_type3A_865 : vector<16x1xf32>
    %swap3A = arith.constant 0 : index
    %swap3A_867 = arith.constant 0 : index
    %swap3A_868 = vector.load %arg7[%swap3A, %swap3A_867] : memref<16x1024xf32, #tpu.memory_space<vmem>>, vector<16x1024xf32>
    tpu.vector_store %arg7[%swap3A, %swap3A_867], %select_n3A_860 {strides = array<i32>} : memref<16x1024xf32, #tpu.memory_space<vmem>>, vector<16x1024xf32>,
    %swap3A_869 = arith.constant 0 : index
    %swap3A_870 = arith.constant 0 : index
    %swap3A_871 = vector.load %arg8[%swap3A_869, %swap3A_870] : memref<16x1xf32, #tpu.memory_space<vmem>>, vector<16x1xf32>
    tpu.vector_store %arg8[%swap3A_869, %swap3A_870], %mul3A_866 {strides = array<i32>} : memref<16x1xf32, #tpu.memory_space<vmem>>, vector<16x1xf32>,
    return
  }
  func.func @transform_0(%arg0: i32) -> (i32, i32, i32) {
    %c0_i32 = arith.constant 0 : i32
    %c0_i32_0 = arith.constant 0 : i32
    %c0_i32_1 = arith.constant 0 : i32
    return %arg0, %c0_i32, %c0_i32_0 : i32, i32, i32
  }
  func.func @transform_1(%arg0: i32) -> (i32, i32) {
    %c0_i32 = arith.constant 0 : i32
    %c0_i32_0 = arith.constant 0 : i32
    return %arg0, %c0_i32 : i32, i32
  }
  func.func @transform_2(%arg0: i32) -> (i32, i32) {
    %c0_i32 = arith.constant 0 : i32
    %c0_i32_0 = arith.constant 0 : i32
    %c0_i32_1 = arith.constant 0 : i32
    return %c0_i32, %c0_i32_0 : i32, i32
  }
  func.func @transform_3(%arg0: i32) -> (i32, i32) {
    %c0_i32 = arith.constant 0 : i32
    %c0_i32_0 = arith.constant 0 : i32
    %c0_i32_1 = arith.constant 0 : i32
    return %c0_i32, %c0_i32_0 : i32, i32
  }
  func.func @transform_4(%arg0: i32) -> (i32, i32) {
    %c0_i32 = arith.constant 0 : i32
    %c0_i32_0 = arith.constant 0 : i32
    %c0_i32_1 = arith.constant 0 : i32
    return %c0_i32, %c0_i32_0 : i32, i32
  }
  func.func @transform_5(%arg0: i32) -> (i32, i32) {
    %c0_i32 = arith.constant 0 : i32
    %c0_i32_0 = arith.constant 0 : i32
    %c0_i32_1 = arith.constant 0 : i32
    return %c0_i32, %c0_i32_0 : i32, i32
  }
  func.func @transform_6(%arg0: i32) -> (i32, i32) {
    %c0_i32 = arith.constant 0 : i32
    %c0_i32_0 = arith.constant 0 : i32
    %c0_i32_1 = arith.constant 0 : i32
    return %c0_i32, %c0_i32_0 : i32, i32
  }
  func.func @transform_7(%arg0: i32) -> (i32, i32) {
    %c0_i32 = arith.constant 0 : i32
    %c0_i32_0 = arith.constant 0 : i32
    %c0_i32_1 = arith.constant 0 : i32
    return %c0_i32, %c0_i32_0 : i32, i32
  }
}

module attributes {stable_mosaic.version = 14 : i64} {
  func.func @_scan_body(%arg0: i32, %arg1: memref<1x256x1xi32, #tpu.memory_space<vmem>>, %arg2: memref<256x3072xf32, #tpu.memory_space<vmem>>, %arg3: memref<1024x3072xbf16, #tpu.memory_space<vmem>>, %arg4: memref<1x1024xf32, #tpu.memory_space<vmem>>, %arg5: memref<16x1024xf32, #tpu.memory_space<vmem>>, %arg6: memref<16x1xf32, #tpu.memory_space<vmem>>, %arg7: memref<16x1024xf32, #tpu.memory_space<vmem>>, %arg8: memref<16x1xf32, #tpu.memory_space<vmem>>) attributes {dimension_semantics = [#tpu.dimension_semantics<arbitrary>], iteration_bounds = array<i64: 8>, scalar_prefetch = 0 : i64, scratch_operands = 0 : i64, tpu.core_type = #tpu.core_type<tc>, window_params = [{transform_indices = @transform_0, window_bounds = array<i64: 1, 256, 1>}, {transform_indices = @transform_1, window_bounds = array<i64: 256, 3072>}, {pipeline_mode = #tpu.pipeline_mode<synchronous>, transform_indices = @transform_2, window_bounds = array<i64: 1024, 3072>}, {pipeline_mode = #tpu.pipeline_mode<synchronous>, transform_indices = @transform_3, window_bounds = array<i64: 1, 1024>}, {pipeline_mode = #tpu.pipeline_mode<synchronous>, transform_indices = @transform_4, window_bounds = array<i64: 16, 1024>}, {pipeline_mode = #tpu.pipeline_mode<synchronous>, transform_indices = @transform_5, window_bounds = array<i64: 16, 1>}, {pipeline_mode = #tpu.pipeline_mode<synchronous>, transform_indices = @transform_6, window_bounds = array<i64: 16, 1024>}, {pipeline_mode = #tpu.pipeline_mode<synchronous>, transform_indices = @transform_7, window_bounds = array<i64: 16, 1>}]} {
    %eq3A = arith.constant 0 : i32
    %eq3A_0 = arith.cmpi eq, %arg0, %eq3A : i32
    %convert_element_type3A = arith.extui %eq3A_0 : i1 to i32
    %cond3A = arith.constant 0 : i32
    %cond3A_1 = arith.cmpi ne, %convert_element_type3A, %cond3A : i32
    scf.if %cond3A_1 {
      %get3A_872 = arith.constant 0 : index
      %get3A_873 = arith.constant 0 : index
      %get3A_874 = vector.load %arg5[%get3A_872, %get3A_873] : memref<16x1024xf32, #tpu.memory_space<vmem>>, vector<16x1024xf32>
      %swap3A_875 = arith.constant 0 : index
      %swap3A_876 = arith.constant 0 : index
      %swap3A_877 = vector.load %arg7[%swap3A_875, %swap3A_876] : memref<16x1024xf32, #tpu.memory_space<vmem>>, vector<16x1024xf32>
      tpu.vector_store %arg7[%swap3A_875, %swap3A_876], %get3A_874 {strides = array<i32>} : memref<16x1024xf32, #tpu.memory_space<vmem>>, vector<16x1024xf32>,
      %get3A_878 = arith.constant 0 : index
      %get3A_879 = arith.constant 0 : index
      %get3A_880 = vector.load %arg6[%get3A_878, %get3A_879] : memref<16x1xf32, #tpu.memory_space<vmem>>, vector<16x1xf32>
      %swap3A_881 = arith.constant 0 : index
      %swap3A_882 = arith.constant 0 : index
      %swap3A_883 = vector.load %arg8[%swap3A_881, %swap3A_882] : memref<16x1xf32, #tpu.memory_space<vmem>>, vector<16x1xf32>
      tpu.vector_store %arg8[%swap3A_881, %swap3A_882], %get3A_880 {strides = array<i32>} : memref<16x1xf32, #tpu.memory_space<vmem>>, vector<16x1xf32>,
    } else {
    }
    %get3A = arith.constant 0 : index
    %get3A_2 = arith.constant 0 : index
    %get3A_3 = vector.load %arg7[%get3A, %get3A_2] : memref<16x1024xf32, #tpu.memory_space<vmem>>, vector<16x1024xf32>
    %get3A_4 = arith.constant 0 : index
    %get3A_5 = arith.constant 0 : index
    %get3A_6 = vector.load %arg8[%get3A_4, %get3A_5] : memref<16x1xf32, #tpu.memory_space<vmem>>, vector<16x1xf32>
    %get3A_7 = arith.constant 0 : index
    %get3A_8 = arith.constant 0 : index
    %get3A_9 = arith.constant 0 : index
    %get3A_10 = vector.load %arg1[%get3A_7, %get3A_8, %get3A_9] : memref<1x256x1xi32, #tpu.memory_space<vmem>>, vector<1x256x1xi32>
    %squeeze3A = vector.shape_cast %get3A_10 : vector<1x256x1xi32> to vector<256x1xi32>
    %get3A_11 = arith.constant 0 : index
    %get3A_12 = arith.constant 0 : index
    %get3A_13 = vector.load %arg2[%get3A_11, %get3A_12] : memref<256x3072xf32, #tpu.memory_space<vmem>>, vector<256x3072xf32>
    %slice3A = vector.extract_strided_slice %get3A_13 {offsets = [0, 0], sizes = [16, 3072], strides = [1, 1]} : vector<256x3072xf32> to vector<16x3072xf32>
    %slice3A_14 = vector.extract_strided_slice %squeeze3A {offsets = [0, 0], sizes = [16, 1], strides = [1, 1]} : vector<256x1xi32> to vector<16x1xi32>
    %convert_element_type3A_15 = arith.truncf %get3A_3 : vector<16x1024xf32> to vector<16x1024xbf16>
    %get3A_16 = arith.constant 0 : index
    %get3A_17 = arith.constant 0 : index
    %get3A_18 = vector.load %arg3[%get3A_16, %get3A_17] : memref<1024x3072xbf16, #tpu.memory_space<vmem>>, vector<1024x3072xbf16>
    %dot_general3A = arith.constant dense<0.000000e+00> : vector<16x3072xf32>
    %dot_general3A_19 = tpu.matmul %convert_element_type3A_15, %get3A_18, %dot_general3A {dimension_numbers = #tpu.dot_dimension_numbers<[1], [0], [0], [1], [0, 0, 1, 1], [], []>, transpose_lhs_hint = false} : vector<16x1024xbf16>, vector<1024x3072xbf16>, vector<16x3072xf32> -> vector<16x3072xf32>
    %slice3A_20 = vector.extract_strided_slice %slice3A {offsets = [0, 0], sizes = [16, 1024], strides = [1, 1]} : vector<16x3072xf32> to vector<16x1024xf32>
    %slice3A_21 = vector.extract_strided_slice %dot_general3A_19 {offsets = [0, 0], sizes = [16, 1024], strides = [1, 1]} : vector<16x3072xf32> to vector<16x1024xf32>
    %add3A = arith.addf %slice3A_20, %slice3A_21 : vector<16x1024xf32>
    %logistic3A = arith.negf %add3A : vector<16x1024xf32>
    %logistic3A_22 = math.exp %logistic3A : vector<16x1024xf32>
    %logistic3A_23 = arith.constant 1.000000e+00 : f32
    %logistic3A_24 = vector.broadcast %logistic3A_23 : f32 to vector<16x1024xf32>
    %logistic3A_25 = arith.addf %logistic3A_24, %logistic3A_22 : vector<16x1024xf32>
    %logistic3A_26 = arith.divf %logistic3A_24, %logistic3A_25 : vector<16x1024xf32>
    %slice3A_27 = vector.extract_strided_slice %slice3A {offsets = [0, 1024], sizes = [16, 1024], strides = [1, 1]} : vector<16x3072xf32> to vector<16x1024xf32>
    %slice3A_28 = vector.extract_strided_slice %dot_general3A_19 {offsets = [0, 1024], sizes = [16, 1024], strides = [1, 1]} : vector<16x3072xf32> to vector<16x1024xf32>
    %add3A_29 = arith.addf %slice3A_27, %slice3A_28 : vector<16x1024xf32>
    %logistic3A_30 = arith.negf %add3A_29 : vector<16x1024xf32>
    %logistic3A_31 = math.exp %logistic3A_30 : vector<16x1024xf32>
    %logistic3A_32 = arith.constant 1.000000e+00 : f32
    %logistic3A_33 = vector.broadcast %logistic3A_32 : f32 to vector<16x1024xf32>
    %logistic3A_34 = arith.addf %logistic3A_33, %logistic3A_31 : vector<16x1024xf32>
    %logistic3A_35 = arith.divf %logistic3A_33, %logistic3A_34 : vector<16x1024xf32>
    %slice3A_36 = vector.extract_strided_slice %slice3A {offsets = [0, 2048], sizes = [16, 1024], strides = [1, 1]} : vector<16x3072xf32> to vector<16x1024xf32>
    %slice3A_37 = vector.extract_strided_slice %dot_general3A_19 {offsets = [0, 2048], sizes = [16, 1024], strides = [1, 1]} : vector<16x3072xf32> to vector<16x1024xf32>
    %get3A_38 = arith.constant 0 : index
    %get3A_39 = arith.constant 0 : index
    %get3A_40 = vector.load %arg4[%get3A_38, %get3A_39] : memref<1x1024xf32, #tpu.memory_space<vmem>>, vector<1x1024xf32>
    %add3A_41 = vector.broadcast %get3A_40 : vector<1x1024xf32> to vector<16x1024xf32>
    %add3A_42 = arith.addf %slice3A_37, %add3A_41 : vector<16x1024xf32>
    %mul3A = arith.mulf %logistic3A_26, %add3A_42 : vector<16x1024xf32>
    %add3A_43 = arith.addf %slice3A_36, %mul3A : vector<16x1024xf32>
    %tanh3A = math.tanh %add3A_43 : vector<16x1024xf32>
    %sub3A = arith.constant 1.000000e+00 : f32
    %sub3A_44 = vector.broadcast %sub3A : f32 to vector<16x1024xf32>
    %sub3A_45 = arith.subf %sub3A_44, %logistic3A_35 : vector<16x1024xf32>
    %mul3A_46 = arith.mulf %sub3A_45, %tanh3A : vector<16x1024xf32>
    %mul3A_47 = arith.mulf %logistic3A_35, %get3A_3 : vector<16x1024xf32>
    %add3A_48 = arith.addf %mul3A_46, %mul3A_47 : vector<16x1024xf32>
    %gt3A = arith.constant 5.000000e-01 : f32
    %gt3A_49 = vector.broadcast %gt3A : f32 to vector<16x1xf32>
    %gt3A_50 = arith.cmpf ogt, %get3A_6, %gt3A_49 : vector<16x1xf32>
    %broadcast_in_dim3A = vector.shape_cast %gt3A_50 : vector<16x1xi1> to vector<16x1xi1>
    %broadcast_in_dim3A_51 = vector.broadcast %broadcast_in_dim3A : vector<16x1xi1> to vector<16x1024xi1>
    %select_n3A = arith.select %broadcast_in_dim3A_51, %add3A_48, %get3A_3 : vector<16x1024xi1>, vector<16x1024xf32>
    %ne3A = arith.constant 0 : i32
    %ne3A_52 = vector.broadcast %ne3A : i32 to vector<16x1xi32>
    %ne3A_53 = arith.cmpi ne, %slice3A_14, %ne3A_52 : vector<16x1xi32>
    %convert_element_type3A_54 = arith.extui %ne3A_53 : vector<16x1xi1> to vector<16x1xi32>
    %convert_element_type3A_55 = arith.sitofp %convert_element_type3A_54 : vector<16x1xi32> to vector<16x1xf32>
    %mul3A_56 = arith.mulf %get3A_6, %convert_element_type3A_55 : vector<16x1xf32>
    %slice3A_57 = vector.extract_strided_slice %get3A_13 {offsets = [16, 0], sizes = [16, 3072], strides = [1, 1]} : vector<256x3072xf32> to vector<16x3072xf32>
    %slice3A_58 = vector.extract_strided_slice %squeeze3A {offsets = [16, 0], sizes = [16, 1], strides = [1, 1]} : vector<256x1xi32> to vector<16x1xi32>
    %convert_element_type3A_59 = arith.truncf %select_n3A : vector<16x1024xf32> to vector<16x1024xbf16>
    %get3A_60 = arith.constant 0 : index
    %get3A_61 = arith.constant 0 : index
    %get3A_62 = vector.load %arg3[%get3A_60, %get3A_61] : memref<1024x3072xbf16, #tpu.memory_space<vmem>>, vector<1024x3072xbf16>
    %dot_general3A_63 = arith.constant dense<0.000000e+00> : vector<16x3072xf32>
    %dot_general3A_64 = tpu.matmul %convert_element_type3A_59, %get3A_62, %dot_general3A_63 {dimension_numbers = #tpu.dot_dimension_numbers<[1], [0], [0], [1], [0, 0, 1, 1], [], []>, transpose_lhs_hint = false} : vector<16x1024xbf16>, vector<1024x3072xbf16>, vector<16x3072xf32> -> vector<16x3072xf32>
    %slice3A_65 = vector.extract_strided_slice %slice3A_57 {offsets = [0, 0], sizes = [16, 1024], strides = [1, 1]} : vector<16x3072xf32> to vector<16x1024xf32>
    %slice3A_66 = vector.extract_strided_slice %dot_general3A_64 {offsets = [0, 0], sizes = [16, 1024], strides = [1, 1]} : vector<16x3072xf32> to vector<16x1024xf32>
    %add3A_67 = arith.addf %slice3A_65, %slice3A_66 : vector<16x1024xf32>
    %logistic3A_68 = arith.negf %add3A_67 : vector<16x1024xf32>
    %logistic3A_69 = math.exp %logistic3A_68 : vector<16x1024xf32>
    %logistic3A_70 = arith.constant 1.000000e+00 : f32
    %logistic3A_71 = vector.broadcast %logistic3A_70 : f32 to vector<16x1024xf32>
    %logistic3A_72 = arith.addf %logistic3A_71, %logistic3A_69 : vector<16x1024xf32>
    %logistic3A_73 = arith.divf %logistic3A_71, %logistic3A_72 : vector<16x1024xf32>
    %slice3A_74 = vector.extract_strided_slice %slice3A_57 {offsets = [0, 1024], sizes = [16, 1024], strides = [1, 1]} : vector<16x3072xf32> to vector<16x1024xf32>
    %slice3A_75 = vector.extract_strided_slice %dot_general3A_64 {offsets = [0, 1024], sizes = [16, 1024], strides = [1, 1]} : vector<16x3072xf32> to vector<16x1024xf32>
    %add3A_76 = arith.addf %slice3A_74, %slice3A_75 : vector<16x1024xf32>
    %logistic3A_77 = arith.negf %add3A_76 : vector<16x1024xf32>
    %logistic3A_78 = math.exp %logistic3A_77 : vector<16x1024xf32>
    %logistic3A_79 = arith.constant 1.000000e+00 : f32
    %logistic3A_80 = vector.broadcast %logistic3A_79 : f32 to vector<16x1024xf32>
    %logistic3A_81 = arith.addf %logistic3A_80, %logistic3A_78 : vector<16x1024xf32>
    %logistic3A_82 = arith.divf %logistic3A_80, %logistic3A_81 : vector<16x1024xf32>
    %slice3A_83 = vector.extract_strided_slice %slice3A_57 {offsets = [0, 2048], sizes = [16, 1024], strides = [1, 1]} : vector<16x3072xf32> to vector<16x1024xf32>
    %slice3A_84 = vector.extract_strided_slice %dot_general3A_64 {offsets = [0, 2048], sizes = [16, 1024], strides = [1, 1]} : vector<16x3072xf32> to vector<16x1024xf32>
    %get3A_85 = arith.constant 0 : index
    %get3A_86 = arith.constant 0 : index
    %get3A_87 = vector.load %arg4[%get3A_85, %get3A_86] : memref<1x1024xf32, #tpu.memory_space<vmem>>, vector<1x1024xf32>
    %add3A_88 = vector.broadcast %get3A_87 : vector<1x1024xf32> to vector<16x1024xf32>
    %add3A_89 = arith.addf %slice3A_84, %add3A_88 : vector<16x1024xf32>
    %mul3A_90 = arith.mulf %logistic3A_73, %add3A_89 : vector<16x1024xf32>
    %add3A_91 = arith.addf %slice3A_83, %mul3A_90 : vector<16x1024xf32>
    %tanh3A_92 = math.tanh %add3A_91 : vector<16x1024xf32>
    %sub3A_93 = arith.constant 1.000000e+00 : f32
    %sub3A_94 = vector.broadcast %sub3A_93 : f32 to vector<16x1024xf32>
    %sub3A_95 = arith.subf %sub3A_94, %logistic3A_82 : vector<16x1024xf32>
    %mul3A_96 = arith.mulf %sub3A_95, %tanh3A_92 : vector<16x1024xf32>
    %mul3A_97 = arith.mulf %logistic3A_82, %select_n3A : vector<16x1024xf32>
    %add3A_98 = arith.addf %mul3A_96, %mul3A_97 : vector<16x1024xf32>
    %gt3A_99 = arith.constant 5.000000e-01 : f32
    %gt3A_100 = vector.broadcast %gt3A_99 : f32 to vector<16x1xf32>
    %gt3A_101 = arith.cmpf ogt, %mul3A_56, %gt3A_100 : vector<16x1xf32>
    %broadcast_in_dim3A_102 = vector.shape_cast %gt3A_101 : vector<16x1xi1> to vector<16x1xi1>
    %broadcast_in_dim3A_103 = vector.broadcast %broadcast_in_dim3A_102 : vector<16x1xi1> to vector<16x1024xi1>
    %select_n3A_104 = arith.select %broadcast_in_dim3A_103, %add3A_98, %select_n3A : vector<16x1024xi1>, vector<16x1024xf32>
    %ne3A_105 = arith.constant 0 : i32
    %ne3A_106 = vector.broadcast %ne3A_105 : i32 to vector<16x1xi32>
    %ne3A_107 = arith.cmpi ne, %slice3A_58, %ne3A_106 : vector<16x1xi32>
    %convert_element_type3A_108 = arith.extui %ne3A_107 : vector<16x1xi1> to vector<16x1xi32>
    %convert_element_type3A_109 = arith.sitofp %convert_element_type3A_108 : vector<16x1xi32> to vector<16x1xf32>
    %mul3A_110 = arith.mulf %mul3A_56, %convert_element_type3A_109 : vector<16x1xf32>
    %slice3A_111 = vector.extract_strided_slice %get3A_13 {offsets = [32, 0], sizes = [16, 3072], strides = [1, 1]} : vector<256x3072xf32> to vector<16x3072xf32>
    %slice3A_112 = vector.extract_strided_slice %squeeze3A {offsets = [32, 0], sizes = [16, 1], strides = [1, 1]} : vector<256x1xi32> to vector<16x1xi32>
    %convert_element_type3A_113 = arith.truncf %select_n3A_104 : vector<16x1024xf32> to vector<16x1024xbf16>
    %get3A_114 = arith.constant 0 : index
    %get3A_115 = arith.constant 0 : index
    %get3A_116 = vector.load %arg3[%get3A_114, %get3A_115] : memref<1024x3072xbf16, #tpu.memory_space<vmem>>, vector<1024x3072xbf16>
    %dot_general3A_117 = arith.constant dense<0.000000e+00> : vector<16x3072xf32>
    %dot_general3A_118 = tpu.matmul %convert_element_type3A_113, %get3A_116, %dot_general3A_117 {dimension_numbers = #tpu.dot_dimension_numbers<[1], [0], [0], [1], [0, 0, 1, 1], [], []>, transpose_lhs_hint = false} : vector<16x1024xbf16>, vector<1024x3072xbf16>, vector<16x3072xf32> -> vector<16x3072xf32>
    %slice3A_119 = vector.extract_strided_slice %slice3A_111 {offsets = [0, 0], sizes = [16, 1024], strides = [1, 1]} : vector<16x3072xf32> to vector<16x1024xf32>
    %slice3A_120 = vector.extract_strided_slice %dot_general3A_118 {offsets = [0, 0], sizes = [16, 1024], strides = [1, 1]} : vector<16x3072xf32> to vector<16x1024xf32>
    %add3A_121 = arith.addf %slice3A_119, %slice3A_120 : vector<16x1024xf32>
    %logistic3A_122 = arith.negf %add3A_121 : vector<16x1024xf32>
    %logistic3A_123 = math.exp %logistic3A_122 : vector<16x1024xf32>
    %logistic3A_124 = arith.constant 1.000000e+00 : f32
    %logistic3A_125 = vector.broadcast %logistic3A_124 : f32 to vector<16x1024xf32>
    %logistic3A_126 = arith.addf %logistic3A_125, %logistic3A_123 : vector<16x1024xf32>
    %logistic3A_127 = arith.divf %logistic3A_125, %logistic3A_126 : vector<16x1024xf32>
    %slice3A_128 = vector.extract_strided_slice %slice3A_111 {offsets = [0, 1024], sizes = [16, 1024], strides = [1, 1]} : vector<16x3072xf32> to vector<16x1024xf32>
    %slice3A_129 = vector.extract_strided_slice %dot_general3A_118 {offsets = [0, 1024], sizes = [16, 1024], strides = [1, 1]} : vector<16x3072xf32> to vector<16x1024xf32>
    %add3A_130 = arith.addf %slice3A_128, %slice3A_129 : vector<16x1024xf32>
    %logistic3A_131 = arith.negf %add3A_130 : vector<16x1024xf32>
    %logistic3A_132 = math.exp %logistic3A_131 : vector<16x1024xf32>
    %logistic3A_133 = arith.constant 1.000000e+00 : f32
    %logistic3A_134 = vector.broadcast %logistic3A_133 : f32 to vector<16x1024xf32>
    %logistic3A_135 = arith.addf %logistic3A_134, %logistic3A_132 : vector<16x1024xf32>
    %logistic3A_136 = arith.divf %logistic3A_134, %logistic3A_135 : vector<16x1024xf32>
    %slice3A_137 = vector.extract_strided_slice %slice3A_111 {offsets = [0, 2048], sizes = [16, 1024], strides = [1, 1]} : vector<16x3072xf32> to vector<16x1024xf32>
    %slice3A_138 = vector.extract_strided_slice %dot_general3A_118 {offsets = [0, 2048], sizes = [16, 1024], strides = [1, 1]} : vector<16x3072xf32> to vector<16x1024xf32>
    %get3A_139 = arith.constant 0 : index
    %get3A_140 = arith.constant 0 : index
    %get3A_141 = vector.load %arg4[%get3A_139, %get3A_140] : memref<1x1024xf32, #tpu.memory_space<vmem>>, vector<1x1024xf32>
    %add3A_142 = vector.broadcast %get3A_141 : vector<1x1024xf32> to vector<16x1024xf32>
    %add3A_143 = arith.addf %slice3A_138, %add3A_142 : vector<16x1024xf32>
    %mul3A_144 = arith.mulf %logistic3A_127, %add3A_143 : vector<16x1024xf32>
    %add3A_145 = arith.addf %slice3A_137, %mul3A_144 : vector<16x1024xf32>
    %tanh3A_146 = math.tanh %add3A_145 : vector<16x1024xf32>
    %sub3A_147 = arith.constant 1.000000e+00 : f32
    %sub3A_148 = vector.broadcast %sub3A_147 : f32 to vector<16x1024xf32>
    %sub3A_149 = arith.subf %sub3A_148, %logistic3A_136 : vector<16x1024xf32>
    %mul3A_150 = arith.mulf %sub3A_149, %tanh3A_146 : vector<16x1024xf32>
    %mul3A_151 = arith.mulf %logistic3A_136, %select_n3A_104 : vector<16x1024xf32>
    %add3A_152 = arith.addf %mul3A_150, %mul3A_151 : vector<16x1024xf32>
    %gt3A_153 = arith.constant 5.000000e-01 : f32
    %gt3A_154 = vector.broadcast %gt3A_153 : f32 to vector<16x1xf32>
    %gt3A_155 = arith.cmpf ogt, %mul3A_110, %gt3A_154 : vector<16x1xf32>
    %broadcast_in_dim3A_156 = vector.shape_cast %gt3A_155 : vector<16x1xi1> to vector<16x1xi1>
    %broadcast_in_dim3A_157 = vector.broadcast %broadcast_in_dim3A_156 : vector<16x1xi1> to vector<16x1024xi1>
    %select_n3A_158 = arith.select %broadcast_in_dim3A_157, %add3A_152, %select_n3A_104 : vector<16x1024xi1>, vector<16x1024xf32>
    %ne3A_159 = arith.constant 0 : i32
    %ne3A_160 = vector.broadcast %ne3A_159 : i32 to vector<16x1xi32>
    %ne3A_161 = arith.cmpi ne, %slice3A_112, %ne3A_160 : vector<16x1xi32>
    %convert_element_type3A_162 = arith.extui %ne3A_161 : vector<16x1xi1> to vector<16x1xi32>
    %convert_element_type3A_163 = arith.sitofp %convert_element_type3A_162 : vector<16x1xi32> to vector<16x1xf32>
    %mul3A_164 = arith.mulf %mul3A_110, %convert_element_type3A_163 : vector<16x1xf32>
    %slice3A_165 = vector.extract_strided_slice %get3A_13 {offsets = [48, 0], sizes = [16, 3072], strides = [1, 1]} : vector<256x3072xf32> to vector<16x3072xf32>
    %slice3A_166 = vector.extract_strided_slice %squeeze3A {offsets = [48, 0], sizes = [16, 1], strides = [1, 1]} : vector<256x1xi32> to vector<16x1xi32>
    %convert_element_type3A_167 = arith.truncf %select_n3A_158 : vector<16x1024xf32> to vector<16x1024xbf16>
    %get3A_168 = arith.constant 0 : index
    %get3A_169 = arith.constant 0 : index
    %get3A_170 = vector.load %arg3[%get3A_168, %get3A_169] : memref<1024x3072xbf16, #tpu.memory_space<vmem>>, vector<1024x3072xbf16>
    %dot_general3A_171 = arith.constant dense<0.000000e+00> : vector<16x3072xf32>
    %dot_general3A_172 = tpu.matmul %convert_element_type3A_167, %get3A_170, %dot_general3A_171 {dimension_numbers = #tpu.dot_dimension_numbers<[1], [0], [0], [1], [0, 0, 1, 1], [], []>, transpose_lhs_hint = false} : vector<16x1024xbf16>, vector<1024x3072xbf16>, vector<16x3072xf32> -> vector<16x3072xf32>
    %slice3A_173 = vector.extract_strided_slice %slice3A_165 {offsets = [0, 0], sizes = [16, 1024], strides = [1, 1]} : vector<16x3072xf32> to vector<16x1024xf32>
    %slice3A_174 = vector.extract_strided_slice %dot_general3A_172 {offsets = [0, 0], sizes = [16, 1024], strides = [1, 1]} : vector<16x3072xf32> to vector<16x1024xf32>
    %add3A_175 = arith.addf %slice3A_173, %slice3A_174 : vector<16x1024xf32>
    %logistic3A_176 = arith.negf %add3A_175 : vector<16x1024xf32>
    %logistic3A_177 = math.exp %logistic3A_176 : vector<16x1024xf32>
    %logistic3A_178 = arith.constant 1.000000e+00 : f32
    %logistic3A_179 = vector.broadcast %logistic3A_178 : f32 to vector<16x1024xf32>
    %logistic3A_180 = arith.addf %logistic3A_179, %logistic3A_177 : vector<16x1024xf32>
    %logistic3A_181 = arith.divf %logistic3A_179, %logistic3A_180 : vector<16x1024xf32>
    %slice3A_182 = vector.extract_strided_slice %slice3A_165 {offsets = [0, 1024], sizes = [16, 1024], strides = [1, 1]} : vector<16x3072xf32> to vector<16x1024xf32>
    %slice3A_183 = vector.extract_strided_slice %dot_general3A_172 {offsets = [0, 1024], sizes = [16, 1024], strides = [1, 1]} : vector<16x3072xf32> to vector<16x1024xf32>
    %add3A_184 = arith.addf %slice3A_182, %slice3A_183 : vector<16x1024xf32>
    %logistic3A_185 = arith.negf %add3A_184 : vector<16x1024xf32>
    %logistic3A_186 = math.exp %logistic3A_185 : vector<16x1024xf32>
    %logistic3A_187 = arith.constant 1.000000e+00 : f32
    %logistic3A_188 = vector.broadcast %logistic3A_187 : f32 to vector<16x1024xf32>
    %logistic3A_189 = arith.addf %logistic3A_188, %logistic3A_186 : vector<16x1024xf32>
    %logistic3A_190 = arith.divf %logistic3A_188, %logistic3A_189 : vector<16x1024xf32>
    %slice3A_191 = vector.extract_strided_slice %slice3A_165 {offsets = [0, 2048], sizes = [16, 1024], strides = [1, 1]} : vector<16x3072xf32> to vector<16x1024xf32>
    %slice3A_192 = vector.extract_strided_slice %dot_general3A_172 {offsets = [0, 2048], sizes = [16, 1024], strides = [1, 1]} : vector<16x3072xf32> to vector<16x1024xf32>
    %get3A_193 = arith.constant 0 : index
    %get3A_194 = arith.constant 0 : index
    %get3A_195 = vector.load %arg4[%get3A_193, %get3A_194] : memref<1x1024xf32, #tpu.memory_space<vmem>>, vector<1x1024xf32>
    %add3A_196 = vector.broadcast %get3A_195 : vector<1x1024xf32> to vector<16x1024xf32>
    %add3A_197 = arith.addf %slice3A_192, %add3A_196 : vector<16x1024xf32>
    %mul3A_198 = arith.mulf %logistic3A_181, %add3A_197 : vector<16x1024xf32>
    %add3A_199 = arith.addf %slice3A_191, %mul3A_198 : vector<16x1024xf32>
    %tanh3A_200 = math.tanh %add3A_199 : vector<16x1024xf32>
    %sub3A_201 = arith.constant 1.000000e+00 : f32
    %sub3A_202 = vector.broadcast %sub3A_201 : f32 to vector<16x1024xf32>
    %sub3A_203 = arith.subf %sub3A_202, %logistic3A_190 : vector<16x1024xf32>
    %mul3A_204 = arith.mulf %sub3A_203, %tanh3A_200 : vector<16x1024xf32>
    %mul3A_205 = arith.mulf %logistic3A_190, %select_n3A_158 : vector<16x1024xf32>
    %add3A_206 = arith.addf %mul3A_204, %mul3A_205 : vector<16x1024xf32>
    %gt3A_207 = arith.constant 5.000000e-01 : f32
    %gt3A_208 = vector.broadcast %gt3A_207 : f32 to vector<16x1xf32>
    %gt3A_209 = arith.cmpf ogt, %mul3A_164, %gt3A_208 : vector<16x1xf32>
    %broadcast_in_dim3A_210 = vector.shape_cast %gt3A_209 : vector<16x1xi1> to vector<16x1xi1>
    %broadcast_in_dim3A_211 = vector.broadcast %broadcast_in_dim3A_210 : vector<16x1xi1> to vector<16x1024xi1>
    %select_n3A_212 = arith.select %broadcast_in_dim3A_211, %add3A_206, %select_n3A_158 : vector<16x1024xi1>, vector<16x1024xf32>
    %ne3A_213 = arith.constant 0 : i32
    %ne3A_214 = vector.broadcast %ne3A_213 : i32 to vector<16x1xi32>
    %ne3A_215 = arith.cmpi ne, %slice3A_166, %ne3A_214 : vector<16x1xi32>
    %convert_element_type3A_216 = arith.extui %ne3A_215 : vector<16x1xi1> to vector<16x1xi32>
    %convert_element_type3A_217 = arith.sitofp %convert_element_type3A_216 : vector<16x1xi32> to vector<16x1xf32>
    %mul3A_218 = arith.mulf %mul3A_164, %convert_element_type3A_217 : vector<16x1xf32>
    %slice3A_219 = vector.extract_strided_slice %get3A_13 {offsets = [64, 0], sizes = [16, 3072], strides = [1, 1]} : vector<256x3072xf32> to vector<16x3072xf32>
    %slice3A_220 = vector.extract_strided_slice %squeeze3A {offsets = [64, 0], sizes = [16, 1], strides = [1, 1]} : vector<256x1xi32> to vector<16x1xi32>
    %convert_element_type3A_221 = arith.truncf %select_n3A_212 : vector<16x1024xf32> to vector<16x1024xbf16>
    %get3A_222 = arith.constant 0 : index
    %get3A_223 = arith.constant 0 : index
    %get3A_224 = vector.load %arg3[%get3A_222, %get3A_223] : memref<1024x3072xbf16, #tpu.memory_space<vmem>>, vector<1024x3072xbf16>
    %dot_general3A_225 = arith.constant dense<0.000000e+00> : vector<16x3072xf32>
    %dot_general3A_226 = tpu.matmul %convert_element_type3A_221, %get3A_224, %dot_general3A_225 {dimension_numbers = #tpu.dot_dimension_numbers<[1], [0], [0], [1], [0, 0, 1, 1], [], []>, transpose_lhs_hint = false} : vector<16x1024xbf16>, vector<1024x3072xbf16>, vector<16x3072xf32> -> vector<16x3072xf32>
    %slice3A_227 = vector.extract_strided_slice %slice3A_219 {offsets = [0, 0], sizes = [16, 1024], strides = [1, 1]} : vector<16x3072xf32> to vector<16x1024xf32>
    %slice3A_228 = vector.extract_strided_slice %dot_general3A_226 {offsets = [0, 0], sizes = [16, 1024], strides = [1, 1]} : vector<16x3072xf32> to vector<16x1024xf32>
    %add3A_229 = arith.addf %slice3A_227, %slice3A_228 : vector<16x1024xf32>
    %logistic3A_230 = arith.negf %add3A_229 : vector<16x1024xf32>
    %logistic3A_231 = math.exp %logistic3A_230 : vector<16x1024xf32>
    %logistic3A_232 = arith.constant 1.000000e+00 : f32
    %logistic3A_233 = vector.broadcast %logistic3A_232 : f32 to vector<16x1024xf32>
    %logistic3A_234 = arith.addf %logistic3A_233, %logistic3A_231 : vector<16x1024xf32>
    %logistic3A_235 = arith.divf %logistic3A_233, %logistic3A_234 : vector<16x1024xf32>
    %slice3A_236 = vector.extract_strided_slice %slice3A_219 {offsets = [0, 1024], sizes = [16, 1024], strides = [1, 1]} : vector<16x3072xf32> to vector<16x1024xf32>
    %slice3A_237 = vector.extract_strided_slice %dot_general3A_226 {offsets = [0, 1024], sizes = [16, 1024], strides = [1, 1]} : vector<16x3072xf32> to vector<16x1024xf32>
    %add3A_238 = arith.addf %slice3A_236, %slice3A_237 : vector<16x1024xf32>
    %logistic3A_239 = arith.negf %add3A_238 : vector<16x1024xf32>
    %logistic3A_240 = math.exp %logistic3A_239 : vector<16x1024xf32>
    %logistic3A_241 = arith.constant 1.000000e+00 : f32
    %logistic3A_242 = vector.broadcast %logistic3A_241 : f32 to vector<16x1024xf32>
    %logistic3A_243 = arith.addf %logistic3A_242, %logistic3A_240 : vector<16x1024xf32>
    %logistic3A_244 = arith.divf %logistic3A_242, %logistic3A_243 : vector<16x1024xf32>
    %slice3A_245 = vector.extract_strided_slice %slice3A_219 {offsets = [0, 2048], sizes = [16, 1024], strides = [1, 1]} : vector<16x3072xf32> to vector<16x1024xf32>
    %slice3A_246 = vector.extract_strided_slice %dot_general3A_226 {offsets = [0, 2048], sizes = [16, 1024], strides = [1, 1]} : vector<16x3072xf32> to vector<16x1024xf32>
    %get3A_247 = arith.constant 0 : index
    %get3A_248 = arith.constant 0 : index
    %get3A_249 = vector.load %arg4[%get3A_247, %get3A_248] : memref<1x1024xf32, #tpu.memory_space<vmem>>, vector<1x1024xf32>
    %add3A_250 = vector.broadcast %get3A_249 : vector<1x1024xf32> to vector<16x1024xf32>
    %add3A_251 = arith.addf %slice3A_246, %add3A_250 : vector<16x1024xf32>
    %mul3A_252 = arith.mulf %logistic3A_235, %add3A_251 : vector<16x1024xf32>
    %add3A_253 = arith.addf %slice3A_245, %mul3A_252 : vector<16x1024xf32>
    %tanh3A_254 = math.tanh %add3A_253 : vector<16x1024xf32>
    %sub3A_255 = arith.constant 1.000000e+00 : f32
    %sub3A_256 = vector.broadcast %sub3A_255 : f32 to vector<16x1024xf32>
    %sub3A_257 = arith.subf %sub3A_256, %logistic3A_244 : vector<16x1024xf32>
    %mul3A_258 = arith.mulf %sub3A_257, %tanh3A_254 : vector<16x1024xf32>
    %mul3A_259 = arith.mulf %logistic3A_244, %select_n3A_212 : vector<16x1024xf32>
    %add3A_260 = arith.addf %mul3A_258, %mul3A_259 : vector<16x1024xf32>
    %gt3A_261 = arith.constant 5.000000e-01 : f32
    %gt3A_262 = vector.broadcast %gt3A_261 : f32 to vector<16x1xf32>
    %gt3A_263 = arith.cmpf ogt, %mul3A_218, %gt3A_262 : vector<16x1xf32>
    %broadcast_in_dim3A_264 = vector.shape_cast %gt3A_263 : vector<16x1xi1> to vector<16x1xi1>
    %broadcast_in_dim3A_265 = vector.broadcast %broadcast_in_dim3A_264 : vector<16x1xi1> to vector<16x1024xi1>
    %select_n3A_266 = arith.select %broadcast_in_dim3A_265, %add3A_260, %select_n3A_212 : vector<16x1024xi1>, vector<16x1024xf32>
    %ne3A_267 = arith.constant 0 : i32
    %ne3A_268 = vector.broadcast %ne3A_267 : i32 to vector<16x1xi32>
    %ne3A_269 = arith.cmpi ne, %slice3A_220, %ne3A_268 : vector<16x1xi32>
    %convert_element_type3A_270 = arith.extui %ne3A_269 : vector<16x1xi1> to vector<16x1xi32>
    %convert_element_type3A_271 = arith.sitofp %convert_element_type3A_270 : vector<16x1xi32> to vector<16x1xf32>
    %mul3A_272 = arith.mulf %mul3A_218, %convert_element_type3A_271 : vector<16x1xf32>
    %slice3A_273 = vector.extract_strided_slice %get3A_13 {offsets = [80, 0], sizes = [16, 3072], strides = [1, 1]} : vector<256x3072xf32> to vector<16x3072xf32>
    %slice3A_274 = vector.extract_strided_slice %squeeze3A {offsets = [80, 0], sizes = [16, 1], strides = [1, 1]} : vector<256x1xi32> to vector<16x1xi32>
    %convert_element_type3A_275 = arith.truncf %select_n3A_266 : vector<16x1024xf32> to vector<16x1024xbf16>
    %get3A_276 = arith.constant 0 : index
    %get3A_277 = arith.constant 0 : index
    %get3A_278 = vector.load %arg3[%get3A_276, %get3A_277] : memref<1024x3072xbf16, #tpu.memory_space<vmem>>, vector<1024x3072xbf16>
    %dot_general3A_279 = arith.constant dense<0.000000e+00> : vector<16x3072xf32>
    %dot_general3A_280 = tpu.matmul %convert_element_type3A_275, %get3A_278, %dot_general3A_279 {dimension_numbers = #tpu.dot_dimension_numbers<[1], [0], [0], [1], [0, 0, 1, 1], [], []>, transpose_lhs_hint = false} : vector<16x1024xbf16>, vector<1024x3072xbf16>, vector<16x3072xf32> -> vector<16x3072xf32>
    %slice3A_281 = vector.extract_strided_slice %slice3A_273 {offsets = [0, 0], sizes = [16, 1024], strides = [1, 1]} : vector<16x3072xf32> to vector<16x1024xf32>
    %slice3A_282 = vector.extract_strided_slice %dot_general3A_280 {offsets = [0, 0], sizes = [16, 1024], strides = [1, 1]} : vector<16x3072xf32> to vector<16x1024xf32>
    %add3A_283 = arith.addf %slice3A_281, %slice3A_282 : vector<16x1024xf32>
    %logistic3A_284 = arith.negf %add3A_283 : vector<16x1024xf32>
    %logistic3A_285 = math.exp %logistic3A_284 : vector<16x1024xf32>
    %logistic3A_286 = arith.constant 1.000000e+00 : f32
    %logistic3A_287 = vector.broadcast %logistic3A_286 : f32 to vector<16x1024xf32>
    %logistic3A_288 = arith.addf %logistic3A_287, %logistic3A_285 : vector<16x1024xf32>
    %logistic3A_289 = arith.divf %logistic3A_287, %logistic3A_288 : vector<16x1024xf32>
    %slice3A_290 = vector.extract_strided_slice %slice3A_273 {offsets = [0, 1024], sizes = [16, 1024], strides = [1, 1]} : vector<16x3072xf32> to vector<16x1024xf32>
    %slice3A_291 = vector.extract_strided_slice %dot_general3A_280 {offsets = [0, 1024], sizes = [16, 1024], strides = [1, 1]} : vector<16x3072xf32> to vector<16x1024xf32>
    %add3A_292 = arith.addf %slice3A_290, %slice3A_291 : vector<16x1024xf32>
    %logistic3A_293 = arith.negf %add3A_292 : vector<16x1024xf32>
    %logistic3A_294 = math.exp %logistic3A_293 : vector<16x1024xf32>
    %logistic3A_295 = arith.constant 1.000000e+00 : f32
    %logistic3A_296 = vector.broadcast %logistic3A_295 : f32 to vector<16x1024xf32>
    %logistic3A_297 = arith.addf %logistic3A_296, %logistic3A_294 : vector<16x1024xf32>
    %logistic3A_298 = arith.divf %logistic3A_296, %logistic3A_297 : vector<16x1024xf32>
    %slice3A_299 = vector.extract_strided_slice %slice3A_273 {offsets = [0, 2048], sizes = [16, 1024], strides = [1, 1]} : vector<16x3072xf32> to vector<16x1024xf32>
    %slice3A_300 = vector.extract_strided_slice %dot_general3A_280 {offsets = [0, 2048], sizes = [16, 1024], strides = [1, 1]} : vector<16x3072xf32> to vector<16x1024xf32>
    %get3A_301 = arith.constant 0 : index
    %get3A_302 = arith.constant 0 : index
    %get3A_303 = vector.load %arg4[%get3A_301, %get3A_302] : memref<1x1024xf32, #tpu.memory_space<vmem>>, vector<1x1024xf32>
    %add3A_304 = vector.broadcast %get3A_303 : vector<1x1024xf32> to vector<16x1024xf32>
    %add3A_305 = arith.addf %slice3A_300, %add3A_304 : vector<16x1024xf32>
    %mul3A_306 = arith.mulf %logistic3A_289, %add3A_305 : vector<16x1024xf32>
    %add3A_307 = arith.addf %slice3A_299, %mul3A_306 : vector<16x1024xf32>
    %tanh3A_308 = math.tanh %add3A_307 : vector<16x1024xf32>
    %sub3A_309 = arith.constant 1.000000e+00 : f32
    %sub3A_310 = vector.broadcast %sub3A_309 : f32 to vector<16x1024xf32>
    %sub3A_311 = arith.subf %sub3A_310, %logistic3A_298 : vector<16x1024xf32>
    %mul3A_312 = arith.mulf %sub3A_311, %tanh3A_308 : vector<16x1024xf32>
    %mul3A_313 = arith.mulf %logistic3A_298, %select_n3A_266 : vector<16x1024xf32>
    %add3A_314 = arith.addf %mul3A_312, %mul3A_313 : vector<16x1024xf32>
    %gt3A_315 = arith.constant 5.000000e-01 : f32
    %gt3A_316 = vector.broadcast %gt3A_315 : f32 to vector<16x1xf32>
    %gt3A_317 = arith.cmpf ogt, %mul3A_272, %gt3A_316 : vector<16x1xf32>
    %broadcast_in_dim3A_318 = vector.shape_cast %gt3A_317 : vector<16x1xi1> to vector<16x1xi1>
    %broadcast_in_dim3A_319 = vector.broadcast %broadcast_in_dim3A_318 : vector<16x1xi1> to vector<16x1024xi1>
    %select_n3A_320 = arith.select %broadcast_in_dim3A_319, %add3A_314, %select_n3A_266 : vector<16x1024xi1>, vector<16x1024xf32>
    %ne3A_321 = arith.constant 0 : i32
    %ne3A_322 = vector.broadcast %ne3A_321 : i32 to vector<16x1xi32>
    %ne3A_323 = arith.cmpi ne, %slice3A_274, %ne3A_322 : vector<16x1xi32>
    %convert_element_type3A_324 = arith.extui %ne3A_323 : vector<16x1xi1> to vector<16x1xi32>
    %convert_element_type3A_325 = arith.sitofp %convert_element_type3A_324 : vector<16x1xi32> to vector<16x1xf32>
    %mul3A_326 = arith.mulf %mul3A_272, %convert_element_type3A_325 : vector<16x1xf32>
    %slice3A_327 = vector.extract_strided_slice %get3A_13 {offsets = [96, 0], sizes = [16, 3072], strides = [1, 1]} : vector<256x3072xf32> to vector<16x3072xf32>
    %slice3A_328 = vector.extract_strided_slice %squeeze3A {offsets = [96, 0], sizes = [16, 1], strides = [1, 1]} : vector<256x1xi32> to vector<16x1xi32>
    %convert_element_type3A_329 = arith.truncf %select_n3A_320 : vector<16x1024xf32> to vector<16x1024xbf16>
    %get3A_330 = arith.constant 0 : index
    %get3A_331 = arith.constant 0 : index
    %get3A_332 = vector.load %arg3[%get3A_330, %get3A_331] : memref<1024x3072xbf16, #tpu.memory_space<vmem>>, vector<1024x3072xbf16>
    %dot_general3A_333 = arith.constant dense<0.000000e+00> : vector<16x3072xf32>
    %dot_general3A_334 = tpu.matmul %convert_element_type3A_329, %get3A_332, %dot_general3A_333 {dimension_numbers = #tpu.dot_dimension_numbers<[1], [0], [0], [1], [0, 0, 1, 1], [], []>, transpose_lhs_hint = false} : vector<16x1024xbf16>, vector<1024x3072xbf16>, vector<16x3072xf32> -> vector<16x3072xf32>
    %slice3A_335 = vector.extract_strided_slice %slice3A_327 {offsets = [0, 0], sizes = [16, 1024], strides = [1, 1]} : vector<16x3072xf32> to vector<16x1024xf32>
    %slice3A_336 = vector.extract_strided_slice %dot_general3A_334 {offsets = [0, 0], sizes = [16, 1024], strides = [1, 1]} : vector<16x3072xf32> to vector<16x1024xf32>
    %add3A_337 = arith.addf %slice3A_335, %slice3A_336 : vector<16x1024xf32>
    %logistic3A_338 = arith.negf %add3A_337 : vector<16x1024xf32>
    %logistic3A_339 = math.exp %logistic3A_338 : vector<16x1024xf32>
    %logistic3A_340 = arith.constant 1.000000e+00 : f32
    %logistic3A_341 = vector.broadcast %logistic3A_340 : f32 to vector<16x1024xf32>
    %logistic3A_342 = arith.addf %logistic3A_341, %logistic3A_339 : vector<16x1024xf32>
    %logistic3A_343 = arith.divf %logistic3A_341, %logistic3A_342 : vector<16x1024xf32>
    %slice3A_344 = vector.extract_strided_slice %slice3A_327 {offsets = [0, 1024], sizes = [16, 1024], strides = [1, 1]} : vector<16x3072xf32> to vector<16x1024xf32>
    %slice3A_345 = vector.extract_strided_slice %dot_general3A_334 {offsets = [0, 1024], sizes = [16, 1024], strides = [1, 1]} : vector<16x3072xf32> to vector<16x1024xf32>
    %add3A_346 = arith.addf %slice3A_344, %slice3A_345 : vector<16x1024xf32>
    %logistic3A_347 = arith.negf %add3A_346 : vector<16x1024xf32>
    %logistic3A_348 = math.exp %logistic3A_347 : vector<16x1024xf32>
    %logistic3A_349 = arith.constant 1.000000e+00 : f32
    %logistic3A_350 = vector.broadcast %logistic3A_349 : f32 to vector<16x1024xf32>
    %logistic3A_351 = arith.addf %logistic3A_350, %logistic3A_348 : vector<16x1024xf32>
    %logistic3A_352 = arith.divf %logistic3A_350, %logistic3A_351 : vector<16x1024xf32>
    %slice3A_353 = vector.extract_strided_slice %slice3A_327 {offsets = [0, 2048], sizes = [16, 1024], strides = [1, 1]} : vector<16x3072xf32> to vector<16x1024xf32>
    %slice3A_354 = vector.extract_strided_slice %dot_general3A_334 {offsets = [0, 2048], sizes = [16, 1024], strides = [1, 1]} : vector<16x3072xf32> to vector<16x1024xf32>
    %get3A_355 = arith.constant 0 : index
    %get3A_356 = arith.constant 0 : index
    %get3A_357 = vector.load %arg4[%get3A_355, %get3A_356] : memref<1x1024xf32, #tpu.memory_space<vmem>>, vector<1x1024xf32>
    %add3A_358 = vector.broadcast %get3A_357 : vector<1x1024xf32> to vector<16x1024xf32>
    %add3A_359 = arith.addf %slice3A_354, %add3A_358 : vector<16x1024xf32>
    %mul3A_360 = arith.mulf %logistic3A_343, %add3A_359 : vector<16x1024xf32>
    %add3A_361 = arith.addf %slice3A_353, %mul3A_360 : vector<16x1024xf32>
    %tanh3A_362 = math.tanh %add3A_361 : vector<16x1024xf32>
    %sub3A_363 = arith.constant 1.000000e+00 : f32
    %sub3A_364 = vector.broadcast %sub3A_363 : f32 to vector<16x1024xf32>
    %sub3A_365 = arith.subf %sub3A_364, %logistic3A_352 : vector<16x1024xf32>
    %mul3A_366 = arith.mulf %sub3A_365, %tanh3A_362 : vector<16x1024xf32>
    %mul3A_367 = arith.mulf %logistic3A_352, %select_n3A_320 : vector<16x1024xf32>
    %add3A_368 = arith.addf %mul3A_366, %mul3A_367 : vector<16x1024xf32>
    %gt3A_369 = arith.constant 5.000000e-01 : f32
    %gt3A_370 = vector.broadcast %gt3A_369 : f32 to vector<16x1xf32>
    %gt3A_371 = arith.cmpf ogt, %mul3A_326, %gt3A_370 : vector<16x1xf32>
    %broadcast_in_dim3A_372 = vector.shape_cast %gt3A_371 : vector<16x1xi1> to vector<16x1xi1>
    %broadcast_in_dim3A_373 = vector.broadcast %broadcast_in_dim3A_372 : vector<16x1xi1> to vector<16x1024xi1>
    %select_n3A_374 = arith.select %broadcast_in_dim3A_373, %add3A_368, %select_n3A_320 : vector<16x1024xi1>, vector<16x1024xf32>
    %ne3A_375 = arith.constant 0 : i32
    %ne3A_376 = vector.broadcast %ne3A_375 : i32 to vector<16x1xi32>
    %ne3A_377 = arith.cmpi ne, %slice3A_328, %ne3A_376 : vector<16x1xi32>
    %convert_element_type3A_378 = arith.extui %ne3A_377 : vector<16x1xi1> to vector<16x1xi32>
    %convert_element_type3A_379 = arith.sitofp %convert_element_type3A_378 : vector<16x1xi32> to vector<16x1xf32>
    %mul3A_380 = arith.mulf %mul3A_326, %convert_element_type3A_379 : vector<16x1xf32>
    %slice3A_381 = vector.extract_strided_slice %get3A_13 {offsets = [112, 0], sizes = [16, 3072], strides = [1, 1]} : vector<256x3072xf32> to vector<16x3072xf32>
    %slice3A_382 = vector.extract_strided_slice %squeeze3A {offsets = [112, 0], sizes = [16, 1], strides = [1, 1]} : vector<256x1xi32> to vector<16x1xi32>
    %convert_element_type3A_383 = arith.truncf %select_n3A_374 : vector<16x1024xf32> to vector<16x1024xbf16>
    %get3A_384 = arith.constant 0 : index
    %get3A_385 = arith.constant 0 : index
    %get3A_386 = vector.load %arg3[%get3A_384, %get3A_385] : memref<1024x3072xbf16, #tpu.memory_space<vmem>>, vector<1024x3072xbf16>
    %dot_general3A_387 = arith.constant dense<0.000000e+00> : vector<16x3072xf32>
    %dot_general3A_388 = tpu.matmul %convert_element_type3A_383, %get3A_386, %dot_general3A_387 {dimension_numbers = #tpu.dot_dimension_numbers<[1], [0], [0], [1], [0, 0, 1, 1], [], []>, transpose_lhs_hint = false} : vector<16x1024xbf16>, vector<1024x3072xbf16>, vector<16x3072xf32> -> vector<16x3072xf32>
    %slice3A_389 = vector.extract_strided_slice %slice3A_381 {offsets = [0, 0], sizes = [16, 1024], strides = [1, 1]} : vector<16x3072xf32> to vector<16x1024xf32>
    %slice3A_390 = vector.extract_strided_slice %dot_general3A_388 {offsets = [0, 0], sizes = [16, 1024], strides = [1, 1]} : vector<16x3072xf32> to vector<16x1024xf32>
    %add3A_391 = arith.addf %slice3A_389, %slice3A_390 : vector<16x1024xf32>
    %logistic3A_392 = arith.negf %add3A_391 : vector<16x1024xf32>
    %logistic3A_393 = math.exp %logistic3A_392 : vector<16x1024xf32>
    %logistic3A_394 = arith.constant 1.000000e+00 : f32
    %logistic3A_395 = vector.broadcast %logistic3A_394 : f32 to vector<16x1024xf32>
    %logistic3A_396 = arith.addf %logistic3A_395, %logistic3A_393 : vector<16x1024xf32>
    %logistic3A_397 = arith.divf %logistic3A_395, %logistic3A_396 : vector<16x1024xf32>
    %slice3A_398 = vector.extract_strided_slice %slice3A_381 {offsets = [0, 1024], sizes = [16, 1024], strides = [1, 1]} : vector<16x3072xf32> to vector<16x1024xf32>
    %slice3A_399 = vector.extract_strided_slice %dot_general3A_388 {offsets = [0, 1024], sizes = [16, 1024], strides = [1, 1]} : vector<16x3072xf32> to vector<16x1024xf32>
    %add3A_400 = arith.addf %slice3A_398, %slice3A_399 : vector<16x1024xf32>
    %logistic3A_401 = arith.negf %add3A_400 : vector<16x1024xf32>
    %logistic3A_402 = math.exp %logistic3A_401 : vector<16x1024xf32>
    %logistic3A_403 = arith.constant 1.000000e+00 : f32
    %logistic3A_404 = vector.broadcast %logistic3A_403 : f32 to vector<16x1024xf32>
    %logistic3A_405 = arith.addf %logistic3A_404, %logistic3A_402 : vector<16x1024xf32>
    %logistic3A_406 = arith.divf %logistic3A_404, %logistic3A_405 : vector<16x1024xf32>
    %slice3A_407 = vector.extract_strided_slice %slice3A_381 {offsets = [0, 2048], sizes = [16, 1024], strides = [1, 1]} : vector<16x3072xf32> to vector<16x1024xf32>
    %slice3A_408 = vector.extract_strided_slice %dot_general3A_388 {offsets = [0, 2048], sizes = [16, 1024], strides = [1, 1]} : vector<16x3072xf32> to vector<16x1024xf32>
    %get3A_409 = arith.constant 0 : index
    %get3A_410 = arith.constant 0 : index
    %get3A_411 = vector.load %arg4[%get3A_409, %get3A_410] : memref<1x1024xf32, #tpu.memory_space<vmem>>, vector<1x1024xf32>
    %add3A_412 = vector.broadcast %get3A_411 : vector<1x1024xf32> to vector<16x1024xf32>
    %add3A_413 = arith.addf %slice3A_408, %add3A_412 : vector<16x1024xf32>
    %mul3A_414 = arith.mulf %logistic3A_397, %add3A_413 : vector<16x1024xf32>
    %add3A_415 = arith.addf %slice3A_407, %mul3A_414 : vector<16x1024xf32>
    %tanh3A_416 = math.tanh %add3A_415 : vector<16x1024xf32>
    %sub3A_417 = arith.constant 1.000000e+00 : f32
    %sub3A_418 = vector.broadcast %sub3A_417 : f32 to vector<16x1024xf32>
    %sub3A_419 = arith.subf %sub3A_418, %logistic3A_406 : vector<16x1024xf32>
    %mul3A_420 = arith.mulf %sub3A_419, %tanh3A_416 : vector<16x1024xf32>
    %mul3A_421 = arith.mulf %logistic3A_406, %select_n3A_374 : vector<16x1024xf32>
    %add3A_422 = arith.addf %mul3A_420, %mul3A_421 : vector<16x1024xf32>
    %gt3A_423 = arith.constant 5.000000e-01 : f32
    %gt3A_424 = vector.broadcast %gt3A_423 : f32 to vector<16x1xf32>
    %gt3A_425 = arith.cmpf ogt, %mul3A_380, %gt3A_424 : vector<16x1xf32>
    %broadcast_in_dim3A_426 = vector.shape_cast %gt3A_425 : vector<16x1xi1> to vector<16x1xi1>
    %broadcast_in_dim3A_427 = vector.broadcast %broadcast_in_dim3A_426 : vector<16x1xi1> to vector<16x1024xi1>
    %select_n3A_428 = arith.select %broadcast_in_dim3A_427, %add3A_422, %select_n3A_374 : vector<16x1024xi1>, vector<16x1024xf32>
    %ne3A_429 = arith.constant 0 : i32
    %ne3A_430 = vector.broadcast %ne3A_429 : i32 to vector<16x1xi32>
    %ne3A_431 = arith.cmpi ne, %slice3A_382, %ne3A_430 : vector<16x1xi32>
    %convert_element_type3A_432 = arith.extui %ne3A_431 : vector<16x1xi1> to vector<16x1xi32>
    %convert_element_type3A_433 = arith.sitofp %convert_element_type3A_432 : vector<16x1xi32> to vector<16x1xf32>
    %mul3A_434 = arith.mulf %mul3A_380, %convert_element_type3A_433 : vector<16x1xf32>
    %slice3A_435 = vector.extract_strided_slice %get3A_13 {offsets = [128, 0], sizes = [16, 3072], strides = [1, 1]} : vector<256x3072xf32> to vector<16x3072xf32>
    %slice3A_436 = vector.extract_strided_slice %squeeze3A {offsets = [128, 0], sizes = [16, 1], strides = [1, 1]} : vector<256x1xi32> to vector<16x1xi32>
    %convert_element_type3A_437 = arith.truncf %select_n3A_428 : vector<16x1024xf32> to vector<16x1024xbf16>
    %get3A_438 = arith.constant 0 : index
    %get3A_439 = arith.constant 0 : index
    %get3A_440 = vector.load %arg3[%get3A_438, %get3A_439] : memref<1024x3072xbf16, #tpu.memory_space<vmem>>, vector<1024x3072xbf16>
    %dot_general3A_441 = arith.constant dense<0.000000e+00> : vector<16x3072xf32>
    %dot_general3A_442 = tpu.matmul %convert_element_type3A_437, %get3A_440, %dot_general3A_441 {dimension_numbers = #tpu.dot_dimension_numbers<[1], [0], [0], [1], [0, 0, 1, 1], [], []>, transpose_lhs_hint = false} : vector<16x1024xbf16>, vector<1024x3072xbf16>, vector<16x3072xf32> -> vector<16x3072xf32>
    %slice3A_443 = vector.extract_strided_slice %slice3A_435 {offsets = [0, 0], sizes = [16, 1024], strides = [1, 1]} : vector<16x3072xf32> to vector<16x1024xf32>
    %slice3A_444 = vector.extract_strided_slice %dot_general3A_442 {offsets = [0, 0], sizes = [16, 1024], strides = [1, 1]} : vector<16x3072xf32> to vector<16x1024xf32>
    %add3A_445 = arith.addf %slice3A_443, %slice3A_444 : vector<16x1024xf32>
    %logistic3A_446 = arith.negf %add3A_445 : vector<16x1024xf32>
    %logistic3A_447 = math.exp %logistic3A_446 : vector<16x1024xf32>
    %logistic3A_448 = arith.constant 1.000000e+00 : f32
    %logistic3A_449 = vector.broadcast %logistic3A_448 : f32 to vector<16x1024xf32>
    %logistic3A_450 = arith.addf %logistic3A_449, %logistic3A_447 : vector<16x1024xf32>
    %logistic3A_451 = arith.divf %logistic3A_449, %logistic3A_450 : vector<16x1024xf32>
    %slice3A_452 = vector.extract_strided_slice %slice3A_435 {offsets = [0, 1024], sizes = [16, 1024], strides = [1, 1]} : vector<16x3072xf32> to vector<16x1024xf32>
    %slice3A_453 = vector.extract_strided_slice %dot_general3A_442 {offsets = [0, 1024], sizes = [16, 1024], strides = [1, 1]} : vector<16x3072xf32> to vector<16x1024xf32>
    %add3A_454 = arith.addf %slice3A_452, %slice3A_453 : vector<16x1024xf32>
    %logistic3A_455 = arith.negf %add3A_454 : vector<16x1024xf32>
    %logistic3A_456 = math.exp %logistic3A_455 : vector<16x1024xf32>
    %logistic3A_457 = arith.constant 1.000000e+00 : f32
    %logistic3A_458 = vector.broadcast %logistic3A_457 : f32 to vector<16x1024xf32>
    %logistic3A_459 = arith.addf %logistic3A_458, %logistic3A_456 : vector<16x1024xf32>
    %logistic3A_460 = arith.divf %logistic3A_458, %logistic3A_459 : vector<16x1024xf32>
    %slice3A_461 = vector.extract_strided_slice %slice3A_435 {offsets = [0, 2048], sizes = [16, 1024], strides = [1, 1]} : vector<16x3072xf32> to vector<16x1024xf32>
    %slice3A_462 = vector.extract_strided_slice %dot_general3A_442 {offsets = [0, 2048], sizes = [16, 1024], strides = [1, 1]} : vector<16x3072xf32> to vector<16x1024xf32>
    %get3A_463 = arith.constant 0 : index
    %get3A_464 = arith.constant 0 : index
    %get3A_465 = vector.load %arg4[%get3A_463, %get3A_464] : memref<1x1024xf32, #tpu.memory_space<vmem>>, vector<1x1024xf32>
    %add3A_466 = vector.broadcast %get3A_465 : vector<1x1024xf32> to vector<16x1024xf32>
    %add3A_467 = arith.addf %slice3A_462, %add3A_466 : vector<16x1024xf32>
    %mul3A_468 = arith.mulf %logistic3A_451, %add3A_467 : vector<16x1024xf32>
    %add3A_469 = arith.addf %slice3A_461, %mul3A_468 : vector<16x1024xf32>
    %tanh3A_470 = math.tanh %add3A_469 : vector<16x1024xf32>
    %sub3A_471 = arith.constant 1.000000e+00 : f32
    %sub3A_472 = vector.broadcast %sub3A_471 : f32 to vector<16x1024xf32>
    %sub3A_473 = arith.subf %sub3A_472, %logistic3A_460 : vector<16x1024xf32>
    %mul3A_474 = arith.mulf %sub3A_473, %tanh3A_470 : vector<16x1024xf32>
    %mul3A_475 = arith.mulf %logistic3A_460, %select_n3A_428 : vector<16x1024xf32>
    %add3A_476 = arith.addf %mul3A_474, %mul3A_475 : vector<16x1024xf32>
    %gt3A_477 = arith.constant 5.000000e-01 : f32
    %gt3A_478 = vector.broadcast %gt3A_477 : f32 to vector<16x1xf32>
    %gt3A_479 = arith.cmpf ogt, %mul3A_434, %gt3A_478 : vector<16x1xf32>
    %broadcast_in_dim3A_480 = vector.shape_cast %gt3A_479 : vector<16x1xi1> to vector<16x1xi1>
    %broadcast_in_dim3A_481 = vector.broadcast %broadcast_in_dim3A_480 : vector<16x1xi1> to vector<16x1024xi1>
    %select_n3A_482 = arith.select %broadcast_in_dim3A_481, %add3A_476, %select_n3A_428 : vector<16x1024xi1>, vector<16x1024xf32>
    %ne3A_483 = arith.constant 0 : i32
    %ne3A_484 = vector.broadcast %ne3A_483 : i32 to vector<16x1xi32>
    %ne3A_485 = arith.cmpi ne, %slice3A_436, %ne3A_484 : vector<16x1xi32>
    %convert_element_type3A_486 = arith.extui %ne3A_485 : vector<16x1xi1> to vector<16x1xi32>
    %convert_element_type3A_487 = arith.sitofp %convert_element_type3A_486 : vector<16x1xi32> to vector<16x1xf32>
    %mul3A_488 = arith.mulf %mul3A_434, %convert_element_type3A_487 : vector<16x1xf32>
    %slice3A_489 = vector.extract_strided_slice %get3A_13 {offsets = [144, 0], sizes = [16, 3072], strides = [1, 1]} : vector<256x3072xf32> to vector<16x3072xf32>
    %slice3A_490 = vector.extract_strided_slice %squeeze3A {offsets = [144, 0], sizes = [16, 1], strides = [1, 1]} : vector<256x1xi32> to vector<16x1xi32>
    %convert_element_type3A_491 = arith.truncf %select_n3A_482 : vector<16x1024xf32> to vector<16x1024xbf16>
    %get3A_492 = arith.constant 0 : index
    %get3A_493 = arith.constant 0 : index
    %get3A_494 = vector.load %arg3[%get3A_492, %get3A_493] : memref<1024x3072xbf16, #tpu.memory_space<vmem>>, vector<1024x3072xbf16>
    %dot_general3A_495 = arith.constant dense<0.000000e+00> : vector<16x3072xf32>
    %dot_general3A_496 = tpu.matmul %convert_element_type3A_491, %get3A_494, %dot_general3A_495 {dimension_numbers = #tpu.dot_dimension_numbers<[1], [0], [0], [1], [0, 0, 1, 1], [], []>, transpose_lhs_hint = false} : vector<16x1024xbf16>, vector<1024x3072xbf16>, vector<16x3072xf32> -> vector<16x3072xf32>
    %slice3A_497 = vector.extract_strided_slice %slice3A_489 {offsets = [0, 0], sizes = [16, 1024], strides = [1, 1]} : vector<16x3072xf32> to vector<16x1024xf32>
    %slice3A_498 = vector.extract_strided_slice %dot_general3A_496 {offsets = [0, 0], sizes = [16, 1024], strides = [1, 1]} : vector<16x3072xf32> to vector<16x1024xf32>
    %add3A_499 = arith.addf %slice3A_497, %slice3A_498 : vector<16x1024xf32>
    %logistic3A_500 = arith.negf %add3A_499 : vector<16x1024xf32>
    %logistic3A_501 = math.exp %logistic3A_500 : vector<16x1024xf32>
    %logistic3A_502 = arith.constant 1.000000e+00 : f32
    %logistic3A_503 = vector.broadcast %logistic3A_502 : f32 to vector<16x1024xf32>
    %logistic3A_504 = arith.addf %logistic3A_503, %logistic3A_501 : vector<16x1024xf32>
    %logistic3A_505 = arith.divf %logistic3A_503, %logistic3A_504 : vector<16x1024xf32>
    %slice3A_506 = vector.extract_strided_slice %slice3A_489 {offsets = [0, 1024], sizes = [16, 1024], strides = [1, 1]} : vector<16x3072xf32> to vector<16x1024xf32>
    %slice3A_507 = vector.extract_strided_slice %dot_general3A_496 {offsets = [0, 1024], sizes = [16, 1024], strides = [1, 1]} : vector<16x3072xf32> to vector<16x1024xf32>
    %add3A_508 = arith.addf %slice3A_506, %slice3A_507 : vector<16x1024xf32>
    %logistic3A_509 = arith.negf %add3A_508 : vector<16x1024xf32>
    %logistic3A_510 = math.exp %logistic3A_509 : vector<16x1024xf32>
    %logistic3A_511 = arith.constant 1.000000e+00 : f32
    %logistic3A_512 = vector.broadcast %logistic3A_511 : f32 to vector<16x1024xf32>
    %logistic3A_513 = arith.addf %logistic3A_512, %logistic3A_510 : vector<16x1024xf32>
    %logistic3A_514 = arith.divf %logistic3A_512, %logistic3A_513 : vector<16x1024xf32>
    %slice3A_515 = vector.extract_strided_slice %slice3A_489 {offsets = [0, 2048], sizes = [16, 1024], strides = [1, 1]} : vector<16x3072xf32> to vector<16x1024xf32>
    %slice3A_516 = vector.extract_strided_slice %dot_general3A_496 {offsets = [0, 2048], sizes = [16, 1024], strides = [1, 1]} : vector<16x3072xf32> to vector<16x1024xf32>
    %get3A_517 = arith.constant 0 : index
    %get3A_518 = arith.constant 0 : index
    %get3A_519 = vector.load %arg4[%get3A_517, %get3A_518] : memref<1x1024xf32, #tpu.memory_space<vmem>>, vector<1x1024xf32>
    %add3A_520 = vector.broadcast %get3A_519 : vector<1x1024xf32> to vector<16x1024xf32>
    %add3A_521 = arith.addf %slice3A_516, %add3A_520 : vector<16x1024xf32>
    %mul3A_522 = arith.mulf %logistic3A_505, %add3A_521 : vector<16x1024xf32>
    %add3A_523 = arith.addf %slice3A_515, %mul3A_522 : vector<16x1024xf32>
    %tanh3A_524 = math.tanh %add3A_523 : vector<16x1024xf32>
    %sub3A_525 = arith.constant 1.000000e+00 : f32
    %sub3A_526 = vector.broadcast %sub3A_525 : f32 to vector<16x1024xf32>
    %sub3A_527 = arith.subf %sub3A_526, %logistic3A_514 : vector<16x1024xf32>
    %mul3A_528 = arith.mulf %sub3A_527, %tanh3A_524 : vector<16x1024xf32>
    %mul3A_529 = arith.mulf %logistic3A_514, %select_n3A_482 : vector<16x1024xf32>
    %add3A_530 = arith.addf %mul3A_528, %mul3A_529 : vector<16x1024xf32>
    %gt3A_531 = arith.constant 5.000000e-01 : f32
    %gt3A_532 = vector.broadcast %gt3A_531 : f32 to vector<16x1xf32>
    %gt3A_533 = arith.cmpf ogt, %mul3A_488, %gt3A_532 : vector<16x1xf32>
    %broadcast_in_dim3A_534 = vector.shape_cast %gt3A_533 : vector<16x1xi1> to vector<16x1xi1>
    %broadcast_in_dim3A_535 = vector.broadcast %broadcast_in_dim3A_534 : vector<16x1xi1> to vector<16x1024xi1>
    %select_n3A_536 = arith.select %broadcast_in_dim3A_535, %add3A_530, %select_n3A_482 : vector<16x1024xi1>, vector<16x1024xf32>
    %ne3A_537 = arith.constant 0 : i32
    %ne3A_538 = vector.broadcast %ne3A_537 : i32 to vector<16x1xi32>
    %ne3A_539 = arith.cmpi ne, %slice3A_490, %ne3A_538 : vector<16x1xi32>
    %convert_element_type3A_540 = arith.extui %ne3A_539 : vector<16x1xi1> to vector<16x1xi32>
    %convert_element_type3A_541 = arith.sitofp %convert_element_type3A_540 : vector<16x1xi32> to vector<16x1xf32>
    %mul3A_542 = arith.mulf %mul3A_488, %convert_element_type3A_541 : vector<16x1xf32>
    %slice3A_543 = vector.extract_strided_slice %get3A_13 {offsets = [160, 0], sizes = [16, 3072], strides = [1, 1]} : vector<256x3072xf32> to vector<16x3072xf32>
    %slice3A_544 = vector.extract_strided_slice %squeeze3A {offsets = [160, 0], sizes = [16, 1], strides = [1, 1]} : vector<256x1xi32> to vector<16x1xi32>
    %convert_element_type3A_545 = arith.truncf %select_n3A_536 : vector<16x1024xf32> to vector<16x1024xbf16>
    %get3A_546 = arith.constant 0 : index
    %get3A_547 = arith.constant 0 : index
    %get3A_548 = vector.load %arg3[%get3A_546, %get3A_547] : memref<1024x3072xbf16, #tpu.memory_space<vmem>>, vector<1024x3072xbf16>
    %dot_general3A_549 = arith.constant dense<0.000000e+00> : vector<16x3072xf32>
    %dot_general3A_550 = tpu.matmul %convert_element_type3A_545, %get3A_548, %dot_general3A_549 {dimension_numbers = #tpu.dot_dimension_numbers<[1], [0], [0], [1], [0, 0, 1, 1], [], []>, transpose_lhs_hint = false} : vector<16x1024xbf16>, vector<1024x3072xbf16>, vector<16x3072xf32> -> vector<16x3072xf32>
    %slice3A_551 = vector.extract_strided_slice %slice3A_543 {offsets = [0, 0], sizes = [16, 1024], strides = [1, 1]} : vector<16x3072xf32> to vector<16x1024xf32>
    %slice3A_552 = vector.extract_strided_slice %dot_general3A_550 {offsets = [0, 0], sizes = [16, 1024], strides = [1, 1]} : vector<16x3072xf32> to vector<16x1024xf32>
    %add3A_553 = arith.addf %slice3A_551, %slice3A_552 : vector<16x1024xf32>
    %logistic3A_554 = arith.negf %add3A_553 : vector<16x1024xf32>
    %logistic3A_555 = math.exp %logistic3A_554 : vector<16x1024xf32>
    %logistic3A_556 = arith.constant 1.000000e+00 : f32
    %logistic3A_557 = vector.broadcast %logistic3A_556 : f32 to vector<16x1024xf32>
    %logistic3A_558 = arith.addf %logistic3A_557, %logistic3A_555 : vector<16x1024xf32>
    %logistic3A_559 = arith.divf %logistic3A_557, %logistic3A_558 : vector<16x1024xf32>
    %slice3A_560 = vector.extract_strided_slice %slice3A_543 {offsets = [0, 1024], sizes = [16, 1024], strides = [1, 1]} : vector<16x3072xf32> to vector<16x1024xf32>
    %slice3A_561 = vector.extract_strided_slice %dot_general3A_550 {offsets = [0, 1024], sizes = [16, 1024], strides = [1, 1]} : vector<16x3072xf32> to vector<16x1024xf32>
    %add3A_562 = arith.addf %slice3A_560, %slice3A_561 : vector<16x1024xf32>
    %logistic3A_563 = arith.negf %add3A_562 : vector<16x1024xf32>
    %logistic3A_564 = math.exp %logistic3A_563 : vector<16x1024xf32>
    %logistic3A_565 = arith.constant 1.000000e+00 : f32
    %logistic3A_566 = vector.broadcast %logistic3A_565 : f32 to vector<16x1024xf32>
    %logistic3A_567 = arith.addf %logistic3A_566, %logistic3A_564 : vector<16x1024xf32>
    %logistic3A_568 = arith.divf %logistic3A_566, %logistic3A_567 : vector<16x1024xf32>
    %slice3A_569 = vector.extract_strided_slice %slice3A_543 {offsets = [0, 2048], sizes = [16, 1024], strides = [1, 1]} : vector<16x3072xf32> to vector<16x1024xf32>
    %slice3A_570 = vector.extract_strided_slice %dot_general3A_550 {offsets = [0, 2048], sizes = [16, 1024], strides = [1, 1]} : vector<16x3072xf32> to vector<16x1024xf32>
    %get3A_571 = arith.constant 0 : index
    %get3A_572 = arith.constant 0 : index
    %get3A_573 = vector.load %arg4[%get3A_571, %get3A_572] : memref<1x1024xf32, #tpu.memory_space<vmem>>, vector<1x1024xf32>
    %add3A_574 = vector.broadcast %get3A_573 : vector<1x1024xf32> to vector<16x1024xf32>
    %add3A_575 = arith.addf %slice3A_570, %add3A_574 : vector<16x1024xf32>
    %mul3A_576 = arith.mulf %logistic3A_559, %add3A_575 : vector<16x1024xf32>
    %add3A_577 = arith.addf %slice3A_569, %mul3A_576 : vector<16x1024xf32>
    %tanh3A_578 = math.tanh %add3A_577 : vector<16x1024xf32>
    %sub3A_579 = arith.constant 1.000000e+00 : f32
    %sub3A_580 = vector.broadcast %sub3A_579 : f32 to vector<16x1024xf32>
    %sub3A_581 = arith.subf %sub3A_580, %logistic3A_568 : vector<16x1024xf32>
    %mul3A_582 = arith.mulf %sub3A_581, %tanh3A_578 : vector<16x1024xf32>
    %mul3A_583 = arith.mulf %logistic3A_568, %select_n3A_536 : vector<16x1024xf32>
    %add3A_584 = arith.addf %mul3A_582, %mul3A_583 : vector<16x1024xf32>
    %gt3A_585 = arith.constant 5.000000e-01 : f32
    %gt3A_586 = vector.broadcast %gt3A_585 : f32 to vector<16x1xf32>
    %gt3A_587 = arith.cmpf ogt, %mul3A_542, %gt3A_586 : vector<16x1xf32>
    %broadcast_in_dim3A_588 = vector.shape_cast %gt3A_587 : vector<16x1xi1> to vector<16x1xi1>
    %broadcast_in_dim3A_589 = vector.broadcast %broadcast_in_dim3A_588 : vector<16x1xi1> to vector<16x1024xi1>
    %select_n3A_590 = arith.select %broadcast_in_dim3A_589, %add3A_584, %select_n3A_536 : vector<16x1024xi1>, vector<16x1024xf32>
    %ne3A_591 = arith.constant 0 : i32
    %ne3A_592 = vector.broadcast %ne3A_591 : i32 to vector<16x1xi32>
    %ne3A_593 = arith.cmpi ne, %slice3A_544, %ne3A_592 : vector<16x1xi32>
    %convert_element_type3A_594 = arith.extui %ne3A_593 : vector<16x1xi1> to vector<16x1xi32>
    %convert_element_type3A_595 = arith.sitofp %convert_element_type3A_594 : vector<16x1xi32> to vector<16x1xf32>
    %mul3A_596 = arith.mulf %mul3A_542, %convert_element_type3A_595 : vector<16x1xf32>
    %slice3A_597 = vector.extract_strided_slice %get3A_13 {offsets = [176, 0], sizes = [16, 3072], strides = [1, 1]} : vector<256x3072xf32> to vector<16x3072xf32>
    %slice3A_598 = vector.extract_strided_slice %squeeze3A {offsets = [176, 0], sizes = [16, 1], strides = [1, 1]} : vector<256x1xi32> to vector<16x1xi32>
    %convert_element_type3A_599 = arith.truncf %select_n3A_590 : vector<16x1024xf32> to vector<16x1024xbf16>
    %get3A_600 = arith.constant 0 : index
    %get3A_601 = arith.constant 0 : index
    %get3A_602 = vector.load %arg3[%get3A_600, %get3A_601] : memref<1024x3072xbf16, #tpu.memory_space<vmem>>, vector<1024x3072xbf16>
    %dot_general3A_603 = arith.constant dense<0.000000e+00> : vector<16x3072xf32>
    %dot_general3A_604 = tpu.matmul %convert_element_type3A_599, %get3A_602, %dot_general3A_603 {dimension_numbers = #tpu.dot_dimension_numbers<[1], [0], [0], [1], [0, 0, 1, 1], [], []>, transpose_lhs_hint = false} : vector<16x1024xbf16>, vector<1024x3072xbf16>, vector<16x3072xf32> -> vector<16x3072xf32>
    %slice3A_605 = vector.extract_strided_slice %slice3A_597 {offsets = [0, 0], sizes = [16, 1024], strides = [1, 1]} : vector<16x3072xf32> to vector<16x1024xf32>
    %slice3A_606 = vector.extract_strided_slice %dot_general3A_604 {offsets = [0, 0], sizes = [16, 1024], strides = [1, 1]} : vector<16x3072xf32> to vector<16x1024xf32>
    %add3A_607 = arith.addf %slice3A_605, %slice3A_606 : vector<16x1024xf32>
    %logistic3A_608 = arith.negf %add3A_607 : vector<16x1024xf32>
    %logistic3A_609 = math.exp %logistic3A_608 : vector<16x1024xf32>
    %logistic3A_610 = arith.constant 1.000000e+00 : f32
    %logistic3A_611 = vector.broadcast %logistic3A_610 : f32 to vector<16x1024xf32>
    %logistic3A_612 = arith.addf %logistic3A_611, %logistic3A_609 : vector<16x1024xf32>
    %logistic3A_613 = arith.divf %logistic3A_611, %logistic3A_612 : vector<16x1024xf32>
    %slice3A_614 = vector.extract_strided_slice %slice3A_597 {offsets = [0, 1024], sizes = [16, 1024], strides = [1, 1]} : vector<16x3072xf32> to vector<16x1024xf32>
    %slice3A_615 = vector.extract_strided_slice %dot_general3A_604 {offsets = [0, 1024], sizes = [16, 1024], strides = [1, 1]} : vector<16x3072xf32> to vector<16x1024xf32>
    %add3A_616 = arith.addf %slice3A_614, %slice3A_615 : vector<16x1024xf32>
    %logistic3A_617 = arith.negf %add3A_616 : vector<16x1024xf32>
    %logistic3A_618 = math.exp %logistic3A_617 : vector<16x1024xf32>
    %logistic3A_619 = arith.constant 1.000000e+00 : f32
    %logistic3A_620 = vector.broadcast %logistic3A_619 : f32 to vector<16x1024xf32>
    %logistic3A_621 = arith.addf %logistic3A_620, %logistic3A_618 : vector<16x1024xf32>
    %logistic3A_622 = arith.divf %logistic3A_620, %logistic3A_621 : vector<16x1024xf32>
    %slice3A_623 = vector.extract_strided_slice %slice3A_597 {offsets = [0, 2048], sizes = [16, 1024], strides = [1, 1]} : vector<16x3072xf32> to vector<16x1024xf32>
    %slice3A_624 = vector.extract_strided_slice %dot_general3A_604 {offsets = [0, 2048], sizes = [16, 1024], strides = [1, 1]} : vector<16x3072xf32> to vector<16x1024xf32>
    %get3A_625 = arith.constant 0 : index
    %get3A_626 = arith.constant 0 : index
    %get3A_627 = vector.load %arg4[%get3A_625, %get3A_626] : memref<1x1024xf32, #tpu.memory_space<vmem>>, vector<1x1024xf32>
    %add3A_628 = vector.broadcast %get3A_627 : vector<1x1024xf32> to vector<16x1024xf32>
    %add3A_629 = arith.addf %slice3A_624, %add3A_628 : vector<16x1024xf32>
    %mul3A_630 = arith.mulf %logistic3A_613, %add3A_629 : vector<16x1024xf32>
    %add3A_631 = arith.addf %slice3A_623, %mul3A_630 : vector<16x1024xf32>
    %tanh3A_632 = math.tanh %add3A_631 : vector<16x1024xf32>
    %sub3A_633 = arith.constant 1.000000e+00 : f32
    %sub3A_634 = vector.broadcast %sub3A_633 : f32 to vector<16x1024xf32>
    %sub3A_635 = arith.subf %sub3A_634, %logistic3A_622 : vector<16x1024xf32>
    %mul3A_636 = arith.mulf %sub3A_635, %tanh3A_632 : vector<16x1024xf32>
    %mul3A_637 = arith.mulf %logistic3A_622, %select_n3A_590 : vector<16x1024xf32>
    %add3A_638 = arith.addf %mul3A_636, %mul3A_637 : vector<16x1024xf32>
    %gt3A_639 = arith.constant 5.000000e-01 : f32
    %gt3A_640 = vector.broadcast %gt3A_639 : f32 to vector<16x1xf32>
    %gt3A_641 = arith.cmpf ogt, %mul3A_596, %gt3A_640 : vector<16x1xf32>
    %broadcast_in_dim3A_642 = vector.shape_cast %gt3A_641 : vector<16x1xi1> to vector<16x1xi1>
    %broadcast_in_dim3A_643 = vector.broadcast %broadcast_in_dim3A_642 : vector<16x1xi1> to vector<16x1024xi1>
    %select_n3A_644 = arith.select %broadcast_in_dim3A_643, %add3A_638, %select_n3A_590 : vector<16x1024xi1>, vector<16x1024xf32>
    %ne3A_645 = arith.constant 0 : i32
    %ne3A_646 = vector.broadcast %ne3A_645 : i32 to vector<16x1xi32>
    %ne3A_647 = arith.cmpi ne, %slice3A_598, %ne3A_646 : vector<16x1xi32>
    %convert_element_type3A_648 = arith.extui %ne3A_647 : vector<16x1xi1> to vector<16x1xi32>
    %convert_element_type3A_649 = arith.sitofp %convert_element_type3A_648 : vector<16x1xi32> to vector<16x1xf32>
    %mul3A_650 = arith.mulf %mul3A_596, %convert_element_type3A_649 : vector<16x1xf32>
    %slice3A_651 = vector.extract_strided_slice %get3A_13 {offsets = [192, 0], sizes = [16, 3072], strides = [1, 1]} : vector<256x3072xf32> to vector<16x3072xf32>
    %slice3A_652 = vector.extract_strided_slice %squeeze3A {offsets = [192, 0], sizes = [16, 1], strides = [1, 1]} : vector<256x1xi32> to vector<16x1xi32>
    %convert_element_type3A_653 = arith.truncf %select_n3A_644 : vector<16x1024xf32> to vector<16x1024xbf16>
    %get3A_654 = arith.constant 0 : index
    %get3A_655 = arith.constant 0 : index
    %get3A_656 = vector.load %arg3[%get3A_654, %get3A_655] : memref<1024x3072xbf16, #tpu.memory_space<vmem>>, vector<1024x3072xbf16>
    %dot_general3A_657 = arith.constant dense<0.000000e+00> : vector<16x3072xf32>
    %dot_general3A_658 = tpu.matmul %convert_element_type3A_653, %get3A_656, %dot_general3A_657 {dimension_numbers = #tpu.dot_dimension_numbers<[1], [0], [0], [1], [0, 0, 1, 1], [], []>, transpose_lhs_hint = false} : vector<16x1024xbf16>, vector<1024x3072xbf16>, vector<16x3072xf32> -> vector<16x3072xf32>
    %slice3A_659 = vector.extract_strided_slice %slice3A_651 {offsets = [0, 0], sizes = [16, 1024], strides = [1, 1]} : vector<16x3072xf32> to vector<16x1024xf32>
    %slice3A_660 = vector.extract_strided_slice %dot_general3A_658 {offsets = [0, 0], sizes = [16, 1024], strides = [1, 1]} : vector<16x3072xf32> to vector<16x1024xf32>
    %add3A_661 = arith.addf %slice3A_659, %slice3A_660 : vector<16x1024xf32>
    %logistic3A_662 = arith.negf %add3A_661 : vector<16x1024xf32>
    %logistic3A_663 = math.exp %logistic3A_662 : vector<16x1024xf32>
    %logistic3A_664 = arith.constant 1.000000e+00 : f32
    %logistic3A_665 = vector.broadcast %logistic3A_664 : f32 to vector<16x1024xf32>
    %logistic3A_666 = arith.addf %logistic3A_665, %logistic3A_663 : vector<16x1024xf32>
    %logistic3A_667 = arith.divf %logistic3A_665, %logistic3A_666 : vector<16x1024xf32>
    %slice3A_668 = vector.extract_strided_slice %slice3A_651 {offsets = [0, 1024], sizes = [16, 1024], strides = [1, 1]} : vector<16x3072xf32> to vector<16x1024xf32>
    %slice3A_669 = vector.extract_strided_slice %dot_general3A_658 {offsets = [0, 1024], sizes = [16, 1024], strides = [1, 1]} : vector<16x3072xf32> to vector<16x1024xf32>
    %add3A_670 = arith.addf %slice3A_668, %slice3A_669 : vector<16x1024xf32>
    %logistic3A_671 = arith.negf %add3A_670 : vector<16x1024xf32>
    %logistic3A_672 = math.exp %logistic3A_671 : vector<16x1024xf32>
    %logistic3A_673 = arith.constant 1.000000e+00 : f32
    %logistic3A_674 = vector.broadcast %logistic3A_673 : f32 to vector<16x1024xf32>
    %logistic3A_675 = arith.addf %logistic3A_674, %logistic3A_672 : vector<16x1024xf32>
    %logistic3A_676 = arith.divf %logistic3A_674, %logistic3A_675 : vector<16x1024xf32>
    %slice3A_677 = vector.extract_strided_slice %slice3A_651 {offsets = [0, 2048], sizes = [16, 1024], strides = [1, 1]} : vector<16x3072xf32> to vector<16x1024xf32>
    %slice3A_678 = vector.extract_strided_slice %dot_general3A_658 {offsets = [0, 2048], sizes = [16, 1024], strides = [1, 1]} : vector<16x3072xf32> to vector<16x1024xf32>
    %get3A_679 = arith.constant 0 : index
    %get3A_680 = arith.constant 0 : index
    %get3A_681 = vector.load %arg4[%get3A_679, %get3A_680] : memref<1x1024xf32, #tpu.memory_space<vmem>>, vector<1x1024xf32>
    %add3A_682 = vector.broadcast %get3A_681 : vector<1x1024xf32> to vector<16x1024xf32>
    %add3A_683 = arith.addf %slice3A_678, %add3A_682 : vector<16x1024xf32>
    %mul3A_684 = arith.mulf %logistic3A_667, %add3A_683 : vector<16x1024xf32>
    %add3A_685 = arith.addf %slice3A_677, %mul3A_684 : vector<16x1024xf32>
    %tanh3A_686 = math.tanh %add3A_685 : vector<16x1024xf32>
    %sub3A_687 = arith.constant 1.000000e+00 : f32
    %sub3A_688 = vector.broadcast %sub3A_687 : f32 to vector<16x1024xf32>
    %sub3A_689 = arith.subf %sub3A_688, %logistic3A_676 : vector<16x1024xf32>
    %mul3A_690 = arith.mulf %sub3A_689, %tanh3A_686 : vector<16x1024xf32>
    %mul3A_691 = arith.mulf %logistic3A_676, %select_n3A_644 : vector<16x1024xf32>
    %add3A_692 = arith.addf %mul3A_690, %mul3A_691 : vector<16x1024xf32>
    %gt3A_693 = arith.constant 5.000000e-01 : f32
    %gt3A_694 = vector.broadcast %gt3A_693 : f32 to vector<16x1xf32>
    %gt3A_695 = arith.cmpf ogt, %mul3A_650, %gt3A_694 : vector<16x1xf32>
    %broadcast_in_dim3A_696 = vector.shape_cast %gt3A_695 : vector<16x1xi1> to vector<16x1xi1>
    %broadcast_in_dim3A_697 = vector.broadcast %broadcast_in_dim3A_696 : vector<16x1xi1> to vector<16x1024xi1>
    %select_n3A_698 = arith.select %broadcast_in_dim3A_697, %add3A_692, %select_n3A_644 : vector<16x1024xi1>, vector<16x1024xf32>
    %ne3A_699 = arith.constant 0 : i32
    %ne3A_700 = vector.broadcast %ne3A_699 : i32 to vector<16x1xi32>
    %ne3A_701 = arith.cmpi ne, %slice3A_652, %ne3A_700 : vector<16x1xi32>
    %convert_element_type3A_702 = arith.extui %ne3A_701 : vector<16x1xi1> to vector<16x1xi32>
    %convert_element_type3A_703 = arith.sitofp %convert_element_type3A_702 : vector<16x1xi32> to vector<16x1xf32>
    %mul3A_704 = arith.mulf %mul3A_650, %convert_element_type3A_703 : vector<16x1xf32>
    %slice3A_705 = vector.extract_strided_slice %get3A_13 {offsets = [208, 0], sizes = [16, 3072], strides = [1, 1]} : vector<256x3072xf32> to vector<16x3072xf32>
    %slice3A_706 = vector.extract_strided_slice %squeeze3A {offsets = [208, 0], sizes = [16, 1], strides = [1, 1]} : vector<256x1xi32> to vector<16x1xi32>
    %convert_element_type3A_707 = arith.truncf %select_n3A_698 : vector<16x1024xf32> to vector<16x1024xbf16>
    %get3A_708 = arith.constant 0 : index
    %get3A_709 = arith.constant 0 : index
    %get3A_710 = vector.load %arg3[%get3A_708, %get3A_709] : memref<1024x3072xbf16, #tpu.memory_space<vmem>>, vector<1024x3072xbf16>
    %dot_general3A_711 = arith.constant dense<0.000000e+00> : vector<16x3072xf32>
    %dot_general3A_712 = tpu.matmul %convert_element_type3A_707, %get3A_710, %dot_general3A_711 {dimension_numbers = #tpu.dot_dimension_numbers<[1], [0], [0], [1], [0, 0, 1, 1], [], []>, transpose_lhs_hint = false} : vector<16x1024xbf16>, vector<1024x3072xbf16>, vector<16x3072xf32> -> vector<16x3072xf32>
    %slice3A_713 = vector.extract_strided_slice %slice3A_705 {offsets = [0, 0], sizes = [16, 1024], strides = [1, 1]} : vector<16x3072xf32> to vector<16x1024xf32>
    %slice3A_714 = vector.extract_strided_slice %dot_general3A_712 {offsets = [0, 0], sizes = [16, 1024], strides = [1, 1]} : vector<16x3072xf32> to vector<16x1024xf32>
    %add3A_715 = arith.addf %slice3A_713, %slice3A_714 : vector<16x1024xf32>
    %logistic3A_716 = arith.negf %add3A_715 : vector<16x1024xf32>
    %logistic3A_717 = math.exp %logistic3A_716 : vector<16x1024xf32>
    %logistic3A_718 = arith.constant 1.000000e+00 : f32
    %logistic3A_719 = vector.broadcast %logistic3A_718 : f32 to vector<16x1024xf32>
    %logistic3A_720 = arith.addf %logistic3A_719, %logistic3A_717 : vector<16x1024xf32>
    %logistic3A_721 = arith.divf %logistic3A_719, %logistic3A_720 : vector<16x1024xf32>
    %slice3A_722 = vector.extract_strided_slice %slice3A_705 {offsets = [0, 1024], sizes = [16, 1024], strides = [1, 1]} : vector<16x3072xf32> to vector<16x1024xf32>
    %slice3A_723 = vector.extract_strided_slice %dot_general3A_712 {offsets = [0, 1024], sizes = [16, 1024], strides = [1, 1]} : vector<16x3072xf32> to vector<16x1024xf32>
    %add3A_724 = arith.addf %slice3A_722, %slice3A_723 : vector<16x1024xf32>
    %logistic3A_725 = arith.negf %add3A_724 : vector<16x1024xf32>
    %logistic3A_726 = math.exp %logistic3A_725 : vector<16x1024xf32>
    %logistic3A_727 = arith.constant 1.000000e+00 : f32
    %logistic3A_728 = vector.broadcast %logistic3A_727 : f32 to vector<16x1024xf32>
    %logistic3A_729 = arith.addf %logistic3A_728, %logistic3A_726 : vector<16x1024xf32>
    %logistic3A_730 = arith.divf %logistic3A_728, %logistic3A_729 : vector<16x1024xf32>
    %slice3A_731 = vector.extract_strided_slice %slice3A_705 {offsets = [0, 2048], sizes = [16, 1024], strides = [1, 1]} : vector<16x3072xf32> to vector<16x1024xf32>
    %slice3A_732 = vector.extract_strided_slice %dot_general3A_712 {offsets = [0, 2048], sizes = [16, 1024], strides = [1, 1]} : vector<16x3072xf32> to vector<16x1024xf32>
    %get3A_733 = arith.constant 0 : index
    %get3A_734 = arith.constant 0 : index
    %get3A_735 = vector.load %arg4[%get3A_733, %get3A_734] : memref<1x1024xf32, #tpu.memory_space<vmem>>, vector<1x1024xf32>
    %add3A_736 = vector.broadcast %get3A_735 : vector<1x1024xf32> to vector<16x1024xf32>
    %add3A_737 = arith.addf %slice3A_732, %add3A_736 : vector<16x1024xf32>
    %mul3A_738 = arith.mulf %logistic3A_721, %add3A_737 : vector<16x1024xf32>
    %add3A_739 = arith.addf %slice3A_731, %mul3A_738 : vector<16x1024xf32>
    %tanh3A_740 = math.tanh %add3A_739 : vector<16x1024xf32>
    %sub3A_741 = arith.constant 1.000000e+00 : f32
    %sub3A_742 = vector.broadcast %sub3A_741 : f32 to vector<16x1024xf32>
    %sub3A_743 = arith.subf %sub3A_742, %logistic3A_730 : vector<16x1024xf32>
    %mul3A_744 = arith.mulf %sub3A_743, %tanh3A_740 : vector<16x1024xf32>
    %mul3A_745 = arith.mulf %logistic3A_730, %select_n3A_698 : vector<16x1024xf32>
    %add3A_746 = arith.addf %mul3A_744, %mul3A_745 : vector<16x1024xf32>
    %gt3A_747 = arith.constant 5.000000e-01 : f32
    %gt3A_748 = vector.broadcast %gt3A_747 : f32 to vector<16x1xf32>
    %gt3A_749 = arith.cmpf ogt, %mul3A_704, %gt3A_748 : vector<16x1xf32>
    %broadcast_in_dim3A_750 = vector.shape_cast %gt3A_749 : vector<16x1xi1> to vector<16x1xi1>
    %broadcast_in_dim3A_751 = vector.broadcast %broadcast_in_dim3A_750 : vector<16x1xi1> to vector<16x1024xi1>
    %select_n3A_752 = arith.select %broadcast_in_dim3A_751, %add3A_746, %select_n3A_698 : vector<16x1024xi1>, vector<16x1024xf32>
    %ne3A_753 = arith.constant 0 : i32
    %ne3A_754 = vector.broadcast %ne3A_753 : i32 to vector<16x1xi32>
    %ne3A_755 = arith.cmpi ne, %slice3A_706, %ne3A_754 : vector<16x1xi32>
    %convert_element_type3A_756 = arith.extui %ne3A_755 : vector<16x1xi1> to vector<16x1xi32>
    %convert_element_type3A_757 = arith.sitofp %convert_element_type3A_756 : vector<16x1xi32> to vector<16x1xf32>
    %mul3A_758 = arith.mulf %mul3A_704, %convert_element_type3A_757 : vector<16x1xf32>
    %slice3A_759 = vector.extract_strided_slice %get3A_13 {offsets = [224, 0], sizes = [16, 3072], strides = [1, 1]} : vector<256x3072xf32> to vector<16x3072xf32>
    %slice3A_760 = vector.extract_strided_slice %squeeze3A {offsets = [224, 0], sizes = [16, 1], strides = [1, 1]} : vector<256x1xi32> to vector<16x1xi32>
    %convert_element_type3A_761 = arith.truncf %select_n3A_752 : vector<16x1024xf32> to vector<16x1024xbf16>
    %get3A_762 = arith.constant 0 : index
    %get3A_763 = arith.constant 0 : index
    %get3A_764 = vector.load %arg3[%get3A_762, %get3A_763] : memref<1024x3072xbf16, #tpu.memory_space<vmem>>, vector<1024x3072xbf16>
    %dot_general3A_765 = arith.constant dense<0.000000e+00> : vector<16x3072xf32>
    %dot_general3A_766 = tpu.matmul %convert_element_type3A_761, %get3A_764, %dot_general3A_765 {dimension_numbers = #tpu.dot_dimension_numbers<[1], [0], [0], [1], [0, 0, 1, 1], [], []>, transpose_lhs_hint = false} : vector<16x1024xbf16>, vector<1024x3072xbf16>, vector<16x3072xf32> -> vector<16x3072xf32>
    %slice3A_767 = vector.extract_strided_slice %slice3A_759 {offsets = [0, 0], sizes = [16, 1024], strides = [1, 1]} : vector<16x3072xf32> to vector<16x1024xf32>
    %slice3A_768 = vector.extract_strided_slice %dot_general3A_766 {offsets = [0, 0], sizes = [16, 1024], strides = [1, 1]} : vector<16x3072xf32> to vector<16x1024xf32>
    %add3A_769 = arith.addf %slice3A_767, %slice3A_768 : vector<16x1024xf32>
    %logistic3A_770 = arith.negf %add3A_769 : vector<16x1024xf32>
    %logistic3A_771 = math.exp %logistic3A_770 : vector<16x1024xf32>
    %logistic3A_772 = arith.constant 1.000000e+00 : f32
    %logistic3A_773 = vector.broadcast %logistic3A_772 : f32 to vector<16x1024xf32>
    %logistic3A_774 = arith.addf %logistic3A_773, %logistic3A_771 : vector<16x1024xf32>
    %logistic3A_775 = arith.divf %logistic3A_773, %logistic3A_774 : vector<16x1024xf32>
    %slice3A_776 = vector.extract_strided_slice %slice3A_759 {offsets = [0, 1024], sizes = [16, 1024], strides = [1, 1]} : vector<16x3072xf32> to vector<16x1024xf32>
    %slice3A_777 = vector.extract_strided_slice %dot_general3A_766 {offsets = [0, 1024], sizes = [16, 1024], strides = [1, 1]} : vector<16x3072xf32> to vector<16x1024xf32>
    %add3A_778 = arith.addf %slice3A_776, %slice3A_777 : vector<16x1024xf32>
    %logistic3A_779 = arith.negf %add3A_778 : vector<16x1024xf32>
    %logistic3A_780 = math.exp %logistic3A_779 : vector<16x1024xf32>
    %logistic3A_781 = arith.constant 1.000000e+00 : f32
    %logistic3A_782 = vector.broadcast %logistic3A_781 : f32 to vector<16x1024xf32>
    %logistic3A_783 = arith.addf %logistic3A_782, %logistic3A_780 : vector<16x1024xf32>
    %logistic3A_784 = arith.divf %logistic3A_782, %logistic3A_783 : vector<16x1024xf32>
    %slice3A_785 = vector.extract_strided_slice %slice3A_759 {offsets = [0, 2048], sizes = [16, 1024], strides = [1, 1]} : vector<16x3072xf32> to vector<16x1024xf32>
    %slice3A_786 = vector.extract_strided_slice %dot_general3A_766 {offsets = [0, 2048], sizes = [16, 1024], strides = [1, 1]} : vector<16x3072xf32> to vector<16x1024xf32>
    %get3A_787 = arith.constant 0 : index
    %get3A_788 = arith.constant 0 : index
    %get3A_789 = vector.load %arg4[%get3A_787, %get3A_788] : memref<1x1024xf32, #tpu.memory_space<vmem>>, vector<1x1024xf32>
    %add3A_790 = vector.broadcast %get3A_789 : vector<1x1024xf32> to vector<16x1024xf32>
    %add3A_791 = arith.addf %slice3A_786, %add3A_790 : vector<16x1024xf32>
    %mul3A_792 = arith.mulf %logistic3A_775, %add3A_791 : vector<16x1024xf32>
    %add3A_793 = arith.addf %slice3A_785, %mul3A_792 : vector<16x1024xf32>
    %tanh3A_794 = math.tanh %add3A_793 : vector<16x1024xf32>
    %sub3A_795 = arith.constant 1.000000e+00 : f32
    %sub3A_796 = vector.broadcast %sub3A_795 : f32 to vector<16x1024xf32>
    %sub3A_797 = arith.subf %sub3A_796, %logistic3A_784 : vector<16x1024xf32>
    %mul3A_798 = arith.mulf %sub3A_797, %tanh3A_794 : vector<16x1024xf32>
    %mul3A_799 = arith.mulf %logistic3A_784, %select_n3A_752 : vector<16x1024xf32>
    %add3A_800 = arith.addf %mul3A_798, %mul3A_799 : vector<16x1024xf32>
    %gt3A_801 = arith.constant 5.000000e-01 : f32
    %gt3A_802 = vector.broadcast %gt3A_801 : f32 to vector<16x1xf32>
    %gt3A_803 = arith.cmpf ogt, %mul3A_758, %gt3A_802 : vector<16x1xf32>
    %broadcast_in_dim3A_804 = vector.shape_cast %gt3A_803 : vector<16x1xi1> to vector<16x1xi1>
    %broadcast_in_dim3A_805 = vector.broadcast %broadcast_in_dim3A_804 : vector<16x1xi1> to vector<16x1024xi1>
    %select_n3A_806 = arith.select %broadcast_in_dim3A_805, %add3A_800, %select_n3A_752 : vector<16x1024xi1>, vector<16x1024xf32>
    %ne3A_807 = arith.constant 0 : i32
    %ne3A_808 = vector.broadcast %ne3A_807 : i32 to vector<16x1xi32>
    %ne3A_809 = arith.cmpi ne, %slice3A_760, %ne3A_808 : vector<16x1xi32>
    %convert_element_type3A_810 = arith.extui %ne3A_809 : vector<16x1xi1> to vector<16x1xi32>
    %convert_element_type3A_811 = arith.sitofp %convert_element_type3A_810 : vector<16x1xi32> to vector<16x1xf32>
    %mul3A_812 = arith.mulf %mul3A_758, %convert_element_type3A_811 : vector<16x1xf32>
    %slice3A_813 = vector.extract_strided_slice %get3A_13 {offsets = [240, 0], sizes = [16, 3072], strides = [1, 1]} : vector<256x3072xf32> to vector<16x3072xf32>
    %slice3A_814 = vector.extract_strided_slice %squeeze3A {offsets = [240, 0], sizes = [16, 1], strides = [1, 1]} : vector<256x1xi32> to vector<16x1xi32>
    %convert_element_type3A_815 = arith.truncf %select_n3A_806 : vector<16x1024xf32> to vector<16x1024xbf16>
    %get3A_816 = arith.constant 0 : index
    %get3A_817 = arith.constant 0 : index
    %get3A_818 = vector.load %arg3[%get3A_816, %get3A_817] : memref<1024x3072xbf16, #tpu.memory_space<vmem>>, vector<1024x3072xbf16>
    %dot_general3A_819 = arith.constant dense<0.000000e+00> : vector<16x3072xf32>
    %dot_general3A_820 = tpu.matmul %convert_element_type3A_815, %get3A_818, %dot_general3A_819 {dimension_numbers = #tpu.dot_dimension_numbers<[1], [0], [0], [1], [0, 0, 1, 1], [], []>, transpose_lhs_hint = false} : vector<16x1024xbf16>, vector<1024x3072xbf16>, vector<16x3072xf32> -> vector<16x3072xf32>
    %slice3A_821 = vector.extract_strided_slice %slice3A_813 {offsets = [0, 0], sizes = [16, 1024], strides = [1, 1]} : vector<16x3072xf32> to vector<16x1024xf32>
    %slice3A_822 = vector.extract_strided_slice %dot_general3A_820 {offsets = [0, 0], sizes = [16, 1024], strides = [1, 1]} : vector<16x3072xf32> to vector<16x1024xf32>
    %add3A_823 = arith.addf %slice3A_821, %slice3A_822 : vector<16x1024xf32>
    %logistic3A_824 = arith.negf %add3A_823 : vector<16x1024xf32>
    %logistic3A_825 = math.exp %logistic3A_824 : vector<16x1024xf32>
    %logistic3A_826 = arith.constant 1.000000e+00 : f32
    %logistic3A_827 = vector.broadcast %logistic3A_826 : f32 to vector<16x1024xf32>
    %logistic3A_828 = arith.addf %logistic3A_827, %logistic3A_825 : vector<16x1024xf32>
    %logistic3A_829 = arith.divf %logistic3A_827, %logistic3A_828 : vector<16x1024xf32>
    %slice3A_830 = vector.extract_strided_slice %slice3A_813 {offsets = [0, 1024], sizes = [16, 1024], strides = [1, 1]} : vector<16x3072xf32> to vector<16x1024xf32>
    %slice3A_831 = vector.extract_strided_slice %dot_general3A_820 {offsets = [0, 1024], sizes = [16, 1024], strides = [1, 1]} : vector<16x3072xf32> to vector<16x1024xf32>
    %add3A_832 = arith.addf %slice3A_830, %slice3A_831 : vector<16x1024xf32>
    %logistic3A_833 = arith.negf %add3A_832 : vector<16x1024xf32>
    %logistic3A_834 = math.exp %logistic3A_833 : vector<16x1024xf32>
    %logistic3A_835 = arith.constant 1.000000e+00 : f32
    %logistic3A_836 = vector.broadcast %logistic3A_835 : f32 to vector<16x1024xf32>
    %logistic3A_837 = arith.addf %logistic3A_836, %logistic3A_834 : vector<16x1024xf32>
    %logistic3A_838 = arith.divf %logistic3A_836, %logistic3A_837 : vector<16x1024xf32>
    %slice3A_839 = vector.extract_strided_slice %slice3A_813 {offsets = [0, 2048], sizes = [16, 1024], strides = [1, 1]} : vector<16x3072xf32> to vector<16x1024xf32>
    %slice3A_840 = vector.extract_strided_slice %dot_general3A_820 {offsets = [0, 2048], sizes = [16, 1024], strides = [1, 1]} : vector<16x3072xf32> to vector<16x1024xf32>
    %get3A_841 = arith.constant 0 : index
    %get3A_842 = arith.constant 0 : index
    %get3A_843 = vector.load %arg4[%get3A_841, %get3A_842] : memref<1x1024xf32, #tpu.memory_space<vmem>>, vector<1x1024xf32>
    %add3A_844 = vector.broadcast %get3A_843 : vector<1x1024xf32> to vector<16x1024xf32>
    %add3A_845 = arith.addf %slice3A_840, %add3A_844 : vector<16x1024xf32>
    %mul3A_846 = arith.mulf %logistic3A_829, %add3A_845 : vector<16x1024xf32>
    %add3A_847 = arith.addf %slice3A_839, %mul3A_846 : vector<16x1024xf32>
    %tanh3A_848 = math.tanh %add3A_847 : vector<16x1024xf32>
    %sub3A_849 = arith.constant 1.000000e+00 : f32
    %sub3A_850 = vector.broadcast %sub3A_849 : f32 to vector<16x1024xf32>
    %sub3A_851 = arith.subf %sub3A_850, %logistic3A_838 : vector<16x1024xf32>
    %mul3A_852 = arith.mulf %sub3A_851, %tanh3A_848 : vector<16x1024xf32>
    %mul3A_853 = arith.mulf %logistic3A_838, %select_n3A_806 : vector<16x1024xf32>
    %add3A_854 = arith.addf %mul3A_852, %mul3A_853 : vector<16x1024xf32>
    %gt3A_855 = arith.constant 5.000000e-01 : f32
    %gt3A_856 = vector.broadcast %gt3A_855 : f32 to vector<16x1xf32>
    %gt3A_857 = arith.cmpf ogt, %mul3A_812, %gt3A_856 : vector<16x1xf32>
    %broadcast_in_dim3A_858 = vector.shape_cast %gt3A_857 : vector<16x1xi1> to vector<16x1xi1>
    %broadcast_in_dim3A_859 = vector.broadcast %broadcast_in_dim3A_858 : vector<16x1xi1> to vector<16x1024xi1>
    %select_n3A_860 = arith.select %broadcast_in_dim3A_859, %add3A_854, %select_n3A_806 : vector<16x1024xi1>, vector<16x1024xf32>
    %ne3A_861 = arith.constant 0 : i32
    %ne3A_862 = vector.broadcast %ne3A_861 : i32 to vector<16x1xi32>
    %ne3A_863 = arith.cmpi ne, %slice3A_814, %ne3A_862 : vector<16x1xi32>
    %convert_element_type3A_864 = arith.extui %ne3A_863 : vector<16x1xi1> to vector<16x1xi32>
    %convert_element_type3A_865 = arith.sitofp %convert_element_type3A_864 : vector<16x1xi32> to vector<16x1xf32>
    %mul3A_866 = arith.mulf %mul3A_812, %convert_element_type3A_865 : vector<16x1xf32>
    %swap3A = arith.constant 0 : index
    %swap3A_867 = arith.constant 0 : index
    %swap3A_868 = vector.load %arg7[%swap3A, %swap3A_867] : memref<16x1024xf32, #tpu.memory_space<vmem>>, vector<16x1024xf32>
    tpu.vector_store %arg7[%swap3A, %swap3A_867], %select_n3A_860 {strides = array<i32>} : memref<16x1024xf32, #tpu.memory_space<vmem>>, vector<16x1024xf32>,
    %swap3A_869 = arith.constant 0 : index
    %swap3A_870 = arith.constant 0 : index
    %swap3A_871 = vector.load %arg8[%swap3A_869, %swap3A_870] : memref<16x1xf32, #tpu.memory_space<vmem>>, vector<16x1xf32>
    tpu.vector_store %arg8[%swap3A_869, %swap3A_870], %mul3A_866 {strides = array<i32>} : memref<16x1xf32, #tpu.memory_space<vmem>>, vector<16x1xf32>,
    return
  }
  func.func @transform_0(%arg0: i32) -> (i32, i32, i32) {
    %c0_i32 = arith.constant 0 : i32
    %c0_i32_0 = arith.constant 0 : i32
    %c0_i32_1 = arith.constant 0 : i32
    return %arg0, %c0_i32, %c0_i32_0 : i32, i32, i32
  }
  func.func @transform_1(%arg0: i32) -> (i32, i32) {
    %c0_i32 = arith.constant 0 : i32
    %c0_i32_0 = arith.constant 0 : i32
    return %arg0, %c0_i32 : i32, i32
  }
  func.func @transform_2(%arg0: i32) -> (i32, i32) {
    %c0_i32 = arith.constant 0 : i32
    %c0_i32_0 = arith.constant 0 : i32
    %c0_i32_1 = arith.constant 0 : i32
    return %c0_i32, %c0_i32_0 : i32, i32
  }
  func.func @transform_3(%arg0: i32) -> (i32, i32) {
    %c0_i32 = arith.constant 0 : i32
    %c0_i32_0 = arith.constant 0 : i32
    %c0_i32_1 = arith.constant 0 : i32
    return %c0_i32, %c0_i32_0 : i32, i32
  }
  func.func @transform_4(%arg0: i32) -> (i32, i32) {
    %c0_i32 = arith.constant 0 : i32
    %c0_i32_0 = arith.constant 0 : i32
    %c0_i32_1 = arith.constant 0 : i32
    return %c0_i32, %c0_i32_0 : i32, i32
  }
  func.func @transform_5(%arg0: i32) -> (i32, i32) {
    %c0_i32 = arith.constant 0 : i32
    %c0_i32_0 = arith.constant 0 : i32
    %c0_i32_1 = arith.constant 0 : i32
    return %c0_i32, %c0_i32_0 : i32, i32
  }
  func.func @transform_6(%arg0: i32) -> (i32, i32) {
    %c0_i32 = arith.constant 0 : i32
    %c0_i32_0 = arith.constant 0 : i32
    %c0_i32_1 = arith.constant 0 : i32
    return %c0_i32, %c0_i32_0 : i32, i32
  }
  func.func @transform_7(%arg0: i32) -> (i32, i32) {
    %c0_i32 = arith.constant 0 : i32
    %c0_i32_0 = arith.constant 0 : i32
    %c0_i32_1 = arith.constant 0 : i32
    return %c0_i32, %c0_i32_0 : i32, i32
  }
}

</mosaic_0001>

<sc_bundles>
// kernel: kernel.11.cloned.1.call-start
scs
__scs_entry_jumppad:
0x0: {  	(pc) =	sbr.rel $0x88, $3  }
0x1: {  	(tag) =	ssettag $0x0;
	lr =	simm.s32 $0x1  }
0x2: {  	[smem:$0x3F9B] =	sst lr;
	_ =	strace $0xD0000000  }
0x3: {  	_ = 	snop  }
0x4: {  	_ = 	snop  }
0x5: {  	_ = 	snop  }
0x6: {  	_ = 	snop  }
0x7: {  	_ = 	snop  }
__scs_overlays_trampoline_lowered:
0x8: {  	[smem:$0x3FAA] =	sst s0  }
0x9: {  	[smem:$0x3FAB] =	sst s1  }
0xa: {  	[smem:$0x3FAC] =	sst s2  }
0xb: {  	[smem:$0x3FAD] =	sst s3  }
0xc: {  	[smem:$0x3FAE] =	sst s4  }
0xd: {  	[smem:$0x3FAF] =	sst s5  }
0xe: {  	[smem:$0x3FB0] =	sst s6  }
0xf: {  	[smem:$0x3FB1] =	sst s7  }
0x10: {  	[smem:$0x3FB2] =	sst s8  }
0x11: {  	[smem:$0x3FB3] =	sst s9;
	s0 =	simm.s32 @!p0 $0x0  }
0x12: {  	s1 =	sld [smem:$0x3F99];
	s0 =	simm.s32 @p0 $0x1  }
0x13: {  	[smem:$0x3FB4] =	sst s0;
	s0 =	simm.s32 @!p1 $0x0  }
0x14: {  	s2 =	sld [smem:$0x3F98];
	s0 =	simm.s32 @p1 $0x1  }
0x15: {  	[smem:$0x3FB5] =	sst s0;
	s0 =	simm.s32 @!p2 $0x0  }
0x16: {  	s3 =	sld [smem:$0x3FDB];
	s0 =	simm.s32 @p2 $0x1  }
0x17: {  	s4 =	simm.s32 $0x1BF5;
	[smem:$0x3FB7] =	sst s0  }
0x18: {  	s0 =	sld [smem:$0x3F9A];
	_ =	swait.ge [sflag:s4], $0x0  }
0x19: {  	s7 =	sld [smem:$0x3F9B]  }
0x1a: {  	s8 =	sadd.s32 $0xFFFFE003, lr  }
0x1b: {  	s9 =	sadd.s32 $0xFFFFFEF7, lr;
	s5 =	simm.s32 $0xFFFFFFFF;
	p2 =	slt.u32 s8, $0xFFFFF086  }
0x1c: {  	p1 =	slt.u32 s9, $0xF7A;
	s5 =	simm.s32 @!p2 $0x0  }
0x1d: {  	s5 =	simm.s32 @p1 $0x1;
	p0 =	seq.s32 s7, s2  }
0x1e: {  	s7 =	smul.u32 @!p0 $0xF7A, s2;
	p2 =	seq.s32 @!p0 s5, $0x0  }
0x1f: {  	s9 =	smul.u32 $0xF7A, s1;
	s8 =	simm.s32 @!p0 $0x1BF5;
	p2 =	por !p2, p0  }
0x20: {  	[sflag:s8] =	ssyncset.s32 @!p0 $0xFFFFF086;
	s6 =	sadd.s32 @!p0 s3, s7;
	s7 =	simm.s32 @!p0 $0x108  }
0x21: {  	s3 =	sadd.s32 s3, s9;
	s6 =	sadd.s32 @!p0 $0x88, s6;
	s7 =	simm.s32 @p2 $0x1082  }
0x22: {  	[simem:s7], [sflag:s8] =	dma.local @!p0 [hbm:s6], $0xF7A  }
0x23: {  	s9 =	sor.u32 $0xD0000000, s2;
	s6 =	simm.s32 $0x108;
	_ =	swait.ge @!p0 [sflag:s8], $0x0  }
0x24: {  	s3 =	sadd.s32 $0x88, s3;
	s6 =	simm.s32 @!p1 $0x1082;
	[sflag:s4] =	ssyncset.s32 $0xFFFFF086  }
0x25: {  	[simem:s6], [sflag:s4] =	dma.local [hbm:s3], $0xF7A  }
0x26: {  	[smem:$0x3F9B] =	sst s1;
	(tag) =	ssettag s2;
	_ =	strace s9  }
0x27: {  	s1 =	sld [smem:$0x3FAB]  }
0x28: {  	s2 =	sld [smem:$0x3FAC]  }
0x29: {  	s4 =	sld [smem:$0x3FAE]  }
0x2a: {  	p0 =	seq.s32 s5, $0x0;
	s5 =	sld [smem:$0x3FAF]  }
0x2b: {  	s6 =	sld [smem:$0x3FB0]  }
0x2c: {  	s7 =	sld [smem:$0x3FB1]  }
0x2d: {  	s3 =	simm.s32 $0x108;
	s8 =	sld [smem:$0x3FB2]  }
0x2e: {  	s3 =	simm.s32 @!p0 $0x1082;
	s9 =	sld [smem:$0x3FB3]  }
0x2f: {  	lr =	sadd.s32 s0, s3;
	s0 =	sld [smem:$0x3FAA]  }
0x30: {  	s3 =	sld [smem:$0x3FAD]  }
0x31: {  	[smem:$0x3FB6] =	sst s10  }
0x32: {  	s10 =	sld [smem:$0x3FB4];
	_ =	sdelay $0x3  }
0x33: {  	p0 =	seq.s32 s10, $0x1;
	s10 =	sld [smem:$0x3FB6];
	_ =	sdelay $0x3  }
0x34: {  	[smem:$0x3FB6] =	sst s10  }
0x35: {  	s10 =	sld [smem:$0x3FB5];
	_ =	sdelay $0x3  }
0x36: {  	p1 =	seq.s32 s10, $0x1;
	s10 =	sld [smem:$0x3FB6];
	_ =	sdelay $0x3  }
0x37: {  	[smem:$0x3FB6] =	sst s10  }
0x38: {  	s10 =	sld [smem:$0x3FB7]  }
0x39: {  	_ = 	snop;
	(pc) =	sbr.ind lr, $3  }
0x3a: {  	_ = 	snop  }
0x3b: {  	_ = 	snop  }
0x3c: {  	p2 =	seq.s32 s10, $0x1;
	s10 =	sld [smem:$0x3FB6]  }
0x3d: {  	_ =	shalt  }
0x3e: {  	_ =	shalt  }
0x3f: {  	_ =	shalt  }
0x40: {  	_ =	shalt  }
0x41: {  	_ =	shalt  }
0x42: {  	_ =	shalt  }
0x43: {  	_ =	shalt  }
0x44: {  	_ =	shalt  }
0x45: {  	_ =	shalt  }
0x46: {  	_ =	shalt  }
0x47: {  	_ =	shalt  }
0x48: {  	_ =	shalt  }
0x49: {  	_ =	shalt  }
0x4a: {  	_ =	shalt  }
0x4b: {  	_ =	shalt  }
0x4c: {  	_ =	shalt  }
0x4d: {  	_ =	shalt  }
0x4e: {  	_ =	shalt  }
0x4f: {  	_ =	shalt  }
0x50: {  	_ =	shalt  }
0x51: {  	_ =	shalt  }
0x52: {  	_ =	shalt  }
0x53: {  	_ =	shalt  }
0x54: {  	_ =	shalt  }
0x55: {  	_ =	shalt  }
0x56: {  	_ =	shalt  }
0x57: {  	_ =	shalt  }
0x58: {  	_ =	shalt  }
0x59: {  	_ =	shalt  }
0x5a: {  	_ =	shalt  }
0x5b: {  	_ =	shalt  }
0x5c: {  	_ =	shalt  }
0x5d: {  	_ =	shalt  }
0x5e: {  	_ =	shalt  }
0x5f: {  	_ =	shalt  }
0x60: {  	_ =	shalt  }
0x61: {  	_ =	shalt  }
0x62: {  	_ =	shalt  }
0x63: {  	_ =	shalt  }
0x64: {  	_ =	shalt  }
0x65: {  	_ =	shalt  }
0x66: {  	_ =	shalt  }
0x67: {  	_ =	shalt  }
0x68: {  	_ =	shalt  }
0x69: {  	_ =	shalt  }
0x6a: {  	_ =	shalt  }
0x6b: {  	_ =	shalt  }
0x6c: {  	_ =	shalt  }
0x6d: {  	_ =	shalt  }
0x6e: {  	_ =	shalt  }
0x6f: {  	_ =	shalt  }
0x70: {  	_ =	shalt  }
0x71: {  	_ =	shalt  }
0x72: {  	_ =	shalt  }
0x73: {  	_ =	shalt  }
0x74: {  	_ =	shalt  }
0x75: {  	_ =	shalt  }
0x76: {  	_ =	shalt  }
0x77: {  	_ =	shalt  }
0x78: {  	_ =	shalt  }
0x79: {  	_ =	shalt  }
0x7a: {  	_ =	shalt  }
0x7b: {  	_ =	shalt  }
0x7c: {  	_ =	shalt  }
0x7d: {  	_ =	shalt  }
0x7e: {  	_ =	shalt  }
0x7f: {  	_ =	shalt  }
0x80: {  	_ =	shalt  }
0x81: {  	_ =	shalt  }
0x82: {  	_ =	shalt  }
0x83: {  	_ =	shalt  }
0x84: {  	_ =	shalt  }
0x85: {  	_ =	shalt  }
0x86: {  	_ =	shalt  }
0x87: {  	_ =	shalt  }
.Lfunc_end0:
.L_simem_size_0:
called_computation_lowered:
.L_overlay_start_0:
0x88: {  	s2 =	sld [smem:$0x3FD9]  }
0x89: {  	s3 =	sld [smem:$0x3FFE];
	_ =	sdelay $0x1  }
0x8a: {  	s1 =	srdreg.scid  }
0x8b: {  	s0 =	sand.u32 $0x1, s1  }
0x8c: {  	s16 =	sshll.u32 s0, $0xA;
	s2 =	sadd.s32 s3, s2  }
0x8d: {  	s2 =	sadd.s32 s2, s16  }
0x8e: {  	[smem:$0x3FC2] =	sst s2  }
0x8f: {  	_ = 	snop  }
0x90: {  	(tm) =	ssettm $0x1  }
0x91: {  	s17 =	sld [smem:$0x3FFB];
	_ =	sdelay $0x3  }
0x92: {  	_ =	strace s17  }
0x93: {  	s2 =	sld [smem:$0x3FFC];
	_ =	sdelay $0x3  }
0x94: {  	_ =	strace s2  }
0x95: {  	s2 =	sld [smem:$0x3FFD];
	_ =	sdelay $0x3  }
0x96: {  	_ =	strace s2  }
0x97: {  	_ =	strace $0x8FFFFFFF  }
0x98: {  	s18 =	sld [smem:$0x3FDB];
	_ =	sdelay $0x1  }
0x99: {  	s19 =	simm.s32 $_scs_section_size  }
0x9a: {  	s4 =	simm.s32 $_size__tile_overlayer_lowered;
	s5 =	simm.s32 $_tile_overlayer_lowered  }
0x9b: {  	s22 =	simm.s32 $0x1BFF;
	s21 =	sshll.u32 s5, $0x1;
	s2 =	sadd.s32 s19, s18  }
0x9c: {  	s6 =	simm.s32 $0x0;
	s20 =	sshll.u32 s4, $0x1;
	s4 =	sadd.s32 s21, s2  }
0x9d: {  	[timem:s6], [sflag:s22] =	dma.local [hbm:s4], s20  }
0x9e: {  	_ =	swait.ge [sflag:s22], s20  }
0x9f: {  	s3 =	ssub.s32 $0x0, s20;
	[sflag:s22] =	ssyncset.done $0x0  }
0xa0: {  	[sflag:s22] =	ssyncadd.s32 s3;
	_ =	sdelay $0x1  }
0xa1: {  	s23 =	simm.s32 $0x1B8B  }
0xa2: {  	_ =	swait.ge [sflag:s23], $0x1  }
0xa3: {  	[sflag:s23] =	ssyncset.done $0x0  }
0xa4: {  	s25 =	simm.s32 $0x1B8E;
	s24 =	sld [smem:$0x3FFE];
	[sflag:s23] =	ssyncadd.s32 $0xFFFFFFFF  }
0xa5: {  	s26 =	simm.s32 $execute0_lowered;
	[smem:$0x3FD2] =	sst s25  }
0xa6: {  	s4 =	sshll.u32 s26, $0x1;
	_ =	strace $0x80000046;
	[dreg:$0x1] =	wrdreg $0xFFFFFFFF  }
0xa7: {  	s28 =	simm.s32 $_size_execute0_lowered;
	s2 =	sadd.s32 s2, s4;
	[dreg:$0x0] =	wrdreg $0x0  }
0xa8: {  	s4 =	sshll.u32 s28, $0x1;
	[dreg:$0x2] =	wrdreg s2  }
0xa9: {  	[dreg:$0x3] =	wrdreg s4  }
0xaa: {  	[dreg:$0x4] =	wrdreg $0xC0  }
0xab: {  	_ =	task [dreg:s6], $0x5FFFF  }
0xac: {  	[dreg:$0x1] =	wrdreg $0xFFFFFFFF  }
0xad: {  	[dreg:$0x0] =	wrdreg $0x60  }
0xae: {  	[dreg:$0x2] =	wrdreg s24  }
0xaf: {  	[dreg:$0x3] =	wrdreg $0x9  }
0xb0: {  	_ =	task.clear_ibuf [dreg:s6], $0x4FFFF;
	_ =	strace $0x90000046  }
0xb1: {  	s29 =	simm.s32 $0x9;
	_ =	strace $0x80000048  }
0xb2: {  	_ =	swait.ge [sflag:s29], $0x1  }
0xb3: {  	[sflag:s29] =	ssyncadd.s32 $0xFFFFFFFF  }
0xb4: {  	_ =	strace $0x90000048  }
0xb5: {  	_ =	sfence  }
0xb6: {  	s30 =	sld [smem:$0x0];
	_ =	sdelay $0x2  }
0xb7: {  	s31 =	sshll.u32 s1, $0xD;
	s1 =	sshrl.u32 s1, $0x2  }
0xb8: {  	s3 =	sand.u32 $0x4000, s31;
	s1 =	sadd.s32 s1, s30  }
0xb9: {  	s0 =	sor.u32 s3, s0;
	s1 =	sshll.u32 s1, $0x11  }
0xba: {  	s0 =	sor.u32 s1, s0  }
0xbb: {  	s0 =	sadd.s32 $0x8F2B, s0  }
0xbc: {  	[sflag:s0] =	ssyncadd.remote.s32 $0x1  }
0xbd: {  	_ =	sfence.sel $0xFFFF  }
0xbe: {  	[dreg:$0x0] =	wrdreg $0xFFFFFFFF;
	(pc) =	sbr.abs _section_cstart, $3  }
0xbf: {  	[dreg:$0x1] =	wrdreg $0xFFFFFFFF  }
0xc0: {  	_ =	task.clear_ibuf [dreg:s6], $0x2FFFF;
	_ =	strace $0x9FFFFFFF  }
0xc1: {  	(tm) =	ssettm $0x7FFFFFFF  }
tec
execute0_lowered:
.L_overlay_start_1:
0x0: {  	(tag) =	ssettag $0x1  }
0x1: {  	s1 =	srdreg.scid  }
0x2: {  	s2 =	simm.s32 $0x0;
	s4 =	sand.u32 $0x1, s1;
	s1 =	rddreg [dreg:$0x0]  }
0x3: {  	s20 =	simm.s32 $0x880;
	[smem:$0x7FF] =	sst s2  }
0x4: {  	s21 =	simm.s32 $0x1080;
	_ =	strace $0x80000047;
	[dreg:$0x5] =	wrdreg s20  }
0x5: {  	s22 =	simm.s32 $0x1880;
	[dreg:$0x6] =	wrdreg s21  }
0x6: {  	s23 =	simm.s32 $0x2080;
	[dreg:$0x7] =	wrdreg s22  }
0x7: {  	s24 =	simm.s32 $0x2880;
	[dreg:$0x8] =	wrdreg s23  }
0x8: {  	s25 =	simm.s32 $0x3080;
	[dreg:$0x9] =	wrdreg s24  }
0x9: {  	s0 =	stileid.u32;
	s26 =	simm.s32 $0x3880;
	[dreg:$0xa] =	wrdreg s25  }
0xa: {  	s3 =	sshll.u32 s0, $0x3;
	s0 =	simm.s32 $0x4080;
	[dreg:$0xb] =	wrdreg s26  }
0xb: {  	s8 =	simm.s32 $0x6080;
	[dreg:$0xc] =	wrdreg s0  }
0xc: {  	s9 =	simm.s32 $0x6880;
	[dreg:$0x10] =	wrdreg s8  }
0xd: {  	s10 =	simm.s32 $0x7080;
	[dreg:$0x11] =	wrdreg s9  }
0xe: {  	s11 =	simm.s32 $0x7880;
	[dreg:$0x12] =	wrdreg s10  }
0xf: {  	s12 =	simm.s32 $0x8080;
	[dreg:$0x13] =	wrdreg s11  }
0x10: {  	s13 =	simm.s32 $0x8880;
	[dreg:$0x14] =	wrdreg s12  }
0x11: {  	s14 =	simm.s32 $0x9080;
	[dreg:$0x15] =	wrdreg s13  }
0x12: {  	s15 =	simm.s32 $0x9880;
	s16 =	simm.s32 $0xA080;
	[dreg:$0x16] =	wrdreg s14  }
0x13: {  	s17 =	simm.s32 $0xA880;
	s28 =	simm.s32 $0x17080;
	[dreg:$0x17] =	wrdreg s15  }
0x14: {  	s29 =	simm.s32 $0x17880;
	s30 =	simm.s32 $0x2;
	[dreg:$0x18] =	wrdreg s16  }
0x15: {  	s31 =	simm.s32 $0x3;
	[dreg:$0x19] =	wrdreg s17;
	s20 =	simm.s32 $0xB880  }
0x16: {  	s5 =	sshll.u32 s4, $0x2;
	s21 =	simm.s32 $0xC880;
	[dreg:$0x1b] =	wrdreg s20  }
0x17: {  	s7 =	sadd.s32 $0x93400, s1;
	s22 =	simm.s32 $0xD080;
	[dreg:$0x1c] =	wrdreg s21  }
0x18: {  	s4 =	ssub.s32 $0x2, s4;
	s8 =	simm.s32 $0xD880;
	[dreg:$0x1d] =	wrdreg s22  }
0x19: {  	s9 =	simm.s32 $0xE080;
	s10 =	simm.s32 $0xE880;
	[dreg:$0x1e] =	wrdreg s8  }
0x1a: {  	s11 =	simm.s32 $0xF080;
	s12 =	simm.s32 $0xF880;
	[dreg:$0x1f] =	wrdreg s9  }
0x1b: {  	s13 =	simm.s32 $0x10080;
	s14 =	simm.s32 $0x10880;
	[smem:$0x7F4] =	sst s10  }
0x1c: {  	s16 =	simm.s32 $0x11080;
	s23 =	simm.s32 $0x11880;
	[smem:$0x7F5] =	sst s11  }
0x1d: {  	s24 =	simm.s32 $0x12080;
	s25 =	simm.s32 $0x12880;
	[smem:$0x7F6] =	sst s12  }
0x1e: {  	s17 =	simm.s32 $0x80;
	s26 =	simm.s32 $0x13080;
	[smem:$0x7F7] =	sst s13  }
0x1f: {  	s3 =	sor.u32 s5, s3;
	s18 =	sshrl.u32 s4, $0x1;
	[smem:$0x7F8] =	sst s14  }
0x20: {  	s8 =	sadd.s32 $0x3900, s1;
	s9 =	sadd.s32 $0x3A00, s1;
	[smem:$0x7F9] =	sst s16  }
0x21: {  	s10 =	sadd.s32 $0x3B00, s1;
	s11 =	sadd.s32 $0x3C00, s1;
	[smem:$0x7FA] =	sst s23  }
0x22: {  	s12 =	sadd.s32 $0x3D00, s1;
	s13 =	sadd.s32 $0x3E00, s1;
	[smem:$0x7FB] =	sst s24  }
0x23: {  	s14 =	sadd.s32 $0x3F00, s1;
	s16 =	simm.s32 $0x5;
	[smem:$0x7FC] =	sst s25  }
0x24: {  	[smem:$0x7FD] =	sst s26;
	s21 =	simm.s32 $0x14080;
	s22 =	simm.s32 $0x14880  }
0x25: {  	s23 =	simm.s32 $0x15080;
	s24 =	simm.s32 $0x15880;
	s25 =	simm.s32 $0x16080  }
0x26: {  	s26 =	simm.s32 $0x16880;
	s5 =	smul.u32 $0x6000, s3;
	s6 =	sadd.s32 s3, s1  }
0x27: {  	s3 =	smul.u32 $0xC00, s3;
	s15 =	ssub.s32 s4, s18;
	s4 =	sadd.s32 $0x3500, s1  }
0x28: {  	s18 =	simm.s32 $0x1;
	s6 =	sadd.s32 $0x3200, s6;
	s15 =	smax.u32 s15, $0x1  }
0x29: {  	s5 =	sshrl.u32 s5, $0x3;
	[dreg:$0x2] =	wrdreg s6;
	s3 =	sadd.s32 s7, s3  }
0x2a: {  	s6 =	simm.s32 $0x5080;
	s5 =	sadd.s32 s7, s5;
	[dreg:$0x3] =	wrdreg s3  }
0x2b: {  	[dreg:$0xe] =	wrdreg s6;
	s7 =	simm.s32 $0x5880;
	s3 =	sadd.s32 $0x3400, s1  }
0x2c: {  	s6 =	sadd.s32 $0x3700, s1;
	s19 =	sadd.s32 $0x1800, s5;
	[dreg:$0xf] =	wrdreg s7  }
0x2d: {  	v2 =	vlaneseq.u32;
	s5 =	simm.s32 $0x4880;
	s7 =	sadd.s32 $0x3800, s1;
	[dreg:$0x4] =	wrdreg s19  }
0x2e: {  	vm0 =	vmmov $0xffff;
	v1 =	vshrl.u32 v2, $0x3;
	[dreg:$0xd] =	wrdreg s5;
	s19 =	simm.s32 $0xB080;
	s5 =	sadd.s32 $0x3600, s1  }
0x2f: {  	v0 =	vand.u32 $0x7, v2;
	v2 =	vor.u32 $0x8, v2;
	v1 =	vmul.u32 $0x8, v1;
	s1 =	simm.s32 $0x4;
	[dreg:$0x1a] =	wrdreg s19;
	s19 =	simm.s32 $0xC080  }
.LBB2_1:
0x30: {  	s0 =	rddreg [dreg:$0x2]  }
0x31: {  	[tilespmem:s2], [sflag:$0x5] =	stream.linear.gather [hbm4b:s0+s2], $0x20, $0x38;
	[tilespmem:$0x18080] =	vst v63  }
0x32: {  	_ =	swait.ge [sflag:s16], $0x20  }
0x33: {  	[sflag:s16] =	ssyncset.done $0x0  }
0x34: {  	[sflag:s16] =	ssyncadd.s32 $0xFFFFFFE0  }
0x35: {  	v3 =	vld [tilespmem:$0x0];
	_ =	sdelay $0x4  }
0x36: {  	v4 =	vshrl.u32 v3, $0x3  }
0x37: {  	v4 =	vmul.u32 $0xC0, v4  }
0x38: {  	v3 =	vand.u32 $0x7, v3  }
0x39: {  	v3 =	vor.u32 v3, v4  }
0x3a: {  	v4 =	vperm.xlane v3, v0;
	_ =	sdelay $0x1  }
0x3b: {  	v4 =	vadd.s32 v1, v4;
	_ =	sdelay $0x4  }
0x3c: {  	[tilespmem:s17], [sflag:$0x1] =	stream.indirect_vreg.gather [hbm4b:s3+s2], $0x80, v4, vm0, $0xb8;
	[tilespmem:$0x18080] =	vst v63  }
0x3d: {  	s0 =	rddreg [dreg:$0x5]  }
0x3e: {  	[tilespmem:s0], [sflag:$0x1] =	stream.indirect_vreg.gather [hbm4b:s4+s2], $0x80, v4, vm0, $0xb8;
	[tilespmem:$0x18080] =	vst v63  }
0x3f: {  	s20 =	rddreg [dreg:$0x6]  }
0x40: {  	[tilespmem:s20], [sflag:$0x1] =	stream.indirect_vreg.gather [hbm4b:s5+s2], $0x80, v4, vm0, $0xb8;
	[tilespmem:$0x18080] =	vst v63  }
0x41: {  	s0 =	rddreg [dreg:$0x7]  }
0x42: {  	[tilespmem:s0], [sflag:$0x1] =	stream.indirect_vreg.gather [hbm4b:s6+s2], $0x80, v4, vm0, $0xb8;
	[tilespmem:$0x18080] =	vst v63  }
0x43: {  	s20 =	rddreg [dreg:$0x8]  }
0x44: {  	[tilespmem:s20], [sflag:$0x1] =	stream.indirect_vreg.gather [hbm4b:s7+s2], $0x80, v4, vm0, $0xb8;
	[tilespmem:$0x18080] =	vst v63  }
0x45: {  	s0 =	rddreg [dreg:$0x9]  }
0x46: {  	[tilespmem:s0], [sflag:$0x1] =	stream.indirect_vreg.gather [hbm4b:s8+s2], $0x80, v4, vm0, $0xb8;
	[tilespmem:$0x18080] =	vst v63  }
0x47: {  	s20 =	rddreg [dreg:$0xa]  }
0x48: {  	[tilespmem:s20], [sflag:$0x1] =	stream.indirect_vreg.gather [hbm4b:s9+s2], $0x80, v4, vm0, $0xb8;
	[tilespmem:$0x18080] =	vst v63  }
0x49: {  	s0 =	rddreg [dreg:$0xb]  }
0x4a: {  	[tilespmem:s0], [sflag:$0x1] =	stream.indirect_vreg.gather [hbm4b:s10+s2], $0x80, v4, vm0, $0xb8;
	[tilespmem:$0x18080] =	vst v63  }
0x4b: {  	s20 =	rddreg [dreg:$0xc]  }
0x4c: {  	[tilespmem:s20], [sflag:$0x1] =	stream.indirect_vreg.gather [hbm4b:s11+s2], $0x80, v4, vm0, $0xb8;
	[tilespmem:$0x18080] =	vst v63  }
0x4d: {  	v3 =	vperm.xlane v3, v2;
	s0 =	rddreg [dreg:$0xd]  }
0x4e: {  	[tilespmem:s0], [sflag:$0x1] =	stream.indirect_vreg.gather [hbm4b:s12+s2], $0x80, v4, vm0, $0xb8;
	[tilespmem:$0x18080] =	vst v63  }
0x4f: {  	v3 =	vadd.s32 v1, v3;
	s20 =	rddreg [dreg:$0xe]  }
0x50: {  	[tilespmem:s20], [sflag:$0x1] =	stream.indirect_vreg.gather [hbm4b:s13+s2], $0x80, v4, vm0, $0xb8;
	[tilespmem:$0x18080] =	vst v63  }
0x51: {  	s0 =	rddreg [dreg:$0xf]  }
0x52: {  	[tilespmem:s0], [sflag:$0x1] =	stream.indirect_vreg.gather [hbm4b:s14+s2], $0x80, v4, vm0, $0xb8;
	[tilespmem:$0x18080] =	vst v63  }
0x53: {  	s20 =	rddreg [dreg:$0x10]  }
0x54: {  	[tilespmem:s20], [sflag:$0x1] =	stream.indirect_vreg.gather [hbm4b:s3+s2], $0x80, v3, vm0, $0xb8;
	[tilespmem:$0x18080] =	vst v63  }
0x55: {  	s0 =	rddreg [dreg:$0x11]  }
0x56: {  	[tilespmem:s0], [sflag:$0x1] =	stream.indirect_vreg.gather [hbm4b:s4+s2], $0x80, v3, vm0, $0xb8;
	[tilespmem:$0x18080] =	vst v63  }
0x57: {  	s20 =	rddreg [dreg:$0x12]  }
0x58: {  	[tilespmem:s20], [sflag:$0x1] =	stream.indirect_vreg.gather [hbm4b:s5+s2], $0x80, v3, vm0, $0xb8;
	[tilespmem:$0x18080] =	vst v63  }
0x59: {  	s0 =	rddreg [dreg:$0x13]  }
0x5a: {  	[tilespmem:s0], [sflag:$0x1] =	stream.indirect_vreg.gather [hbm4b:s6+s2], $0x80, v3, vm0, $0xb8;
	[tilespmem:$0x18080] =	vst v63  }
0x5b: {  	s20 =	rddreg [dreg:$0x14]  }
0x5c: {  	[tilespmem:s20], [sflag:$0x1] =	stream.indirect_vreg.gather [hbm4b:s7+s2], $0x80, v3, vm0, $0xb8;
	[tilespmem:$0x18080] =	vst v63  }
0x5d: {  	s0 =	rddreg [dreg:$0x15]  }
0x5e: {  	[tilespmem:s0], [sflag:$0x1] =	stream.indirect_vreg.gather [hbm4b:s8+s2], $0x80, v3, vm0, $0xb8;
	[tilespmem:$0x18080] =	vst v63  }
0x5f: {  	s20 =	rddreg [dreg:$0x16]  }
0x60: {  	[tilespmem:s20], [sflag:$0x1] =	stream.indirect_vreg.gather [hbm4b:s9+s2], $0x80, v3, vm0, $0xb8;
	[tilespmem:$0x18080] =	vst v63  }
0x61: {  	s0 =	rddreg [dreg:$0x17]  }
0x62: {  	[tilespmem:s0], [sflag:$0x1] =	stream.indirect_vreg.gather [hbm4b:s10+s2], $0x80, v3, vm0, $0xb8;
	[tilespmem:$0x18080] =	vst v63  }
0x63: {  	s20 =	rddreg [dreg:$0x18]  }
0x64: {  	[tilespmem:s20], [sflag:$0x1] =	stream.indirect_vreg.gather [hbm4b:s11+s2], $0x80, v3, vm0, $0xb8;
	[tilespmem:$0x18080] =	vst v63  }
0x65: {  	s0 =	rddreg [dreg:$0x19]  }
0x66: {  	[tilespmem:s0], [sflag:$0x1] =	stream.indirect_vreg.gather [hbm4b:s12+s2], $0x80, v3, vm0, $0xb8;
	[tilespmem:$0x18080] =	vst v63  }
0x67: {  	s20 =	rddreg [dreg:$0x1a]  }
0x68: {  	[tilespmem:s20], [sflag:$0x1] =	stream.indirect_vreg.gather [hbm4b:s13+s2], $0x80, v3, vm0, $0xb8;
	[tilespmem:$0x18080] =	vst v63  }
0x69: {  	s0 =	rddreg [dreg:$0x1b]  }
0x6a: {  	[tilespmem:s0], [sflag:$0x1] =	stream.indirect_vreg.gather [hbm4b:s14+s2], $0x80, v3, vm0, $0xb8;
	[tilespmem:$0x18080] =	vst v63  }
0x6b: {  	_ =	swait.ge [sflag:s18], $0xC000  }
0x6c: {  	[sflag:s18] =	ssyncset.done $0x0  }
0x6d: {  	[sflag:s18] =	ssyncadd.s32 $0xFFFF4000  }
0x6e: {  	v3 =	vld [tilespmem:$0x10];
	_ =	sdelay $0x4  }
0x6f: {  	v63 =	vshrl.u32 v3, $0x3  }
0x70: {  	v4 =	vmul.u32 $0xC0, v63  }
0x71: {  	v3 =	vand.u32 $0x7, v3  }
0x72: {  	v3 =	vor.u32 v3, v4  }
0x73: {  	v4 =	vperm.xlane v3, v0;
	_ =	sdelay $0x1  }
0x74: {  	v4 =	vadd.s32 v1, v4;
	_ =	sdelay $0x3  }
0x75: {  	s0 =	rddreg [dreg:$0x1c]  }
0x76: {  	[tilespmem:s19], [sflag:$0x2] =	stream.indirect_vreg.gather [hbm4b:s3+s2], $0x80, v4, vm0, $0xb8;
	[tilespmem:$0x18080] =	vst v63  }
0x77: {  	s20 =	rddreg [dreg:$0x1d]  }
0x78: {  	[tilespmem:s0], [sflag:$0x2] =	stream.indirect_vreg.gather [hbm4b:s4+s2], $0x80, v4, vm0, $0xb8;
	[tilespmem:$0x18080] =	vst v63  }
0x79: {  	s0 =	rddreg [dreg:$0x1e]  }
0x7a: {  	[tilespmem:s20], [sflag:$0x2] =	stream.indirect_vreg.gather [hbm4b:s5+s2], $0x80, v4, vm0, $0xb8;
	[tilespmem:$0x18080] =	vst v63  }
0x7b: {  	s20 =	rddreg [dreg:$0x1f]  }
0x7c: {  	[tilespmem:s0], [sflag:$0x2] =	stream.indirect_vreg.gather [hbm4b:s6+s2], $0x80, v4, vm0, $0xb8;
	[tilespmem:$0x18080] =	vst v63  }
0x7d: {  	s0 =	sld [smem:$0x7F4]  }
0x7e: {  	[tilespmem:s20], [sflag:$0x2] =	stream.indirect_vreg.gather [hbm4b:s7+s2], $0x80, v4, vm0, $0xb8;
	[tilespmem:$0x18080] =	vst v63  }
0x7f: {  	s20 =	sld [smem:$0x7F5]  }
0x80: {  	[tilespmem:s0], [sflag:$0x2] =	stream.indirect_vreg.gather [hbm4b:s8+s2], $0x80, v4, vm0, $0xb8;
	[tilespmem:$0x18080] =	vst v63  }
0x81: {  	s0 =	sld [smem:$0x7F6]  }
0x82: {  	[tilespmem:s20], [sflag:$0x2] =	stream.indirect_vreg.gather [hbm4b:s9+s2], $0x80, v4, vm0, $0xb8;
	[tilespmem:$0x18080] =	vst v63  }
0x83: {  	s20 =	sld [smem:$0x7F7]  }
0x84: {  	[tilespmem:s0], [sflag:$0x2] =	stream.indirect_vreg.gather [hbm4b:s10+s2], $0x80, v4, vm0, $0xb8;
	[tilespmem:$0x18080] =	vst v63  }
0x85: {  	s0 =	sld [smem:$0x7F8]  }
0x86: {  	[tilespmem:s20], [sflag:$0x2] =	stream.indirect_vreg.gather [hbm4b:s11+s2], $0x80, v4, vm0, $0xb8;
	[tilespmem:$0x18080] =	vst v63  }
0x87: {  	v3 =	vperm.xlane v3, v2;
	s20 =	sld [smem:$0x7F9]  }
0x88: {  	[tilespmem:s0], [sflag:$0x2] =	stream.indirect_vreg.gather [hbm4b:s12+s2], $0x80, v4, vm0, $0xb8;
	[tilespmem:$0x18080] =	vst v63  }
0x89: {  	v3 =	vadd.s32 v1, v3;
	s0 =	sld [smem:$0x7FA]  }
0x8a: {  	[tilespmem:s20], [sflag:$0x2] =	stream.indirect_vreg.gather [hbm4b:s13+s2], $0x80, v4, vm0, $0xb8;
	[tilespmem:$0x18080] =	vst v63  }
0x8b: {  	s20 =	sld [smem:$0x7FB]  }
0x8c: {  	[tilespmem:s0], [sflag:$0x2] =	stream.indirect_vreg.gather [hbm4b:s14+s2], $0x80, v4, vm0, $0xb8;
	[tilespmem:$0x18080] =	vst v63  }
0x8d: {  	s0 =	sld [smem:$0x7FC]  }
0x8e: {  	[tilespmem:s20], [sflag:$0x2] =	stream.indirect_vreg.gather [hbm4b:s3+s2], $0x80, v3, vm0, $0xb8;
	[tilespmem:$0x18080] =	vst v63  }
0x8f: {  	s20 =	sld [smem:$0x7FD]  }
0x90: {  	[tilespmem:s0], [sflag:$0x2] =	stream.indirect_vreg.gather [hbm4b:s4+s2], $0x80, v3, vm0, $0xb8;
	[tilespmem:$0x18080] =	vst v63  }
0x91: {  	_ = 	snop  }
0x92: {  	[tilespmem:s20], [sflag:$0x2] =	stream.indirect_vreg.gather [hbm4b:s5+s2], $0x80, v3, vm0, $0xb8;
	[tilespmem:$0x18080] =	vst v63  }
0x93: {  	s20 =	simm.s32 $0x13880  }
0x94: {  	[tilespmem:s20], [sflag:$0x2] =	stream.indirect_vreg.gather [hbm4b:s6+s2], $0x80, v3, vm0, $0xb8;
	[tilespmem:$0x18080] =	vst v63  }
0x95: {  	_ = 	snop  }
0x96: {  	[tilespmem:s21], [sflag:$0x2] =	stream.indirect_vreg.gather [hbm4b:s7+s2], $0x80, v3, vm0, $0xb8;
	[tilespmem:$0x18080] =	vst v63  }
0x97: {  	_ = 	snop  }
0x98: {  	[tilespmem:s22], [sflag:$0x2] =	stream.indirect_vreg.gather [hbm4b:s8+s2], $0x80, v3, vm0, $0xb8;
	[tilespmem:$0x18080] =	vst v63  }
0x99: {  	_ = 	snop  }
0x9a: {  	[tilespmem:s23], [sflag:$0x2] =	stream.indirect_vreg.gather [hbm4b:s9+s2], $0x80, v3, vm0, $0xb8;
	[tilespmem:$0x18080] =	vst v63  }
0x9b: {  	_ = 	snop  }
0x9c: {  	[tilespmem:s24], [sflag:$0x2] =	stream.indirect_vreg.gather [hbm4b:s10+s2], $0x80, v3, vm0, $0xb8;
	[tilespmem:$0x18080] =	vst v63  }
0x9d: {  	_ = 	snop  }
0x9e: {  	[tilespmem:s25], [sflag:$0x2] =	stream.indirect_vreg.gather [hbm4b:s11+s2], $0x80, v3, vm0, $0xb8;
	[tilespmem:$0x18080] =	vst v63  }
0x9f: {  	_ = 	snop  }
0xa0: {  	[tilespmem:s26], [sflag:$0x2] =	stream.indirect_vreg.gather [hbm4b:s12+s2], $0x80, v3, vm0, $0xb8;
	[tilespmem:$0x18080] =	vst v63  }
0xa1: {  	_ = 	snop  }
0xa2: {  	[tilespmem:s28], [sflag:$0x2] =	stream.indirect_vreg.gather [hbm4b:s13+s2], $0x80, v3, vm0, $0xb8;
	[tilespmem:$0x18080] =	vst v63  }
0xa3: {  	_ = 	snop  }
0xa4: {  	[tilespmem:s29], [sflag:$0x2] =	stream.indirect_vreg.gather [hbm4b:s14+s2], $0x80, v3, vm0, $0xb8;
	[tilespmem:$0x18080] =	vst v63  }
0xa5: {  	s20 =	rddreg [dreg:$0x3]  }
0xa6: {  	[hbm4b:s20+s2] =	stream.linear.scatter [tilespmem:s17], [sflag:$0x3], $0xC000, $0x38;
	[tilespmem:$0x18080] =	vst v63  }
0xa7: {  	_ =	swait.ge [sflag:s30], $0xC000  }
0xa8: {  	[sflag:s30] =	ssyncset.done $0x0  }
0xa9: {  	s20 =	rddreg [dreg:$0x4];
	[sflag:s30] =	ssyncadd.s32 $0xFFFF4000  }
0xaa: {  	[hbm4b:s20+s2] =	stream.linear.scatter [tilespmem:s19], [sflag:$0x4], $0xC000, $0x38;
	[tilespmem:$0x18080] =	vst v63  }
0xab: {  	p0 =	sne.s32 s15, $0x1;
	_ =	swait.ge [sflag:s31], $0xC000  }
.Ltmp0:
0xac: {  	[sflag:s31] =	ssyncset.done $0x0;
	(pc) =	sbr.rel @p0 .LBB2_1-.Ltmp0, $4  }
0xad: {  	[sflag:s31] =	ssyncadd.s32 $0xFFFF4000  }
0xae: {  	_ =	swait.ge [sflag:s1], $0xC000  }
0xaf: {  	[sflag:s1] =	ssyncset.done $0x0  }
0xb0: {  	s15 =	sadd.s32 $0xFFFFFFFF, s15;
	[sflag:s1] =	ssyncadd.s32 $0xFFFF4000  }
0xb1: {  	_ =	sfence.sel $0x180000  }
0xb2: {  	[bflag:$0x0] =	sbarrier.arrive $0xFFFF  }
0xb3: {  	_ =	strace $0x90000047  }
0xb4: {  	s0 =	stileid.u32;
	[bflag:$0x2] =	sbarrier.arrive $0xFFFF  }
0xb5: {  	p0 =	sne.s32 s0, $0x0;
	s0 =	rddreg [dreg:$0x1]  }
0xb6: {  	s0 =	sadd.s32 @!p0 $0x100000, s0  }
0xb7: {  	[sflag:s0] =	ssyncadd.tile.s32 @!p0 $0x1;
	_ =	shalt  }
.Lfunc_end2:
_tile_overlayer_lowered:
.L_overlay_start_2:
0xb8: {  	(tag) =	ssettag $0x2  }
0xb9: {  	s0 =	rddreg [dreg:$0x0];
	s2 =	stileid.u32  }
0xba: {  	s1 =	rddreg [dreg:$0x1];
	p0 =	sne.s32 s2, $0x0  }
0xbb: {  	s3 =	rddreg [dreg:$0x2];
	[bflag:$0x3] =	sbarrier.arrive $0xFFFF;
	s2 =	simm.s32 @!p0 $0x1C05  }
0xbc: {  	[timem:s3], [sflag:s2] =	dma.local @!p0 [hbm:s0], s1  }
0xbd: {  	s0 =	simm.s32 @!p0 $0x5  }
0xbe: {  	_ =	swait.ge @!p0 [sflag:s0], s1  }
0xbf: {  	s1 =	ssub.s32 @!p0 $0x0, s1;
	[sflag:s0] =	ssyncset.done @!p0 $0x0  }
0xc0: {  	[sflag:s0] =	ssyncadd.s32 @!p0 s1  }
0xc1: {  	[bflag:$0x3] =	sbarrier.arrive $0xFFFF  }
0xc2: {  	_ =	shalt  }

// kernel: kernel.14.cloned.1.call-start
scs
__scs_entry_jumppad:
0x0: {  	(pc) =	sbr.rel $0x88, $3  }
0x1: {  	(tag) =	ssettag $0x0;
	lr =	simm.s32 $0x1  }
0x2: {  	[smem:$0x3F9B] =	sst lr;
	_ =	strace $0xD0000000  }
0x3: {  	_ = 	snop  }
0x4: {  	_ = 	snop  }
0x5: {  	_ = 	snop  }
0x6: {  	_ = 	snop  }
0x7: {  	_ = 	snop  }
__scs_overlays_trampoline_lowered:
0x8: {  	[smem:$0x3FAA] =	sst s0  }
0x9: {  	[smem:$0x3FAB] =	sst s1  }
0xa: {  	[smem:$0x3FAC] =	sst s2  }
0xb: {  	[smem:$0x3FAD] =	sst s3  }
0xc: {  	[smem:$0x3FAE] =	sst s4  }
0xd: {  	[smem:$0x3FAF] =	sst s5  }
0xe: {  	[smem:$0x3FB0] =	sst s6  }
0xf: {  	[smem:$0x3FB1] =	sst s7  }
0x10: {  	[smem:$0x3FB2] =	sst s8  }
0x11: {  	[smem:$0x3FB3] =	sst s9;
	s0 =	simm.s32 @!p0 $0x0  }
0x12: {  	s1 =	sld [smem:$0x3F99];
	s0 =	simm.s32 @p0 $0x1  }
0x13: {  	[smem:$0x3FB4] =	sst s0;
	s0 =	simm.s32 @!p1 $0x0  }
0x14: {  	s2 =	sld [smem:$0x3F98];
	s0 =	simm.s32 @p1 $0x1  }
0x15: {  	[smem:$0x3FB5] =	sst s0;
	s0 =	simm.s32 @!p2 $0x0  }
0x16: {  	s3 =	sld [smem:$0x3FDB];
	s0 =	simm.s32 @p2 $0x1  }
0x17: {  	s4 =	simm.s32 $0x1BF5;
	[smem:$0x3FB7] =	sst s0  }
0x18: {  	s0 =	sld [smem:$0x3F9A];
	_ =	swait.ge [sflag:s4], $0x0  }
0x19: {  	s7 =	sld [smem:$0x3F9B]  }
0x1a: {  	s8 =	sadd.s32 $0xFFFFE003, lr  }
0x1b: {  	s9 =	sadd.s32 $0xFFFFFEF7, lr;
	s5 =	simm.s32 $0xFFFFFFFF;
	p2 =	slt.u32 s8, $0xFFFFF086  }
0x1c: {  	p1 =	slt.u32 s9, $0xF7A;
	s5 =	simm.s32 @!p2 $0x0  }
0x1d: {  	s5 =	simm.s32 @p1 $0x1;
	p0 =	seq.s32 s7, s2  }
0x1e: {  	s7 =	smul.u32 @!p0 $0xF7A, s2;
	p2 =	seq.s32 @!p0 s5, $0x0  }
0x1f: {  	s9 =	smul.u32 $0xF7A, s1;
	s8 =	simm.s32 @!p0 $0x1BF5;
	p2 =	por !p2, p0  }
0x20: {  	[sflag:s8] =	ssyncset.s32 @!p0 $0xFFFFF086;
	s6 =	sadd.s32 @!p0 s3, s7;
	s7 =	simm.s32 @!p0 $0x108  }
0x21: {  	s3 =	sadd.s32 s3, s9;
	s6 =	sadd.s32 @!p0 $0x88, s6;
	s7 =	simm.s32 @p2 $0x1082  }
0x22: {  	[simem:s7], [sflag:s8] =	dma.local @!p0 [hbm:s6], $0xF7A  }
0x23: {  	s9 =	sor.u32 $0xD0000000, s2;
	s6 =	simm.s32 $0x108;
	_ =	swait.ge @!p0 [sflag:s8], $0x0  }
0x24: {  	s3 =	sadd.s32 $0x88, s3;
	s6 =	simm.s32 @!p1 $0x1082;
	[sflag:s4] =	ssyncset.s32 $0xFFFFF086  }
0x25: {  	[simem:s6], [sflag:s4] =	dma.local [hbm:s3], $0xF7A  }
0x26: {  	[smem:$0x3F9B] =	sst s1;
	(tag) =	ssettag s2;
	_ =	strace s9  }
0x27: {  	s1 =	sld [smem:$0x3FAB]  }
0x28: {  	s2 =	sld [smem:$0x3FAC]  }
0x29: {  	s4 =	sld [smem:$0x3FAE]  }
0x2a: {  	p0 =	seq.s32 s5, $0x0;
	s5 =	sld [smem:$0x3FAF]  }
0x2b: {  	s6 =	sld [smem:$0x3FB0]  }
0x2c: {  	s7 =	sld [smem:$0x3FB1]  }
0x2d: {  	s3 =	simm.s32 $0x108;
	s8 =	sld [smem:$0x3FB2]  }
0x2e: {  	s3 =	simm.s32 @!p0 $0x1082;
	s9 =	sld [smem:$0x3FB3]  }
0x2f: {  	lr =	sadd.s32 s0, s3;
	s0 =	sld [smem:$0x3FAA]  }
0x30: {  	s3 =	sld [smem:$0x3FAD]  }
0x31: {  	[smem:$0x3FB6] =	sst s10  }
0x32: {  	s10 =	sld [smem:$0x3FB4];
	_ =	sdelay $0x3  }
0x33: {  	p0 =	seq.s32 s10, $0x1;
	s10 =	sld [smem:$0x3FB6];
	_ =	sdelay $0x3  }
0x34: {  	[smem:$0x3FB6] =	sst s10  }
0x35: {  	s10 =	sld [smem:$0x3FB5];
	_ =	sdelay $0x3  }
0x36: {  	p1 =	seq.s32 s10, $0x1;
	s10 =	sld [smem:$0x3FB6];
	_ =	sdelay $0x3  }
0x37: {  	[smem:$0x3FB6] =	sst s10  }
0x38: {  	s10 =	sld [smem:$0x3FB7]  }
0x39: {  	_ = 	snop;
	(pc) =	sbr.ind lr, $3  }
0x3a: {  	_ = 	snop  }
0x3b: {  	_ = 	snop  }
0x3c: {  	p2 =	seq.s32 s10, $0x1;
	s10 =	sld [smem:$0x3FB6]  }
0x3d: {  	_ =	shalt  }
0x3e: {  	_ =	shalt  }
0x3f: {  	_ =	shalt  }
0x40: {  	_ =	shalt  }
0x41: {  	_ =	shalt  }
0x42: {  	_ =	shalt  }
0x43: {  	_ =	shalt  }
0x44: {  	_ =	shalt  }
0x45: {  	_ =	shalt  }
0x46: {  	_ =	shalt  }
0x47: {  	_ =	shalt  }
0x48: {  	_ =	shalt  }
0x49: {  	_ =	shalt  }
0x4a: {  	_ =	shalt  }
0x4b: {  	_ =	shalt  }
0x4c: {  	_ =	shalt  }
0x4d: {  	_ =	shalt  }
0x4e: {  	_ =	shalt  }
0x4f: {  	_ =	shalt  }
0x50: {  	_ =	shalt  }
0x51: {  	_ =	shalt  }
0x52: {  	_ =	shalt  }
0x53: {  	_ =	shalt  }
0x54: {  	_ =	shalt  }
0x55: {  	_ =	shalt  }
0x56: {  	_ =	shalt  }
0x57: {  	_ =	shalt  }
0x58: {  	_ =	shalt  }
0x59: {  	_ =	shalt  }
0x5a: {  	_ =	shalt  }
0x5b: {  	_ =	shalt  }
0x5c: {  	_ =	shalt  }
0x5d: {  	_ =	shalt  }
0x5e: {  	_ =	shalt  }
0x5f: {  	_ =	shalt  }
0x60: {  	_ =	shalt  }
0x61: {  	_ =	shalt  }
0x62: {  	_ =	shalt  }
0x63: {  	_ =	shalt  }
0x64: {  	_ =	shalt  }
0x65: {  	_ =	shalt  }
0x66: {  	_ =	shalt  }
0x67: {  	_ =	shalt  }
0x68: {  	_ =	shalt  }
0x69: {  	_ =	shalt  }
0x6a: {  	_ =	shalt  }
0x6b: {  	_ =	shalt  }
0x6c: {  	_ =	shalt  }
0x6d: {  	_ =	shalt  }
0x6e: {  	_ =	shalt  }
0x6f: {  	_ =	shalt  }
0x70: {  	_ =	shalt  }
0x71: {  	_ =	shalt  }
0x72: {  	_ =	shalt  }
0x73: {  	_ =	shalt  }
0x74: {  	_ =	shalt  }
0x75: {  	_ =	shalt  }
0x76: {  	_ =	shalt  }
0x77: {  	_ =	shalt  }
0x78: {  	_ =	shalt  }
0x79: {  	_ =	shalt  }
0x7a: {  	_ =	shalt  }
0x7b: {  	_ =	shalt  }
0x7c: {  	_ =	shalt  }
0x7d: {  	_ =	shalt  }
0x7e: {  	_ =	shalt  }
0x7f: {  	_ =	shalt  }
0x80: {  	_ =	shalt  }
0x81: {  	_ =	shalt  }
0x82: {  	_ =	shalt  }
0x83: {  	_ =	shalt  }
0x84: {  	_ =	shalt  }
0x85: {  	_ =	shalt  }
0x86: {  	_ =	shalt  }
0x87: {  	_ =	shalt  }
.Lfunc_end0:
.L_simem_size_0:
called_computation.1_lowered:
.L_overlay_start_0:
0x88: {  	s2 =	sld [smem:$0x3FD9]  }
0x89: {  	s3 =	sld [smem:$0x3FFE];
	_ =	sdelay $0x1  }
0x8a: {  	s1 =	srdreg.scid  }
0x8b: {  	s0 =	sand.u32 $0x1, s1  }
0x8c: {  	s17 =	sshll.u32 s0, $0xA;
	s2 =	sadd.s32 s3, s2  }
0x8d: {  	s2 =	sadd.s32 s2, s17  }
0x8e: {  	[smem:$0x3FC2] =	sst s2  }
0x8f: {  	_ = 	snop  }
0x90: {  	(tm) =	ssettm $0x1  }
0x91: {  	s18 =	sld [smem:$0x3FFB];
	_ =	sdelay $0x3  }
0x92: {  	_ =	strace s18  }
0x93: {  	s2 =	sld [smem:$0x3FFC];
	_ =	sdelay $0x3  }
0x94: {  	_ =	strace s2  }
0x95: {  	s2 =	sld [smem:$0x3FFD];
	_ =	sdelay $0x3  }
0x96: {  	_ =	strace s2  }
0x97: {  	_ =	strace $0x8FFFFFFF  }
0x98: {  	s19 =	sld [smem:$0x3FDB];
	_ =	sdelay $0x1  }
0x99: {  	s20 =	simm.s32 $_scs_section_size  }
0x9a: {  	s4 =	simm.s32 $_size__tile_overlayer_lowered;
	s5 =	simm.s32 $_tile_overlayer_lowered  }
0x9b: {  	s6 =	simm.s32 $0x1BFF;
	s21 =	sshll.u32 s5, $0x1;
	s3 =	sadd.s32 s20, s19  }
0x9c: {  	s22 =	simm.s32 $0x0;
	s4 =	sshll.u32 s4, $0x1;
	s5 =	sadd.s32 s21, s3  }
0x9d: {  	[timem:s22], [sflag:s6] =	dma.local [hbm:s5], s4  }
0x9e: {  	_ =	swait.ge [sflag:s6], s4  }
0x9f: {  	s4 =	ssub.s32 $0x0, s4;
	[sflag:s6] =	ssyncset.done $0x0  }
0xa0: {  	[sflag:s6] =	ssyncadd.s32 s4;
	_ =	sdelay $0x1  }
0xa1: {  	s23 =	simm.s32 $0x1B8B  }
0xa2: {  	_ =	swait.ge [sflag:s23], $0x1  }
0xa3: {  	[sflag:s23] =	ssyncset.done $0x0  }
0xa4: {  	[sflag:s23] =	ssyncadd.s32 $0xFFFFFFFF  }
0xa5: {  	s4 =	sld [smem:$0x0]  }
0xa6: {  	s5 =	sand.u32 $0xFFFFFFFE, s1  }
0xa7: {  	p0 =	sne.s32 s1, s5  }
0xa8: {  	s5 =	sshll.u32 @p0 s5, $0xE  }
0xa9: {  	s5 =	sadd.s32 @p0 $0x11B8D, s5;
	s6 =	sshll.u32 @p0 s4, $0x11  }
0xaa: {  	s5 =	sor.u32 @p0 s6, s5  }
0xab: {  	[sflag:s5] =	ssyncadd.remote.s32 @p0 $0x1;
	_ =	sdelay $0x1  }
0xac: {  	s5 =	simm.s32 @p0 $0x1B8D  }
0xad: {  	_ =	swait.eq @p0 [sflag:s5], $0x1  }
0xae: {  	[sflag:s5] =	ssyncadd.s32 @p0 $0xFFFFFFFF  }
0xaf: {  	s6 =	sshll.u32 @!p0 s1, $0xE  }
0xb0: {  	s6 =	sor.u32 @!p0 $0x4000, s6;
	s5 =	simm.s32 @!p0 $0x1B8D  }
0xb1: {  	s4 =	sshll.u32 @!p0 s4, $0x11;
	s6 =	sadd.s32 @!p0 $0x11B8D, s6;
	_ =	swait.eq @!p0 [sflag:s5], $0x1  }
0xb2: {  	s4 =	sor.u32 @!p0 s4, s6;
	[sflag:s5] =	ssyncadd.s32 @!p0 $0xFFFFFFFF  }
0xb3: {  	s25 =	simm.s32 $0x1B8E;
	s24 =	sld [smem:$0x3FFE];
	[sflag:s4] =	ssyncadd.remote.s32 @!p0 $0x1  }
0xb4: {  	s26 =	simm.s32 $execute0_lowered;
	[smem:$0x3FD2] =	sst s25  }
0xb5: {  	s5 =	sshll.u32 s26, $0x1;
	_ =	strace $0x80000049;
	[dreg:$0x1] =	wrdreg $0xFFFFFFFF  }
0xb6: {  	s28 =	simm.s32 $_size_execute0_lowered;
	s3 =	sadd.s32 s3, s5;
	[dreg:$0x0] =	wrdreg $0x0  }
0xb7: {  	s5 =	sshll.u32 s28, $0x1;
	[dreg:$0x2] =	wrdreg s3  }
0xb8: {  	[dreg:$0x3] =	wrdreg s5  }
0xb9: {  	[dreg:$0x4] =	wrdreg $0xC0  }
0xba: {  	_ =	task [dreg:s22], $0x5FFFF  }
0xbb: {  	[dreg:$0x1] =	wrdreg $0xFFFFFFFF  }
0xbc: {  	[dreg:$0x0] =	wrdreg $0x60  }
0xbd: {  	[dreg:$0x2] =	wrdreg s24  }
0xbe: {  	[dreg:$0x3] =	wrdreg $0xA  }
0xbf: {  	_ =	task.clear_ibuf [dreg:s22], $0x4FFFF;
	_ =	strace $0x90000049  }
0xc0: {  	s29 =	simm.s32 $0xA;
	_ =	strace $0x8000004B  }
0xc1: {  	_ =	swait.ge [sflag:s29], $0x1  }
0xc2: {  	[sflag:s29] =	ssyncadd.s32 $0xFFFFFFFF  }
0xc3: {  	_ =	strace $0x9000004B  }
0xc4: {  	_ =	sfence  }
0xc5: {  	s30 =	sld [smem:$0x0];
	_ =	sdelay $0x2  }
0xc6: {  	s31 =	sshll.u32 s1, $0xD;
	s1 =	sshrl.u32 s1, $0x2  }
0xc7: {  	s4 =	sand.u32 $0x4000, s31;
	s1 =	sadd.s32 s1, s30  }
0xc8: {  	s0 =	sor.u32 s4, s0;
	s1 =	sshll.u32 s1, $0x11  }
0xc9: {  	s0 =	sor.u32 s1, s0  }
0xca: {  	s0 =	sadd.s32 $0x8F2B, s0  }
0xcb: {  	[sflag:s0] =	ssyncadd.remote.s32 $0x1  }
0xcc: {  	_ =	sfence.sel $0xFFFF  }
0xcd: {  	[dreg:$0x0] =	wrdreg $0xFFFFFFFF;
	(pc) =	sbr.abs _section_cstart, $3  }
0xce: {  	[dreg:$0x1] =	wrdreg $0xFFFFFFFF  }
0xcf: {  	_ =	task.clear_ibuf [dreg:s22], $0x2FFFF;
	_ =	strace $0x9FFFFFFF  }
0xd0: {  	(tm) =	ssettm $0x7FFFFFFF  }
0xd1: {  	_ =	shalt  }
tec
execute0_lowered:
.L_overlay_start_1:
0x0: {  	(tag) =	ssettag $0x1  }
0x1: {  	s0 =	srdreg.scid  }
0x2: {  	s1 =	stileid.u32;
	s14 =	rddreg [dreg:$0x0];
	s2 =	simm.s32 $0x0  }
0x3: {  	s25 =	simm.s32 $0x1;
	s29 =	simm.s32 $0x3;
	s16 =	simm.s32 $0x80  }
0x4: {  	s17 =	simm.s32 $0xC080;
	s19 =	simm.s32 $0xE080;
	s20 =	simm.s32 $0xE880  }
0x5: {  	s21 =	simm.s32 $0xF080;
	s22 =	simm.s32 $0xF880;
	s23 =	simm.s32 $0x10080  }
0x6: {  	s24 =	simm.s32 $0x10880;
	s0 =	sand.u32 $0x1, s0;
	s1 =	sshll.u32 s1, $0x1  }
0x7: {  	s26 =	simm.s32 $0x11080;
	s28 =	simm.s32 $0x11880;
	s1 =	sor.u32 s0, s1  }
0x8: {  	s30 =	simm.s32 $0x12080;
	[smem:$0x7FF] =	sst s2;
	s1 =	smul.u32 $0x50, s1  }
0x9: {  	s3 =	sadd.s32 $0x3400, s14;
	s6 =	sadd.s32 $0x3700, s14;
	s7 =	sadd.s32 $0x3800, s14  }
0xa: {  	s8 =	sadd.s32 $0x3900, s14;
	s0 =	ssub.s32 $0x2, s0;
	s1 =	sshrl.u32 s1, $0x3  }
0xb: {  	s5 =	sshrl.u32 s0, $0x1;
	s4 =	sadd.s32 s1, s14;
	s1 =	smul.u32 $0xC00, s1  }
0xc: {  	s9 =	sadd.s32 $0x3A00, s14;
	_ =	strace $0x8000004A;
	s0 =	ssub.s32 s0, s5  }
0xd: {  	s5 =	sadd.s32 $0x3600, s14;
	s4 =	sadd.s32 $0xF3400, s4;
	s1 =	sadd.s32 s1, s14  }
0xe: {  	s15 =	smax.u32 s0, $0x1;
	[dreg:$0x2] =	wrdreg s4;
	s10 =	sadd.s32 $0xF3800, s1  }
0xf: {  	s4 =	sadd.s32 $0x3500, s14;
	s11 =	sadd.s32 $0xF5000, s1;
	[dreg:$0x3] =	wrdreg s10  }
0x10: {  	s12 =	sadd.s32 $0xF6800, s1;
	s13 =	sadd.s32 $0xF8000, s1;
	[dreg:$0x4] =	wrdreg s11  }
0x11: {  	v2 =	vlaneseq.u32;
	s1 =	sadd.s32 $0xF9800, s1;
	s10 =	sadd.s32 $0x3B00, s14;
	[dreg:$0x5] =	wrdreg s12  }
0x12: {  	vm0 =	vmmov $0xffff;
	v1 =	vshrl.u32 v2, $0x3;
	s11 =	sadd.s32 $0x3C00, s14;
	s12 =	sadd.s32 $0x3D00, s14;
	[dreg:$0x6] =	wrdreg s13  }
0x13: {  	v0 =	vand.u32 $0x7, v2;
	v2 =	vor.u32 $0x8, v2;
	v1 =	vmul.u32 $0x8, v1;
	s13 =	sadd.s32 $0x3E00, s14;
	s14 =	sadd.s32 $0x3F00, s14;
	[dreg:$0x7] =	wrdreg s1  }
.LBB2_1:
0x14: {  	s31 =	rddreg [dreg:$0x2];
	s18 =	simm.s32 $0x5  }
0x15: {  	[tilespmem:s2], [sflag:$0x5] =	stream.linear.gather [hbm4b:s31+s2], $0x50, $0x38;
	[tilespmem:$0x18080] =	vst v63  }
0x16: {  	_ =	swait.ge [sflag:s18], $0x50  }
0x17: {  	[sflag:s18] =	ssyncset.done $0x0  }
0x18: {  	[sflag:s18] =	ssyncadd.s32 $0xFFFFFFB0  }
0x19: {  	v3 =	vld [tilespmem:$0x0];
	_ =	sdelay $0x4  }
0x1a: {  	v4 =	vshrl.u32 v3, $0x3  }
0x1b: {  	v4 =	vmul.u32 $0xC0, v4  }
0x1c: {  	v3 =	vand.u32 $0x7, v3  }
0x1d: {  	v3 =	vor.u32 v3, v4  }
0x1e: {  	v4 =	vperm.xlane v3, v0;
	_ =	sdelay $0x1  }
0x1f: {  	v4 =	vadd.s32 v1, v4;
	_ =	sdelay $0x4  }
0x20: {  	[tilespmem:s16], [sflag:$0x1] =	stream.indirect_vreg.gather [hbm4b:s3+s2], $0x80, v4, vm0, $0xb8;
	[tilespmem:$0x18080] =	vst v63  }
0x21: {  	s0 =	simm.s32 $0x880  }
0x22: {  	[tilespmem:s0], [sflag:$0x1] =	stream.indirect_vreg.gather [hbm4b:s4+s2], $0x80, v4, vm0, $0xb8;
	[tilespmem:$0x18080] =	vst v63  }
0x23: {  	s31 =	simm.s32 $0x1080  }
0x24: {  	[tilespmem:s31], [sflag:$0x1] =	stream.indirect_vreg.gather [hbm4b:s5+s2], $0x80, v4, vm0, $0xb8;
	[tilespmem:$0x18080] =	vst v63  }
0x25: {  	s18 =	simm.s32 $0x1880  }
0x26: {  	[tilespmem:s18], [sflag:$0x1] =	stream.indirect_vreg.gather [hbm4b:s6+s2], $0x80, v4, vm0, $0xb8;
	[tilespmem:$0x18080] =	vst v63  }
0x27: {  	s31 =	simm.s32 $0x2080  }
0x28: {  	[tilespmem:s31], [sflag:$0x1] =	stream.indirect_vreg.gather [hbm4b:s7+s2], $0x80, v4, vm0, $0xb8;
	[tilespmem:$0x18080] =	vst v63  }
0x29: {  	s18 =	simm.s32 $0x2880  }
0x2a: {  	[tilespmem:s18], [sflag:$0x1] =	stream.indirect_vreg.gather [hbm4b:s8+s2], $0x80, v4, vm0, $0xb8;
	[tilespmem:$0x18080] =	vst v63  }
0x2b: {  	s31 =	simm.s32 $0x3080  }
0x2c: {  	[tilespmem:s31], [sflag:$0x1] =	stream.indirect_vreg.gather [hbm4b:s9+s2], $0x80, v4, vm0, $0xb8;
	[tilespmem:$0x18080] =	vst v63  }
0x2d: {  	s18 =	simm.s32 $0x3880  }
0x2e: {  	[tilespmem:s18], [sflag:$0x1] =	stream.indirect_vreg.gather [hbm4b:s10+s2], $0x80, v4, vm0, $0xb8;
	[tilespmem:$0x18080] =	vst v63  }
0x2f: {  	s31 =	simm.s32 $0x4080  }
0x30: {  	[tilespmem:s31], [sflag:$0x1] =	stream.indirect_vreg.gather [hbm4b:s11+s2], $0x80, v4, vm0, $0xb8;
	[tilespmem:$0x18080] =	vst v63  }
0x31: {  	v3 =	vperm.xlane v3, v2;
	s18 =	simm.s32 $0x4880  }
0x32: {  	[tilespmem:s18], [sflag:$0x1] =	stream.indirect_vreg.gather [hbm4b:s12+s2], $0x80, v4, vm0, $0xb8;
	[tilespmem:$0x18080] =	vst v63  }
0x33: {  	v3 =	vadd.s32 v1, v3;
	s31 =	simm.s32 $0x5080  }
0x34: {  	[tilespmem:s31], [sflag:$0x1] =	stream.indirect_vreg.gather [hbm4b:s13+s2], $0x80, v4, vm0, $0xb8;
	[tilespmem:$0x18080] =	vst v63  }
0x35: {  	s18 =	simm.s32 $0x5880  }
0x36: {  	[tilespmem:s18], [sflag:$0x1] =	stream.indirect_vreg.gather [hbm4b:s14+s2], $0x80, v4, vm0, $0xb8;
	[tilespmem:$0x18080] =	vst v63  }
0x37: {  	s31 =	simm.s32 $0x6080  }
0x38: {  	[tilespmem:s31], [sflag:$0x1] =	stream.indirect_vreg.gather [hbm4b:s3+s2], $0x80, v3, vm0, $0xb8;
	[tilespmem:$0x18080] =	vst v63  }
0x39: {  	s18 =	simm.s32 $0x6880  }
0x3a: {  	[tilespmem:s18], [sflag:$0x1] =	stream.indirect_vreg.gather [hbm4b:s4+s2], $0x80, v3, vm0, $0xb8;
	[tilespmem:$0x18080] =	vst v63  }
0x3b: {  	s31 =	simm.s32 $0x7080  }
0x3c: {  	[tilespmem:s31], [sflag:$0x1] =	stream.indirect_vreg.gather [hbm4b:s5+s2], $0x80, v3, vm0, $0xb8;
	[tilespmem:$0x18080] =	vst v63  }
0x3d: {  	s18 =	simm.s32 $0x7880  }
0x3e: {  	[tilespmem:s18], [sflag:$0x1] =	stream.indirect_vreg.gather [hbm4b:s6+s2], $0x80, v3, vm0, $0xb8;
	[tilespmem:$0x18080] =	vst v63  }
0x3f: {  	s31 =	simm.s32 $0x8080  }
0x40: {  	[tilespmem:s31], [sflag:$0x1] =	stream.indirect_vreg.gather [hbm4b:s7+s2], $0x80, v3, vm0, $0xb8;
	[tilespmem:$0x18080] =	vst v63  }
0x41: {  	s18 =	simm.s32 $0x8880  }
0x42: {  	[tilespmem:s18], [sflag:$0x1] =	stream.indirect_vreg.gather [hbm4b:s8+s2], $0x80, v3, vm0, $0xb8;
	[tilespmem:$0x18080] =	vst v63  }
0x43: {  	s31 =	simm.s32 $0x9080  }
0x44: {  	[tilespmem:s31], [sflag:$0x1] =	stream.indirect_vreg.gather [hbm4b:s9+s2], $0x80, v3, vm0, $0xb8;
	[tilespmem:$0x18080] =	vst v63  }
0x45: {  	s18 =	simm.s32 $0x9880  }
0x46: {  	[tilespmem:s18], [sflag:$0x1] =	stream.indirect_vreg.gather [hbm4b:s10+s2], $0x80, v3, vm0, $0xb8;
	[tilespmem:$0x18080] =	vst v63  }
0x47: {  	s31 =	simm.s32 $0xA080  }
0x48: {  	[tilespmem:s31], [sflag:$0x1] =	stream.indirect_vreg.gather [hbm4b:s11+s2], $0x80, v3, vm0, $0xb8;
	[tilespmem:$0x18080] =	vst v63  }
0x49: {  	s18 =	simm.s32 $0xA880  }
0x4a: {  	[tilespmem:s18], [sflag:$0x1] =	stream.indirect_vreg.gather [hbm4b:s12+s2], $0x80, v3, vm0, $0xb8;
	[tilespmem:$0x18080] =	vst v63  }
0x4b: {  	s31 =	simm.s32 $0xB080  }
0x4c: {  	[tilespmem:s31], [sflag:$0x1] =	stream.indirect_vreg.gather [hbm4b:s13+s2], $0x80, v3, vm0, $0xb8;
	[tilespmem:$0x18080] =	vst v63  }
0x4d: {  	s18 =	simm.s32 $0xB880  }
0x4e: {  	[tilespmem:s18], [sflag:$0x1] =	stream.indirect_vreg.gather [hbm4b:s14+s2], $0x80, v3, vm0, $0xb8;
	[tilespmem:$0x18080] =	vst v63  }
0x4f: {  	_ =	swait.ge [sflag:s25], $0xC000  }
0x50: {  	[sflag:s25] =	ssyncset.done $0x0  }
0x51: {  	[sflag:s25] =	ssyncadd.s32 $0xFFFF4000  }
0x52: {  	v3 =	vld [tilespmem:$0x10];
	_ =	sdelay $0x4  }
0x53: {  	v60 =	vshrl.u32 v3, $0x3  }
0x54: {  	v4 =	vmul.u32 $0xC0, v60  }
0x55: {  	v3 =	vand.u32 $0x7, v3  }
0x56: {  	v3 =	vor.u32 v3, v4  }
0x57: {  	v4 =	vperm.xlane v3, v0;
	_ =	sdelay $0x1  }
0x58: {  	v4 =	vadd.s32 v1, v4;
	_ =	sdelay $0x4  }
0x59: {  	[tilespmem:s17], [sflag:$0x2] =	stream.indirect_vreg.gather [hbm4b:s3+s2], $0x80, v4, vm0, $0xb8;
	[tilespmem:$0x18080] =	vst v63  }
0x5a: {  	s31 =	simm.s32 $0xC880  }
0x5b: {  	[tilespmem:s31], [sflag:$0x2] =	stream.indirect_vreg.gather [hbm4b:s4+s2], $0x80, v4, vm0, $0xb8;
	[tilespmem:$0x18080] =	vst v63  }
0x5c: {  	s18 =	simm.s32 $0xD080  }
0x5d: {  	[tilespmem:s18], [sflag:$0x2] =	stream.indirect_vreg.gather [hbm4b:s5+s2], $0x80, v4, vm0, $0xb8;
	[tilespmem:$0x18080] =	vst v63  }
0x5e: {  	s18 =	simm.s32 $0xD880  }
0x5f: {  	[tilespmem:s18], [sflag:$0x2] =	stream.indirect_vreg.gather [hbm4b:s6+s2], $0x80, v4, vm0, $0xb8;
	[tilespmem:$0x18080] =	vst v63  }
0x60: {  	_ = 	snop  }
0x61: {  	[tilespmem:s19], [sflag:$0x2] =	stream.indirect_vreg.gather [hbm4b:s7+s2], $0x80, v4, vm0, $0xb8;
	[tilespmem:$0x18080] =	vst v63  }
0x62: {  	_ = 	snop  }
0x63: {  	[tilespmem:s20], [sflag:$0x2] =	stream.indirect_vreg.gather [hbm4b:s8+s2], $0x80, v4, vm0, $0xb8;
	[tilespmem:$0x18080] =	vst v63  }
0x64: {  	_ = 	snop  }
0x65: {  	[tilespmem:s21], [sflag:$0x2] =	stream.indirect_vreg.gather [hbm4b:s9+s2], $0x80, v4, vm0, $0xb8;
	[tilespmem:$0x18080] =	vst v63  }
0x66: {  	_ = 	snop  }
0x67: {  	[tilespmem:s22], [sflag:$0x2] =	stream.indirect_vreg.gather [hbm4b:s10+s2], $0x80, v4, vm0, $0xb8;
	[tilespmem:$0x18080] =	vst v63  }
0x68: {  	_ = 	snop  }
0x69: {  	[tilespmem:s23], [sflag:$0x2] =	stream.indirect_vreg.gather [hbm4b:s11+s2], $0x80, v4, vm0, $0xb8;
	[tilespmem:$0x18080] =	vst v63  }
0x6a: {  	v3 =	vperm.xlane v3, v2  }
0x6b: {  	[tilespmem:s24], [sflag:$0x2] =	stream.indirect_vreg.gather [hbm4b:s12+s2], $0x80, v4, vm0, $0xb8;
	[tilespmem:$0x18080] =	vst v63  }
0x6c: {  	v3 =	vadd.s32 v1, v3  }
0x6d: {  	[tilespmem:s26], [sflag:$0x2] =	stream.indirect_vreg.gather [hbm4b:s13+s2], $0x80, v4, vm0, $0xb8;
	[tilespmem:$0x18080] =	vst v63  }
0x6e: {  	_ = 	snop  }
0x6f: {  	[tilespmem:s28], [sflag:$0x2] =	stream.indirect_vreg.gather [hbm4b:s14+s2], $0x80, v4, vm0, $0xb8;
	[tilespmem:$0x18080] =	vst v63  }
0x70: {  	_ = 	snop  }
0x71: {  	[tilespmem:s30], [sflag:$0x2] =	stream.indirect_vreg.gather [hbm4b:s3+s2], $0x80, v3, vm0, $0xb8;
	[tilespmem:$0x18080] =	vst v63  }
0x72: {  	s31 =	simm.s32 $0x12880  }
0x73: {  	[tilespmem:s31], [sflag:$0x2] =	stream.indirect_vreg.gather [hbm4b:s4+s2], $0x80, v3, vm0, $0xb8;
	[tilespmem:$0x18080] =	vst v63  }
0x74: {  	s31 =	simm.s32 $0x13080  }
0x75: {  	[tilespmem:s31], [sflag:$0x2] =	stream.indirect_vreg.gather [hbm4b:s5+s2], $0x80, v3, vm0, $0xb8;
	[tilespmem:$0x18080] =	vst v63  }
0x76: {  	s31 =	simm.s32 $0x13880  }
0x77: {  	[tilespmem:s31], [sflag:$0x2] =	stream.indirect_vreg.gather [hbm4b:s6+s2], $0x80, v3, vm0, $0xb8;
	[tilespmem:$0x18080] =	vst v63  }
0x78: {  	s31 =	simm.s32 $0x14080  }
0x79: {  	[tilespmem:s31], [sflag:$0x2] =	stream.indirect_vreg.gather [hbm4b:s7+s2], $0x80, v3, vm0, $0xb8;
	[tilespmem:$0x18080] =	vst v63  }
0x7a: {  	s31 =	simm.s32 $0x14880  }
0x7b: {  	[tilespmem:s31], [sflag:$0x2] =	stream.indirect_vreg.gather [hbm4b:s8+s2], $0x80, v3, vm0, $0xb8;
	[tilespmem:$0x18080] =	vst v63  }
0x7c: {  	s31 =	simm.s32 $0x15080  }
0x7d: {  	[tilespmem:s31], [sflag:$0x2] =	stream.indirect_vreg.gather [hbm4b:s9+s2], $0x80, v3, vm0, $0xb8;
	[tilespmem:$0x18080] =	vst v63  }
0x7e: {  	s31 =	simm.s32 $0x15880  }
0x7f: {  	[tilespmem:s31], [sflag:$0x2] =	stream.indirect_vreg.gather [hbm4b:s10+s2], $0x80, v3, vm0, $0xb8;
	[tilespmem:$0x18080] =	vst v63  }
0x80: {  	s31 =	simm.s32 $0x16080  }
0x81: {  	[tilespmem:s31], [sflag:$0x2] =	stream.indirect_vreg.gather [hbm4b:s11+s2], $0x80, v3, vm0, $0xb8;
	[tilespmem:$0x18080] =	vst v63  }
0x82: {  	s31 =	simm.s32 $0x16880  }
0x83: {  	[tilespmem:s31], [sflag:$0x2] =	stream.indirect_vreg.gather [hbm4b:s12+s2], $0x80, v3, vm0, $0xb8;
	[tilespmem:$0x18080] =	vst v63  }
0x84: {  	s31 =	simm.s32 $0x17080  }
0x85: {  	[tilespmem:s31], [sflag:$0x2] =	stream.indirect_vreg.gather [hbm4b:s13+s2], $0x80, v3, vm0, $0xb8;
	[tilespmem:$0x18080] =	vst v63  }
0x86: {  	s0 =	simm.s32 $0x17880  }
0x87: {  	[tilespmem:s0], [sflag:$0x2] =	stream.indirect_vreg.gather [hbm4b:s14+s2], $0x80, v3, vm0, $0xb8;
	[tilespmem:$0x18080] =	vst v63  }
0x88: {  	s31 =	rddreg [dreg:$0x3];
	s0 =	simm.s32 $0x2  }
0x89: {  	[hbm4b:s31+s2] =	stream.linear.scatter [tilespmem:s16], [sflag:$0x3], $0xC000, $0x38;
	[tilespmem:$0x18080] =	vst v63  }
0x8a: {  	_ =	swait.ge [sflag:s0], $0xC000  }
0x8b: {  	[sflag:s0] =	ssyncset.done $0x0  }
0x8c: {  	[sflag:s0] =	ssyncadd.s32 $0xFFFF4000  }
0x8d: {  	_ =	swait.ge [sflag:s29], $0xC000  }
0x8e: {  	[sflag:s29] =	ssyncset.done $0x0  }
0x8f: {  	[sflag:s29] =	ssyncadd.s32 $0xFFFF4000  }
0x90: {  	v3 =	vld [tilespmem:$0x20];
	_ =	sdelay $0x4  }
0x91: {  	v61 =	vshrl.u32 v3, $0x3  }
0x92: {  	v4 =	vmul.u32 $0xC0, v61  }
0x93: {  	v3 =	vand.u32 $0x7, v3  }
0x94: {  	v3 =	vor.u32 v3, v4  }
0x95: {  	v4 =	vperm.xlane v3, v0;
	_ =	sdelay $0x1  }
0x96: {  	v4 =	vadd.s32 v1, v4;
	_ =	sdelay $0x4  }
0x97: {  	[tilespmem:s16], [sflag:$0x1] =	stream.indirect_vreg.gather [hbm4b:s3+s2], $0x80, v4, vm0, $0xb8;
	[tilespmem:$0x18080] =	vst v63  }
0x98: {  	s1 =	simm.s32 $0x880  }
0x99: {  	[tilespmem:s1], [sflag:$0x1] =	stream.indirect_vreg.gather [hbm4b:s4+s2], $0x80, v4, vm0, $0xb8;
	[tilespmem:$0x18080] =	vst v63  }
0x9a: {  	s31 =	simm.s32 $0x1080  }
0x9b: {  	[tilespmem:s31], [sflag:$0x1] =	stream.indirect_vreg.gather [hbm4b:s5+s2], $0x80, v4, vm0, $0xb8;
	[tilespmem:$0x18080] =	vst v63  }
0x9c: {  	s31 =	simm.s32 $0x1880  }
0x9d: {  	[tilespmem:s31], [sflag:$0x1] =	stream.indirect_vreg.gather [hbm4b:s6+s2], $0x80, v4, vm0, $0xb8;
	[tilespmem:$0x18080] =	vst v63  }
0x9e: {  	s31 =	simm.s32 $0x2080  }
0x9f: {  	[tilespmem:s31], [sflag:$0x1] =	stream.indirect_vreg.gather [hbm4b:s7+s2], $0x80, v4, vm0, $0xb8;
	[tilespmem:$0x18080] =	vst v63  }
0xa0: {  	s31 =	simm.s32 $0x2880  }
0xa1: {  	[tilespmem:s31], [sflag:$0x1] =	stream.indirect_vreg.gather [hbm4b:s8+s2], $0x80, v4, vm0, $0xb8;
	[tilespmem:$0x18080] =	vst v63  }
0xa2: {  	s31 =	simm.s32 $0x3080  }
0xa3: {  	[tilespmem:s31], [sflag:$0x1] =	stream.indirect_vreg.gather [hbm4b:s9+s2], $0x80, v4, vm0, $0xb8;
	[tilespmem:$0x18080] =	vst v63  }
0xa4: {  	s31 =	simm.s32 $0x3880  }
0xa5: {  	[tilespmem:s31], [sflag:$0x1] =	stream.indirect_vreg.gather [hbm4b:s10+s2], $0x80, v4, vm0, $0xb8;
	[tilespmem:$0x18080] =	vst v63  }
0xa6: {  	s31 =	simm.s32 $0x4080  }
0xa7: {  	[tilespmem:s31], [sflag:$0x1] =	stream.indirect_vreg.gather [hbm4b:s11+s2], $0x80, v4, vm0, $0xb8;
	[tilespmem:$0x18080] =	vst v63  }
0xa8: {  	v3 =	vperm.xlane v3, v2;
	s31 =	simm.s32 $0x4880  }
0xa9: {  	[tilespmem:s31], [sflag:$0x1] =	stream.indirect_vreg.gather [hbm4b:s12+s2], $0x80, v4, vm0, $0xb8;
	[tilespmem:$0x18080] =	vst v63  }
0xaa: {  	v3 =	vadd.s32 v1, v3;
	s31 =	simm.s32 $0x5080  }
0xab: {  	[tilespmem:s31], [sflag:$0x1] =	stream.indirect_vreg.gather [hbm4b:s13+s2], $0x80, v4, vm0, $0xb8;
	[tilespmem:$0x18080] =	vst v63  }
0xac: {  	s31 =	simm.s32 $0x5880  }
0xad: {  	[tilespmem:s31], [sflag:$0x1] =	stream.indirect_vreg.gather [hbm4b:s14+s2], $0x80, v4, vm0, $0xb8;
	[tilespmem:$0x18080] =	vst v63  }
0xae: {  	s31 =	simm.s32 $0x6080  }
0xaf: {  	[tilespmem:s31], [sflag:$0x1] =	stream.indirect_vreg.gather [hbm4b:s3+s2], $0x80, v3, vm0, $0xb8;
	[tilespmem:$0x18080] =	vst v63  }
0xb0: {  	s31 =	simm.s32 $0x6880  }
0xb1: {  	[tilespmem:s31], [sflag:$0x1] =	stream.indirect_vreg.gather [hbm4b:s4+s2], $0x80, v3, vm0, $0xb8;
	[tilespmem:$0x18080] =	vst v63  }
0xb2: {  	s31 =	simm.s32 $0x7080  }
0xb3: {  	[tilespmem:s31], [sflag:$0x1] =	stream.indirect_vreg.gather [hbm4b:s5+s2], $0x80, v3, vm0, $0xb8;
	[tilespmem:$0x18080] =	vst v63  }
0xb4: {  	s31 =	simm.s32 $0x7880  }
0xb5: {  	[tilespmem:s31], [sflag:$0x1] =	stream.indirect_vreg.gather [hbm4b:s6+s2], $0x80, v3, vm0, $0xb8;
	[tilespmem:$0x18080] =	vst v63  }
0xb6: {  	s31 =	simm.s32 $0x8080  }
0xb7: {  	[tilespmem:s31], [sflag:$0x1] =	stream.indirect_vreg.gather [hbm4b:s7+s2], $0x80, v3, vm0, $0xb8;
	[tilespmem:$0x18080] =	vst v63  }
0xb8: {  	s31 =	simm.s32 $0x8880  }
0xb9: {  	[tilespmem:s31], [sflag:$0x1] =	stream.indirect_vreg.gather [hbm4b:s8+s2], $0x80, v3, vm0, $0xb8;
	[tilespmem:$0x18080] =	vst v63  }
0xba: {  	s31 =	simm.s32 $0x9080  }
0xbb: {  	[tilespmem:s31], [sflag:$0x1] =	stream.indirect_vreg.gather [hbm4b:s9+s2], $0x80, v3, vm0, $0xb8;
	[tilespmem:$0x18080] =	vst v63  }
0xbc: {  	s31 =	simm.s32 $0x9880  }
0xbd: {  	[tilespmem:s31], [sflag:$0x1] =	stream.indirect_vreg.gather [hbm4b:s10+s2], $0x80, v3, vm0, $0xb8;
	[tilespmem:$0x18080] =	vst v63  }
0xbe: {  	s31 =	simm.s32 $0xA080  }
0xbf: {  	[tilespmem:s31], [sflag:$0x1] =	stream.indirect_vreg.gather [hbm4b:s11+s2], $0x80, v3, vm0, $0xb8;
	[tilespmem:$0x18080] =	vst v63  }
0xc0: {  	s31 =	simm.s32 $0xA880  }
0xc1: {  	[tilespmem:s31], [sflag:$0x1] =	stream.indirect_vreg.gather [hbm4b:s12+s2], $0x80, v3, vm0, $0xb8;
	[tilespmem:$0x18080] =	vst v63  }
0xc2: {  	s31 =	simm.s32 $0xB080  }
0xc3: {  	[tilespmem:s31], [sflag:$0x1] =	stream.indirect_vreg.gather [hbm4b:s13+s2], $0x80, v3, vm0, $0xb8;
	[tilespmem:$0x18080] =	vst v63  }
0xc4: {  	s1 =	simm.s32 $0xB880  }
0xc5: {  	[tilespmem:s1], [sflag:$0x1] =	stream.indirect_vreg.gather [hbm4b:s14+s2], $0x80, v3, vm0, $0xb8;
	[tilespmem:$0x18080] =	vst v63  }
0xc6: {  	s31 =	rddreg [dreg:$0x4]  }
0xc7: {  	[hbm4b:s31+s2] =	stream.linear.scatter [tilespmem:s17], [sflag:$0x4], $0xC000, $0x38;
	[tilespmem:$0x18080] =	vst v63  }
0xc8: {  	_ =	swait.ge [sflag:s25], $0xC000  }
0xc9: {  	[sflag:s25] =	ssyncset.done $0x0  }
0xca: {  	s1 =	simm.s32 $0x4;
	[sflag:s25] =	ssyncadd.s32 $0xFFFF4000  }
0xcb: {  	_ =	swait.ge [sflag:s1], $0xC000  }
0xcc: {  	[sflag:s1] =	ssyncset.done $0x0  }
0xcd: {  	[sflag:s1] =	ssyncadd.s32 $0xFFFF4000  }
0xce: {  	v3 =	vld [tilespmem:$0x30];
	_ =	sdelay $0x4  }
0xcf: {  	v62 =	vshrl.u32 v3, $0x3  }
0xd0: {  	v4 =	vmul.u32 $0xC0, v62  }
0xd1: {  	v3 =	vand.u32 $0x7, v3  }
0xd2: {  	v3 =	vor.u32 v3, v4  }
0xd3: {  	v4 =	vperm.xlane v3, v0;
	_ =	sdelay $0x1  }
0xd4: {  	v4 =	vadd.s32 v1, v4;
	_ =	sdelay $0x4  }
0xd5: {  	[tilespmem:s17], [sflag:$0x2] =	stream.indirect_vreg.gather [hbm4b:s3+s2], $0x80, v4, vm0, $0xb8;
	[tilespmem:$0x18080] =	vst v63  }
0xd6: {  	s31 =	simm.s32 $0xC880  }
0xd7: {  	[tilespmem:s31], [sflag:$0x2] =	stream.indirect_vreg.gather [hbm4b:s4+s2], $0x80, v4, vm0, $0xb8;
	[tilespmem:$0x18080] =	vst v63  }
0xd8: {  	s31 =	simm.s32 $0xD080  }
0xd9: {  	[tilespmem:s31], [sflag:$0x2] =	stream.indirect_vreg.gather [hbm4b:s5+s2], $0x80, v4, vm0, $0xb8;
	[tilespmem:$0x18080] =	vst v63  }
0xda: {  	_ = 	snop  }
0xdb: {  	[tilespmem:s18], [sflag:$0x2] =	stream.indirect_vreg.gather [hbm4b:s6+s2], $0x80, v4, vm0, $0xb8;
	[tilespmem:$0x18080] =	vst v63  }
0xdc: {  	_ = 	snop  }
0xdd: {  	[tilespmem:s19], [sflag:$0x2] =	stream.indirect_vreg.gather [hbm4b:s7+s2], $0x80, v4, vm0, $0xb8;
	[tilespmem:$0x18080] =	vst v63  }
0xde: {  	_ = 	snop  }
0xdf: {  	[tilespmem:s20], [sflag:$0x2] =	stream.indirect_vreg.gather [hbm4b:s8+s2], $0x80, v4, vm0, $0xb8;
	[tilespmem:$0x18080] =	vst v63  }
0xe0: {  	_ = 	snop  }
0xe1: {  	[tilespmem:s21], [sflag:$0x2] =	stream.indirect_vreg.gather [hbm4b:s9+s2], $0x80, v4, vm0, $0xb8;
	[tilespmem:$0x18080] =	vst v63  }
0xe2: {  	_ = 	snop  }
0xe3: {  	[tilespmem:s22], [sflag:$0x2] =	stream.indirect_vreg.gather [hbm4b:s10+s2], $0x80, v4, vm0, $0xb8;
	[tilespmem:$0x18080] =	vst v63  }
0xe4: {  	_ = 	snop  }
0xe5: {  	[tilespmem:s23], [sflag:$0x2] =	stream.indirect_vreg.gather [hbm4b:s11+s2], $0x80, v4, vm0, $0xb8;
	[tilespmem:$0x18080] =	vst v63  }
0xe6: {  	v3 =	vperm.xlane v3, v2  }
0xe7: {  	[tilespmem:s24], [sflag:$0x2] =	stream.indirect_vreg.gather [hbm4b:s12+s2], $0x80, v4, vm0, $0xb8;
	[tilespmem:$0x18080] =	vst v63  }
0xe8: {  	v3 =	vadd.s32 v1, v3  }
0xe9: {  	[tilespmem:s26], [sflag:$0x2] =	stream.indirect_vreg.gather [hbm4b:s13+s2], $0x80, v4, vm0, $0xb8;
	[tilespmem:$0x18080] =	vst v63  }
0xea: {  	_ = 	snop  }
0xeb: {  	[tilespmem:s28], [sflag:$0x2] =	stream.indirect_vreg.gather [hbm4b:s14+s2], $0x80, v4, vm0, $0xb8;
	[tilespmem:$0x18080] =	vst v63  }
0xec: {  	_ = 	snop  }
0xed: {  	[tilespmem:s30], [sflag:$0x2] =	stream.indirect_vreg.gather [hbm4b:s3+s2], $0x80, v3, vm0, $0xb8;
	[tilespmem:$0x18080] =	vst v63  }
0xee: {  	s31 =	simm.s32 $0x12880  }
0xef: {  	[tilespmem:s31], [sflag:$0x2] =	stream.indirect_vreg.gather [hbm4b:s4+s2], $0x80, v3, vm0, $0xb8;
	[tilespmem:$0x18080] =	vst v63  }
0xf0: {  	s31 =	simm.s32 $0x13080  }
0xf1: {  	[tilespmem:s31], [sflag:$0x2] =	stream.indirect_vreg.gather [hbm4b:s5+s2], $0x80, v3, vm0, $0xb8;
	[tilespmem:$0x18080] =	vst v63  }
0xf2: {  	s31 =	simm.s32 $0x13880  }
0xf3: {  	[tilespmem:s31], [sflag:$0x2] =	stream.indirect_vreg.gather [hbm4b:s6+s2], $0x80, v3, vm0, $0xb8;
	[tilespmem:$0x18080] =	vst v63  }
0xf4: {  	s31 =	simm.s32 $0x14080  }
0xf5: {  	[tilespmem:s31], [sflag:$0x2] =	stream.indirect_vreg.gather [hbm4b:s7+s2], $0x80, v3, vm0, $0xb8;
	[tilespmem:$0x18080] =	vst v63  }
0xf6: {  	s31 =	simm.s32 $0x14880  }
0xf7: {  	[tilespmem:s31], [sflag:$0x2] =	stream.indirect_vreg.gather [hbm4b:s8+s2], $0x80, v3, vm0, $0xb8;
	[tilespmem:$0x18080] =	vst v63  }
0xf8: {  	s31 =	simm.s32 $0x15080  }
0xf9: {  	[tilespmem:s31], [sflag:$0x2] =	stream.indirect_vreg.gather [hbm4b:s9+s2], $0x80, v3, vm0, $0xb8;
	[tilespmem:$0x18080] =	vst v63  }
0xfa: {  	s31 =	simm.s32 $0x15880  }
0xfb: {  	[tilespmem:s31], [sflag:$0x2] =	stream.indirect_vreg.gather [hbm4b:s10+s2], $0x80, v3, vm0, $0xb8;
	[tilespmem:$0x18080] =	vst v63  }
0xfc: {  	s31 =	simm.s32 $0x16080  }
0xfd: {  	[tilespmem:s31], [sflag:$0x2] =	stream.indirect_vreg.gather [hbm4b:s11+s2], $0x80, v3, vm0, $0xb8;
	[tilespmem:$0x18080] =	vst v63  }
0xfe: {  	s31 =	simm.s32 $0x16880  }
0xff: {  	[tilespmem:s31], [sflag:$0x2] =	stream.indirect_vreg.gather [hbm4b:s12+s2], $0x80, v3, vm0, $0xb8;
	[tilespmem:$0x18080] =	vst v63  }
0x100: {  	s31 =	simm.s32 $0x17080  }
0x101: {  	[tilespmem:s31], [sflag:$0x2] =	stream.indirect_vreg.gather [hbm4b:s13+s2], $0x80, v3, vm0, $0xb8;
	[tilespmem:$0x18080] =	vst v63  }
0x102: {  	s18 =	simm.s32 $0x17880  }
0x103: {  	[tilespmem:s18], [sflag:$0x2] =	stream.indirect_vreg.gather [hbm4b:s14+s2], $0x80, v3, vm0, $0xb8;
	[tilespmem:$0x18080] =	vst v63  }
0x104: {  	s31 =	rddreg [dreg:$0x5]  }
0x105: {  	[hbm4b:s31+s2] =	stream.linear.scatter [tilespmem:s16], [sflag:$0x3], $0xC000, $0x38;
	[tilespmem:$0x18080] =	vst v63  }
0x106: {  	_ =	swait.ge [sflag:s0], $0xC000  }
0x107: {  	[sflag:s0] =	ssyncset.done $0x0  }
0x108: {  	[sflag:s0] =	ssyncadd.s32 $0xFFFF4000  }
0x109: {  	_ =	swait.ge [sflag:s29], $0xC000  }
0x10a: {  	[sflag:s29] =	ssyncset.done $0x0  }
0x10b: {  	[sflag:s29] =	ssyncadd.s32 $0xFFFF4000  }
0x10c: {  	v3 =	vld [tilespmem:$0x40];
	_ =	sdelay $0x4  }
0x10d: {  	v63 =	vshrl.u32 v3, $0x3  }
0x10e: {  	v4 =	vmul.u32 $0xC0, v63  }
0x10f: {  	v3 =	vand.u32 $0x7, v3  }
0x110: {  	v3 =	vor.u32 v3, v4  }
0x111: {  	v4 =	vperm.xlane v3, v0;
	_ =	sdelay $0x1  }
0x112: {  	v4 =	vadd.s32 v1, v4;
	_ =	sdelay $0x4  }
0x113: {  	[tilespmem:s16], [sflag:$0x1] =	stream.indirect_vreg.gather [hbm4b:s3+s2], $0x80, v4, vm0, $0xb8;
	[tilespmem:$0x18080] =	vst v63  }
0x114: {  	s18 =	simm.s32 $0x880  }
0x115: {  	[tilespmem:s18], [sflag:$0x1] =	stream.indirect_vreg.gather [hbm4b:s4+s2], $0x80, v4, vm0, $0xb8;
	[tilespmem:$0x18080] =	vst v63  }
0x116: {  	s31 =	simm.s32 $0x1080  }
0x117: {  	[tilespmem:s31], [sflag:$0x1] =	stream.indirect_vreg.gather [hbm4b:s5+s2], $0x80, v4, vm0, $0xb8;
	[tilespmem:$0x18080] =	vst v63  }
0x118: {  	s18 =	simm.s32 $0x1880  }
0x119: {  	[tilespmem:s18], [sflag:$0x1] =	stream.indirect_vreg.gather [hbm4b:s6+s2], $0x80, v4, vm0, $0xb8;
	[tilespmem:$0x18080] =	vst v63  }
0x11a: {  	s31 =	simm.s32 $0x2080  }
0x11b: {  	[tilespmem:s31], [sflag:$0x1] =	stream.indirect_vreg.gather [hbm4b:s7+s2], $0x80, v4, vm0, $0xb8;
	[tilespmem:$0x18080] =	vst v63  }
0x11c: {  	s18 =	simm.s32 $0x2880  }
0x11d: {  	[tilespmem:s18], [sflag:$0x1] =	stream.indirect_vreg.gather [hbm4b:s8+s2], $0x80, v4, vm0, $0xb8;
	[tilespmem:$0x18080] =	vst v63  }
0x11e: {  	s31 =	simm.s32 $0x3080  }
0x11f: {  	[tilespmem:s31], [sflag:$0x1] =	stream.indirect_vreg.gather [hbm4b:s9+s2], $0x80, v4, vm0, $0xb8;
	[tilespmem:$0x18080] =	vst v63  }
0x120: {  	s18 =	simm.s32 $0x3880  }
0x121: {  	[tilespmem:s18], [sflag:$0x1] =	stream.indirect_vreg.gather [hbm4b:s10+s2], $0x80, v4, vm0, $0xb8;
	[tilespmem:$0x18080] =	vst v63  }
0x122: {  	s31 =	simm.s32 $0x4080  }
0x123: {  	[tilespmem:s31], [sflag:$0x1] =	stream.indirect_vreg.gather [hbm4b:s11+s2], $0x80, v4, vm0, $0xb8;
	[tilespmem:$0x18080] =	vst v63  }
0x124: {  	v3 =	vperm.xlane v3, v2;
	s18 =	simm.s32 $0x4880  }
0x125: {  	[tilespmem:s18], [sflag:$0x1] =	stream.indirect_vreg.gather [hbm4b:s12+s2], $0x80, v4, vm0, $0xb8;
	[tilespmem:$0x18080] =	vst v63  }
0x126: {  	v3 =	vadd.s32 v1, v3;
	s31 =	simm.s32 $0x5080  }
0x127: {  	[tilespmem:s31], [sflag:$0x1] =	stream.indirect_vreg.gather [hbm4b:s13+s2], $0x80, v4, vm0, $0xb8;
	[tilespmem:$0x18080] =	vst v63  }
0x128: {  	s18 =	simm.s32 $0x5880  }
0x129: {  	[tilespmem:s18], [sflag:$0x1] =	stream.indirect_vreg.gather [hbm4b:s14+s2], $0x80, v4, vm0, $0xb8;
	[tilespmem:$0x18080] =	vst v63  }
0x12a: {  	s31 =	simm.s32 $0x6080  }
0x12b: {  	[tilespmem:s31], [sflag:$0x1] =	stream.indirect_vreg.gather [hbm4b:s3+s2], $0x80, v3, vm0, $0xb8;
	[tilespmem:$0x18080] =	vst v63  }
0x12c: {  	s18 =	simm.s32 $0x6880  }
0x12d: {  	[tilespmem:s18], [sflag:$0x1] =	stream.indirect_vreg.gather [hbm4b:s4+s2], $0x80, v3, vm0, $0xb8;
	[tilespmem:$0x18080] =	vst v63  }
0x12e: {  	s31 =	simm.s32 $0x7080  }
0x12f: {  	[tilespmem:s31], [sflag:$0x1] =	stream.indirect_vreg.gather [hbm4b:s5+s2], $0x80, v3, vm0, $0xb8;
	[tilespmem:$0x18080] =	vst v63  }
0x130: {  	s18 =	simm.s32 $0x7880  }
0x131: {  	[tilespmem:s18], [sflag:$0x1] =	stream.indirect_vreg.gather [hbm4b:s6+s2], $0x80, v3, vm0, $0xb8;
	[tilespmem:$0x18080] =	vst v63  }
0x132: {  	s31 =	simm.s32 $0x8080  }
0x133: {  	[tilespmem:s31], [sflag:$0x1] =	stream.indirect_vreg.gather [hbm4b:s7+s2], $0x80, v3, vm0, $0xb8;
	[tilespmem:$0x18080] =	vst v63  }
0x134: {  	s18 =	simm.s32 $0x8880  }
0x135: {  	[tilespmem:s18], [sflag:$0x1] =	stream.indirect_vreg.gather [hbm4b:s8+s2], $0x80, v3, vm0, $0xb8;
	[tilespmem:$0x18080] =	vst v63  }
0x136: {  	s31 =	simm.s32 $0x9080  }
0x137: {  	[tilespmem:s31], [sflag:$0x1] =	stream.indirect_vreg.gather [hbm4b:s9+s2], $0x80, v3, vm0, $0xb8;
	[tilespmem:$0x18080] =	vst v63  }
0x138: {  	s18 =	simm.s32 $0x9880  }
0x139: {  	[tilespmem:s18], [sflag:$0x1] =	stream.indirect_vreg.gather [hbm4b:s10+s2], $0x80, v3, vm0, $0xb8;
	[tilespmem:$0x18080] =	vst v63  }
0x13a: {  	s31 =	simm.s32 $0xA080  }
0x13b: {  	[tilespmem:s31], [sflag:$0x1] =	stream.indirect_vreg.gather [hbm4b:s11+s2], $0x80, v3, vm0, $0xb8;
	[tilespmem:$0x18080] =	vst v63  }
0x13c: {  	s18 =	simm.s32 $0xA880  }
0x13d: {  	[tilespmem:s18], [sflag:$0x1] =	stream.indirect_vreg.gather [hbm4b:s12+s2], $0x80, v3, vm0, $0xb8;
	[tilespmem:$0x18080] =	vst v63  }
0x13e: {  	s31 =	simm.s32 $0xB080  }
0x13f: {  	[tilespmem:s31], [sflag:$0x1] =	stream.indirect_vreg.gather [hbm4b:s13+s2], $0x80, v3, vm0, $0xb8;
	[tilespmem:$0x18080] =	vst v63  }
0x140: {  	s18 =	simm.s32 $0xB880  }
0x141: {  	[tilespmem:s18], [sflag:$0x1] =	stream.indirect_vreg.gather [hbm4b:s14+s2], $0x80, v3, vm0, $0xb8;
	[tilespmem:$0x18080] =	vst v63  }
0x142: {  	s31 =	rddreg [dreg:$0x6]  }
0x143: {  	[hbm4b:s31+s2] =	stream.linear.scatter [tilespmem:s17], [sflag:$0x4], $0xC000, $0x38;
	[tilespmem:$0x18080] =	vst v63  }
0x144: {  	_ =	swait.ge [sflag:s25], $0xC000  }
0x145: {  	[sflag:s25] =	ssyncset.done $0x0  }
0x146: {  	s18 =	rddreg [dreg:$0x7];
	[sflag:s25] =	ssyncadd.s32 $0xFFFF4000  }
0x147: {  	[hbm4b:s18+s2] =	stream.linear.scatter [tilespmem:s16], [sflag:$0x3], $0xC000, $0x38;
	[tilespmem:$0x18080] =	vst v63  }
0x148: {  	p0 =	sne.s32 s15, $0x1;
	_ =	swait.ge [sflag:s1], $0xC000  }
.Ltmp0:
0x149: {  	[sflag:s1] =	ssyncset.done $0x0;
	(pc) =	sbr.rel @p0 .LBB2_1-.Ltmp0, $4  }
0x14a: {  	[sflag:s1] =	ssyncadd.s32 $0xFFFF4000  }
0x14b: {  	_ =	swait.ge [sflag:s29], $0xC000  }
0x14c: {  	[sflag:s29] =	ssyncset.done $0x0  }
0x14d: {  	s15 =	sadd.s32 $0xFFFFFFFF, s15;
	[sflag:s29] =	ssyncadd.s32 $0xFFFF4000  }
0x14e: {  	_ =	sfence.sel $0x180000  }
0x14f: {  	[bflag:$0x0] =	sbarrier.arrive $0xFFFF  }
0x150: {  	_ =	strace $0x9000004A  }
0x151: {  	s0 =	stileid.u32;
	[bflag:$0x2] =	sbarrier.arrive $0xFFFF  }
0x152: {  	p0 =	sne.s32 s0, $0x0;
	s0 =	rddreg [dreg:$0x1]  }
0x153: {  	s0 =	sadd.s32 @!p0 $0x100000, s0  }
0x154: {  	[sflag:s0] =	ssyncadd.tile.s32 @!p0 $0x1;
	_ =	shalt  }
.Lfunc_end2:
_tile_overlayer_lowered:
.L_overlay_start_2:
0x155: {  	(tag) =	ssettag $0x2  }
0x156: {  	s0 =	rddreg [dreg:$0x0];
	s2 =	stileid.u32  }
0x157: {  	s1 =	rddreg [dreg:$0x1];
	p0 =	sne.s32 s2, $0x0  }
0x158: {  	s3 =	rddreg [dreg:$0x2];
	[bflag:$0x3] =	sbarrier.arrive $0xFFFF;
	s2 =	simm.s32 @!p0 $0x1C05  }
0x159: {  	[timem:s3], [sflag:s2] =	dma.local @!p0 [hbm:s0], s1  }
0x15a: {  	s0 =	simm.s32 @!p0 $0x5  }
0x15b: {  	_ =	swait.ge @!p0 [sflag:s0], s1  }
0x15c: {  	s1 =	ssub.s32 @!p0 $0x0, s1;
	[sflag:s0] =	ssyncset.done @!p0 $0x0  }
0x15d: {  	[sflag:s0] =	ssyncadd.s32 @!p0 s1  }
0x15e: {  	[bflag:$0x3] =	sbarrier.arrive $0xFFFF  }
0x15f: {  	_ =	shalt  }

// kernel: kernel.17.cloned.1.call-start
scs
__scs_entry_jumppad:
0x0: {  	(pc) =	sbr.rel $0x88, $3  }
0x1: {  	(tag) =	ssettag $0x0;
	lr =	simm.s32 $0x1  }
0x2: {  	[smem:$0x3F9B] =	sst lr;
	_ =	strace $0xD0000000  }
0x3: {  	_ = 	snop  }
0x4: {  	_ = 	snop  }
0x5: {  	_ = 	snop  }
0x6: {  	_ = 	snop  }
0x7: {  	_ = 	snop  }
__scs_overlays_trampoline_lowered:
0x8: {  	[smem:$0x3FAA] =	sst s0  }
0x9: {  	[smem:$0x3FAB] =	sst s1  }
0xa: {  	[smem:$0x3FAC] =	sst s2  }
0xb: {  	[smem:$0x3FAD] =	sst s3  }
0xc: {  	[smem:$0x3FAE] =	sst s4  }
0xd: {  	[smem:$0x3FAF] =	sst s5  }
0xe: {  	[smem:$0x3FB0] =	sst s6  }
0xf: {  	[smem:$0x3FB1] =	sst s7  }
0x10: {  	[smem:$0x3FB2] =	sst s8  }
0x11: {  	[smem:$0x3FB3] =	sst s9;
	s0 =	simm.s32 @!p0 $0x0  }
0x12: {  	s1 =	sld [smem:$0x3F99];
	s0 =	simm.s32 @p0 $0x1  }
0x13: {  	[smem:$0x3FB4] =	sst s0;
	s0 =	simm.s32 @!p1 $0x0  }
0x14: {  	s2 =	sld [smem:$0x3F98];
	s0 =	simm.s32 @p1 $0x1  }
0x15: {  	[smem:$0x3FB5] =	sst s0;
	s0 =	simm.s32 @!p2 $0x0  }
0x16: {  	s3 =	sld [smem:$0x3FDB];
	s0 =	simm.s32 @p2 $0x1  }
0x17: {  	s4 =	simm.s32 $0x1BF5;
	[smem:$0x3FB7] =	sst s0  }
0x18: {  	s0 =	sld [smem:$0x3F9A];
	_ =	swait.ge [sflag:s4], $0x0  }
0x19: {  	s7 =	sld [smem:$0x3F9B]  }
0x1a: {  	s8 =	sadd.s32 $0xFFFFE003, lr  }
0x1b: {  	s9 =	sadd.s32 $0xFFFFFEF7, lr;
	s5 =	simm.s32 $0xFFFFFFFF;
	p2 =	slt.u32 s8, $0xFFFFF086  }
0x1c: {  	p1 =	slt.u32 s9, $0xF7A;
	s5 =	simm.s32 @!p2 $0x0  }
0x1d: {  	s5 =	simm.s32 @p1 $0x1;
	p0 =	seq.s32 s7, s2  }
0x1e: {  	s7 =	smul.u32 @!p0 $0xF7A, s2;
	p2 =	seq.s32 @!p0 s5, $0x0  }
0x1f: {  	s9 =	smul.u32 $0xF7A, s1;
	s8 =	simm.s32 @!p0 $0x1BF5;
	p2 =	por !p2, p0  }
0x20: {  	[sflag:s8] =	ssyncset.s32 @!p0 $0xFFFFF086;
	s6 =	sadd.s32 @!p0 s3, s7;
	s7 =	simm.s32 @!p0 $0x108  }
0x21: {  	s3 =	sadd.s32 s3, s9;
	s6 =	sadd.s32 @!p0 $0x88, s6;
	s7 =	simm.s32 @p2 $0x1082  }
0x22: {  	[simem:s7], [sflag:s8] =	dma.local @!p0 [hbm:s6], $0xF7A  }
0x23: {  	s9 =	sor.u32 $0xD0000000, s2;
	s6 =	simm.s32 $0x108;
	_ =	swait.ge @!p0 [sflag:s8], $0x0  }
0x24: {  	s3 =	sadd.s32 $0x88, s3;
	s6 =	simm.s32 @!p1 $0x1082;
	[sflag:s4] =	ssyncset.s32 $0xFFFFF086  }
0x25: {  	[simem:s6], [sflag:s4] =	dma.local [hbm:s3], $0xF7A  }
0x26: {  	[smem:$0x3F9B] =	sst s1;
	(tag) =	ssettag s2;
	_ =	strace s9  }
0x27: {  	s1 =	sld [smem:$0x3FAB]  }
0x28: {  	s2 =	sld [smem:$0x3FAC]  }
0x29: {  	s4 =	sld [smem:$0x3FAE]  }
0x2a: {  	p0 =	seq.s32 s5, $0x0;
	s5 =	sld [smem:$0x3FAF]  }
0x2b: {  	s6 =	sld [smem:$0x3FB0]  }
0x2c: {  	s7 =	sld [smem:$0x3FB1]  }
0x2d: {  	s3 =	simm.s32 $0x108;
	s8 =	sld [smem:$0x3FB2]  }
0x2e: {  	s3 =	simm.s32 @!p0 $0x1082;
	s9 =	sld [smem:$0x3FB3]  }
0x2f: {  	lr =	sadd.s32 s0, s3;
	s0 =	sld [smem:$0x3FAA]  }
0x30: {  	s3 =	sld [smem:$0x3FAD]  }
0x31: {  	[smem:$0x3FB6] =	sst s10  }
0x32: {  	s10 =	sld [smem:$0x3FB4];
	_ =	sdelay $0x3  }
0x33: {  	p0 =	seq.s32 s10, $0x1;
	s10 =	sld [smem:$0x3FB6];
	_ =	sdelay $0x3  }
0x34: {  	[smem:$0x3FB6] =	sst s10  }
0x35: {  	s10 =	sld [smem:$0x3FB5];
	_ =	sdelay $0x3  }
0x36: {  	p1 =	seq.s32 s10, $0x1;
	s10 =	sld [smem:$0x3FB6];
	_ =	sdelay $0x3  }
0x37: {  	[smem:$0x3FB6] =	sst s10  }
0x38: {  	s10 =	sld [smem:$0x3FB7]  }
0x39: {  	_ = 	snop;
	(pc) =	sbr.ind lr, $3  }
0x3a: {  	_ = 	snop  }
0x3b: {  	_ = 	snop  }
0x3c: {  	p2 =	seq.s32 s10, $0x1;
	s10 =	sld [smem:$0x3FB6]  }
0x3d: {  	_ =	shalt  }
0x3e: {  	_ =	shalt  }
0x3f: {  	_ =	shalt  }
0x40: {  	_ =	shalt  }
0x41: {  	_ =	shalt  }
0x42: {  	_ =	shalt  }
0x43: {  	_ =	shalt  }
0x44: {  	_ =	shalt  }
0x45: {  	_ =	shalt  }
0x46: {  	_ =	shalt  }
0x47: {  	_ =	shalt  }
0x48: {  	_ =	shalt  }
0x49: {  	_ =	shalt  }
0x4a: {  	_ =	shalt  }
0x4b: {  	_ =	shalt  }
0x4c: {  	_ =	shalt  }
0x4d: {  	_ =	shalt  }
0x4e: {  	_ =	shalt  }
0x4f: {  	_ =	shalt  }
0x50: {  	_ =	shalt  }
0x51: {  	_ =	shalt  }
0x52: {  	_ =	shalt  }
0x53: {  	_ =	shalt  }
0x54: {  	_ =	shalt  }
0x55: {  	_ =	shalt  }
0x56: {  	_ =	shalt  }
0x57: {  	_ =	shalt  }
0x58: {  	_ =	shalt  }
0x59: {  	_ =	shalt  }
0x5a: {  	_ =	shalt  }
0x5b: {  	_ =	shalt  }
0x5c: {  	_ =	shalt  }
0x5d: {  	_ =	shalt  }
0x5e: {  	_ =	shalt  }
0x5f: {  	_ =	shalt  }
0x60: {  	_ =	shalt  }
0x61: {  	_ =	shalt  }
0x62: {  	_ =	shalt  }
0x63: {  	_ =	shalt  }
0x64: {  	_ =	shalt  }
0x65: {  	_ =	shalt  }
0x66: {  	_ =	shalt  }
0x67: {  	_ =	shalt  }
0x68: {  	_ =	shalt  }
0x69: {  	_ =	shalt  }
0x6a: {  	_ =	shalt  }
0x6b: {  	_ =	shalt  }
0x6c: {  	_ =	shalt  }
0x6d: {  	_ =	shalt  }
0x6e: {  	_ =	shalt  }
0x6f: {  	_ =	shalt  }
0x70: {  	_ =	shalt  }
0x71: {  	_ =	shalt  }
0x72: {  	_ =	shalt  }
0x73: {  	_ =	shalt  }
0x74: {  	_ =	shalt  }
0x75: {  	_ =	shalt  }
0x76: {  	_ =	shalt  }
0x77: {  	_ =	shalt  }
0x78: {  	_ =	shalt  }
0x79: {  	_ =	shalt  }
0x7a: {  	_ =	shalt  }
0x7b: {  	_ =	shalt  }
0x7c: {  	_ =	shalt  }
0x7d: {  	_ =	shalt  }
0x7e: {  	_ =	shalt  }
0x7f: {  	_ =	shalt  }
0x80: {  	_ =	shalt  }
0x81: {  	_ =	shalt  }
0x82: {  	_ =	shalt  }
0x83: {  	_ =	shalt  }
0x84: {  	_ =	shalt  }
0x85: {  	_ =	shalt  }
0x86: {  	_ =	shalt  }
0x87: {  	_ =	shalt  }
.Lfunc_end0:
.L_simem_size_0:
called_computation.2_lowered:
.L_overlay_start_0:
0x88: {  	s2 =	sld [smem:$0x3FD9]  }
0x89: {  	s3 =	sld [smem:$0x3FFE];
	_ =	sdelay $0x1  }
0x8a: {  	s1 =	srdreg.scid  }
0x8b: {  	s0 =	sand.u32 $0x1, s1  }
0x8c: {  	s17 =	sshll.u32 s0, $0xA;
	s2 =	sadd.s32 s3, s2  }
0x8d: {  	s2 =	sadd.s32 s2, s17  }
0x8e: {  	[smem:$0x3FC2] =	sst s2  }
0x8f: {  	_ = 	snop  }
0x90: {  	(tm) =	ssettm $0x1  }
0x91: {  	s18 =	sld [smem:$0x3FFB];
	_ =	sdelay $0x3  }
0x92: {  	_ =	strace s18  }
0x93: {  	s2 =	sld [smem:$0x3FFC];
	_ =	sdelay $0x3  }
0x94: {  	_ =	strace s2  }
0x95: {  	s2 =	sld [smem:$0x3FFD];
	_ =	sdelay $0x3  }
0x96: {  	_ =	strace s2  }
0x97: {  	_ =	strace $0x8FFFFFFF  }
0x98: {  	s19 =	sld [smem:$0x3FDB];
	_ =	sdelay $0x1  }
0x99: {  	s20 =	simm.s32 $_scs_section_size  }
0x9a: {  	s4 =	simm.s32 $_size__tile_overlayer_lowered;
	s5 =	simm.s32 $_tile_overlayer_lowered  }
0x9b: {  	s6 =	simm.s32 $0x1BFF;
	s21 =	sshll.u32 s5, $0x1;
	s3 =	sadd.s32 s20, s19  }
0x9c: {  	s22 =	simm.s32 $0x0;
	s4 =	sshll.u32 s4, $0x1;
	s5 =	sadd.s32 s21, s3  }
0x9d: {  	[timem:s22], [sflag:s6] =	dma.local [hbm:s5], s4  }
0x9e: {  	_ =	swait.ge [sflag:s6], s4  }
0x9f: {  	s4 =	ssub.s32 $0x0, s4;
	[sflag:s6] =	ssyncset.done $0x0  }
0xa0: {  	[sflag:s6] =	ssyncadd.s32 s4;
	_ =	sdelay $0x1  }
0xa1: {  	s23 =	simm.s32 $0x1B8B  }
0xa2: {  	_ =	swait.ge [sflag:s23], $0x1  }
0xa3: {  	[sflag:s23] =	ssyncset.done $0x0  }
0xa4: {  	[sflag:s23] =	ssyncadd.s32 $0xFFFFFFFF  }
0xa5: {  	s4 =	sld [smem:$0x0]  }
0xa6: {  	s5 =	sand.u32 $0xFFFFFFFE, s1  }
0xa7: {  	p0 =	sne.s32 s1, s5  }
0xa8: {  	s5 =	sshll.u32 @p0 s5, $0xE  }
0xa9: {  	s5 =	sadd.s32 @p0 $0x11B8D, s5;
	s6 =	sshll.u32 @p0 s4, $0x11  }
0xaa: {  	s5 =	sor.u32 @p0 s6, s5  }
0xab: {  	[sflag:s5] =	ssyncadd.remote.s32 @p0 $0x1;
	_ =	sdelay $0x1  }
0xac: {  	s5 =	simm.s32 @p0 $0x1B8D  }
0xad: {  	_ =	swait.eq @p0 [sflag:s5], $0x1  }
0xae: {  	[sflag:s5] =	ssyncadd.s32 @p0 $0xFFFFFFFF  }
0xaf: {  	s6 =	sshll.u32 @!p0 s1, $0xE  }
0xb0: {  	s6 =	sor.u32 @!p0 $0x4000, s6;
	s5 =	simm.s32 @!p0 $0x1B8D  }
0xb1: {  	s4 =	sshll.u32 @!p0 s4, $0x11;
	s6 =	sadd.s32 @!p0 $0x11B8D, s6;
	_ =	swait.eq @!p0 [sflag:s5], $0x1  }
0xb2: {  	s4 =	sor.u32 @!p0 s4, s6;
	[sflag:s5] =	ssyncadd.s32 @!p0 $0xFFFFFFFF  }
0xb3: {  	s25 =	simm.s32 $0x1B8E;
	s24 =	sld [smem:$0x3FFE];
	[sflag:s4] =	ssyncadd.remote.s32 @!p0 $0x1  }
0xb4: {  	s26 =	simm.s32 $execute0_lowered;
	[smem:$0x3FD2] =	sst s25  }
0xb5: {  	s5 =	sshll.u32 s26, $0x1;
	_ =	strace $0x8000004C;
	[dreg:$0x1] =	wrdreg $0xFFFFFFFF  }
0xb6: {  	s28 =	simm.s32 $_size_execute0_lowered;
	s3 =	sadd.s32 s3, s5;
	[dreg:$0x0] =	wrdreg $0x0  }
0xb7: {  	s5 =	sshll.u32 s28, $0x1;
	[dreg:$0x2] =	wrdreg s3  }
0xb8: {  	[dreg:$0x3] =	wrdreg s5  }
0xb9: {  	[dreg:$0x4] =	wrdreg $0xC0  }
0xba: {  	_ =	task [dreg:s22], $0x5FFFF  }
0xbb: {  	[dreg:$0x1] =	wrdreg $0xFFFFFFFF  }
0xbc: {  	[dreg:$0x0] =	wrdreg $0x60  }
0xbd: {  	[dreg:$0x2] =	wrdreg s24  }
0xbe: {  	[dreg:$0x3] =	wrdreg $0xB  }
0xbf: {  	_ =	task.clear_ibuf [dreg:s22], $0x4FFFF;
	_ =	strace $0x9000004C  }
0xc0: {  	s29 =	simm.s32 $0xB;
	_ =	strace $0x8000004E  }
0xc1: {  	_ =	swait.ge [sflag:s29], $0x1  }
0xc2: {  	[sflag:s29] =	ssyncadd.s32 $0xFFFFFFFF  }
0xc3: {  	_ =	strace $0x9000004E  }
0xc4: {  	_ =	sfence  }
0xc5: {  	s30 =	sld [smem:$0x0];
	_ =	sdelay $0x2  }
0xc6: {  	s31 =	sshll.u32 s1, $0xD;
	s1 =	sshrl.u32 s1, $0x2  }
0xc7: {  	s4 =	sand.u32 $0x4000, s31;
	s1 =	sadd.s32 s1, s30  }
0xc8: {  	s0 =	sor.u32 s4, s0;
	s1 =	sshll.u32 s1, $0x11  }
0xc9: {  	s0 =	sor.u32 s1, s0  }
0xca: {  	s0 =	sadd.s32 $0x8F2B, s0  }
0xcb: {  	[sflag:s0] =	ssyncadd.remote.s32 $0x1  }
0xcc: {  	_ =	sfence.sel $0xFFFF  }
0xcd: {  	[dreg:$0x0] =	wrdreg $0xFFFFFFFF;
	(pc) =	sbr.abs _section_cstart, $3  }
0xce: {  	[dreg:$0x1] =	wrdreg $0xFFFFFFFF  }
0xcf: {  	_ =	task.clear_ibuf [dreg:s22], $0x2FFFF;
	_ =	strace $0x9FFFFFFF  }
0xd0: {  	(tm) =	ssettm $0x7FFFFFFF  }
0xd1: {  	_ =	shalt  }
tec
execute0_lowered:
.L_overlay_start_1:
0x0: {  	(tag) =	ssettag $0x1  }
0x1: {  	s0 =	srdreg.scid  }
0x2: {  	s1 =	stileid.u32;
	s14 =	rddreg [dreg:$0x0];
	s2 =	simm.s32 $0x0  }
0x3: {  	s25 =	simm.s32 $0x1;
	s29 =	simm.s32 $0x3;
	s16 =	simm.s32 $0x80  }
0x4: {  	s17 =	simm.s32 $0xC080;
	s19 =	simm.s32 $0xE080;
	s20 =	simm.s32 $0xE880  }
0x5: {  	s21 =	simm.s32 $0xF080;
	s22 =	simm.s32 $0xF880;
	s23 =	simm.s32 $0x10080  }
0x6: {  	s24 =	simm.s32 $0x10880;
	s0 =	sand.u32 $0x1, s0;
	s1 =	sshll.u32 s1, $0x1  }
0x7: {  	s26 =	simm.s32 $0x11080;
	s28 =	simm.s32 $0x11880;
	s1 =	sor.u32 s0, s1  }
0x8: {  	s30 =	simm.s32 $0x12080;
	[smem:$0x7FF] =	sst s2;
	s1 =	smul.u32 $0x50, s1  }
0x9: {  	s3 =	sadd.s32 $0x3400, s14;
	s6 =	sadd.s32 $0x3700, s14;
	s7 =	sadd.s32 $0x3800, s14  }
0xa: {  	s8 =	sadd.s32 $0x3900, s14;
	s0 =	ssub.s32 $0x2, s0;
	s1 =	sshrl.u32 s1, $0x3  }
0xb: {  	s5 =	sshrl.u32 s0, $0x1;
	s4 =	sadd.s32 s1, s14;
	s1 =	smul.u32 $0xC00, s1  }
0xc: {  	s9 =	sadd.s32 $0x3A00, s14;
	_ =	strace $0x8000004D;
	s0 =	ssub.s32 s0, s5  }
0xd: {  	s5 =	sadd.s32 $0x3600, s14;
	s4 =	sadd.s32 $0xF3600, s4;
	s1 =	sadd.s32 s1, s14  }
0xe: {  	s15 =	smax.u32 s0, $0x1;
	[dreg:$0x2] =	wrdreg s4;
	s10 =	sadd.s32 $0x1E3800, s1  }
0xf: {  	s4 =	sadd.s32 $0x3500, s14;
	s11 =	sadd.s32 $0x1E5000, s1;
	[dreg:$0x3] =	wrdreg s10  }
0x10: {  	s12 =	sadd.s32 $0x1E6800, s1;
	s13 =	sadd.s32 $0x1E8000, s1;
	[dreg:$0x4] =	wrdreg s11  }
0x11: {  	v2 =	vlaneseq.u32;
	s1 =	sadd.s32 $0x1E9800, s1;
	s10 =	sadd.s32 $0x3B00, s14;
	[dreg:$0x5] =	wrdreg s12  }
0x12: {  	vm0 =	vmmov $0xffff;
	v1 =	vshrl.u32 v2, $0x3;
	s11 =	sadd.s32 $0x3C00, s14;
	s12 =	sadd.s32 $0x3D00, s14;
	[dreg:$0x6] =	wrdreg s13  }
0x13: {  	v0 =	vand.u32 $0x7, v2;
	v2 =	vor.u32 $0x8, v2;
	v1 =	vmul.u32 $0x8, v1;
	s13 =	sadd.s32 $0x3E00, s14;
	s14 =	sadd.s32 $0x3F00, s14;
	[dreg:$0x7] =	wrdreg s1  }
.LBB2_1:
0x14: {  	s31 =	rddreg [dreg:$0x2];
	s18 =	simm.s32 $0x5  }
0x15: {  	[tilespmem:s2], [sflag:$0x5] =	stream.linear.gather [hbm4b:s31+s2], $0x50, $0x38;
	[tilespmem:$0x18080] =	vst v63  }
0x16: {  	_ =	swait.ge [sflag:s18], $0x50  }
0x17: {  	[sflag:s18] =	ssyncset.done $0x0  }
0x18: {  	[sflag:s18] =	ssyncadd.s32 $0xFFFFFFB0  }
0x19: {  	v3 =	vld [tilespmem:$0x0];
	_ =	sdelay $0x4  }
0x1a: {  	v4 =	vshrl.u32 v3, $0x3  }
0x1b: {  	v4 =	vmul.u32 $0xC0, v4  }
0x1c: {  	v3 =	vand.u32 $0x7, v3  }
0x1d: {  	v3 =	vor.u32 v3, v4  }
0x1e: {  	v4 =	vperm.xlane v3, v0;
	_ =	sdelay $0x1  }
0x1f: {  	v4 =	vadd.s32 v1, v4;
	_ =	sdelay $0x4  }
0x20: {  	[tilespmem:s16], [sflag:$0x1] =	stream.indirect_vreg.gather [hbm4b:s3+s2], $0x80, v4, vm0, $0xb8;
	[tilespmem:$0x18080] =	vst v63  }
0x21: {  	s0 =	simm.s32 $0x880  }
0x22: {  	[tilespmem:s0], [sflag:$0x1] =	stream.indirect_vreg.gather [hbm4b:s4+s2], $0x80, v4, vm0, $0xb8;
	[tilespmem:$0x18080] =	vst v63  }
0x23: {  	s31 =	simm.s32 $0x1080  }
0x24: {  	[tilespmem:s31], [sflag:$0x1] =	stream.indirect_vreg.gather [hbm4b:s5+s2], $0x80, v4, vm0, $0xb8;
	[tilespmem:$0x18080] =	vst v63  }
0x25: {  	s18 =	simm.s32 $0x1880  }
0x26: {  	[tilespmem:s18], [sflag:$0x1] =	stream.indirect_vreg.gather [hbm4b:s6+s2], $0x80, v4, vm0, $0xb8;
	[tilespmem:$0x18080] =	vst v63  }
0x27: {  	s31 =	simm.s32 $0x2080  }
0x28: {  	[tilespmem:s31], [sflag:$0x1] =	stream.indirect_vreg.gather [hbm4b:s7+s2], $0x80, v4, vm0, $0xb8;
	[tilespmem:$0x18080] =	vst v63  }
0x29: {  	s18 =	simm.s32 $0x2880  }
0x2a: {  	[tilespmem:s18], [sflag:$0x1] =	stream.indirect_vreg.gather [hbm4b:s8+s2], $0x80, v4, vm0, $0xb8;
	[tilespmem:$0x18080] =	vst v63  }
0x2b: {  	s31 =	simm.s32 $0x3080  }
0x2c: {  	[tilespmem:s31], [sflag:$0x1] =	stream.indirect_vreg.gather [hbm4b:s9+s2], $0x80, v4, vm0, $0xb8;
	[tilespmem:$0x18080] =	vst v63  }
0x2d: {  	s18 =	simm.s32 $0x3880  }
0x2e: {  	[tilespmem:s18], [sflag:$0x1] =	stream.indirect_vreg.gather [hbm4b:s10+s2], $0x80, v4, vm0, $0xb8;
	[tilespmem:$0x18080] =	vst v63  }
0x2f: {  	s31 =	simm.s32 $0x4080  }
0x30: {  	[tilespmem:s31], [sflag:$0x1] =	stream.indirect_vreg.gather [hbm4b:s11+s2], $0x80, v4, vm0, $0xb8;
	[tilespmem:$0x18080] =	vst v63  }
0x31: {  	v3 =	vperm.xlane v3, v2;
	s18 =	simm.s32 $0x4880  }
0x32: {  	[tilespmem:s18], [sflag:$0x1] =	stream.indirect_vreg.gather [hbm4b:s12+s2], $0x80, v4, vm0, $0xb8;
	[tilespmem:$0x18080] =	vst v63  }
0x33: {  	v3 =	vadd.s32 v1, v3;
	s31 =	simm.s32 $0x5080  }
0x34: {  	[tilespmem:s31], [sflag:$0x1] =	stream.indirect_vreg.gather [hbm4b:s13+s2], $0x80, v4, vm0, $0xb8;
	[tilespmem:$0x18080] =	vst v63  }
0x35: {  	s18 =	simm.s32 $0x5880  }
0x36: {  	[tilespmem:s18], [sflag:$0x1] =	stream.indirect_vreg.gather [hbm4b:s14+s2], $0x80, v4, vm0, $0xb8;
	[tilespmem:$0x18080] =	vst v63  }
0x37: {  	s31 =	simm.s32 $0x6080  }
0x38: {  	[tilespmem:s31], [sflag:$0x1] =	stream.indirect_vreg.gather [hbm4b:s3+s2], $0x80, v3, vm0, $0xb8;
	[tilespmem:$0x18080] =	vst v63  }
0x39: {  	s18 =	simm.s32 $0x6880  }
0x3a: {  	[tilespmem:s18], [sflag:$0x1] =	stream.indirect_vreg.gather [hbm4b:s4+s2], $0x80, v3, vm0, $0xb8;
	[tilespmem:$0x18080] =	vst v63  }
0x3b: {  	s31 =	simm.s32 $0x7080  }
0x3c: {  	[tilespmem:s31], [sflag:$0x1] =	stream.indirect_vreg.gather [hbm4b:s5+s2], $0x80, v3, vm0, $0xb8;
	[tilespmem:$0x18080] =	vst v63  }
0x3d: {  	s18 =	simm.s32 $0x7880  }
0x3e: {  	[tilespmem:s18], [sflag:$0x1] =	stream.indirect_vreg.gather [hbm4b:s6+s2], $0x80, v3, vm0, $0xb8;
	[tilespmem:$0x18080] =	vst v63  }
0x3f: {  	s31 =	simm.s32 $0x8080  }
0x40: {  	[tilespmem:s31], [sflag:$0x1] =	stream.indirect_vreg.gather [hbm4b:s7+s2], $0x80, v3, vm0, $0xb8;
	[tilespmem:$0x18080] =	vst v63  }
0x41: {  	s18 =	simm.s32 $0x8880  }
0x42: {  	[tilespmem:s18], [sflag:$0x1] =	stream.indirect_vreg.gather [hbm4b:s8+s2], $0x80, v3, vm0, $0xb8;
	[tilespmem:$0x18080] =	vst v63  }
0x43: {  	s31 =	simm.s32 $0x9080  }
0x44: {  	[tilespmem:s31], [sflag:$0x1] =	stream.indirect_vreg.gather [hbm4b:s9+s2], $0x80, v3, vm0, $0xb8;
	[tilespmem:$0x18080] =	vst v63  }
0x45: {  	s18 =	simm.s32 $0x9880  }
0x46: {  	[tilespmem:s18], [sflag:$0x1] =	stream.indirect_vreg.gather [hbm4b:s10+s2], $0x80, v3, vm0, $0xb8;
	[tilespmem:$0x18080] =	vst v63  }
0x47: {  	s31 =	simm.s32 $0xA080  }
0x48: {  	[tilespmem:s31], [sflag:$0x1] =	stream.indirect_vreg.gather [hbm4b:s11+s2], $0x80, v3, vm0, $0xb8;
	[tilespmem:$0x18080] =	vst v63  }
0x49: {  	s18 =	simm.s32 $0xA880  }
0x4a: {  	[tilespmem:s18], [sflag:$0x1] =	stream.indirect_vreg.gather [hbm4b:s12+s2], $0x80, v3, vm0, $0xb8;
	[tilespmem:$0x18080] =	vst v63  }
0x4b: {  	s31 =	simm.s32 $0xB080  }
0x4c: {  	[tilespmem:s31], [sflag:$0x1] =	stream.indirect_vreg.gather [hbm4b:s13+s2], $0x80, v3, vm0, $0xb8;
	[tilespmem:$0x18080] =	vst v63  }
0x4d: {  	s18 =	simm.s32 $0xB880  }
0x4e: {  	[tilespmem:s18], [sflag:$0x1] =	stream.indirect_vreg.gather [hbm4b:s14+s2], $0x80, v3, vm0, $0xb8;
	[tilespmem:$0x18080] =	vst v63  }
0x4f: {  	_ =	swait.ge [sflag:s25], $0xC000  }
0x50: {  	[sflag:s25] =	ssyncset.done $0x0  }
0x51: {  	[sflag:s25] =	ssyncadd.s32 $0xFFFF4000  }
0x52: {  	v3 =	vld [tilespmem:$0x10];
	_ =	sdelay $0x4  }
0x53: {  	v60 =	vshrl.u32 v3, $0x3  }
0x54: {  	v4 =	vmul.u32 $0xC0, v60  }
0x55: {  	v3 =	vand.u32 $0x7, v3  }
0x56: {  	v3 =	vor.u32 v3, v4  }
0x57: {  	v4 =	vperm.xlane v3, v0;
	_ =	sdelay $0x1  }
0x58: {  	v4 =	vadd.s32 v1, v4;
	_ =	sdelay $0x4  }
0x59: {  	[tilespmem:s17], [sflag:$0x2] =	stream.indirect_vreg.gather [hbm4b:s3+s2], $0x80, v4, vm0, $0xb8;
	[tilespmem:$0x18080] =	vst v63  }
0x5a: {  	s31 =	simm.s32 $0xC880  }
0x5b: {  	[tilespmem:s31], [sflag:$0x2] =	stream.indirect_vreg.gather [hbm4b:s4+s2], $0x80, v4, vm0, $0xb8;
	[tilespmem:$0x18080] =	vst v63  }
0x5c: {  	s18 =	simm.s32 $0xD080  }
0x5d: {  	[tilespmem:s18], [sflag:$0x2] =	stream.indirect_vreg.gather [hbm4b:s5+s2], $0x80, v4, vm0, $0xb8;
	[tilespmem:$0x18080] =	vst v63  }
0x5e: {  	s18 =	simm.s32 $0xD880  }
0x5f: {  	[tilespmem:s18], [sflag:$0x2] =	stream.indirect_vreg.gather [hbm4b:s6+s2], $0x80, v4, vm0, $0xb8;
	[tilespmem:$0x18080] =	vst v63  }
0x60: {  	_ = 	snop  }
0x61: {  	[tilespmem:s19], [sflag:$0x2] =	stream.indirect_vreg.gather [hbm4b:s7+s2], $0x80, v4, vm0, $0xb8;
	[tilespmem:$0x18080] =	vst v63  }
0x62: {  	_ = 	snop  }
0x63: {  	[tilespmem:s20], [sflag:$0x2] =	stream.indirect_vreg.gather [hbm4b:s8+s2], $0x80, v4, vm0, $0xb8;
	[tilespmem:$0x18080] =	vst v63  }
0x64: {  	_ = 	snop  }
0x65: {  	[tilespmem:s21], [sflag:$0x2] =	stream.indirect_vreg.gather [hbm4b:s9+s2], $0x80, v4, vm0, $0xb8;
	[tilespmem:$0x18080] =	vst v63  }
0x66: {  	_ = 	snop  }
0x67: {  	[tilespmem:s22], [sflag:$0x2] =	stream.indirect_vreg.gather [hbm4b:s10+s2], $0x80, v4, vm0, $0xb8;
	[tilespmem:$0x18080] =	vst v63  }
0x68: {  	_ = 	snop  }
0x69: {  	[tilespmem:s23], [sflag:$0x2] =	stream.indirect_vreg.gather [hbm4b:s11+s2], $0x80, v4, vm0, $0xb8;
	[tilespmem:$0x18080] =	vst v63  }
0x6a: {  	v3 =	vperm.xlane v3, v2  }
0x6b: {  	[tilespmem:s24], [sflag:$0x2] =	stream.indirect_vreg.gather [hbm4b:s12+s2], $0x80, v4, vm0, $0xb8;
	[tilespmem:$0x18080] =	vst v63  }
0x6c: {  	v3 =	vadd.s32 v1, v3  }
0x6d: {  	[tilespmem:s26], [sflag:$0x2] =	stream.indirect_vreg.gather [hbm4b:s13+s2], $0x80, v4, vm0, $0xb8;
	[tilespmem:$0x18080] =	vst v63  }
0x6e: {  	_ = 	snop  }
0x6f: {  	[tilespmem:s28], [sflag:$0x2] =	stream.indirect_vreg.gather [hbm4b:s14+s2], $0x80, v4, vm0, $0xb8;
	[tilespmem:$0x18080] =	vst v63  }
0x70: {  	_ = 	snop  }
0x71: {  	[tilespmem:s30], [sflag:$0x2] =	stream.indirect_vreg.gather [hbm4b:s3+s2], $0x80, v3, vm0, $0xb8;
	[tilespmem:$0x18080] =	vst v63  }
0x72: {  	s31 =	simm.s32 $0x12880  }
0x73: {  	[tilespmem:s31], [sflag:$0x2] =	stream.indirect_vreg.gather [hbm4b:s4+s2], $0x80, v3, vm0, $0xb8;
	[tilespmem:$0x18080] =	vst v63  }
0x74: {  	s31 =	simm.s32 $0x13080  }
0x75: {  	[tilespmem:s31], [sflag:$0x2] =	stream.indirect_vreg.gather [hbm4b:s5+s2], $0x80, v3, vm0, $0xb8;
	[tilespmem:$0x18080] =	vst v63  }
0x76: {  	s31 =	simm.s32 $0x13880  }
0x77: {  	[tilespmem:s31], [sflag:$0x2] =	stream.indirect_vreg.gather [hbm4b:s6+s2], $0x80, v3, vm0, $0xb8;
	[tilespmem:$0x18080] =	vst v63  }
0x78: {  	s31 =	simm.s32 $0x14080  }
0x79: {  	[tilespmem:s31], [sflag:$0x2] =	stream.indirect_vreg.gather [hbm4b:s7+s2], $0x80, v3, vm0, $0xb8;
	[tilespmem:$0x18080] =	vst v63  }
0x7a: {  	s31 =	simm.s32 $0x14880  }
0x7b: {  	[tilespmem:s31], [sflag:$0x2] =	stream.indirect_vreg.gather [hbm4b:s8+s2], $0x80, v3, vm0, $0xb8;
	[tilespmem:$0x18080] =	vst v63  }
0x7c: {  	s31 =	simm.s32 $0x15080  }
0x7d: {  	[tilespmem:s31], [sflag:$0x2] =	stream.indirect_vreg.gather [hbm4b:s9+s2], $0x80, v3, vm0, $0xb8;
	[tilespmem:$0x18080] =	vst v63  }
0x7e: {  	s31 =	simm.s32 $0x15880  }
0x7f: {  	[tilespmem:s31], [sflag:$0x2] =	stream.indirect_vreg.gather [hbm4b:s10+s2], $0x80, v3, vm0, $0xb8;
	[tilespmem:$0x18080] =	vst v63  }
0x80: {  	s31 =	simm.s32 $0x16080  }
0x81: {  	[tilespmem:s31], [sflag:$0x2] =	stream.indirect_vreg.gather [hbm4b:s11+s2], $0x80, v3, vm0, $0xb8;
	[tilespmem:$0x18080] =	vst v63  }
0x82: {  	s31 =	simm.s32 $0x16880  }
0x83: {  	[tilespmem:s31], [sflag:$0x2] =	stream.indirect_vreg.gather [hbm4b:s12+s2], $0x80, v3, vm0, $0xb8;
	[tilespmem:$0x18080] =	vst v63  }
0x84: {  	s31 =	simm.s32 $0x17080  }
0x85: {  	[tilespmem:s31], [sflag:$0x2] =	stream.indirect_vreg.gather [hbm4b:s13+s2], $0x80, v3, vm0, $0xb8;
	[tilespmem:$0x18080] =	vst v63  }
0x86: {  	s0 =	simm.s32 $0x17880  }
0x87: {  	[tilespmem:s0], [sflag:$0x2] =	stream.indirect_vreg.gather [hbm4b:s14+s2], $0x80, v3, vm0, $0xb8;
	[tilespmem:$0x18080] =	vst v63  }
0x88: {  	s31 =	rddreg [dreg:$0x3];
	s0 =	simm.s32 $0x2  }
0x89: {  	[hbm4b:s31+s2] =	stream.linear.scatter [tilespmem:s16], [sflag:$0x3], $0xC000, $0x38;
	[tilespmem:$0x18080] =	vst v63  }
0x8a: {  	_ =	swait.ge [sflag:s0], $0xC000  }
0x8b: {  	[sflag:s0] =	ssyncset.done $0x0  }
0x8c: {  	[sflag:s0] =	ssyncadd.s32 $0xFFFF4000  }
0x8d: {  	_ =	swait.ge [sflag:s29], $0xC000  }
0x8e: {  	[sflag:s29] =	ssyncset.done $0x0  }
0x8f: {  	[sflag:s29] =	ssyncadd.s32 $0xFFFF4000  }
0x90: {  	v3 =	vld [tilespmem:$0x20];
	_ =	sdelay $0x4  }
0x91: {  	v61 =	vshrl.u32 v3, $0x3  }
0x92: {  	v4 =	vmul.u32 $0xC0, v61  }
0x93: {  	v3 =	vand.u32 $0x7, v3  }
0x94: {  	v3 =	vor.u32 v3, v4  }
0x95: {  	v4 =	vperm.xlane v3, v0;
	_ =	sdelay $0x1  }
0x96: {  	v4 =	vadd.s32 v1, v4;
	_ =	sdelay $0x4  }
0x97: {  	[tilespmem:s16], [sflag:$0x1] =	stream.indirect_vreg.gather [hbm4b:s3+s2], $0x80, v4, vm0, $0xb8;
	[tilespmem:$0x18080] =	vst v63  }
0x98: {  	s1 =	simm.s32 $0x880  }
0x99: {  	[tilespmem:s1], [sflag:$0x1] =	stream.indirect_vreg.gather [hbm4b:s4+s2], $0x80, v4, vm0, $0xb8;
	[tilespmem:$0x18080] =	vst v63  }
0x9a: {  	s31 =	simm.s32 $0x1080  }
0x9b: {  	[tilespmem:s31], [sflag:$0x1] =	stream.indirect_vreg.gather [hbm4b:s5+s2], $0x80, v4, vm0, $0xb8;
	[tilespmem:$0x18080] =	vst v63  }
0x9c: {  	s31 =	simm.s32 $0x1880  }
0x9d: {  	[tilespmem:s31], [sflag:$0x1] =	stream.indirect_vreg.gather [hbm4b:s6+s2], $0x80, v4, vm0, $0xb8;
	[tilespmem:$0x18080] =	vst v63  }
0x9e: {  	s31 =	simm.s32 $0x2080  }
0x9f: {  	[tilespmem:s31], [sflag:$0x1] =	stream.indirect_vreg.gather [hbm4b:s7+s2], $0x80, v4, vm0, $0xb8;
	[tilespmem:$0x18080] =	vst v63  }
0xa0: {  	s31 =	simm.s32 $0x2880  }
0xa1: {  	[tilespmem:s31], [sflag:$0x1] =	stream.indirect_vreg.gather [hbm4b:s8+s2], $0x80, v4, vm0, $0xb8;
	[tilespmem:$0x18080] =	vst v63  }
0xa2: {  	s31 =	simm.s32 $0x3080  }
0xa3: {  	[tilespmem:s31], [sflag:$0x1] =	stream.indirect_vreg.gather [hbm4b:s9+s2], $0x80, v4, vm0, $0xb8;
	[tilespmem:$0x18080] =	vst v63  }
0xa4: {  	s31 =	simm.s32 $0x3880  }
0xa5: {  	[tilespmem:s31], [sflag:$0x1] =	stream.indirect_vreg.gather [hbm4b:s10+s2], $0x80, v4, vm0, $0xb8;
	[tilespmem:$0x18080] =	vst v63  }
0xa6: {  	s31 =	simm.s32 $0x4080  }
0xa7: {  	[tilespmem:s31], [sflag:$0x1] =	stream.indirect_vreg.gather [hbm4b:s11+s2], $0x80, v4, vm0, $0xb8;
	[tilespmem:$0x18080] =	vst v63  }
0xa8: {  	v3 =	vperm.xlane v3, v2;
	s31 =	simm.s32 $0x4880  }
0xa9: {  	[tilespmem:s31], [sflag:$0x1] =	stream.indirect_vreg.gather [hbm4b:s12+s2], $0x80, v4, vm0, $0xb8;
	[tilespmem:$0x18080] =	vst v63  }
0xaa: {  	v3 =	vadd.s32 v1, v3;
	s31 =	simm.s32 $0x5080  }
0xab: {  	[tilespmem:s31], [sflag:$0x1] =	stream.indirect_vreg.gather [hbm4b:s13+s2], $0x80, v4, vm0, $0xb8;
	[tilespmem:$0x18080] =	vst v63  }
0xac: {  	s31 =	simm.s32 $0x5880  }
0xad: {  	[tilespmem:s31], [sflag:$0x1] =	stream.indirect_vreg.gather [hbm4b:s14+s2], $0x80, v4, vm0, $0xb8;
	[tilespmem:$0x18080] =	vst v63  }
0xae: {  	s31 =	simm.s32 $0x6080  }
0xaf: {  	[tilespmem:s31], [sflag:$0x1] =	stream.indirect_vreg.gather [hbm4b:s3+s2], $0x80, v3, vm0, $0xb8;
	[tilespmem:$0x18080] =	vst v63  }
0xb0: {  	s31 =	simm.s32 $0x6880  }
0xb1: {  	[tilespmem:s31], [sflag:$0x1] =	stream.indirect_vreg.gather [hbm4b:s4+s2], $0x80, v3, vm0, $0xb8;
	[tilespmem:$0x18080] =	vst v63  }
0xb2: {  	s31 =	simm.s32 $0x7080  }
0xb3: {  	[tilespmem:s31], [sflag:$0x1] =	stream.indirect_vreg.gather [hbm4b:s5+s2], $0x80, v3, vm0, $0xb8;
	[tilespmem:$0x18080] =	vst v63  }
0xb4: {  	s31 =	simm.s32 $0x7880  }
0xb5: {  	[tilespmem:s31], [sflag:$0x1] =	stream.indirect_vreg.gather [hbm4b:s6+s2], $0x80, v3, vm0, $0xb8;
	[tilespmem:$0x18080] =	vst v63  }
0xb6: {  	s31 =	simm.s32 $0x8080  }
0xb7: {  	[tilespmem:s31], [sflag:$0x1] =	stream.indirect_vreg.gather [hbm4b:s7+s2], $0x80, v3, vm0, $0xb8;
	[tilespmem:$0x18080] =	vst v63  }
0xb8: {  	s31 =	simm.s32 $0x8880  }
0xb9: {  	[tilespmem:s31], [sflag:$0x1] =	stream.indirect_vreg.gather [hbm4b:s8+s2], $0x80, v3, vm0, $0xb8;
	[tilespmem:$0x18080] =	vst v63  }
0xba: {  	s31 =	simm.s32 $0x9080  }
0xbb: {  	[tilespmem:s31], [sflag:$0x1] =	stream.indirect_vreg.gather [hbm4b:s9+s2], $0x80, v3, vm0, $0xb8;
	[tilespmem:$0x18080] =	vst v63  }
0xbc: {  	s31 =	simm.s32 $0x9880  }
0xbd: {  	[tilespmem:s31], [sflag:$0x1] =	stream.indirect_vreg.gather [hbm4b:s10+s2], $0x80, v3, vm0, $0xb8;
	[tilespmem:$0x18080] =	vst v63  }
0xbe: {  	s31 =	simm.s32 $0xA080  }
0xbf: {  	[tilespmem:s31], [sflag:$0x1] =	stream.indirect_vreg.gather [hbm4b:s11+s2], $0x80, v3, vm0, $0xb8;
	[tilespmem:$0x18080] =	vst v63  }
0xc0: {  	s31 =	simm.s32 $0xA880  }
0xc1: {  	[tilespmem:s31], [sflag:$0x1] =	stream.indirect_vreg.gather [hbm4b:s12+s2], $0x80, v3, vm0, $0xb8;
	[tilespmem:$0x18080] =	vst v63  }
0xc2: {  	s31 =	simm.s32 $0xB080  }
0xc3: {  	[tilespmem:s31], [sflag:$0x1] =	stream.indirect_vreg.gather [hbm4b:s13+s2], $0x80, v3, vm0, $0xb8;
	[tilespmem:$0x18080] =	vst v63  }
0xc4: {  	s1 =	simm.s32 $0xB880  }
0xc5: {  	[tilespmem:s1], [sflag:$0x1] =	stream.indirect_vreg.gather [hbm4b:s14+s2], $0x80, v3, vm0, $0xb8;
	[tilespmem:$0x18080] =	vst v63  }
0xc6: {  	s31 =	rddreg [dreg:$0x4]  }
0xc7: {  	[hbm4b:s31+s2] =	stream.linear.scatter [tilespmem:s17], [sflag:$0x4], $0xC000, $0x38;
	[tilespmem:$0x18080] =	vst v63  }
0xc8: {  	_ =	swait.ge [sflag:s25], $0xC000  }
0xc9: {  	[sflag:s25] =	ssyncset.done $0x0  }
0xca: {  	s1 =	simm.s32 $0x4;
	[sflag:s25] =	ssyncadd.s32 $0xFFFF4000  }
0xcb: {  	_ =	swait.ge [sflag:s1], $0xC000  }
0xcc: {  	[sflag:s1] =	ssyncset.done $0x0  }
0xcd: {  	[sflag:s1] =	ssyncadd.s32 $0xFFFF4000  }
0xce: {  	v3 =	vld [tilespmem:$0x30];
	_ =	sdelay $0x4  }
0xcf: {  	v62 =	vshrl.u32 v3, $0x3  }
0xd0: {  	v4 =	vmul.u32 $0xC0, v62  }
0xd1: {  	v3 =	vand.u32 $0x7, v3  }
0xd2: {  	v3 =	vor.u32 v3, v4  }
0xd3: {  	v4 =	vperm.xlane v3, v0;
	_ =	sdelay $0x1  }
0xd4: {  	v4 =	vadd.s32 v1, v4;
	_ =	sdelay $0x4  }
0xd5: {  	[tilespmem:s17], [sflag:$0x2] =	stream.indirect_vreg.gather [hbm4b:s3+s2], $0x80, v4, vm0, $0xb8;
	[tilespmem:$0x18080] =	vst v63  }
0xd6: {  	s31 =	simm.s32 $0xC880  }
0xd7: {  	[tilespmem:s31], [sflag:$0x2] =	stream.indirect_vreg.gather [hbm4b:s4+s2], $0x80, v4, vm0, $0xb8;
	[tilespmem:$0x18080] =	vst v63  }
0xd8: {  	s31 =	simm.s32 $0xD080  }
0xd9: {  	[tilespmem:s31], [sflag:$0x2] =	stream.indirect_vreg.gather [hbm4b:s5+s2], $0x80, v4, vm0, $0xb8;
	[tilespmem:$0x18080] =	vst v63  }
0xda: {  	_ = 	snop  }
0xdb: {  	[tilespmem:s18], [sflag:$0x2] =	stream.indirect_vreg.gather [hbm4b:s6+s2], $0x80, v4, vm0, $0xb8;
	[tilespmem:$0x18080] =	vst v63  }
0xdc: {  	_ = 	snop  }
0xdd: {  	[tilespmem:s19], [sflag:$0x2] =	stream.indirect_vreg.gather [hbm4b:s7+s2], $0x80, v4, vm0, $0xb8;
	[tilespmem:$0x18080] =	vst v63  }
0xde: {  	_ = 	snop  }
0xdf: {  	[tilespmem:s20], [sflag:$0x2] =	stream.indirect_vreg.gather [hbm4b:s8+s2], $0x80, v4, vm0, $0xb8;
	[tilespmem:$0x18080] =	vst v63  }
0xe0: {  	_ = 	snop  }
0xe1: {  	[tilespmem:s21], [sflag:$0x2] =	stream.indirect_vreg.gather [hbm4b:s9+s2], $0x80, v4, vm0, $0xb8;
	[tilespmem:$0x18080] =	vst v63  }
0xe2: {  	_ = 	snop  }
0xe3: {  	[tilespmem:s22], [sflag:$0x2] =	stream.indirect_vreg.gather [hbm4b:s10+s2], $0x80, v4, vm0, $0xb8;
	[tilespmem:$0x18080] =	vst v63  }
0xe4: {  	_ = 	snop  }
0xe5: {  	[tilespmem:s23], [sflag:$0x2] =	stream.indirect_vreg.gather [hbm4b:s11+s2], $0x80, v4, vm0, $0xb8;
	[tilespmem:$0x18080] =	vst v63  }
0xe6: {  	v3 =	vperm.xlane v3, v2  }
0xe7: {  	[tilespmem:s24], [sflag:$0x2] =	stream.indirect_vreg.gather [hbm4b:s12+s2], $0x80, v4, vm0, $0xb8;
	[tilespmem:$0x18080] =	vst v63  }
0xe8: {  	v3 =	vadd.s32 v1, v3  }
0xe9: {  	[tilespmem:s26], [sflag:$0x2] =	stream.indirect_vreg.gather [hbm4b:s13+s2], $0x80, v4, vm0, $0xb8;
	[tilespmem:$0x18080] =	vst v63  }
0xea: {  	_ = 	snop  }
0xeb: {  	[tilespmem:s28], [sflag:$0x2] =	stream.indirect_vreg.gather [hbm4b:s14+s2], $0x80, v4, vm0, $0xb8;
	[tilespmem:$0x18080] =	vst v63  }
0xec: {  	_ = 	snop  }
0xed: {  	[tilespmem:s30], [sflag:$0x2] =	stream.indirect_vreg.gather [hbm4b:s3+s2], $0x80, v3, vm0, $0xb8;
	[tilespmem:$0x18080] =	vst v63  }
0xee: {  	s31 =	simm.s32 $0x12880  }
0xef: {  	[tilespmem:s31], [sflag:$0x2] =	stream.indirect_vreg.gather [hbm4b:s4+s2], $0x80, v3, vm0, $0xb8;
	[tilespmem:$0x18080] =	vst v63  }
0xf0: {  	s31 =	simm.s32 $0x13080  }
0xf1: {  	[tilespmem:s31], [sflag:$0x2] =	stream.indirect_vreg.gather [hbm4b:s5+s2], $0x80, v3, vm0, $0xb8;
	[tilespmem:$0x18080] =	vst v63  }
0xf2: {  	s31 =	simm.s32 $0x13880  }
0xf3: {  	[tilespmem:s31], [sflag:$0x2] =	stream.indirect_vreg.gather [hbm4b:s6+s2], $0x80, v3, vm0, $0xb8;
	[tilespmem:$0x18080] =	vst v63  }
0xf4: {  	s31 =	simm.s32 $0x14080  }
0xf5: {  	[tilespmem:s31], [sflag:$0x2] =	stream.indirect_vreg.gather [hbm4b:s7+s2], $0x80, v3, vm0, $0xb8;
	[tilespmem:$0x18080] =	vst v63  }
0xf6: {  	s31 =	simm.s32 $0x14880  }
0xf7: {  	[tilespmem:s31], [sflag:$0x2] =	stream.indirect_vreg.gather [hbm4b:s8+s2], $0x80, v3, vm0, $0xb8;
	[tilespmem:$0x18080] =	vst v63  }
0xf8: {  	s31 =	simm.s32 $0x15080  }
0xf9: {  	[tilespmem:s31], [sflag:$0x2] =	stream.indirect_vreg.gather [hbm4b:s9+s2], $0x80, v3, vm0, $0xb8;
	[tilespmem:$0x18080] =	vst v63  }
0xfa: {  	s31 =	simm.s32 $0x15880  }
0xfb: {  	[tilespmem:s31], [sflag:$0x2] =	stream.indirect_vreg.gather [hbm4b:s10+s2], $0x80, v3, vm0, $0xb8;
	[tilespmem:$0x18080] =	vst v63  }
0xfc: {  	s31 =	simm.s32 $0x16080  }
0xfd: {  	[tilespmem:s31], [sflag:$0x2] =	stream.indirect_vreg.gather [hbm4b:s11+s2], $0x80, v3, vm0, $0xb8;
	[tilespmem:$0x18080] =	vst v63  }
0xfe: {  	s31 =	simm.s32 $0x16880  }
0xff: {  	[tilespmem:s31], [sflag:$0x2] =	stream.indirect_vreg.gather [hbm4b:s12+s2], $0x80, v3, vm0, $0xb8;
	[tilespmem:$0x18080] =	vst v63  }
0x100: {  	s31 =	simm.s32 $0x17080  }
0x101: {  	[tilespmem:s31], [sflag:$0x2] =	stream.indirect_vreg.gather [hbm4b:s13+s2], $0x80, v3, vm0, $0xb8;
	[tilespmem:$0x18080] =	vst v63  }
0x102: {  	s18 =	simm.s32 $0x17880  }
0x103: {  	[tilespmem:s18], [sflag:$0x2] =	stream.indirect_vreg.gather [hbm4b:s14+s2], $0x80, v3, vm0, $0xb8;
	[tilespmem:$0x18080] =	vst v63  }
0x104: {  	s31 =	rddreg [dreg:$0x5]  }
0x105: {  	[hbm4b:s31+s2] =	stream.linear.scatter [tilespmem:s16], [sflag:$0x3], $0xC000, $0x38;
	[tilespmem:$0x18080] =	vst v63  }
0x106: {  	_ =	swait.ge [sflag:s0], $0xC000  }
0x107: {  	[sflag:s0] =	ssyncset.done $0x0  }
0x108: {  	[sflag:s0] =	ssyncadd.s32 $0xFFFF4000  }
0x109: {  	_ =	swait.ge [sflag:s29], $0xC000  }
0x10a: {  	[sflag:s29] =	ssyncset.done $0x0  }
0x10b: {  	[sflag:s29] =	ssyncadd.s32 $0xFFFF4000  }
0x10c: {  	v3 =	vld [tilespmem:$0x40];
	_ =	sdelay $0x4  }
0x10d: {  	v63 =	vshrl.u32 v3, $0x3  }
0x10e: {  	v4 =	vmul.u32 $0xC0, v63  }
0x10f: {  	v3 =	vand.u32 $0x7, v3  }
0x110: {  	v3 =	vor.u32 v3, v4  }
0x111: {  	v4 =	vperm.xlane v3, v0;
	_ =	sdelay $0x1  }
0x112: {  	v4 =	vadd.s32 v1, v4;
	_ =	sdelay $0x4  }
0x113: {  	[tilespmem:s16], [sflag:$0x1] =	stream.indirect_vreg.gather [hbm4b:s3+s2], $0x80, v4, vm0, $0xb8;
	[tilespmem:$0x18080] =	vst v63  }
0x114: {  	s18 =	simm.s32 $0x880  }
0x115: {  	[tilespmem:s18], [sflag:$0x1] =	stream.indirect_vreg.gather [hbm4b:s4+s2], $0x80, v4, vm0, $0xb8;
	[tilespmem:$0x18080] =	vst v63  }
0x116: {  	s31 =	simm.s32 $0x1080  }
0x117: {  	[tilespmem:s31], [sflag:$0x1] =	stream.indirect_vreg.gather [hbm4b:s5+s2], $0x80, v4, vm0, $0xb8;
	[tilespmem:$0x18080] =	vst v63  }
0x118: {  	s18 =	simm.s32 $0x1880  }
0x119: {  	[tilespmem:s18], [sflag:$0x1] =	stream.indirect_vreg.gather [hbm4b:s6+s2], $0x80, v4, vm0, $0xb8;
	[tilespmem:$0x18080] =	vst v63  }
0x11a: {  	s31 =	simm.s32 $0x2080  }
0x11b: {  	[tilespmem:s31], [sflag:$0x1] =	stream.indirect_vreg.gather [hbm4b:s7+s2], $0x80, v4, vm0, $0xb8;
	[tilespmem:$0x18080] =	vst v63  }
0x11c: {  	s18 =	simm.s32 $0x2880  }
0x11d: {  	[tilespmem:s18], [sflag:$0x1] =	stream.indirect_vreg.gather [hbm4b:s8+s2], $0x80, v4, vm0, $0xb8;
	[tilespmem:$0x18080] =	vst v63  }
0x11e: {  	s31 =	simm.s32 $0x3080  }
0x11f: {  	[tilespmem:s31], [sflag:$0x1] =	stream.indirect_vreg.gather [hbm4b:s9+s2], $0x80, v4, vm0, $0xb8;
	[tilespmem:$0x18080] =	vst v63  }
0x120: {  	s18 =	simm.s32 $0x3880  }
0x121: {  	[tilespmem:s18], [sflag:$0x1] =	stream.indirect_vreg.gather [hbm4b:s10+s2], $0x80, v4, vm0, $0xb8;
	[tilespmem:$0x18080] =	vst v63  }
0x122: {  	s31 =	simm.s32 $0x4080  }
0x123: {  	[tilespmem:s31], [sflag:$0x1] =	stream.indirect_vreg.gather [hbm4b:s11+s2], $0x80, v4, vm0, $0xb8;
	[tilespmem:$0x18080] =	vst v63  }
0x124: {  	v3 =	vperm.xlane v3, v2;
	s18 =	simm.s32 $0x4880  }
0x125: {  	[tilespmem:s18], [sflag:$0x1] =	stream.indirect_vreg.gather [hbm4b:s12+s2], $0x80, v4, vm0, $0xb8;
	[tilespmem:$0x18080] =	vst v63  }
0x126: {  	v3 =	vadd.s32 v1, v3;
	s31 =	simm.s32 $0x5080  }
0x127: {  	[tilespmem:s31], [sflag:$0x1] =	stream.indirect_vreg.gather [hbm4b:s13+s2], $0x80, v4, vm0, $0xb8;
	[tilespmem:$0x18080] =	vst v63  }
0x128: {  	s18 =	simm.s32 $0x5880  }
0x129: {  	[tilespmem:s18], [sflag:$0x1] =	stream.indirect_vreg.gather [hbm4b:s14+s2], $0x80, v4, vm0, $0xb8;
	[tilespmem:$0x18080] =	vst v63  }
0x12a: {  	s31 =	simm.s32 $0x6080  }
0x12b: {  	[tilespmem:s31], [sflag:$0x1] =	stream.indirect_vreg.gather [hbm4b:s3+s2], $0x80, v3, vm0, $0xb8;
	[tilespmem:$0x18080] =	vst v63  }
0x12c: {  	s18 =	simm.s32 $0x6880  }
0x12d: {  	[tilespmem:s18], [sflag:$0x1] =	stream.indirect_vreg.gather [hbm4b:s4+s2], $0x80, v3, vm0, $0xb8;
	[tilespmem:$0x18080] =	vst v63  }
0x12e: {  	s31 =	simm.s32 $0x7080  }
0x12f: {  	[tilespmem:s31], [sflag:$0x1] =	stream.indirect_vreg.gather [hbm4b:s5+s2], $0x80, v3, vm0, $0xb8;
	[tilespmem:$0x18080] =	vst v63  }
0x130: {  	s18 =	simm.s32 $0x7880  }
0x131: {  	[tilespmem:s18], [sflag:$0x1] =	stream.indirect_vreg.gather [hbm4b:s6+s2], $0x80, v3, vm0, $0xb8;
	[tilespmem:$0x18080] =	vst v63  }
0x132: {  	s31 =	simm.s32 $0x8080  }
0x133: {  	[tilespmem:s31], [sflag:$0x1] =	stream.indirect_vreg.gather [hbm4b:s7+s2], $0x80, v3, vm0, $0xb8;
	[tilespmem:$0x18080] =	vst v63  }
0x134: {  	s18 =	simm.s32 $0x8880  }
0x135: {  	[tilespmem:s18], [sflag:$0x1] =	stream.indirect_vreg.gather [hbm4b:s8+s2], $0x80, v3, vm0, $0xb8;
	[tilespmem:$0x18080] =	vst v63  }
0x136: {  	s31 =	simm.s32 $0x9080  }
0x137: {  	[tilespmem:s31], [sflag:$0x1] =	stream.indirect_vreg.gather [hbm4b:s9+s2], $0x80, v3, vm0, $0xb8;
	[tilespmem:$0x18080] =	vst v63  }
0x138: {  	s18 =	simm.s32 $0x9880  }
0x139: {  	[tilespmem:s18], [sflag:$0x1] =	stream.indirect_vreg.gather [hbm4b:s10+s2], $0x80, v3, vm0, $0xb8;
	[tilespmem:$0x18080] =	vst v63  }
0x13a: {  	s31 =	simm.s32 $0xA080  }
0x13b: {  	[tilespmem:s31], [sflag:$0x1] =	stream.indirect_vreg.gather [hbm4b:s11+s2], $0x80, v3, vm0, $0xb8;
	[tilespmem:$0x18080] =	vst v63  }
0x13c: {  	s18 =	simm.s32 $0xA880  }
0x13d: {  	[tilespmem:s18], [sflag:$0x1] =	stream.indirect_vreg.gather [hbm4b:s12+s2], $0x80, v3, vm0, $0xb8;
	[tilespmem:$0x18080] =	vst v63  }
0x13e: {  	s31 =	simm.s32 $0xB080  }
0x13f: {  	[tilespmem:s31], [sflag:$0x1] =	stream.indirect_vreg.gather [hbm4b:s13+s2], $0x80, v3, vm0, $0xb8;
	[tilespmem:$0x18080] =	vst v63  }
0x140: {  	s18 =	simm.s32 $0xB880  }
0x141: {  	[tilespmem:s18], [sflag:$0x1] =	stream.indirect_vreg.gather [hbm4b:s14+s2], $0x80, v3, vm0, $0xb8;
	[tilespmem:$0x18080] =	vst v63  }
0x142: {  	s31 =	rddreg [dreg:$0x6]  }
0x143: {  	[hbm4b:s31+s2] =	stream.linear.scatter [tilespmem:s17], [sflag:$0x4], $0xC000, $0x38;
	[tilespmem:$0x18080] =	vst v63  }
0x144: {  	_ =	swait.ge [sflag:s25], $0xC000  }
0x145: {  	[sflag:s25] =	ssyncset.done $0x0  }
0x146: {  	s18 =	rddreg [dreg:$0x7];
	[sflag:s25] =	ssyncadd.s32 $0xFFFF4000  }
0x147: {  	[hbm4b:s18+s2] =	stream.linear.scatter [tilespmem:s16], [sflag:$0x3], $0xC000, $0x38;
	[tilespmem:$0x18080] =	vst v63  }
0x148: {  	p0 =	sne.s32 s15, $0x1;
	_ =	swait.ge [sflag:s1], $0xC000  }
.Ltmp0:
0x149: {  	[sflag:s1] =	ssyncset.done $0x0;
	(pc) =	sbr.rel @p0 .LBB2_1-.Ltmp0, $4  }
0x14a: {  	[sflag:s1] =	ssyncadd.s32 $0xFFFF4000  }
0x14b: {  	_ =	swait.ge [sflag:s29], $0xC000  }
0x14c: {  	[sflag:s29] =	ssyncset.done $0x0  }
0x14d: {  	s15 =	sadd.s32 $0xFFFFFFFF, s15;
	[sflag:s29] =	ssyncadd.s32 $0xFFFF4000  }
0x14e: {  	_ =	sfence.sel $0x180000  }
0x14f: {  	[bflag:$0x0] =	sbarrier.arrive $0xFFFF  }
0x150: {  	_ =	strace $0x9000004D  }
0x151: {  	s0 =	stileid.u32;
	[bflag:$0x2] =	sbarrier.arrive $0xFFFF  }
0x152: {  	p0 =	sne.s32 s0, $0x0;
	s0 =	rddreg [dreg:$0x1]  }
0x153: {  	s0 =	sadd.s32 @!p0 $0x100000, s0  }
0x154: {  	[sflag:s0] =	ssyncadd.tile.s32 @!p0 $0x1;
	_ =	shalt  }
.Lfunc_end2:
_tile_overlayer_lowered:
.L_overlay_start_2:
0x155: {  	(tag) =	ssettag $0x2  }
0x156: {  	s0 =	rddreg [dreg:$0x0];
	s2 =	stileid.u32  }
0x157: {  	s1 =	rddreg [dreg:$0x1];
	p0 =	sne.s32 s2, $0x0  }
0x158: {  	s3 =	rddreg [dreg:$0x2];
	[bflag:$0x3] =	sbarrier.arrive $0xFFFF;
	s2 =	simm.s32 @!p0 $0x1C05  }
0x159: {  	[timem:s3], [sflag:s2] =	dma.local @!p0 [hbm:s0], s1  }
0x15a: {  	s0 =	simm.s32 @!p0 $0x5  }
0x15b: {  	_ =	swait.ge @!p0 [sflag:s0], s1  }
0x15c: {  	s1 =	ssub.s32 @!p0 $0x0, s1;
	[sflag:s0] =	ssyncset.done @!p0 $0x0  }
0x15d: {  	[sflag:s0] =	ssyncadd.s32 @!p0 s1  }
0x15e: {  	[bflag:$0x3] =	sbarrier.arrive $0xFFFF  }
0x15f: {  	_ =	shalt  }

// kernel: kernel.20.cloned.1.call-start
scs
__scs_entry_jumppad:
0x0: {  	(pc) =	sbr.rel $0x88, $3  }
0x1: {  	(tag) =	ssettag $0x0;
	lr =	simm.s32 $0x1  }
0x2: {  	[smem:$0x3F9B] =	sst lr;
	_ =	strace $0xD0000000  }
0x3: {  	_ = 	snop  }
0x4: {  	_ = 	snop  }
0x5: {  	_ = 	snop  }
0x6: {  	_ = 	snop  }
0x7: {  	_ = 	snop  }
__scs_overlays_trampoline_lowered:
0x8: {  	[smem:$0x3FAA] =	sst s0  }
0x9: {  	[smem:$0x3FAB] =	sst s1  }
0xa: {  	[smem:$0x3FAC] =	sst s2  }
0xb: {  	[smem:$0x3FAD] =	sst s3  }
0xc: {  	[smem:$0x3FAE] =	sst s4  }
0xd: {  	[smem:$0x3FAF] =	sst s5  }
0xe: {  	[smem:$0x3FB0] =	sst s6  }
0xf: {  	[smem:$0x3FB1] =	sst s7  }
0x10: {  	[smem:$0x3FB2] =	sst s8  }
0x11: {  	[smem:$0x3FB3] =	sst s9;
	s0 =	simm.s32 @!p0 $0x0  }
0x12: {  	s1 =	sld [smem:$0x3F99];
	s0 =	simm.s32 @p0 $0x1  }
0x13: {  	[smem:$0x3FB4] =	sst s0;
	s0 =	simm.s32 @!p1 $0x0  }
0x14: {  	s2 =	sld [smem:$0x3F98];
	s0 =	simm.s32 @p1 $0x1  }
0x15: {  	[smem:$0x3FB5] =	sst s0;
	s0 =	simm.s32 @!p2 $0x0  }
0x16: {  	s3 =	sld [smem:$0x3FDB];
	s0 =	simm.s32 @p2 $0x1  }
0x17: {  	s4 =	simm.s32 $0x1BF5;
	[smem:$0x3FB7] =	sst s0  }
0x18: {  	s0 =	sld [smem:$0x3F9A];
	_ =	swait.ge [sflag:s4], $0x0  }
0x19: {  	s7 =	sld [smem:$0x3F9B]  }
0x1a: {  	s8 =	sadd.s32 $0xFFFFE003, lr  }
0x1b: {  	s9 =	sadd.s32 $0xFFFFFEF7, lr;
	s5 =	simm.s32 $0xFFFFFFFF;
	p2 =	slt.u32 s8, $0xFFFFF086  }
0x1c: {  	p1 =	slt.u32 s9, $0xF7A;
	s5 =	simm.s32 @!p2 $0x0  }
0x1d: {  	s5 =	simm.s32 @p1 $0x1;
	p0 =	seq.s32 s7, s2  }
0x1e: {  	s7 =	smul.u32 @!p0 $0xF7A, s2;
	p2 =	seq.s32 @!p0 s5, $0x0  }
0x1f: {  	s9 =	smul.u32 $0xF7A, s1;
	s8 =	simm.s32 @!p0 $0x1BF5;
	p2 =	por !p2, p0  }
0x20: {  	[sflag:s8] =	ssyncset.s32 @!p0 $0xFFFFF086;
	s6 =	sadd.s32 @!p0 s3, s7;
	s7 =	simm.s32 @!p0 $0x108  }
0x21: {  	s3 =	sadd.s32 s3, s9;
	s6 =	sadd.s32 @!p0 $0x88, s6;
	s7 =	simm.s32 @p2 $0x1082  }
0x22: {  	[simem:s7], [sflag:s8] =	dma.local @!p0 [hbm:s6], $0xF7A  }
0x23: {  	s9 =	sor.u32 $0xD0000000, s2;
	s6 =	simm.s32 $0x108;
	_ =	swait.ge @!p0 [sflag:s8], $0x0  }
0x24: {  	s3 =	sadd.s32 $0x88, s3;
	s6 =	simm.s32 @!p1 $0x1082;
	[sflag:s4] =	ssyncset.s32 $0xFFFFF086  }
0x25: {  	[simem:s6], [sflag:s4] =	dma.local [hbm:s3], $0xF7A  }
0x26: {  	[smem:$0x3F9B] =	sst s1;
	(tag) =	ssettag s2;
	_ =	strace s9  }
0x27: {  	s1 =	sld [smem:$0x3FAB]  }
0x28: {  	s2 =	sld [smem:$0x3FAC]  }
0x29: {  	s4 =	sld [smem:$0x3FAE]  }
0x2a: {  	p0 =	seq.s32 s5, $0x0;
	s5 =	sld [smem:$0x3FAF]  }
0x2b: {  	s6 =	sld [smem:$0x3FB0]  }
0x2c: {  	s7 =	sld [smem:$0x3FB1]  }
0x2d: {  	s3 =	simm.s32 $0x108;
	s8 =	sld [smem:$0x3FB2]  }
0x2e: {  	s3 =	simm.s32 @!p0 $0x1082;
	s9 =	sld [smem:$0x3FB3]  }
0x2f: {  	lr =	sadd.s32 s0, s3;
	s0 =	sld [smem:$0x3FAA]  }
0x30: {  	s3 =	sld [smem:$0x3FAD]  }
0x31: {  	[smem:$0x3FB6] =	sst s10  }
0x32: {  	s10 =	sld [smem:$0x3FB4];
	_ =	sdelay $0x3  }
0x33: {  	p0 =	seq.s32 s10, $0x1;
	s10 =	sld [smem:$0x3FB6];
	_ =	sdelay $0x3  }
0x34: {  	[smem:$0x3FB6] =	sst s10  }
0x35: {  	s10 =	sld [smem:$0x3FB5];
	_ =	sdelay $0x3  }
0x36: {  	p1 =	seq.s32 s10, $0x1;
	s10 =	sld [smem:$0x3FB6];
	_ =	sdelay $0x3  }
0x37: {  	[smem:$0x3FB6] =	sst s10  }
0x38: {  	s10 =	sld [smem:$0x3FB7]  }
0x39: {  	_ = 	snop;
	(pc) =	sbr.ind lr, $3  }
0x3a: {  	_ = 	snop  }
0x3b: {  	_ = 	snop  }
0x3c: {  	p2 =	seq.s32 s10, $0x1;
	s10 =	sld [smem:$0x3FB6]  }
0x3d: {  	_ =	shalt  }
0x3e: {  	_ =	shalt  }
0x3f: {  	_ =	shalt  }
0x40: {  	_ =	shalt  }
0x41: {  	_ =	shalt  }
0x42: {  	_ =	shalt  }
0x43: {  	_ =	shalt  }
0x44: {  	_ =	shalt  }
0x45: {  	_ =	shalt  }
0x46: {  	_ =	shalt  }
0x47: {  	_ =	shalt  }
0x48: {  	_ =	shalt  }
0x49: {  	_ =	shalt  }
0x4a: {  	_ =	shalt  }
0x4b: {  	_ =	shalt  }
0x4c: {  	_ =	shalt  }
0x4d: {  	_ =	shalt  }
0x4e: {  	_ =	shalt  }
0x4f: {  	_ =	shalt  }
0x50: {  	_ =	shalt  }
0x51: {  	_ =	shalt  }
0x52: {  	_ =	shalt  }
0x53: {  	_ =	shalt  }
0x54: {  	_ =	shalt  }
0x55: {  	_ =	shalt  }
0x56: {  	_ =	shalt  }
0x57: {  	_ =	shalt  }
0x58: {  	_ =	shalt  }
0x59: {  	_ =	shalt  }
0x5a: {  	_ =	shalt  }
0x5b: {  	_ =	shalt  }
0x5c: {  	_ =	shalt  }
0x5d: {  	_ =	shalt  }
0x5e: {  	_ =	shalt  }
0x5f: {  	_ =	shalt  }
0x60: {  	_ =	shalt  }
0x61: {  	_ =	shalt  }
0x62: {  	_ =	shalt  }
0x63: {  	_ =	shalt  }
0x64: {  	_ =	shalt  }
0x65: {  	_ =	shalt  }
0x66: {  	_ =	shalt  }
0x67: {  	_ =	shalt  }
0x68: {  	_ =	shalt  }
0x69: {  	_ =	shalt  }
0x6a: {  	_ =	shalt  }
0x6b: {  	_ =	shalt  }
0x6c: {  	_ =	shalt  }
0x6d: {  	_ =	shalt  }
0x6e: {  	_ =	shalt  }
0x6f: {  	_ =	shalt  }
0x70: {  	_ =	shalt  }
0x71: {  	_ =	shalt  }
0x72: {  	_ =	shalt  }
0x73: {  	_ =	shalt  }
0x74: {  	_ =	shalt  }
0x75: {  	_ =	shalt  }
0x76: {  	_ =	shalt  }
0x77: {  	_ =	shalt  }
0x78: {  	_ =	shalt  }
0x79: {  	_ =	shalt  }
0x7a: {  	_ =	shalt  }
0x7b: {  	_ =	shalt  }
0x7c: {  	_ =	shalt  }
0x7d: {  	_ =	shalt  }
0x7e: {  	_ =	shalt  }
0x7f: {  	_ =	shalt  }
0x80: {  	_ =	shalt  }
0x81: {  	_ =	shalt  }
0x82: {  	_ =	shalt  }
0x83: {  	_ =	shalt  }
0x84: {  	_ =	shalt  }
0x85: {  	_ =	shalt  }
0x86: {  	_ =	shalt  }
0x87: {  	_ =	shalt  }
.Lfunc_end0:
.L_simem_size_0:
called_computation.3_lowered:
.L_overlay_start_0:
0x88: {  	s2 =	sld [smem:$0x3FD9]  }
0x89: {  	s3 =	sld [smem:$0x3FFE];
	_ =	sdelay $0x1  }
0x8a: {  	s1 =	srdreg.scid  }
0x8b: {  	s0 =	sand.u32 $0x1, s1  }
0x8c: {  	s17 =	sshll.u32 s0, $0xA;
	s2 =	sadd.s32 s3, s2  }
0x8d: {  	s2 =	sadd.s32 s2, s17  }
0x8e: {  	[smem:$0x3FC2] =	sst s2  }
0x8f: {  	_ = 	snop  }
0x90: {  	(tm) =	ssettm $0x1  }
0x91: {  	s18 =	sld [smem:$0x3FFB];
	_ =	sdelay $0x3  }
0x92: {  	_ =	strace s18  }
0x93: {  	s2 =	sld [smem:$0x3FFC];
	_ =	sdelay $0x3  }
0x94: {  	_ =	strace s2  }
0x95: {  	s2 =	sld [smem:$0x3FFD];
	_ =	sdelay $0x3  }
0x96: {  	_ =	strace s2  }
0x97: {  	_ =	strace $0x8FFFFFFF  }
0x98: {  	s19 =	sld [smem:$0x3FDB];
	_ =	sdelay $0x1  }
0x99: {  	s20 =	simm.s32 $_scs_section_size  }
0x9a: {  	s4 =	simm.s32 $_size__tile_overlayer_lowered;
	s5 =	simm.s32 $_tile_overlayer_lowered  }
0x9b: {  	s6 =	simm.s32 $0x1BFF;
	s21 =	sshll.u32 s5, $0x1;
	s3 =	sadd.s32 s20, s19  }
0x9c: {  	s22 =	simm.s32 $0x0;
	s4 =	sshll.u32 s4, $0x1;
	s5 =	sadd.s32 s21, s3  }
0x9d: {  	[timem:s22], [sflag:s6] =	dma.local [hbm:s5], s4  }
0x9e: {  	_ =	swait.ge [sflag:s6], s4  }
0x9f: {  	s4 =	ssub.s32 $0x0, s4;
	[sflag:s6] =	ssyncset.done $0x0  }
0xa0: {  	[sflag:s6] =	ssyncadd.s32 s4;
	_ =	sdelay $0x1  }
0xa1: {  	s23 =	simm.s32 $0x1B8B  }
0xa2: {  	_ =	swait.ge [sflag:s23], $0x1  }
0xa3: {  	[sflag:s23] =	ssyncset.done $0x0  }
0xa4: {  	[sflag:s23] =	ssyncadd.s32 $0xFFFFFFFF  }
0xa5: {  	s4 =	sld [smem:$0x0]  }
0xa6: {  	s5 =	sand.u32 $0xFFFFFFFE, s1  }
0xa7: {  	p0 =	sne.s32 s1, s5  }
0xa8: {  	s5 =	sshll.u32 @p0 s5, $0xE  }
0xa9: {  	s5 =	sadd.s32 @p0 $0x11B8D, s5;
	s6 =	sshll.u32 @p0 s4, $0x11  }
0xaa: {  	s5 =	sor.u32 @p0 s6, s5  }
0xab: {  	[sflag:s5] =	ssyncadd.remote.s32 @p0 $0x1;
	_ =	sdelay $0x1  }
0xac: {  	s5 =	simm.s32 @p0 $0x1B8D  }
0xad: {  	_ =	swait.eq @p0 [sflag:s5], $0x1  }
0xae: {  	[sflag:s5] =	ssyncadd.s32 @p0 $0xFFFFFFFF  }
0xaf: {  	s6 =	sshll.u32 @!p0 s1, $0xE  }
0xb0: {  	s6 =	sor.u32 @!p0 $0x4000, s6;
	s5 =	simm.s32 @!p0 $0x1B8D  }
0xb1: {  	s4 =	sshll.u32 @!p0 s4, $0x11;
	s6 =	sadd.s32 @!p0 $0x11B8D, s6;
	_ =	swait.eq @!p0 [sflag:s5], $0x1  }
0xb2: {  	s4 =	sor.u32 @!p0 s4, s6;
	[sflag:s5] =	ssyncadd.s32 @!p0 $0xFFFFFFFF  }
0xb3: {  	s25 =	simm.s32 $0x1B8E;
	s24 =	sld [smem:$0x3FFE];
	[sflag:s4] =	ssyncadd.remote.s32 @!p0 $0x1  }
0xb4: {  	s26 =	simm.s32 $execute0_lowered;
	[smem:$0x3FD2] =	sst s25  }
0xb5: {  	s5 =	sshll.u32 s26, $0x1;
	_ =	strace $0x8000004F;
	[dreg:$0x1] =	wrdreg $0xFFFFFFFF  }
0xb6: {  	s28 =	simm.s32 $_size_execute0_lowered;
	s3 =	sadd.s32 s3, s5;
	[dreg:$0x0] =	wrdreg $0x0  }
0xb7: {  	s5 =	sshll.u32 s28, $0x1;
	[dreg:$0x2] =	wrdreg s3  }
0xb8: {  	[dreg:$0x3] =	wrdreg s5  }
0xb9: {  	[dreg:$0x4] =	wrdreg $0xC0  }
0xba: {  	_ =	task [dreg:s22], $0x5FFFF  }
0xbb: {  	[dreg:$0x1] =	wrdreg $0xFFFFFFFF  }
0xbc: {  	[dreg:$0x0] =	wrdreg $0x60  }
0xbd: {  	[dreg:$0x2] =	wrdreg s24  }
0xbe: {  	[dreg:$0x3] =	wrdreg $0xC  }
0xbf: {  	_ =	task.clear_ibuf [dreg:s22], $0x4FFFF;
	_ =	strace $0x9000004F  }
0xc0: {  	s29 =	simm.s32 $0xC;
	_ =	strace $0x80000051  }
0xc1: {  	_ =	swait.ge [sflag:s29], $0x1  }
0xc2: {  	[sflag:s29] =	ssyncadd.s32 $0xFFFFFFFF  }
0xc3: {  	_ =	strace $0x90000051  }
0xc4: {  	_ =	sfence  }
0xc5: {  	s30 =	sld [smem:$0x0];
	_ =	sdelay $0x2  }
0xc6: {  	s31 =	sshll.u32 s1, $0xD;
	s1 =	sshrl.u32 s1, $0x2  }
0xc7: {  	s4 =	sand.u32 $0x4000, s31;
	s1 =	sadd.s32 s1, s30  }
0xc8: {  	s0 =	sor.u32 s4, s0;
	s1 =	sshll.u32 s1, $0x11  }
0xc9: {  	s0 =	sor.u32 s1, s0  }
0xca: {  	s0 =	sadd.s32 $0x8F2B, s0  }
0xcb: {  	[sflag:s0] =	ssyncadd.remote.s32 $0x1  }
0xcc: {  	_ =	sfence.sel $0xFFFF  }
0xcd: {  	[dreg:$0x0] =	wrdreg $0xFFFFFFFF;
	(pc) =	sbr.abs _section_cstart, $3  }
0xce: {  	[dreg:$0x1] =	wrdreg $0xFFFFFFFF  }
0xcf: {  	_ =	task.clear_ibuf [dreg:s22], $0x2FFFF;
	_ =	strace $0x9FFFFFFF  }
0xd0: {  	(tm) =	ssettm $0x7FFFFFFF  }
0xd1: {  	_ =	shalt  }
tec
execute0_lowered:
.L_overlay_start_1:
0x0: {  	(tag) =	ssettag $0x1  }
0x1: {  	s0 =	rddreg [dreg:$0x0]  }
0x2: {  	s1 =	srdreg.scid;
	s2 =	simm.s32 $0x0;
	s3 =	stileid.u32  }
0x3: {  	s24 =	simm.s32 $0x2;
	s25 =	simm.s32 $0x3;
	s26 =	simm.s32 $0x4  }
0x4: {  	s31 =	simm.s32 $0x880;
	s19 =	simm.s32 $0x2880;
	s20 =	simm.s32 $0x3080  }
0x5: {  	s21 =	simm.s32 $0x3880;
	s22 =	simm.s32 $0x4080;
	s23 =	simm.s32 $0x4880  }
0x6: {  	s18 =	simm.s32 $0x5880;
	s28 =	simm.s32 $0x6080;
	s29 =	simm.s32 $0x6880  }
0x7: {  	s1 =	sand.u32 $0x1, s1;
	[smem:$0x7FF] =	sst s2;
	s3 =	sshll.u32 s3, $0x4  }
0x8: {  	s10 =	sadd.s32 $0x2D3A00, s0;
	s7 =	sadd.s32 $0x3800, s0;
	s8 =	sadd.s32 $0x3900, s0  }
0x9: {  	s9 =	sadd.s32 $0x3A00, s0;
	s15 =	sadd.s32 $0x3F00, s0;
	s4 =	sshll.u32 s1, $0x3  }
0xa: {  	_ =	strace $0x80000050;
	s1 =	ssub.s32 $0x2, s1;
	s6 =	sor.u32 s4, s3  }
0xb: {  	s3 =	sadd.s32 $0x3400, s0;
	s5 =	sshrl.u32 s1, $0x1;
	s4 =	sadd.s32 s6, s0  }
0xc: {  	s1 =	ssub.s32 s1, s5;
	s11 =	smul.u32 $0xC00, s6;
	s5 =	sadd.s32 $0x3600, s0  }
0xd: {  	s12 =	smul.u32 $0x6000, s6;
	s6 =	sadd.s32 $0x3700, s0;
	s4 =	sadd.s32 $0x2D3800, s4  }
0xe: {  	s16 =	smax.u32 s1, $0x1;
	s1 =	simm.s32 $0xC080;
	[dreg:$0x2] =	wrdreg s4  }
0xf: {  	s4 =	sadd.s32 $0x3500, s0;
	s13 =	sadd.s32 s10, s11;
	s12 =	sshrl.u32 s12, $0x3  }
0x10: {  	[dreg:$0x6] =	wrdreg s13;
	s13 =	sadd.s32 $0x1800, s13;
	s10 =	sadd.s32 s10, s12  }
0x11: {  	v2 =	vlaneseq.u32;
	s11 =	sadd.s32 $0x3B00, s0;
	[dreg:$0x3] =	wrdreg s13;
	s14 =	sadd.s32 $0x3000, s10  }
0x12: {  	vm0 =	vmmov $0xffff;
	v1 =	vshrl.u32 v2, $0x3;
	s12 =	sadd.s32 $0x3C00, s0;
	s10 =	sadd.s32 $0x4800, s10;
	[dreg:$0x4] =	wrdreg s14  }
0x13: {  	v0 =	vand.u32 $0x7, v2;
	v2 =	vor.u32 $0x8, v2;
	v1 =	vmul.u32 $0x8, v1;
	s13 =	sadd.s32 $0x3D00, s0;
	s14 =	sadd.s32 $0x3E00, s0;
	[dreg:$0x5] =	wrdreg s10  }
.LBB2_1:
0x14: {  	s30 =	rddreg [dreg:$0x2];
	s0 =	simm.s32 $0x5  }
0x15: {  	[tilespmem:s2], [sflag:$0x5] =	stream.linear.gather [hbm4b:s30+s2], $0x40, $0x38;
	[tilespmem:$0x18080] =	vst v63  }
0x16: {  	_ =	swait.ge [sflag:s0], $0x40  }
0x17: {  	[sflag:s0] =	ssyncset.done $0x0  }
0x18: {  	[sflag:s0] =	ssyncadd.s32 $0xFFFFFFC0  }
0x19: {  	v3 =	vld [tilespmem:$0x0];
	_ =	sdelay $0x4  }
0x1a: {  	v4 =	vshrl.u32 v3, $0x3  }
0x1b: {  	v4 =	vmul.u32 $0xC0, v4  }
0x1c: {  	v3 =	vand.u32 $0x7, v3  }
0x1d: {  	v3 =	vor.u32 v3, v4  }
0x1e: {  	v4 =	vperm.xlane v3, v0;
	_ =	sdelay $0x1  }
0x1f: {  	v4 =	vadd.s32 v1, v4;
	_ =	sdelay $0x3  }
0x20: {  	s10 =	simm.s32 $0x80  }
0x21: {  	[tilespmem:s10], [sflag:$0x1] =	stream.indirect_vreg.gather [hbm4b:s3+s2], $0x80, v4, vm0, $0xb8;
	[tilespmem:$0x18080] =	vst v63  }
0x22: {  	_ = 	snop  }
0x23: {  	[tilespmem:s31], [sflag:$0x1] =	stream.indirect_vreg.gather [hbm4b:s4+s2], $0x80, v4, vm0, $0xb8;
	[tilespmem:$0x18080] =	vst v63  }
0x24: {  	s17 =	simm.s32 $0x1080  }
0x25: {  	[tilespmem:s17], [sflag:$0x1] =	stream.indirect_vreg.gather [hbm4b:s5+s2], $0x80, v4, vm0, $0xb8;
	[tilespmem:$0x18080] =	vst v63  }
0x26: {  	s30 =	simm.s32 $0x1880  }
0x27: {  	[tilespmem:s30], [sflag:$0x1] =	stream.indirect_vreg.gather [hbm4b:s6+s2], $0x80, v4, vm0, $0xb8;
	[tilespmem:$0x18080] =	vst v63  }
0x28: {  	s17 =	simm.s32 $0x2080  }
0x29: {  	[tilespmem:s17], [sflag:$0x1] =	stream.indirect_vreg.gather [hbm4b:s7+s2], $0x80, v4, vm0, $0xb8;
	[tilespmem:$0x18080] =	vst v63  }
0x2a: {  	_ = 	snop  }
0x2b: {  	[tilespmem:s19], [sflag:$0x1] =	stream.indirect_vreg.gather [hbm4b:s8+s2], $0x80, v4, vm0, $0xb8;
	[tilespmem:$0x18080] =	vst v63  }
0x2c: {  	_ = 	snop  }
0x2d: {  	[tilespmem:s20], [sflag:$0x1] =	stream.indirect_vreg.gather [hbm4b:s9+s2], $0x80, v4, vm0, $0xb8;
	[tilespmem:$0x18080] =	vst v63  }
0x2e: {  	_ = 	snop  }
0x2f: {  	[tilespmem:s21], [sflag:$0x1] =	stream.indirect_vreg.gather [hbm4b:s11+s2], $0x80, v4, vm0, $0xb8;
	[tilespmem:$0x18080] =	vst v63  }
0x30: {  	_ = 	snop  }
0x31: {  	[tilespmem:s22], [sflag:$0x1] =	stream.indirect_vreg.gather [hbm4b:s12+s2], $0x80, v4, vm0, $0xb8;
	[tilespmem:$0x18080] =	vst v63  }
0x32: {  	v3 =	vperm.xlane v3, v2  }
0x33: {  	[tilespmem:s23], [sflag:$0x1] =	stream.indirect_vreg.gather [hbm4b:s13+s2], $0x80, v4, vm0, $0xb8;
	[tilespmem:$0x18080] =	vst v63  }
0x34: {  	v3 =	vadd.s32 v1, v3;
	s17 =	simm.s32 $0x5080  }
0x35: {  	[tilespmem:s17], [sflag:$0x1] =	stream.indirect_vreg.gather [hbm4b:s14+s2], $0x80, v4, vm0, $0xb8;
	[tilespmem:$0x18080] =	vst v63  }
0x36: {  	_ = 	snop  }
0x37: {  	[tilespmem:s18], [sflag:$0x1] =	stream.indirect_vreg.gather [hbm4b:s15+s2], $0x80, v4, vm0, $0xb8;
	[tilespmem:$0x18080] =	vst v63  }
0x38: {  	_ = 	snop  }
0x39: {  	[tilespmem:s28], [sflag:$0x1] =	stream.indirect_vreg.gather [hbm4b:s3+s2], $0x80, v3, vm0, $0xb8;
	[tilespmem:$0x18080] =	vst v63  }
0x3a: {  	_ = 	snop  }
0x3b: {  	[tilespmem:s29], [sflag:$0x1] =	stream.indirect_vreg.gather [hbm4b:s4+s2], $0x80, v3, vm0, $0xb8;
	[tilespmem:$0x18080] =	vst v63  }
0x3c: {  	s30 =	simm.s32 $0x7080  }
0x3d: {  	[tilespmem:s30], [sflag:$0x1] =	stream.indirect_vreg.gather [hbm4b:s5+s2], $0x80, v3, vm0, $0xb8;
	[tilespmem:$0x18080] =	vst v63  }
0x3e: {  	s30 =	simm.s32 $0x7880  }
0x3f: {  	[tilespmem:s30], [sflag:$0x1] =	stream.indirect_vreg.gather [hbm4b:s6+s2], $0x80, v3, vm0, $0xb8;
	[tilespmem:$0x18080] =	vst v63  }
0x40: {  	s30 =	simm.s32 $0x8080  }
0x41: {  	[tilespmem:s30], [sflag:$0x1] =	stream.indirect_vreg.gather [hbm4b:s7+s2], $0x80, v3, vm0, $0xb8;
	[tilespmem:$0x18080] =	vst v63  }
0x42: {  	s30 =	simm.s32 $0x8880  }
0x43: {  	[tilespmem:s30], [sflag:$0x1] =	stream.indirect_vreg.gather [hbm4b:s8+s2], $0x80, v3, vm0, $0xb8;
	[tilespmem:$0x18080] =	vst v63  }
0x44: {  	s30 =	simm.s32 $0x9080  }
0x45: {  	[tilespmem:s30], [sflag:$0x1] =	stream.indirect_vreg.gather [hbm4b:s9+s2], $0x80, v3, vm0, $0xb8;
	[tilespmem:$0x18080] =	vst v63  }
0x46: {  	s30 =	simm.s32 $0x9880  }
0x47: {  	[tilespmem:s30], [sflag:$0x1] =	stream.indirect_vreg.gather [hbm4b:s11+s2], $0x80, v3, vm0, $0xb8;
	[tilespmem:$0x18080] =	vst v63  }
0x48: {  	s30 =	simm.s32 $0xA080  }
0x49: {  	[tilespmem:s30], [sflag:$0x1] =	stream.indirect_vreg.gather [hbm4b:s12+s2], $0x80, v3, vm0, $0xb8;
	[tilespmem:$0x18080] =	vst v63  }
0x4a: {  	s30 =	simm.s32 $0xA880  }
0x4b: {  	[tilespmem:s30], [sflag:$0x1] =	stream.indirect_vreg.gather [hbm4b:s13+s2], $0x80, v3, vm0, $0xb8;
	[tilespmem:$0x18080] =	vst v63  }
0x4c: {  	s30 =	simm.s32 $0xB080  }
0x4d: {  	[tilespmem:s30], [sflag:$0x1] =	stream.indirect_vreg.gather [hbm4b:s14+s2], $0x80, v3, vm0, $0xb8;
	[tilespmem:$0x18080] =	vst v63  }
0x4e: {  	s0 =	simm.s32 $0x1;
	s30 =	simm.s32 $0xB880  }
0x4f: {  	[tilespmem:s30], [sflag:$0x1] =	stream.indirect_vreg.gather [hbm4b:s15+s2], $0x80, v3, vm0, $0xb8;
	[tilespmem:$0x18080] =	vst v63  }
0x50: {  	_ =	swait.ge [sflag:s0], $0xC000  }
0x51: {  	[sflag:s0] =	ssyncset.done $0x0  }
0x52: {  	[sflag:s0] =	ssyncadd.s32 $0xFFFF4000  }
0x53: {  	v3 =	vld [tilespmem:$0x10];
	_ =	sdelay $0x4  }
0x54: {  	v61 =	vshrl.u32 v3, $0x3  }
0x55: {  	v4 =	vmul.u32 $0xC0, v61  }
0x56: {  	v3 =	vand.u32 $0x7, v3  }
0x57: {  	v3 =	vor.u32 v3, v4  }
0x58: {  	v4 =	vperm.xlane v3, v0;
	_ =	sdelay $0x1  }
0x59: {  	v4 =	vadd.s32 v1, v4;
	_ =	sdelay $0x4  }
0x5a: {  	[tilespmem:s1], [sflag:$0x2] =	stream.indirect_vreg.gather [hbm4b:s3+s2], $0x80, v4, vm0, $0xb8;
	[tilespmem:$0x18080] =	vst v63  }
0x5b: {  	s30 =	simm.s32 $0xC880  }
0x5c: {  	[tilespmem:s30], [sflag:$0x2] =	stream.indirect_vreg.gather [hbm4b:s4+s2], $0x80, v4, vm0, $0xb8;
	[tilespmem:$0x18080] =	vst v63  }
0x5d: {  	s30 =	simm.s32 $0xD080  }
0x5e: {  	[tilespmem:s30], [sflag:$0x2] =	stream.indirect_vreg.gather [hbm4b:s5+s2], $0x80, v4, vm0, $0xb8;
	[tilespmem:$0x18080] =	vst v63  }
0x5f: {  	s30 =	simm.s32 $0xD880  }
0x60: {  	[tilespmem:s30], [sflag:$0x2] =	stream.indirect_vreg.gather [hbm4b:s6+s2], $0x80, v4, vm0, $0xb8;
	[tilespmem:$0x18080] =	vst v63  }
0x61: {  	s30 =	simm.s32 $0xE080  }
0x62: {  	[tilespmem:s30], [sflag:$0x2] =	stream.indirect_vreg.gather [hbm4b:s7+s2], $0x80, v4, vm0, $0xb8;
	[tilespmem:$0x18080] =	vst v63  }
0x63: {  	s30 =	simm.s32 $0xE880  }
0x64: {  	[tilespmem:s30], [sflag:$0x2] =	stream.indirect_vreg.gather [hbm4b:s8+s2], $0x80, v4, vm0, $0xb8;
	[tilespmem:$0x18080] =	vst v63  }
0x65: {  	s30 =	simm.s32 $0xF080  }
0x66: {  	[tilespmem:s30], [sflag:$0x2] =	stream.indirect_vreg.gather [hbm4b:s9+s2], $0x80, v4, vm0, $0xb8;
	[tilespmem:$0x18080] =	vst v63  }
0x67: {  	s30 =	simm.s32 $0xF880  }
0x68: {  	[tilespmem:s30], [sflag:$0x2] =	stream.indirect_vreg.gather [hbm4b:s11+s2], $0x80, v4, vm0, $0xb8;
	[tilespmem:$0x18080] =	vst v63  }
0x69: {  	s30 =	simm.s32 $0x10080  }
0x6a: {  	[tilespmem:s30], [sflag:$0x2] =	stream.indirect_vreg.gather [hbm4b:s12+s2], $0x80, v4, vm0, $0xb8;
	[tilespmem:$0x18080] =	vst v63  }
0x6b: {  	v3 =	vperm.xlane v3, v2;
	s30 =	simm.s32 $0x10880  }
0x6c: {  	[tilespmem:s30], [sflag:$0x2] =	stream.indirect_vreg.gather [hbm4b:s13+s2], $0x80, v4, vm0, $0xb8;
	[tilespmem:$0x18080] =	vst v63  }
0x6d: {  	v3 =	vadd.s32 v1, v3;
	s30 =	simm.s32 $0x11080  }
0x6e: {  	[tilespmem:s30], [sflag:$0x2] =	stream.indirect_vreg.gather [hbm4b:s14+s2], $0x80, v4, vm0, $0xb8;
	[tilespmem:$0x18080] =	vst v63  }
0x6f: {  	s30 =	simm.s32 $0x11880  }
0x70: {  	[tilespmem:s30], [sflag:$0x2] =	stream.indirect_vreg.gather [hbm4b:s15+s2], $0x80, v4, vm0, $0xb8;
	[tilespmem:$0x18080] =	vst v63  }
0x71: {  	s30 =	simm.s32 $0x12080  }
0x72: {  	[tilespmem:s30], [sflag:$0x2] =	stream.indirect_vreg.gather [hbm4b:s3+s2], $0x80, v3, vm0, $0xb8;
	[tilespmem:$0x18080] =	vst v63  }
0x73: {  	s30 =	simm.s32 $0x12880  }
0x74: {  	[tilespmem:s30], [sflag:$0x2] =	stream.indirect_vreg.gather [hbm4b:s4+s2], $0x80, v3, vm0, $0xb8;
	[tilespmem:$0x18080] =	vst v63  }
0x75: {  	s30 =	simm.s32 $0x13080  }
0x76: {  	[tilespmem:s30], [sflag:$0x2] =	stream.indirect_vreg.gather [hbm4b:s5+s2], $0x80, v3, vm0, $0xb8;
	[tilespmem:$0x18080] =	vst v63  }
0x77: {  	s30 =	simm.s32 $0x13880  }
0x78: {  	[tilespmem:s30], [sflag:$0x2] =	stream.indirect_vreg.gather [hbm4b:s6+s2], $0x80, v3, vm0, $0xb8;
	[tilespmem:$0x18080] =	vst v63  }
0x79: {  	s30 =	simm.s32 $0x14080  }
0x7a: {  	[tilespmem:s30], [sflag:$0x2] =	stream.indirect_vreg.gather [hbm4b:s7+s2], $0x80, v3, vm0, $0xb8;
	[tilespmem:$0x18080] =	vst v63  }
0x7b: {  	s30 =	simm.s32 $0x14880  }
0x7c: {  	[tilespmem:s30], [sflag:$0x2] =	stream.indirect_vreg.gather [hbm4b:s8+s2], $0x80, v3, vm0, $0xb8;
	[tilespmem:$0x18080] =	vst v63  }
0x7d: {  	s30 =	simm.s32 $0x15080  }
0x7e: {  	[tilespmem:s30], [sflag:$0x2] =	stream.indirect_vreg.gather [hbm4b:s9+s2], $0x80, v3, vm0, $0xb8;
	[tilespmem:$0x18080] =	vst v63  }
0x7f: {  	s30 =	simm.s32 $0x15880  }
0x80: {  	[tilespmem:s30], [sflag:$0x2] =	stream.indirect_vreg.gather [hbm4b:s11+s2], $0x80, v3, vm0, $0xb8;
	[tilespmem:$0x18080] =	vst v63  }
0x81: {  	s30 =	simm.s32 $0x16080  }
0x82: {  	[tilespmem:s30], [sflag:$0x2] =	stream.indirect_vreg.gather [hbm4b:s12+s2], $0x80, v3, vm0, $0xb8;
	[tilespmem:$0x18080] =	vst v63  }
0x83: {  	s30 =	simm.s32 $0x16880  }
0x84: {  	[tilespmem:s30], [sflag:$0x2] =	stream.indirect_vreg.gather [hbm4b:s13+s2], $0x80, v3, vm0, $0xb8;
	[tilespmem:$0x18080] =	vst v63  }
0x85: {  	s30 =	simm.s32 $0x17080  }
0x86: {  	[tilespmem:s30], [sflag:$0x2] =	stream.indirect_vreg.gather [hbm4b:s14+s2], $0x80, v3, vm0, $0xb8;
	[tilespmem:$0x18080] =	vst v63  }
0x87: {  	s30 =	simm.s32 $0x17880  }
0x88: {  	[tilespmem:s30], [sflag:$0x2] =	stream.indirect_vreg.gather [hbm4b:s15+s2], $0x80, v3, vm0, $0xb8;
	[tilespmem:$0x18080] =	vst v63  }
0x89: {  	s10 =	simm.s32 $0x80;
	s30 =	rddreg [dreg:$0x6]  }
0x8a: {  	[hbm4b:s30+s2] =	stream.linear.scatter [tilespmem:s10], [sflag:$0x3], $0xC000, $0x38;
	[tilespmem:$0x18080] =	vst v63  }
0x8b: {  	_ =	swait.ge [sflag:s24], $0xC000  }
0x8c: {  	[sflag:s24] =	ssyncset.done $0x0  }
0x8d: {  	[sflag:s24] =	ssyncadd.s32 $0xFFFF4000  }
0x8e: {  	_ =	swait.ge [sflag:s25], $0xC000  }
0x8f: {  	[sflag:s25] =	ssyncset.done $0x0  }
0x90: {  	[sflag:s25] =	ssyncadd.s32 $0xFFFF4000  }
0x91: {  	v3 =	vld [tilespmem:$0x20];
	_ =	sdelay $0x4  }
0x92: {  	v62 =	vshrl.u32 v3, $0x3  }
0x93: {  	v4 =	vmul.u32 $0xC0, v62  }
0x94: {  	v3 =	vand.u32 $0x7, v3  }
0x95: {  	v3 =	vor.u32 v3, v4  }
0x96: {  	v4 =	vperm.xlane v3, v0;
	_ =	sdelay $0x1  }
0x97: {  	v4 =	vadd.s32 v1, v4;
	_ =	sdelay $0x4  }
0x98: {  	[tilespmem:s10], [sflag:$0x1] =	stream.indirect_vreg.gather [hbm4b:s3+s2], $0x80, v4, vm0, $0xb8;
	[tilespmem:$0x18080] =	vst v63  }
0x99: {  	_ = 	snop  }
0x9a: {  	[tilespmem:s31], [sflag:$0x1] =	stream.indirect_vreg.gather [hbm4b:s4+s2], $0x80, v4, vm0, $0xb8;
	[tilespmem:$0x18080] =	vst v63  }
0x9b: {  	s30 =	simm.s32 $0x1080  }
0x9c: {  	[tilespmem:s30], [sflag:$0x1] =	stream.indirect_vreg.gather [hbm4b:s5+s2], $0x80, v4, vm0, $0xb8;
	[tilespmem:$0x18080] =	vst v63  }
0x9d: {  	s30 =	simm.s32 $0x1880  }
0x9e: {  	[tilespmem:s30], [sflag:$0x1] =	stream.indirect_vreg.gather [hbm4b:s6+s2], $0x80, v4, vm0, $0xb8;
	[tilespmem:$0x18080] =	vst v63  }
0x9f: {  	s30 =	simm.s32 $0x2080  }
0xa0: {  	[tilespmem:s30], [sflag:$0x1] =	stream.indirect_vreg.gather [hbm4b:s7+s2], $0x80, v4, vm0, $0xb8;
	[tilespmem:$0x18080] =	vst v63  }
0xa1: {  	_ = 	snop  }
0xa2: {  	[tilespmem:s19], [sflag:$0x1] =	stream.indirect_vreg.gather [hbm4b:s8+s2], $0x80, v4, vm0, $0xb8;
	[tilespmem:$0x18080] =	vst v63  }
0xa3: {  	_ = 	snop  }
0xa4: {  	[tilespmem:s20], [sflag:$0x1] =	stream.indirect_vreg.gather [hbm4b:s9+s2], $0x80, v4, vm0, $0xb8;
	[tilespmem:$0x18080] =	vst v63  }
0xa5: {  	_ = 	snop  }
0xa6: {  	[tilespmem:s21], [sflag:$0x1] =	stream.indirect_vreg.gather [hbm4b:s11+s2], $0x80, v4, vm0, $0xb8;
	[tilespmem:$0x18080] =	vst v63  }
0xa7: {  	_ = 	snop  }
0xa8: {  	[tilespmem:s22], [sflag:$0x1] =	stream.indirect_vreg.gather [hbm4b:s12+s2], $0x80, v4, vm0, $0xb8;
	[tilespmem:$0x18080] =	vst v63  }
0xa9: {  	v3 =	vperm.xlane v3, v2  }
0xaa: {  	[tilespmem:s23], [sflag:$0x1] =	stream.indirect_vreg.gather [hbm4b:s13+s2], $0x80, v4, vm0, $0xb8;
	[tilespmem:$0x18080] =	vst v63  }
0xab: {  	v3 =	vadd.s32 v1, v3  }
0xac: {  	[tilespmem:s17], [sflag:$0x1] =	stream.indirect_vreg.gather [hbm4b:s14+s2], $0x80, v4, vm0, $0xb8;
	[tilespmem:$0x18080] =	vst v63  }
0xad: {  	_ = 	snop  }
0xae: {  	[tilespmem:s18], [sflag:$0x1] =	stream.indirect_vreg.gather [hbm4b:s15+s2], $0x80, v4, vm0, $0xb8;
	[tilespmem:$0x18080] =	vst v63  }
0xaf: {  	_ = 	snop  }
0xb0: {  	[tilespmem:s28], [sflag:$0x1] =	stream.indirect_vreg.gather [hbm4b:s3+s2], $0x80, v3, vm0, $0xb8;
	[tilespmem:$0x18080] =	vst v63  }
0xb1: {  	_ = 	snop  }
0xb2: {  	[tilespmem:s29], [sflag:$0x1] =	stream.indirect_vreg.gather [hbm4b:s4+s2], $0x80, v3, vm0, $0xb8;
	[tilespmem:$0x18080] =	vst v63  }
0xb3: {  	s30 =	simm.s32 $0x7080  }
0xb4: {  	[tilespmem:s30], [sflag:$0x1] =	stream.indirect_vreg.gather [hbm4b:s5+s2], $0x80, v3, vm0, $0xb8;
	[tilespmem:$0x18080] =	vst v63  }
0xb5: {  	s30 =	simm.s32 $0x7880  }
0xb6: {  	[tilespmem:s30], [sflag:$0x1] =	stream.indirect_vreg.gather [hbm4b:s6+s2], $0x80, v3, vm0, $0xb8;
	[tilespmem:$0x18080] =	vst v63  }
0xb7: {  	s30 =	simm.s32 $0x8080  }
0xb8: {  	[tilespmem:s30], [sflag:$0x1] =	stream.indirect_vreg.gather [hbm4b:s7+s2], $0x80, v3, vm0, $0xb8;
	[tilespmem:$0x18080] =	vst v63  }
0xb9: {  	s30 =	simm.s32 $0x8880  }
0xba: {  	[tilespmem:s30], [sflag:$0x1] =	stream.indirect_vreg.gather [hbm4b:s8+s2], $0x80, v3, vm0, $0xb8;
	[tilespmem:$0x18080] =	vst v63  }
0xbb: {  	s30 =	simm.s32 $0x9080  }
0xbc: {  	[tilespmem:s30], [sflag:$0x1] =	stream.indirect_vreg.gather [hbm4b:s9+s2], $0x80, v3, vm0, $0xb8;
	[tilespmem:$0x18080] =	vst v63  }
0xbd: {  	s30 =	simm.s32 $0x9880  }
0xbe: {  	[tilespmem:s30], [sflag:$0x1] =	stream.indirect_vreg.gather [hbm4b:s11+s2], $0x80, v3, vm0, $0xb8;
	[tilespmem:$0x18080] =	vst v63  }
0xbf: {  	s30 =	simm.s32 $0xA080  }
0xc0: {  	[tilespmem:s30], [sflag:$0x1] =	stream.indirect_vreg.gather [hbm4b:s12+s2], $0x80, v3, vm0, $0xb8;
	[tilespmem:$0x18080] =	vst v63  }
0xc1: {  	s30 =	simm.s32 $0xA880  }
0xc2: {  	[tilespmem:s30], [sflag:$0x1] =	stream.indirect_vreg.gather [hbm4b:s13+s2], $0x80, v3, vm0, $0xb8;
	[tilespmem:$0x18080] =	vst v63  }
0xc3: {  	s30 =	simm.s32 $0xB080  }
0xc4: {  	[tilespmem:s30], [sflag:$0x1] =	stream.indirect_vreg.gather [hbm4b:s14+s2], $0x80, v3, vm0, $0xb8;
	[tilespmem:$0x18080] =	vst v63  }
0xc5: {  	s17 =	simm.s32 $0xB880  }
0xc6: {  	[tilespmem:s17], [sflag:$0x1] =	stream.indirect_vreg.gather [hbm4b:s15+s2], $0x80, v3, vm0, $0xb8;
	[tilespmem:$0x18080] =	vst v63  }
0xc7: {  	s30 =	rddreg [dreg:$0x3]  }
0xc8: {  	[hbm4b:s30+s2] =	stream.linear.scatter [tilespmem:s1], [sflag:$0x4], $0xC000, $0x38;
	[tilespmem:$0x18080] =	vst v63  }
0xc9: {  	_ =	swait.ge [sflag:s0], $0xC000  }
0xca: {  	[sflag:s0] =	ssyncset.done $0x0  }
0xcb: {  	[sflag:s0] =	ssyncadd.s32 $0xFFFF4000  }
0xcc: {  	_ =	swait.ge [sflag:s26], $0xC000  }
0xcd: {  	[sflag:s26] =	ssyncset.done $0x0  }
0xce: {  	[sflag:s26] =	ssyncadd.s32 $0xFFFF4000  }
0xcf: {  	v3 =	vld [tilespmem:$0x30];
	_ =	sdelay $0x4  }
0xd0: {  	v63 =	vshrl.u32 v3, $0x3  }
0xd1: {  	v4 =	vmul.u32 $0xC0, v63  }
0xd2: {  	v3 =	vand.u32 $0x7, v3  }
0xd3: {  	v3 =	vor.u32 v3, v4  }
0xd4: {  	v4 =	vperm.xlane v3, v0;
	_ =	sdelay $0x1  }
0xd5: {  	v4 =	vadd.s32 v1, v4;
	_ =	sdelay $0x4  }
0xd6: {  	[tilespmem:s1], [sflag:$0x2] =	stream.indirect_vreg.gather [hbm4b:s3+s2], $0x80, v4, vm0, $0xb8;
	[tilespmem:$0x18080] =	vst v63  }
0xd7: {  	s17 =	simm.s32 $0xC880  }
0xd8: {  	[tilespmem:s17], [sflag:$0x2] =	stream.indirect_vreg.gather [hbm4b:s4+s2], $0x80, v4, vm0, $0xb8;
	[tilespmem:$0x18080] =	vst v63  }
0xd9: {  	s30 =	simm.s32 $0xD080  }
0xda: {  	[tilespmem:s30], [sflag:$0x2] =	stream.indirect_vreg.gather [hbm4b:s5+s2], $0x80, v4, vm0, $0xb8;
	[tilespmem:$0x18080] =	vst v63  }
0xdb: {  	s17 =	simm.s32 $0xD880  }
0xdc: {  	[tilespmem:s17], [sflag:$0x2] =	stream.indirect_vreg.gather [hbm4b:s6+s2], $0x80, v4, vm0, $0xb8;
	[tilespmem:$0x18080] =	vst v63  }
0xdd: {  	s30 =	simm.s32 $0xE080  }
0xde: {  	[tilespmem:s30], [sflag:$0x2] =	stream.indirect_vreg.gather [hbm4b:s7+s2], $0x80, v4, vm0, $0xb8;
	[tilespmem:$0x18080] =	vst v63  }
0xdf: {  	s17 =	simm.s32 $0xE880  }
0xe0: {  	[tilespmem:s17], [sflag:$0x2] =	stream.indirect_vreg.gather [hbm4b:s8+s2], $0x80, v4, vm0, $0xb8;
	[tilespmem:$0x18080] =	vst v63  }
0xe1: {  	s30 =	simm.s32 $0xF080  }
0xe2: {  	[tilespmem:s30], [sflag:$0x2] =	stream.indirect_vreg.gather [hbm4b:s9+s2], $0x80, v4, vm0, $0xb8;
	[tilespmem:$0x18080] =	vst v63  }
0xe3: {  	s17 =	simm.s32 $0xF880  }
0xe4: {  	[tilespmem:s17], [sflag:$0x2] =	stream.indirect_vreg.gather [hbm4b:s11+s2], $0x80, v4, vm0, $0xb8;
	[tilespmem:$0x18080] =	vst v63  }
0xe5: {  	s30 =	simm.s32 $0x10080  }
0xe6: {  	[tilespmem:s30], [sflag:$0x2] =	stream.indirect_vreg.gather [hbm4b:s12+s2], $0x80, v4, vm0, $0xb8;
	[tilespmem:$0x18080] =	vst v63  }
0xe7: {  	v3 =	vperm.xlane v3, v2;
	s17 =	simm.s32 $0x10880  }
0xe8: {  	[tilespmem:s17], [sflag:$0x2] =	stream.indirect_vreg.gather [hbm4b:s13+s2], $0x80, v4, vm0, $0xb8;
	[tilespmem:$0x18080] =	vst v63  }
0xe9: {  	v3 =	vadd.s32 v1, v3;
	s30 =	simm.s32 $0x11080  }
0xea: {  	[tilespmem:s30], [sflag:$0x2] =	stream.indirect_vreg.gather [hbm4b:s14+s2], $0x80, v4, vm0, $0xb8;
	[tilespmem:$0x18080] =	vst v63  }
0xeb: {  	s17 =	simm.s32 $0x11880  }
0xec: {  	[tilespmem:s17], [sflag:$0x2] =	stream.indirect_vreg.gather [hbm4b:s15+s2], $0x80, v4, vm0, $0xb8;
	[tilespmem:$0x18080] =	vst v63  }
0xed: {  	s30 =	simm.s32 $0x12080  }
0xee: {  	[tilespmem:s30], [sflag:$0x2] =	stream.indirect_vreg.gather [hbm4b:s3+s2], $0x80, v3, vm0, $0xb8;
	[tilespmem:$0x18080] =	vst v63  }
0xef: {  	s17 =	simm.s32 $0x12880  }
0xf0: {  	[tilespmem:s17], [sflag:$0x2] =	stream.indirect_vreg.gather [hbm4b:s4+s2], $0x80, v3, vm0, $0xb8;
	[tilespmem:$0x18080] =	vst v63  }
0xf1: {  	s30 =	simm.s32 $0x13080  }
0xf2: {  	[tilespmem:s30], [sflag:$0x2] =	stream.indirect_vreg.gather [hbm4b:s5+s2], $0x80, v3, vm0, $0xb8;
	[tilespmem:$0x18080] =	vst v63  }
0xf3: {  	s17 =	simm.s32 $0x13880  }
0xf4: {  	[tilespmem:s17], [sflag:$0x2] =	stream.indirect_vreg.gather [hbm4b:s6+s2], $0x80, v3, vm0, $0xb8;
	[tilespmem:$0x18080] =	vst v63  }
0xf5: {  	s30 =	simm.s32 $0x14080  }
0xf6: {  	[tilespmem:s30], [sflag:$0x2] =	stream.indirect_vreg.gather [hbm4b:s7+s2], $0x80, v3, vm0, $0xb8;
	[tilespmem:$0x18080] =	vst v63  }
0xf7: {  	s17 =	simm.s32 $0x14880  }
0xf8: {  	[tilespmem:s17], [sflag:$0x2] =	stream.indirect_vreg.gather [hbm4b:s8+s2], $0x80, v3, vm0, $0xb8;
	[tilespmem:$0x18080] =	vst v63  }
0xf9: {  	s30 =	simm.s32 $0x15080  }
0xfa: {  	[tilespmem:s30], [sflag:$0x2] =	stream.indirect_vreg.gather [hbm4b:s9+s2], $0x80, v3, vm0, $0xb8;
	[tilespmem:$0x18080] =	vst v63  }
0xfb: {  	s17 =	simm.s32 $0x15880  }
0xfc: {  	[tilespmem:s17], [sflag:$0x2] =	stream.indirect_vreg.gather [hbm4b:s11+s2], $0x80, v3, vm0, $0xb8;
	[tilespmem:$0x18080] =	vst v63  }
0xfd: {  	s30 =	simm.s32 $0x16080  }
0xfe: {  	[tilespmem:s30], [sflag:$0x2] =	stream.indirect_vreg.gather [hbm4b:s12+s2], $0x80, v3, vm0, $0xb8;
	[tilespmem:$0x18080] =	vst v63  }
0xff: {  	s17 =	simm.s32 $0x16880  }
0x100: {  	[tilespmem:s17], [sflag:$0x2] =	stream.indirect_vreg.gather [hbm4b:s13+s2], $0x80, v3, vm0, $0xb8;
	[tilespmem:$0x18080] =	vst v63  }
0x101: {  	s30 =	simm.s32 $0x17080  }
0x102: {  	[tilespmem:s30], [sflag:$0x2] =	stream.indirect_vreg.gather [hbm4b:s14+s2], $0x80, v3, vm0, $0xb8;
	[tilespmem:$0x18080] =	vst v63  }
0x103: {  	s17 =	simm.s32 $0x17880  }
0x104: {  	[tilespmem:s17], [sflag:$0x2] =	stream.indirect_vreg.gather [hbm4b:s15+s2], $0x80, v3, vm0, $0xb8;
	[tilespmem:$0x18080] =	vst v63  }
0x105: {  	s10 =	simm.s32 $0x80;
	s30 =	rddreg [dreg:$0x4]  }
0x106: {  	[hbm4b:s30+s2] =	stream.linear.scatter [tilespmem:s10], [sflag:$0x3], $0xC000, $0x38;
	[tilespmem:$0x18080] =	vst v63  }
0x107: {  	_ =	swait.ge [sflag:s24], $0xC000  }
0x108: {  	[sflag:s24] =	ssyncset.done $0x0  }
0x109: {  	s17 =	rddreg [dreg:$0x5];
	[sflag:s24] =	ssyncadd.s32 $0xFFFF4000  }
0x10a: {  	[hbm4b:s17+s2] =	stream.linear.scatter [tilespmem:s1], [sflag:$0x4], $0xC000, $0x38;
	[tilespmem:$0x18080] =	vst v63  }
0x10b: {  	p0 =	sne.s32 s16, $0x1;
	_ =	swait.ge [sflag:s25], $0xC000  }
.Ltmp0:
0x10c: {  	[sflag:s25] =	ssyncset.done $0x0;
	(pc) =	sbr.rel @p0 .LBB2_1-.Ltmp0, $4  }
0x10d: {  	[sflag:s25] =	ssyncadd.s32 $0xFFFF4000  }
0x10e: {  	_ =	swait.ge [sflag:s26], $0xC000  }
0x10f: {  	[sflag:s26] =	ssyncset.done $0x0  }
0x110: {  	s16 =	sadd.s32 $0xFFFFFFFF, s16;
	[sflag:s26] =	ssyncadd.s32 $0xFFFF4000  }
0x111: {  	_ =	sfence.sel $0x180000  }
0x112: {  	[bflag:$0x0] =	sbarrier.arrive $0xFFFF  }
0x113: {  	_ =	strace $0x90000050  }
0x114: {  	s0 =	stileid.u32;
	[bflag:$0x2] =	sbarrier.arrive $0xFFFF  }
0x115: {  	p0 =	sne.s32 s0, $0x0;
	s0 =	rddreg [dreg:$0x1]  }
0x116: {  	s0 =	sadd.s32 @!p0 $0x100000, s0  }
0x117: {  	[sflag:s0] =	ssyncadd.tile.s32 @!p0 $0x1;
	_ =	shalt  }
.Lfunc_end2:
_tile_overlayer_lowered:
.L_overlay_start_2:
0x118: {  	(tag) =	ssettag $0x2  }
0x119: {  	s0 =	rddreg [dreg:$0x0];
	s2 =	stileid.u32  }
0x11a: {  	s1 =	rddreg [dreg:$0x1];
	p0 =	sne.s32 s2, $0x0  }
0x11b: {  	s3 =	rddreg [dreg:$0x2];
	[bflag:$0x3] =	sbarrier.arrive $0xFFFF;
	s2 =	simm.s32 @!p0 $0x1C05  }
0x11c: {  	[timem:s3], [sflag:s2] =	dma.local @!p0 [hbm:s0], s1  }
0x11d: {  	s0 =	simm.s32 @!p0 $0x5  }
0x11e: {  	_ =	swait.ge @!p0 [sflag:s0], s1  }
0x11f: {  	s1 =	ssub.s32 @!p0 $0x0, s1;
	[sflag:s0] =	ssyncset.done @!p0 $0x0  }
0x120: {  	[sflag:s0] =	ssyncadd.s32 @!p0 s1  }
0x121: {  	[bflag:$0x3] =	sbarrier.arrive $0xFFFF  }
0x122: {  	_ =	shalt  }

</sc_bundles>
